<compile_context>
chip_gen: v7x
topology: tpu7x:2x2x1
jax: 0.10.2.dev20260603
libtpu: 0.0.44.dev20260713+nightly
codegen_flags: <defaults>
</compile_context>

<pallas_src>
import functools

import jax
import jax.numpy as jnp
from jax import lax
from jax.experimental import pallas as pl
from jax.experimental.pallas import tpu as pltpu
from jax.experimental.pallas import tpu_sc as plsc

N_NODES = 10000
F = 128
N_EDGES = 320000

NC = 2
NS = 16
NW = NC * NS

NPAD = 10240
ROWS_PER_SUB = NPAD // NS

SLOTS_PER_W = 10240
EPAD = NW * SLOTS_PER_W

CHUNK = 64
NBUF = 4
STAGES = 5
HCH = SLOTS_PER_W // CHUNK // STAGES
GROUPS = 4

DCHUNK = 128
DCH = SLOTS_PER_W // DCHUNK

_mesh = plsc.VectorSubcoreMesh(core_axis_name="c", subcore_axis_name="s")



@functools.partial(
    pl.kernel,
    mesh=_mesh,
    out_type=jax.ShapeDtypeStruct((NC, NPAD, 16), jnp.float32),
    scratch_types=[
        pltpu.VMEM((DCH, DCHUNK), jnp.int32),
        pltpu.VMEM((DCHUNK, 16), jnp.float32),
        pltpu.VMEM((16, 16), jnp.float32),
        pltpu.VMEM_SHARED((NPAD, 16), jnp.float32),
        pltpu.SemaphoreType.DMA,
    ],
)
def _sc_degree(dst_hbm, out_hbm, dstv, ones, zb, acc, dsem):
    c = lax.axis_index("c")
    s = lax.axis_index("s")
    wid = c * NS + s

    @pl.loop(0, DCHUNK)
    def _(r):
        ones[r, pl.ds(0, 16)] = jnp.ones((16,), jnp.float32)

    @pl.loop(0, 16)
    def _(r):
        zb[r, pl.ds(0, 16)] = jnp.zeros((16,), jnp.float32)

    @pl.loop(0, ROWS_PER_SUB // 16)
    def _(t):
        pltpu.sync_copy(zb, acc.at[pl.ds(s * ROWS_PER_SUB + t * 16, 16)])

    pltpu.sync_copy(dst_hbm.at[wid], dstv)
    plsc.subcore_barrier()

    @pl.loop(0, DCH)
    def _(j):
        pltpu.sync_copy(ones, acc.at[dstv.at[j]], add=True)

    plsc.subcore_barrier()
    pltpu.sync_copy(
        acc.at[pl.ds(s * ROWS_PER_SUB, ROWS_PER_SUB)],
        out_hbm.at[c, pl.ds(s * ROWS_PER_SUB, ROWS_PER_SUB)],
    )


@functools.partial(
    pl.kernel,
    mesh=_mesh,
    out_type=jax.ShapeDtypeStruct((NC, NPAD, F), jnp.float32),
    scratch_types=[
        pltpu.VMEM((HCH, CHUNK), jnp.int32),
        pltpu.VMEM((HCH, CHUNK), jnp.int32),
        pltpu.VMEM((NBUF, CHUNK, F), jnp.float32),
        pltpu.VMEM_SHARED((NPAD, F), jnp.float32),
    ] + [pltpu.SemaphoreType.DMA] * (2 * NBUF),
)
def _sc_propagate(hp_hbm, src_hbm, dst_hbm, out_hbm, srcv, dstv, rows, acc,
                  *sems):
    c = lax.axis_index("c")
    s = lax.axis_index("s")
    wid = c * NS + s

    gsems = sems[:NBUF]
    ssems = sems[NBUF:]

    @pl.loop(0, CHUNK)
    def _(r):
        @pl.loop(0, F // 16)
        def _(g):
            rows[0, r, pl.ds(g * 16, 16)] = jnp.zeros((16,), jnp.float32)

    @pl.loop(0, ROWS_PER_SUB // CHUNK)
    def _(t):
        pltpu.sync_copy(rows.at[0],
                        acc.at[pl.ds(s * ROWS_PER_SUB + t * CHUNK, CHUNK)])

    plsc.subcore_barrier()

    for h in range(STAGES):
        pltpu.sync_copy(src_hbm.at[wid, h], srcv)
        pltpu.sync_copy(dst_hbm.at[wid, h], dstv)

        @pl.loop(0, HCH, step=NBUF)
        def _(t):
            g = [pltpu.async_copy(hp_hbm.at[srcv.at[t + b]], rows.at[b],
                                  gsems[b])
                 for b in range(NBUF)]
            for b in range(NBUF):
                g[b].wait()
                pltpu.sync_copy(rows.at[b], acc.at[dstv.at[t + b]], add=True)

    plsc.subcore_barrier()
    pltpu.sync_copy(
        acc.at[pl.ds(s * ROWS_PER_SUB, ROWS_PER_SUB)],
        out_hbm.at[c, pl.ds(s * ROWS_PER_SUB, ROWS_PER_SUB)],
    )



_BR = 1024


def _dinv_block(degp):
    deg = degp[0, :, 0] + degp[1, :, 0] + 1.0
    return lax.rsqrt(deg)[:, None]


def _tc_first(x_ref, w_ref, degp_ref, o_ref):
    dinv = _dinv_block(degp_ref[...])
    h = jnp.dot(x_ref[...], w_ref[...], preferred_element_type=jnp.float32)
    o_ref[...] = h * dinv


def _tc_mid(p_ref, hp_ref, degp_ref, b_ref, w_ref, o_ref):
    dinv = _dinv_block(degp_ref[...])
    t = dinv * (p_ref[0] + p_ref[1] + hp_ref[...]) + b_ref[...]
    a = jnp.where(t >= 0.0, t, 0.2 * t)
    h = jnp.dot(a, w_ref[...], preferred_element_type=jnp.float32)
    o_ref[...] = h * dinv


def _tc_last(p_ref, hp_ref, degp_ref, b_ref, o_ref):
    dinv = _dinv_block(degp_ref[...])
    t = dinv * (p_ref[0] + p_ref[1] + hp_ref[...]) + b_ref[...]
    m = jnp.max(t, axis=1, keepdims=True)
    e = jnp.exp(t - m)
    lse = jnp.log(jnp.sum(e, axis=1, keepdims=True))
    o_ref[...] = (t - m) - lse


_row_spec = pl.BlockSpec((_BR, F), lambda i: (i, 0))
_part_spec = pl.BlockSpec((NC, _BR, F), lambda i: (0, i, 0))
_degp_spec = pl.BlockSpec((NC, _BR, 16), lambda i: (0, i, 0))
_w_spec = pl.BlockSpec((F, F), lambda i: (0, 0))
_b_spec = pl.BlockSpec((1, F), lambda i: (0, 0))
_grid = (NPAD // _BR,)
_out_rows = jax.ShapeDtypeStruct((NPAD, F), jnp.float32)


def kernel(x, edge_index, W1, b1, W2, b2):
    src = edge_index[0].astype(jnp.int32)
    dst = edge_index[1].astype(jnp.int32)
    e_per_w = N_EDGES // NW
    pad_per_w = SLOTS_PER_W - e_per_w
    padv = (N_NODES + (jnp.arange(NW * pad_per_w, dtype=jnp.int32)
                       % (NPAD - N_NODES))).reshape(NW, pad_per_w)
    srcf = jnp.concatenate([src.reshape(NW, e_per_w), padv], axis=1)
    dstf = jnp.concatenate([dst.reshape(NW, e_per_w), padv], axis=1)
    src3 = srcf.reshape(NW, STAGES, HCH, CHUNK)
    dst3 = dstf.reshape(NW, STAGES, HCH, CHUNK)
    dstd = dstf.reshape(NW, DCH, DCHUNK)

    xpad = jnp.zeros((NPAD, F), jnp.float32).at[:N_NODES].set(x)
    b1r = b1.reshape(1, F)
    b2r = b2.reshape(1, F)

    degp = _sc_degree(dstd)

    h1p = pl.pallas_call(
        _tc_first,
        grid=_grid,
        in_specs=[_row_spec, _w_spec, _degp_spec],
        out_specs=_row_spec,
        out_shape=_out_rows,
    )(xpad, W1, degp)

    p1 = _sc_propagate(h1p, src3, dst3)

    h2p = pl.pallas_call(
        _tc_mid,
        grid=_grid,
        in_specs=[_part_spec, _row_spec, _degp_spec, _b_spec, _w_spec],
        out_specs=_row_spec,
        out_shape=_out_rows,
    )(p1, h1p, degp, b1r, W2)

    p2 = _sc_propagate(h2p, src3, dst3)

    out = pl.pallas_call(
        _tc_last,
        grid=_grid,
        in_specs=[_part_spec, _row_spec, _degp_spec, _b_spec],
        out_specs=_row_spec,
        out_shape=_out_rows,
    )(p2, h2p, degp, b2r)

    return out[:N_NODES]

# --- scband reference (transcript-rebuilt; emitter-appended) ---
"""Pipeline reference for scband-supporter2-91259465105799 (READ-ONLY COPY).

The authoritative reference and input builder live on the scoring server;
editing this copy changes nothing except your own understanding.
"""

import jax, jax.numpy as jnp
import numpy as np

N_NODES = 10000
IN_SIZE = 128
HID_SIZE = 128
OUT_SIZE = 128
N_EDGES = 320000


def gcn_conv(x, edge_index, W, b, n_nodes):
    # PyG GCNConv: symmetric normalization with added self-loops.
    src = edge_index[0]
    dst = edge_index[1]
    loop = jnp.arange(n_nodes, dtype=src.dtype)
    src = jnp.concatenate([src, loop])
    dst = jnp.concatenate([dst, loop])
    ew = jnp.ones(src.shape[0], dtype=x.dtype)
    deg = jnp.zeros(n_nodes, dtype=x.dtype).at[dst].add(ew)
    deg_inv_sqrt = jnp.where(deg > 0, jax.lax.rsqrt(jnp.maximum(deg, 1e-12)), 0.0)
    norm = deg_inv_sqrt[src] * deg_inv_sqrt[dst]
    h = x @ W  # linear transform (no bias inside lin)
    msg = h[src] * norm[:, None]  # gather + scale (SparseCore gather)
    out = jnp.zeros((n_nodes, h.shape[1]), dtype=x.dtype).at[dst].add(msg)  # scatter-add
    return out + b


def setup_inputs(seed: int = 0) -> dict:
    key = jax.random.key(seed)
    k_x, k_e, k_w1, k_b1, k_w2, k_b2 = jax.random.split(key, 6)
    x = jax.random.normal(k_x, (N_NODES, IN_SIZE), dtype=jnp.float32)
    edge_index = jax.random.randint(k_e, (2, N_EDGES), 0, N_NODES, dtype=jnp.int64 if jax.config.jax_enable_x64 else jnp.int32).astype(jnp.int32)
    # Glorot-style init like PyG Linear
    W1 = jax.random.normal(k_w1, (IN_SIZE, HID_SIZE), dtype=jnp.float32) * (1.0 / np.sqrt(IN_SIZE))
    b1 = jnp.zeros((HID_SIZE,), dtype=jnp.float32)
    W2 = jax.random.normal(k_w2, (HID_SIZE, OUT_SIZE), dtype=jnp.float32) * (1.0 / np.sqrt(HID_SIZE))
    b2 = jnp.zeros((OUT_SIZE,), dtype=jnp.float32)
    return {"x": x, "edge_index": edge_index, "W1": W1, "b1": b1, "W2": W2, "b2": b2}


def reference(x, edge_index, W1, b1, W2, b2):
    h = gcn_conv(x, edge_index, W1, b1, N_NODES)
    h = jax.nn.leaky_relu(h, negative_slope=0.2)
    # F.dropout with training=False (eval mode) is identity
    h = gcn_conv(h, edge_index, W2, b2, N_NODES)
    return jax.nn.log_softmax(h, axis=-1)

if __name__ == "__main__":
    import jax
    _d = setup_inputs()
    print(jax.jit(kernel)(*tuple(_d.values())))

</pallas_src>

<mosaic_0001>
#map = affine_map<(d0, d1) -> (0, 0, 0)>
module attributes {stable_mosaic.version = 14 : i64} {
  func.func @_sc_degree(%arg0: i32, %arg1: i32, %arg2: memref<32x80x128xi32, #tpu.memory_space<hbm>>, %arg3: memref<2x10240x16xf32, #tpu.memory_space<hbm>>, %arg4: memref<80x128xi32, #tpu.memory_space<vmem>>, %arg5: memref<128x16xf32, #tpu.memory_space<vmem>>, %arg6: memref<16x16xf32, #tpu.memory_space<vmem>>, %arg7: memref<10240x16xf32, #tpu.memory_space<vmem_shared>>, %arg8: memref<!tpu.dma_semaphore, #tpu.memory_space<semaphore_mem>>) attributes {dimension_semantics = [#tpu.dimension_semantics<core_parallel>, #tpu.dimension_semantics<subcore_parallel>], iteration_bounds = array<i64: 2, 16>, scalar_prefetch = 0 : i64, scratch_operands = 5 : i64, tpu.core_type = #tpu.core_type<sc_vector_subcore>, window_params = [{transform_indices = #map}, {transform_indices = #map}]} {
    %mul3A = arith.constant 16 : i32
    %mul3A_0 = arith.muli %arg0, %mul3A : i32
    %add3A = arith.addi %mul3A_0, %arg1 : i32
    %scan3A = arith.constant 0 : i32
    %scan3A_1 = arith.constant 128 : i32
    %scan3A_2 = arith.addi %scan3A, %scan3A_1 : i32
    %scan3A_3 = arith.constant 1 : i32
    scf.for %scan3A_25 = %scan3A to %scan3A_2 step %scan3A_3  : i32 {
      %mul3A_26 = arith.constant 1 : i32
      %mul3A_27 = arith.muli %scan3A_25, %mul3A_26 : i32
      %add3A_28 = arith.constant 0 : i32
      %add3A_29 = arith.addi %add3A_28, %mul3A_27 : i32
      %broadcast_in_dim3A = arith.constant 1.000000e+00 : f32
      %broadcast_in_dim3A_30 = vector.broadcast %broadcast_in_dim3A : f32 to vector<16xf32>
      %swap3A = arith.index_cast %add3A_29 : i32 to index
      %swap3A_31 = arith.constant 0 : index
      %swap3A_32 = tpu.vector_load %arg5[%swap3A, %swap3A_31] {strides = array<i32>} : memref<128x16xf32, #tpu.memory_space<vmem>>, vector<1x16xf32>,
      %swap3A_33 = vector.shape_cast %swap3A_32 : vector<1x16xf32> to vector<16xf32>
      %swap3A_34 = vector.shape_cast %broadcast_in_dim3A_30 : vector<16xf32> to vector<1x16xf32>
      tpu.vector_store %arg5[%swap3A, %swap3A_31], %swap3A_34 {strides = array<i32>} : memref<128x16xf32, #tpu.memory_space<vmem>>, vector<1x16xf32>,
    }
    %scan3A_4 = arith.constant 128 : i32
    %scan3A_5 = arith.constant 0 : i32
    %scan3A_6 = arith.constant 16 : i32
    %scan3A_7 = arith.addi %scan3A_5, %scan3A_6 : i32
    %scan3A_8 = arith.constant 1 : i32
    scf.for %scan3A_25 = %scan3A_5 to %scan3A_7 step %scan3A_8  : i32 {
      %mul3A_26 = arith.constant 1 : i32
      %mul3A_27 = arith.muli %scan3A_25, %mul3A_26 : i32
      %add3A_28 = arith.constant 0 : i32
      %add3A_29 = arith.addi %add3A_28, %mul3A_27 : i32
      %broadcast_in_dim3A = arith.constant 0.000000e+00 : f32
      %broadcast_in_dim3A_30 = vector.broadcast %broadcast_in_dim3A : f32 to vector<16xf32>
      %swap3A = arith.index_cast %add3A_29 : i32 to index
      %swap3A_31 = arith.constant 0 : index
      %swap3A_32 = tpu.vector_load %arg6[%swap3A, %swap3A_31] {strides = array<i32>} : memref<16x16xf32, #tpu.memory_space<vmem>>, vector<1x16xf32>,
      %swap3A_33 = vector.shape_cast %swap3A_32 : vector<1x16xf32> to vector<16xf32>
      %swap3A_34 = vector.shape_cast %broadcast_in_dim3A_30 : vector<16xf32> to vector<1x16xf32>
      tpu.vector_store %arg6[%swap3A, %swap3A_31], %swap3A_34 {strides = array<i32>} : memref<16x16xf32, #tpu.memory_space<vmem>>, vector<1x16xf32>,
    }
    %scan3A_9 = arith.constant 16 : i32
    %scan3A_10 = arith.constant 0 : i32
    %scan3A_11 = arith.constant 40 : i32
    %scan3A_12 = arith.addi %scan3A_10, %scan3A_11 : i32
    %scan3A_13 = arith.constant 1 : i32
    scf.for %scan3A_25 = %scan3A_10 to %scan3A_12 step %scan3A_13  : i32 {
      %mul3A_26 = arith.constant 1 : i32
      %mul3A_27 = arith.muli %scan3A_25, %mul3A_26 : i32
      %add3A_28 = arith.constant 0 : i32
      %add3A_29 = arith.addi %add3A_28, %mul3A_27 : i32
      %mul3A_30 = arith.constant 640 : i32
      %mul3A_31 = arith.muli %arg1, %mul3A_30 : i32
      %mul3A_32 = arith.constant 16 : i32
      %mul3A_33 = arith.muli %add3A_29, %mul3A_32 : i32
      %add3A_34 = arith.addi %mul3A_31, %mul3A_33 : i32
      "tpu.region"() ({
        %run_scoped3A = tpu.sem_alloc : memref<!tpu.dma_semaphore, #tpu.memory_space<semaphore_mem>>
        %dma_start3A = arith.constant 0 : i32
        %dma_start3A_35 = tpu.memref_slice %arg7[%add3A_34, %dma_start3A] : memref<10240x16xf32, #tpu.memory_space<vmem_shared>> -> memref<16x16xf32, #tpu.memory_space<vmem_shared>>
        %dma_start3A_36 = arith.constant 0 : i32
        %dma_start3A_37 = tpu.memref_slice %arg7[%add3A_34, %dma_start3A_36] : memref<10240x16xf32, #tpu.memory_space<vmem_shared>> -> memref<16x16xf32, #tpu.memory_space<vmem_shared>>
        tpu.enqueue_dma source(%arg6 : memref<16x16xf32, #tpu.memory_space<vmem>>) target(%dma_start3A_37 : memref<16x16xf32, #tpu.memory_space<vmem_shared>>) target_semaphore(%run_scoped3A : memref<!tpu.dma_semaphore, #tpu.memory_space<semaphore_mem>>)
        %dma_wait3A = arith.constant 0 : i32
        %dma_wait3A_38 = tpu.memref_slice %arg7[%add3A_34, %dma_wait3A] : memref<10240x16xf32, #tpu.memory_space<vmem_shared>> -> memref<16x16xf32, #tpu.memory_space<vmem_shared>>
        %dma_wait3A_39 = arith.constant 0 : i32
        %dma_wait3A_40 = tpu.memref_slice %arg7[%add3A_34, %dma_wait3A_39] : memref<10240x16xf32, #tpu.memory_space<vmem_shared>> -> memref<16x16xf32, #tpu.memory_space<vmem_shared>>
        tpu.wait_dma2 semaphore(%run_scoped3A : memref<!tpu.dma_semaphore, #tpu.memory_space<semaphore_mem>>) src(%arg6 : memref<16x16xf32, #tpu.memory_space<vmem>>) dst(%dma_wait3A_40 : memref<16x16xf32, #tpu.memory_space<vmem_shared>>)
        tpu.yield
      }) : () -> ()
    }
    %scan3A_14 = arith.constant 40 : i32
    "tpu.region"() ({
      %run_scoped3A = tpu.sem_alloc : memref<!tpu.dma_semaphore, #tpu.memory_space<semaphore_mem>>
      %dma_start3A = arith.constant 0 : i32
      %dma_start3A_25 = arith.constant 0 : i32
      %dma_start3A_26 = tpu.memref_slice %arg2[%add3A, %dma_start3A, %dma_start3A_25] : memref<32x80x128xi32, #tpu.memory_space<hbm>> -> memref<1x80x128xi32, #tpu.memory_space<hbm>>
      %dma_start3A_27 = tpu.memref_squeeze %dma_start3A_26 : memref<1x80x128xi32, #tpu.memory_space<hbm>> -> memref<80x128xi32, #tpu.memory_space<hbm>>
      %dma_start3A_28 = arith.constant 0 : i32
      %dma_start3A_29 = arith.constant 0 : i32
      %dma_start3A_30 = tpu.memref_slice %arg2[%add3A, %dma_start3A_28, %dma_start3A_29] : memref<32x80x128xi32, #tpu.memory_space<hbm>> -> memref<1x80x128xi32, #tpu.memory_space<hbm>>
      %dma_start3A_31 = tpu.memref_squeeze %dma_start3A_30 : memref<1x80x128xi32, #tpu.memory_space<hbm>> -> memref<80x128xi32, #tpu.memory_space<hbm>>
      tpu.enqueue_dma source(%dma_start3A_31 : memref<80x128xi32, #tpu.memory_space<hbm>>) target(%arg4 : memref<80x128xi32, #tpu.memory_space<vmem>>) target_semaphore(%run_scoped3A : memref<!tpu.dma_semaphore, #tpu.memory_space<semaphore_mem>>)
      %dma_wait3A = arith.constant 0 : i32
      %dma_wait3A_32 = arith.constant 0 : i32
      %dma_wait3A_33 = tpu.memref_slice %arg2[%add3A, %dma_wait3A, %dma_wait3A_32] : memref<32x80x128xi32, #tpu.memory_space<hbm>> -> memref<1x80x128xi32, #tpu.memory_space<hbm>>
      %dma_wait3A_34 = tpu.memref_squeeze %dma_wait3A_33 : memref<1x80x128xi32, #tpu.memory_space<hbm>> -> memref<80x128xi32, #tpu.memory_space<hbm>>
      %dma_wait3A_35 = arith.constant 0 : i32
      %dma_wait3A_36 = arith.constant 0 : i32
      %dma_wait3A_37 = tpu.memref_slice %arg2[%add3A, %dma_wait3A_35, %dma_wait3A_36] : memref<32x80x128xi32, #tpu.memory_space<hbm>> -> memref<1x80x128xi32, #tpu.memory_space<hbm>>
      %dma_wait3A_38 = tpu.memref_squeeze %dma_wait3A_37 : memref<1x80x128xi32, #tpu.memory_space<hbm>> -> memref<80x128xi32, #tpu.memory_space<hbm>>
      tpu.wait_dma2 semaphore(%run_scoped3A : memref<!tpu.dma_semaphore, #tpu.memory_space<semaphore_mem>>) src(%dma_wait3A_38 : memref<80x128xi32, #tpu.memory_space<hbm>>) dst(%arg4 : memref<80x128xi32, #tpu.memory_space<vmem>>)
      tpu.yield
    }) : () -> ()
    %barrier3A = arith.constant 0 : index
    tpu.barrier barrier_id(%barrier3A)
    %scan3A_15 = arith.constant 0 : i32
    %scan3A_16 = arith.constant 80 : i32
    %scan3A_17 = arith.addi %scan3A_15, %scan3A_16 : i32
    %scan3A_18 = arith.constant 1 : i32
    scf.for %scan3A_25 = %scan3A_15 to %scan3A_17 step %scan3A_18  : i32 {
      %mul3A_26 = arith.constant 1 : i32
      %mul3A_27 = arith.muli %scan3A_25, %mul3A_26 : i32
      %add3A_28 = arith.constant 0 : i32
      %add3A_29 = arith.addi %add3A_28, %mul3A_27 : i32
      "tpu.region"() ({
        %run_scoped3A = tpu.sem_alloc : memref<!tpu.dma_semaphore, #tpu.memory_space<semaphore_mem>>
        %dma_start3A = arith.constant 0 : i32
        %dma_start3A_30 = tpu.memref_slice %arg4[%add3A_29, %dma_start3A] : memref<80x128xi32, #tpu.memory_space<vmem>> -> memref<1x128xi32, #tpu.memory_space<vmem>>
        %dma_start3A_31 = tpu.memref_squeeze %dma_start3A_30 : memref<1x128xi32, #tpu.memory_space<vmem>> -> memref<128xi32, #tpu.memory_space<vmem>>
        %dma_start3A_32 = arith.constant 0 : i32
        %dma_start3A_33 = arith.constant 0 : i32
        %dma_start3A_34 = tpu.memref_slice %arg7[%dma_start3A_32, %dma_start3A_33] : memref<10240x16xf32, #tpu.memory_space<vmem_shared>> -> memref<10240x16xf32, #tpu.memory_space<vmem_shared>>
        tpu.enqueue_indirect_dma source(%arg5 : memref<128x16xf32, #tpu.memory_space<vmem>>) target(%dma_start3A_34 : memref<10240x16xf32, #tpu.memory_space<vmem_shared>>) offsets(%dma_start3A_31 : memref<128xi32, #tpu.memory_space<vmem>>) semaphore(%run_scoped3A : memref<!tpu.dma_semaphore, #tpu.memory_space<semaphore_mem>>) {add = true}
        %dma_wait3A = arith.constant 0 : i32
        %dma_wait3A_35 = tpu.memref_slice %arg4[%add3A_29, %dma_wait3A] : memref<80x128xi32, #tpu.memory_space<vmem>> -> memref<1x128xi32, #tpu.memory_space<vmem>>
        %dma_wait3A_36 = tpu.memref_squeeze %dma_wait3A_35 : memref<1x128xi32, #tpu.memory_space<vmem>> -> memref<128xi32, #tpu.memory_space<vmem>>
        %dma_wait3A_37 = arith.constant 0 : i32
        %dma_wait3A_38 = arith.constant 0 : i32
        %dma_wait3A_39 = tpu.memref_slice %arg7[%dma_wait3A_37, %dma_wait3A_38] : memref<10240x16xf32, #tpu.memory_space<vmem_shared>> -> memref<10240x16xf32, #tpu.memory_space<vmem_shared>>
        tpu.wait_indirect_dma semaphore(%run_scoped3A : memref<!tpu.dma_semaphore, #tpu.memory_space<semaphore_mem>>) src(%arg5 : memref<128x16xf32, #tpu.memory_space<vmem>>) dst(%dma_wait3A_39 : memref<10240x16xf32, #tpu.memory_space<vmem_shared>>)
        tpu.yield
      }) : () -> ()
    }
    %scan3A_19 = arith.constant 80 : i32
    %barrier3A_20 = arith.constant 0 : index
    tpu.barrier barrier_id(%barrier3A_20)
    %mul3A_21 = arith.constant 640 : i32
    %mul3A_22 = arith.muli %arg1, %mul3A_21 : i32
    %mul3A_23 = arith.constant 640 : i32
    %mul3A_24 = arith.muli %arg1, %mul3A_23 : i32
    "tpu.region"() ({
      %run_scoped3A = tpu.sem_alloc : memref<!tpu.dma_semaphore, #tpu.memory_space<semaphore_mem>>
      %dma_start3A = arith.constant 0 : i32
      %dma_start3A_25 = tpu.memref_slice %arg3[%arg0, %mul3A_24, %dma_start3A] : memref<2x10240x16xf32, #tpu.memory_space<hbm>> -> memref<1x640x16xf32, #tpu.memory_space<hbm>>
      %dma_start3A_26 = tpu.memref_squeeze %dma_start3A_25 : memref<1x640x16xf32, #tpu.memory_space<hbm>> -> memref<640x16xf32, #tpu.memory_space<hbm>>
      %dma_start3A_27 = arith.constant 0 : i32
      %dma_start3A_28 = tpu.memref_slice %arg7[%mul3A_22, %dma_start3A_27] : memref<10240x16xf32, #tpu.memory_space<vmem_shared>> -> memref<640x16xf32, #tpu.memory_space<vmem_shared>>
      tpu.enqueue_dma source(%dma_start3A_28 : memref<640x16xf32, #tpu.memory_space<vmem_shared>>) target(%dma_start3A_26 : memref<640x16xf32, #tpu.memory_space<hbm>>) target_semaphore(%run_scoped3A : memref<!tpu.dma_semaphore, #tpu.memory_space<semaphore_mem>>)
      %dma_wait3A = arith.constant 0 : i32
      %dma_wait3A_29 = tpu.memref_slice %arg3[%arg0, %mul3A_24, %dma_wait3A] : memref<2x10240x16xf32, #tpu.memory_space<hbm>> -> memref<1x640x16xf32, #tpu.memory_space<hbm>>
      %dma_wait3A_30 = tpu.memref_squeeze %dma_wait3A_29 : memref<1x640x16xf32, #tpu.memory_space<hbm>> -> memref<640x16xf32, #tpu.memory_space<hbm>>
      %dma_wait3A_31 = arith.constant 0 : i32
      %dma_wait3A_32 = tpu.memref_slice %arg7[%mul3A_22, %dma_wait3A_31] : memref<10240x16xf32, #tpu.memory_space<vmem_shared>> -> memref<640x16xf32, #tpu.memory_space<vmem_shared>>
      tpu.wait_dma2 semaphore(%run_scoped3A : memref<!tpu.dma_semaphore, #tpu.memory_space<semaphore_mem>>) src(%dma_wait3A_32 : memref<640x16xf32, #tpu.memory_space<vmem_shared>>) dst(%dma_wait3A_30 : memref<640x16xf32, #tpu.memory_space<hbm>>)
      tpu.yield
    }) : () -> ()
    return
  }
}

#map = affine_map<(d0, d1) -> (0, 0)>
#map1 = affine_map<(d0, d1) -> (0, 0, 0, 0)>
#map2 = affine_map<(d0, d1) -> (0, 0, 0)>
module attributes {stable_mosaic.version = 14 : i64} {
  func.func @_sc_propagate(%arg0: i32, %arg1: i32, %arg2: memref<10240x128xf32, #tpu.memory_space<hbm>>, %arg3: memref<32x5x32x64xi32, #tpu.memory_space<hbm>>, %arg4: memref<32x5x32x64xi32, #tpu.memory_space<hbm>>, %arg5: memref<2x10240x128xf32, #tpu.memory_space<hbm>>, %arg6: memref<32x64xi32, #tpu.memory_space<vmem>>, %arg7: memref<32x64xi32, #tpu.memory_space<vmem>>, %arg8: memref<4x64x128xf32, #tpu.memory_space<vmem>>, %arg9: memref<10240x128xf32, #tpu.memory_space<vmem_shared>>, %arg10: memref<!tpu.dma_semaphore, #tpu.memory_space<semaphore_mem>>, %arg11: memref<!tpu.dma_semaphore, #tpu.memory_space<semaphore_mem>>, %arg12: memref<!tpu.dma_semaphore, #tpu.memory_space<semaphore_mem>>, %arg13: memref<!tpu.dma_semaphore, #tpu.memory_space<semaphore_mem>>, %arg14: memref<!tpu.dma_semaphore, #tpu.memory_space<semaphore_mem>>, %arg15: memref<!tpu.dma_semaphore, #tpu.memory_space<semaphore_mem>>, %arg16: memref<!tpu.dma_semaphore, #tpu.memory_space<semaphore_mem>>, %arg17: memref<!tpu.dma_semaphore, #tpu.memory_space<semaphore_mem>>) attributes {dimension_semantics = [#tpu.dimension_semantics<core_parallel>, #tpu.dimension_semantics<subcore_parallel>], iteration_bounds = array<i64: 2, 16>, scalar_prefetch = 0 : i64, scratch_operands = 12 : i64, tpu.core_type = #tpu.core_type<sc_vector_subcore>, window_params = [{transform_indices = #map}, {transform_indices = #map1}, {transform_indices = #map1}, {transform_indices = #map2}]} {
    %mul3A = arith.constant 16 : i32
    %mul3A_0 = arith.muli %arg0, %mul3A : i32
    %add3A = arith.addi %mul3A_0, %arg1 : i32
    %scan3A = arith.constant 0 : i32
    %scan3A_1 = arith.constant 64 : i32
    %scan3A_2 = arith.addi %scan3A, %scan3A_1 : i32
    %scan3A_3 = arith.constant 1 : i32
    scf.for %scan3A_49 = %scan3A to %scan3A_2 step %scan3A_3  : i32 {
      %mul3A_50 = arith.constant 1 : i32
      %mul3A_51 = arith.muli %scan3A_49, %mul3A_50 : i32
      %add3A_52 = arith.constant 0 : i32
      %add3A_53 = arith.addi %add3A_52, %mul3A_51 : i32
      %scan3A_54 = arith.constant 0 : i32
      %scan3A_55 = arith.constant 8 : i32
      %scan3A_56 = arith.addi %scan3A_54, %scan3A_55 : i32
      %scan3A_57 = arith.constant 1 : i32
      scf.for %scan3A_59 = %scan3A_54 to %scan3A_56 step %scan3A_57  : i32 {
        %mul3A_60 = arith.constant 1 : i32
        %mul3A_61 = arith.muli %scan3A_59, %mul3A_60 : i32
        %add3A_62 = arith.constant 0 : i32
        %add3A_63 = arith.addi %add3A_62, %mul3A_61 : i32
        %broadcast_in_dim3A = arith.constant 0.000000e+00 : f32
        %broadcast_in_dim3A_64 = vector.broadcast %broadcast_in_dim3A : f32 to vector<16xf32>
        %mul3A_65 = arith.constant 16 : i32
        %mul3A_66 = arith.muli %add3A_63, %mul3A_65 : i32
        %swap3A = arith.constant 0 : i32
        %swap3A_67 = arith.index_cast %swap3A : i32 to index
        %swap3A_68 = arith.index_cast %add3A_53 : i32 to index
        %swap3A_69 = arith.index_cast %mul3A_66 : i32 to index
        %swap3A_70 = tpu.vector_load %arg8[%swap3A_67, %swap3A_68, %swap3A_69] {strides = array<i32>} : memref<4x64x128xf32, #tpu.memory_space<vmem>>, vector<1x1x16xf32>,
        %swap3A_71 = vector.shape_cast %swap3A_70 : vector<1x1x16xf32> to vector<16xf32>
        %swap3A_72 = vector.shape_cast %broadcast_in_dim3A_64 : vector<16xf32> to vector<1x1x16xf32>
        tpu.vector_store %arg8[%swap3A_67, %swap3A_68, %swap3A_69], %swap3A_72 {strides = array<i32>} : memref<4x64x128xf32, #tpu.memory_space<vmem>>, vector<1x1x16xf32>,
      }
      %scan3A_58 = arith.constant 8 : i32
    }
    %scan3A_4 = arith.constant 64 : i32
    %scan3A_5 = arith.constant 0 : i32
    %scan3A_6 = arith.constant 10 : i32
    %scan3A_7 = arith.addi %scan3A_5, %scan3A_6 : i32
    %scan3A_8 = arith.constant 1 : i32
    scf.for %scan3A_49 = %scan3A_5 to %scan3A_7 step %scan3A_8  : i32 {
      %mul3A_50 = arith.constant 1 : i32
      %mul3A_51 = arith.muli %scan3A_49, %mul3A_50 : i32
      %add3A_52 = arith.constant 0 : i32
      %add3A_53 = arith.addi %add3A_52, %mul3A_51 : i32
      %mul3A_54 = arith.constant 640 : i32
      %mul3A_55 = arith.muli %arg1, %mul3A_54 : i32
      %mul3A_56 = arith.constant 64 : i32
      %mul3A_57 = arith.muli %add3A_53, %mul3A_56 : i32
      %add3A_58 = arith.addi %mul3A_55, %mul3A_57 : i32
      %run_scoped3A_59 = arith.constant 0 : i32
      "tpu.region"() ({
        %run_scoped3A_60 = tpu.sem_alloc : memref<!tpu.dma_semaphore, #tpu.memory_space<semaphore_mem>>
        %dma_start3A = arith.constant 0 : i32
        %dma_start3A_61 = arith.constant 0 : i32
        %dma_start3A_62 = tpu.memref_slice %arg8[%run_scoped3A_59, %dma_start3A, %dma_start3A_61] : memref<4x64x128xf32, #tpu.memory_space<vmem>> -> memref<1x64x128xf32, #tpu.memory_space<vmem>>
        %dma_start3A_63 = tpu.memref_squeeze %dma_start3A_62 : memref<1x64x128xf32, #tpu.memory_space<vmem>> -> memref<64x128xf32, #tpu.memory_space<vmem>>
        %dma_start3A_64 = arith.constant 0 : i32
        %dma_start3A_65 = tpu.memref_slice %arg9[%add3A_58, %dma_start3A_64] : memref<10240x128xf32, #tpu.memory_space<vmem_shared>> -> memref<64x128xf32, #tpu.memory_space<vmem_shared>>
        %dma_start3A_66 = arith.constant 0 : i32
        %dma_start3A_67 = tpu.memref_slice %arg9[%add3A_58, %dma_start3A_66] : memref<10240x128xf32, #tpu.memory_space<vmem_shared>> -> memref<64x128xf32, #tpu.memory_space<vmem_shared>>
        %dma_start3A_68 = arith.constant 0 : i32
        %dma_start3A_69 = arith.constant 0 : i32
        %dma_start3A_70 = tpu.memref_slice %arg8[%run_scoped3A_59, %dma_start3A_68, %dma_start3A_69] : memref<4x64x128xf32, #tpu.memory_space<vmem>> -> memref<1x64x128xf32, #tpu.memory_space<vmem>>
        %dma_start3A_71 = tpu.memref_squeeze %dma_start3A_70 : memref<1x64x128xf32, #tpu.memory_space<vmem>> -> memref<64x128xf32, #tpu.memory_space<vmem>>
        tpu.enqueue_dma source(%dma_start3A_71 : memref<64x128xf32, #tpu.memory_space<vmem>>) target(%dma_start3A_67 : memref<64x128xf32, #tpu.memory_space<vmem_shared>>) target_semaphore(%run_scoped3A_60 : memref<!tpu.dma_semaphore, #tpu.memory_space<semaphore_mem>>)
        %dma_wait3A = arith.constant 0 : i32
        %dma_wait3A_72 = arith.constant 0 : i32
        %dma_wait3A_73 = tpu.memref_slice %arg8[%run_scoped3A_59, %dma_wait3A, %dma_wait3A_72] : memref<4x64x128xf32, #tpu.memory_space<vmem>> -> memref<1x64x128xf32, #tpu.memory_space<vmem>>
        %dma_wait3A_74 = tpu.memref_squeeze %dma_wait3A_73 : memref<1x64x128xf32, #tpu.memory_space<vmem>> -> memref<64x128xf32, #tpu.memory_space<vmem>>
        %dma_wait3A_75 = arith.constant 0 : i32
        %dma_wait3A_76 = tpu.memref_slice %arg9[%add3A_58, %dma_wait3A_75] : memref<10240x128xf32, #tpu.memory_space<vmem_shared>> -> memref<64x128xf32, #tpu.memory_space<vmem_shared>>
        %dma_wait3A_77 = arith.constant 0 : i32
        %dma_wait3A_78 = tpu.memref_slice %arg9[%add3A_58, %dma_wait3A_77] : memref<10240x128xf32, #tpu.memory_space<vmem_shared>> -> memref<64x128xf32, #tpu.memory_space<vmem_shared>>
        %dma_wait3A_79 = arith.constant 0 : i32
        %dma_wait3A_80 = arith.constant 0 : i32
        %dma_wait3A_81 = tpu.memref_slice %arg8[%run_scoped3A_59, %dma_wait3A_79, %dma_wait3A_80] : memref<4x64x128xf32, #tpu.memory_space<vmem>> -> memref<1x64x128xf32, #tpu.memory_space<vmem>>
        %dma_wait3A_82 = tpu.memref_squeeze %dma_wait3A_81 : memref<1x64x128xf32, #tpu.memory_space<vmem>> -> memref<64x128xf32, #tpu.memory_space<vmem>>
        tpu.wait_dma2 semaphore(%run_scoped3A_60 : memref<!tpu.dma_semaphore, #tpu.memory_space<semaphore_mem>>) src(%dma_wait3A_82 : memref<64x128xf32, #tpu.memory_space<vmem>>) dst(%dma_wait3A_78 : memref<64x128xf32, #tpu.memory_space<vmem_shared>>)
        tpu.yield
      }) : () -> ()
    }
    %scan3A_9 = arith.constant 10 : i32
    %barrier3A = arith.constant 0 : index
    tpu.barrier barrier_id(%barrier3A)
    %run_scoped3A = arith.constant 0 : i32
    "tpu.region"() ({
      %run_scoped3A_49 = tpu.sem_alloc : memref<!tpu.dma_semaphore, #tpu.memory_space<semaphore_mem>>
      %dma_start3A = arith.constant 0 : i32
      %dma_start3A_50 = arith.constant 0 : i32
      %dma_start3A_51 = tpu.memref_slice %arg3[%add3A, %run_scoped3A, %dma_start3A, %dma_start3A_50] : memref<32x5x32x64xi32, #tpu.memory_space<hbm>> -> memref<1x1x32x64xi32, #tpu.memory_space<hbm>>
      %dma_start3A_52 = tpu.memref_squeeze %dma_start3A_51 : memref<1x1x32x64xi32, #tpu.memory_space<hbm>> -> memref<32x64xi32, #tpu.memory_space<hbm>>
      %dma_start3A_53 = arith.constant 0 : i32
      %dma_start3A_54 = arith.constant 0 : i32
      %dma_start3A_55 = tpu.memref_slice %arg3[%add3A, %run_scoped3A, %dma_start3A_53, %dma_start3A_54] : memref<32x5x32x64xi32, #tpu.memory_space<hbm>> -> memref<1x1x32x64xi32, #tpu.memory_space<hbm>>
      %dma_start3A_56 = tpu.memref_squeeze %dma_start3A_55 : memref<1x1x32x64xi32, #tpu.memory_space<hbm>> -> memref<32x64xi32, #tpu.memory_space<hbm>>
      tpu.enqueue_dma source(%dma_start3A_56 : memref<32x64xi32, #tpu.memory_space<hbm>>) target(%arg6 : memref<32x64xi32, #tpu.memory_space<vmem>>) target_semaphore(%run_scoped3A_49 : memref<!tpu.dma_semaphore, #tpu.memory_space<semaphore_mem>>)
      %dma_wait3A = arith.constant 0 : i32
      %dma_wait3A_57 = arith.constant 0 : i32
      %dma_wait3A_58 = tpu.memref_slice %arg3[%add3A, %run_scoped3A, %dma_wait3A, %dma_wait3A_57] : memref<32x5x32x64xi32, #tpu.memory_space<hbm>> -> memref<1x1x32x64xi32, #tpu.memory_space<hbm>>
      %dma_wait3A_59 = tpu.memref_squeeze %dma_wait3A_58 : memref<1x1x32x64xi32, #tpu.memory_space<hbm>> -> memref<32x64xi32, #tpu.memory_space<hbm>>
      %dma_wait3A_60 = arith.constant 0 : i32
      %dma_wait3A_61 = arith.constant 0 : i32
      %dma_wait3A_62 = tpu.memref_slice %arg3[%add3A, %run_scoped3A, %dma_wait3A_60, %dma_wait3A_61] : memref<32x5x32x64xi32, #tpu.memory_space<hbm>> -> memref<1x1x32x64xi32, #tpu.memory_space<hbm>>
      %dma_wait3A_63 = tpu.memref_squeeze %dma_wait3A_62 : memref<1x1x32x64xi32, #tpu.memory_space<hbm>> -> memref<32x64xi32, #tpu.memory_space<hbm>>
      tpu.wait_dma2 semaphore(%run_scoped3A_49 : memref<!tpu.dma_semaphore, #tpu.memory_space<semaphore_mem>>) src(%dma_wait3A_63 : memref<32x64xi32, #tpu.memory_space<hbm>>) dst(%arg6 : memref<32x64xi32, #tpu.memory_space<vmem>>)
      tpu.yield
    }) : () -> ()
    %run_scoped3A_10 = arith.constant 0 : i32
    "tpu.region"() ({
      %run_scoped3A_49 = tpu.sem_alloc : memref<!tpu.dma_semaphore, #tpu.memory_space<semaphore_mem>>
      %dma_start3A = arith.constant 0 : i32
      %dma_start3A_50 = arith.constant 0 : i32
      %dma_start3A_51 = tpu.memref_slice %arg4[%add3A, %run_scoped3A_10, %dma_start3A, %dma_start3A_50] : memref<32x5x32x64xi32, #tpu.memory_space<hbm>> -> memref<1x1x32x64xi32, #tpu.memory_space<hbm>>
      %dma_start3A_52 = tpu.memref_squeeze %dma_start3A_51 : memref<1x1x32x64xi32, #tpu.memory_space<hbm>> -> memref<32x64xi32, #tpu.memory_space<hbm>>
      %dma_start3A_53 = arith.constant 0 : i32
      %dma_start3A_54 = arith.constant 0 : i32
      %dma_start3A_55 = tpu.memref_slice %arg4[%add3A, %run_scoped3A_10, %dma_start3A_53, %dma_start3A_54] : memref<32x5x32x64xi32, #tpu.memory_space<hbm>> -> memref<1x1x32x64xi32, #tpu.memory_space<hbm>>
      %dma_start3A_56 = tpu.memref_squeeze %dma_start3A_55 : memref<1x1x32x64xi32, #tpu.memory_space<hbm>> -> memref<32x64xi32, #tpu.memory_space<hbm>>
      tpu.enqueue_dma source(%dma_start3A_56 : memref<32x64xi32, #tpu.memory_space<hbm>>) target(%arg7 : memref<32x64xi32, #tpu.memory_space<vmem>>) target_semaphore(%run_scoped3A_49 : memref<!tpu.dma_semaphore, #tpu.memory_space<semaphore_mem>>)
      %dma_wait3A = arith.constant 0 : i32
      %dma_wait3A_57 = arith.constant 0 : i32
      %dma_wait3A_58 = tpu.memref_slice %arg4[%add3A, %run_scoped3A_10, %dma_wait3A, %dma_wait3A_57] : memref<32x5x32x64xi32, #tpu.memory_space<hbm>> -> memref<1x1x32x64xi32, #tpu.memory_space<hbm>>
      %dma_wait3A_59 = tpu.memref_squeeze %dma_wait3A_58 : memref<1x1x32x64xi32, #tpu.memory_space<hbm>> -> memref<32x64xi32, #tpu.memory_space<hbm>>
      %dma_wait3A_60 = arith.constant 0 : i32
      %dma_wait3A_61 = arith.constant 0 : i32
      %dma_wait3A_62 = tpu.memref_slice %arg4[%add3A, %run_scoped3A_10, %dma_wait3A_60, %dma_wait3A_61] : memref<32x5x32x64xi32, #tpu.memory_space<hbm>> -> memref<1x1x32x64xi32, #tpu.memory_space<hbm>>
      %dma_wait3A_63 = tpu.memref_squeeze %dma_wait3A_62 : memref<1x1x32x64xi32, #tpu.memory_space<hbm>> -> memref<32x64xi32, #tpu.memory_space<hbm>>
      tpu.wait_dma2 semaphore(%run_scoped3A_49 : memref<!tpu.dma_semaphore, #tpu.memory_space<semaphore_mem>>) src(%dma_wait3A_63 : memref<32x64xi32, #tpu.memory_space<hbm>>) dst(%arg7 : memref<32x64xi32, #tpu.memory_space<vmem>>)
      tpu.yield
    }) : () -> ()
    %scan3A_11 = arith.constant 0 : i32
    %scan3A_12 = arith.constant 8 : i32
    %scan3A_13 = arith.addi %scan3A_11, %scan3A_12 : i32
    %scan3A_14 = arith.constant 1 : i32
    scf.for %scan3A_49 = %scan3A_11 to %scan3A_13 step %scan3A_14  : i32 {
      %mul3A_50 = arith.constant 4 : i32
      %mul3A_51 = arith.muli %scan3A_49, %mul3A_50 : i32
      %add3A_52 = arith.constant 0 : i32
      %add3A_53 = arith.addi %add3A_52, %mul3A_51 : i32
      %add3A_54 = arith.constant 0 : i32
      %add3A_55 = arith.addi %add3A_53, %add3A_54 : i32
      %dma_start3A = arith.constant 0 : i32
      %dma_start3A_56 = arith.constant 0 : i32
      %dma_start3A_57 = arith.constant 0 : i32
      %dma_start3A_58 = tpu.memref_slice %arg8[%dma_start3A, %dma_start3A_56, %dma_start3A_57] : memref<4x64x128xf32, #tpu.memory_space<vmem>> -> memref<1x64x128xf32, #tpu.memory_space<vmem>>
      %dma_start3A_59 = tpu.memref_squeeze %dma_start3A_58 : memref<1x64x128xf32, #tpu.memory_space<vmem>> -> memref<64x128xf32, #tpu.memory_space<vmem>>
      %dma_start3A_60 = arith.constant 0 : i32
      %dma_start3A_61 = tpu.memref_slice %arg6[%add3A_55, %dma_start3A_60] : memref<32x64xi32, #tpu.memory_space<vmem>> -> memref<1x64xi32, #tpu.memory_space<vmem>>
      %dma_start3A_62 = tpu.memref_squeeze %dma_start3A_61 : memref<1x64xi32, #tpu.memory_space<vmem>> -> memref<64xi32, #tpu.memory_space<vmem>>
      %dma_start3A_63 = arith.constant 0 : i32
      %dma_start3A_64 = arith.constant 0 : i32
      %dma_start3A_65 = tpu.memref_slice %arg2[%dma_start3A_63, %dma_start3A_64] : memref<10240x128xf32, #tpu.memory_space<hbm>> -> memref<10240x128xf32, #tpu.memory_space<hbm>>
      tpu.enqueue_indirect_dma source(%dma_start3A_65 : memref<10240x128xf32, #tpu.memory_space<hbm>>) target(%dma_start3A_59 : memref<64x128xf32, #tpu.memory_space<vmem>>) offsets(%dma_start3A_62 : memref<64xi32, #tpu.memory_space<vmem>>) semaphore(%arg10 : memref<!tpu.dma_semaphore, #tpu.memory_space<semaphore_mem>>)
      %add3A_66 = arith.constant 1 : i32
      %add3A_67 = arith.addi %add3A_53, %add3A_66 : i32
      %dma_start3A_68 = arith.constant 1 : i32
      %dma_start3A_69 = arith.constant 0 : i32
      %dma_start3A_70 = arith.constant 0 : i32
      %dma_start3A_71 = tpu.memref_slice %arg8[%dma_start3A_68, %dma_start3A_69, %dma_start3A_70] : memref<4x64x128xf32, #tpu.memory_space<vmem>> -> memref<1x64x128xf32, #tpu.memory_space<vmem>>
      %dma_start3A_72 = tpu.memref_squeeze %dma_start3A_71 : memref<1x64x128xf32, #tpu.memory_space<vmem>> -> memref<64x128xf32, #tpu.memory_space<vmem>>
      %dma_start3A_73 = arith.constant 0 : i32
      %dma_start3A_74 = tpu.memref_slice %arg6[%add3A_67, %dma_start3A_73] : memref<32x64xi32, #tpu.memory_space<vmem>> -> memref<1x64xi32, #tpu.memory_space<vmem>>
      %dma_start3A_75 = tpu.memref_squeeze %dma_start3A_74 : memref<1x64xi32, #tpu.memory_space<vmem>> -> memref<64xi32, #tpu.memory_space<vmem>>
      %dma_start3A_76 = arith.constant 0 : i32
      %dma_start3A_77 = arith.constant 0 : i32
      %dma_start3A_78 = tpu.memref_slice %arg2[%dma_start3A_76, %dma_start3A_77] : memref<10240x128xf32, #tpu.memory_space<hbm>> -> memref<10240x128xf32, #tpu.memory_space<hbm>>
      tpu.enqueue_indirect_dma source(%dma_start3A_78 : memref<10240x128xf32, #tpu.memory_space<hbm>>) target(%dma_start3A_72 : memref<64x128xf32, #tpu.memory_space<vmem>>) offsets(%dma_start3A_75 : memref<64xi32, #tpu.memory_space<vmem>>) semaphore(%arg11 : memref<!tpu.dma_semaphore, #tpu.memory_space<semaphore_mem>>)
      %add3A_79 = arith.constant 2 : i32
      %add3A_80 = arith.addi %add3A_53, %add3A_79 : i32
      %dma_start3A_81 = arith.constant 2 : i32
      %dma_start3A_82 = arith.constant 0 : i32
      %dma_start3A_83 = arith.constant 0 : i32
      %dma_start3A_84 = tpu.memref_slice %arg8[%dma_start3A_81, %dma_start3A_82, %dma_start3A_83] : memref<4x64x128xf32, #tpu.memory_space<vmem>> -> memref<1x64x128xf32, #tpu.memory_space<vmem>>
      %dma_start3A_85 = tpu.memref_squeeze %dma_start3A_84 : memref<1x64x128xf32, #tpu.memory_space<vmem>> -> memref<64x128xf32, #tpu.memory_space<vmem>>
      %dma_start3A_86 = arith.constant 0 : i32
      %dma_start3A_87 = tpu.memref_slice %arg6[%add3A_80, %dma_start3A_86] : memref<32x64xi32, #tpu.memory_space<vmem>> -> memref<1x64xi32, #tpu.memory_space<vmem>>
      %dma_start3A_88 = tpu.memref_squeeze %dma_start3A_87 : memref<1x64xi32, #tpu.memory_space<vmem>> -> memref<64xi32, #tpu.memory_space<vmem>>
      %dma_start3A_89 = arith.constant 0 : i32
      %dma_start3A_90 = arith.constant 0 : i32
      %dma_start3A_91 = tpu.memref_slice %arg2[%dma_start3A_89, %dma_start3A_90] : memref<10240x128xf32, #tpu.memory_space<hbm>> -> memref<10240x128xf32, #tpu.memory_space<hbm>>
      tpu.enqueue_indirect_dma source(%dma_start3A_91 : memref<10240x128xf32, #tpu.memory_space<hbm>>) target(%dma_start3A_85 : memref<64x128xf32, #tpu.memory_space<vmem>>) offsets(%dma_start3A_88 : memref<64xi32, #tpu.memory_space<vmem>>) semaphore(%arg12 : memref<!tpu.dma_semaphore, #tpu.memory_space<semaphore_mem>>)
      %add3A_92 = arith.constant 3 : i32
      %add3A_93 = arith.addi %add3A_53, %add3A_92 : i32
      %dma_start3A_94 = arith.constant 3 : i32
      %dma_start3A_95 = arith.constant 0 : i32
      %dma_start3A_96 = arith.constant 0 : i32
      %dma_start3A_97 = tpu.memref_slice %arg8[%dma_start3A_94, %dma_start3A_95, %dma_start3A_96] : memref<4x64x128xf32, #tpu.memory_space<vmem>> -> memref<1x64x128xf32, #tpu.memory_space<vmem>>
      %dma_start3A_98 = tpu.memref_squeeze %dma_start3A_97 : memref<1x64x128xf32, #tpu.memory_space<vmem>> -> memref<64x128xf32, #tpu.memory_space<vmem>>
      %dma_start3A_99 = arith.constant 0 : i32
      %dma_start3A_100 = tpu.memref_slice %arg6[%add3A_93, %dma_start3A_99] : memref<32x64xi32, #tpu.memory_space<vmem>> -> memref<1x64xi32, #tpu.memory_space<vmem>>
      %dma_start3A_101 = tpu.memref_squeeze %dma_start3A_100 : memref<1x64xi32, #tpu.memory_space<vmem>> -> memref<64xi32, #tpu.memory_space<vmem>>
      %dma_start3A_102 = arith.constant 0 : i32
      %dma_start3A_103 = arith.constant 0 : i32
      %dma_start3A_104 = tpu.memref_slice %arg2[%dma_start3A_102, %dma_start3A_103] : memref<10240x128xf32, #tpu.memory_space<hbm>> -> memref<10240x128xf32, #tpu.memory_space<hbm>>
      tpu.enqueue_indirect_dma source(%dma_start3A_104 : memref<10240x128xf32, #tpu.memory_space<hbm>>) target(%dma_start3A_98 : memref<64x128xf32, #tpu.memory_space<vmem>>) offsets(%dma_start3A_101 : memref<64xi32, #tpu.memory_space<vmem>>) semaphore(%arg13 : memref<!tpu.dma_semaphore, #tpu.memory_space<semaphore_mem>>)
      %dma_wait3A = arith.constant 0 : i32
      %dma_wait3A_105 = arith.constant 0 : i32
      %dma_wait3A_106 = arith.constant 0 : i32
      %dma_wait3A_107 = tpu.memref_slice %arg8[%dma_wait3A, %dma_wait3A_105, %dma_wait3A_106] : memref<4x64x128xf32, #tpu.memory_space<vmem>> -> memref<1x64x128xf32, #tpu.memory_space<vmem>>
      %dma_wait3A_108 = tpu.memref_squeeze %dma_wait3A_107 : memref<1x64x128xf32, #tpu.memory_space<vmem>> -> memref<64x128xf32, #tpu.memory_space<vmem>>
      %dma_wait3A_109 = arith.constant 0 : i32
      %dma_wait3A_110 = tpu.memref_slice %arg6[%add3A_55, %dma_wait3A_109] : memref<32x64xi32, #tpu.memory_space<vmem>> -> memref<1x64xi32, #tpu.memory_space<vmem>>
      %dma_wait3A_111 = tpu.memref_squeeze %dma_wait3A_110 : memref<1x64xi32, #tpu.memory_space<vmem>> -> memref<64xi32, #tpu.memory_space<vmem>>
      %dma_wait3A_112 = arith.constant 0 : i32
      %dma_wait3A_113 = arith.constant 0 : i32
      %dma_wait3A_114 = tpu.memref_slice %arg2[%dma_wait3A_112, %dma_wait3A_113] : memref<10240x128xf32, #tpu.memory_space<hbm>> -> memref<10240x128xf32, #tpu.memory_space<hbm>>
      tpu.wait_indirect_dma semaphore(%arg10 : memref<!tpu.dma_semaphore, #tpu.memory_space<semaphore_mem>>) src(%dma_wait3A_114 : memref<10240x128xf32, #tpu.memory_space<hbm>>) dst(%dma_wait3A_108 : memref<64x128xf32, #tpu.memory_space<vmem>>)
      %add3A_115 = arith.constant 0 : i32
      %add3A_116 = arith.addi %add3A_53, %add3A_115 : i32
      %run_scoped3A_117 = arith.constant 0 : i32
      "tpu.region"() ({
        %run_scoped3A_160 = tpu.sem_alloc : memref<!tpu.dma_semaphore, #tpu.memory_space<semaphore_mem>>
        %dma_start3A_161 = arith.constant 0 : i32
        %dma_start3A_162 = arith.constant 0 : i32
        %dma_start3A_163 = tpu.memref_slice %arg8[%run_scoped3A_117, %dma_start3A_161, %dma_start3A_162] : memref<4x64x128xf32, #tpu.memory_space<vmem>> -> memref<1x64x128xf32, #tpu.memory_space<vmem>>
        %dma_start3A_164 = tpu.memref_squeeze %dma_start3A_163 : memref<1x64x128xf32, #tpu.memory_space<vmem>> -> memref<64x128xf32, #tpu.memory_space<vmem>>
        %dma_start3A_165 = arith.constant 0 : i32
        %dma_start3A_166 = tpu.memref_slice %arg7[%add3A_116, %dma_start3A_165] : memref<32x64xi32, #tpu.memory_space<vmem>> -> memref<1x64xi32, #tpu.memory_space<vmem>>
        %dma_start3A_167 = tpu.memref_squeeze %dma_start3A_166 : memref<1x64xi32, #tpu.memory_space<vmem>> -> memref<64xi32, #tpu.memory_space<vmem>>
        %dma_start3A_168 = arith.constant 0 : i32
        %dma_start3A_169 = arith.constant 0 : i32
        %dma_start3A_170 = tpu.memref_slice %arg9[%dma_start3A_168, %dma_start3A_169] : memref<10240x128xf32, #tpu.memory_space<vmem_shared>> -> memref<10240x128xf32, #tpu.memory_space<vmem_shared>>
        tpu.enqueue_indirect_dma source(%dma_start3A_164 : memref<64x128xf32, #tpu.memory_space<vmem>>) target(%dma_start3A_170 : memref<10240x128xf32, #tpu.memory_space<vmem_shared>>) offsets(%dma_start3A_167 : memref<64xi32, #tpu.memory_space<vmem>>) semaphore(%run_scoped3A_160 : memref<!tpu.dma_semaphore, #tpu.memory_space<semaphore_mem>>) {add = true}
        %dma_wait3A_171 = arith.constant 0 : i32
        %dma_wait3A_172 = arith.constant 0 : i32
        %dma_wait3A_173 = tpu.memref_slice %arg8[%run_scoped3A_117, %dma_wait3A_171, %dma_wait3A_172] : memref<4x64x128xf32, #tpu.memory_space<vmem>> -> memref<1x64x128xf32, #tpu.memory_space<vmem>>
        %dma_wait3A_174 = tpu.memref_squeeze %dma_wait3A_173 : memref<1x64x128xf32, #tpu.memory_space<vmem>> -> memref<64x128xf32, #tpu.memory_space<vmem>>
        %dma_wait3A_175 = arith.constant 0 : i32
        %dma_wait3A_176 = tpu.memref_slice %arg7[%add3A_116, %dma_wait3A_175] : memref<32x64xi32, #tpu.memory_space<vmem>> -> memref<1x64xi32, #tpu.memory_space<vmem>>
        %dma_wait3A_177 = tpu.memref_squeeze %dma_wait3A_176 : memref<1x64xi32, #tpu.memory_space<vmem>> -> memref<64xi32, #tpu.memory_space<vmem>>
        %dma_wait3A_178 = arith.constant 0 : i32
        %dma_wait3A_179 = arith.constant 0 : i32
        %dma_wait3A_180 = tpu.memref_slice %arg9[%dma_wait3A_178, %dma_wait3A_179] : memref<10240x128xf32, #tpu.memory_space<vmem_shared>> -> memref<10240x128xf32, #tpu.memory_space<vmem_shared>>
        tpu.wait_indirect_dma semaphore(%run_scoped3A_160 : memref<!tpu.dma_semaphore, #tpu.memory_space<semaphore_mem>>) src(%dma_wait3A_174 : memref<64x128xf32, #tpu.memory_space<vmem>>) dst(%dma_wait3A_180 : memref<10240x128xf32, #tpu.memory_space<vmem_shared>>)
        tpu.yield
      }) : () -> ()
      %dma_wait3A_118 = arith.constant 1 : i32
      %dma_wait3A_119 = arith.constant 0 : i32
      %dma_wait3A_120 = arith.constant 0 : i32
      %dma_wait3A_121 = tpu.memref_slice %arg8[%dma_wait3A_118, %dma_wait3A_119, %dma_wait3A_120] : memref<4x64x128xf32, #tpu.memory_space<vmem>> -> memref<1x64x128xf32, #tpu.memory_space<vmem>>
      %dma_wait3A_122 = tpu.memref_squeeze %dma_wait3A_121 : memref<1x64x128xf32, #tpu.memory_space<vmem>> -> memref<64x128xf32, #tpu.memory_space<vmem>>
      %dma_wait3A_123 = arith.constant 0 : i32
      %dma_wait3A_124 = tpu.memref_slice %arg6[%add3A_67, %dma_wait3A_123] : memref<32x64xi32, #tpu.memory_space<vmem>> -> memref<1x64xi32, #tpu.memory_space<vmem>>
      %dma_wait3A_125 = tpu.memref_squeeze %dma_wait3A_124 : memref<1x64xi32, #tpu.memory_space<vmem>> -> memref<64xi32, #tpu.memory_space<vmem>>
      %dma_wait3A_126 = arith.constant 0 : i32
      %dma_wait3A_127 = arith.constant 0 : i32
      %dma_wait3A_128 = tpu.memref_slice %arg2[%dma_wait3A_126, %dma_wait3A_127] : memref<10240x128xf32, #tpu.memory_space<hbm>> -> memref<10240x128xf32, #tpu.memory_space<hbm>>
      tpu.wait_indirect_dma semaphore(%arg11 : memref<!tpu.dma_semaphore, #tpu.memory_space<semaphore_mem>>) src(%dma_wait3A_128 : memref<10240x128xf32, #tpu.memory_space<hbm>>) dst(%dma_wait3A_122 : memref<64x128xf32, #tpu.memory_space<vmem>>)
      %add3A_129 = arith.constant 1 : i32
      %add3A_130 = arith.addi %add3A_53, %add3A_129 : i32
      %run_scoped3A_131 = arith.constant 1 : i32
      "tpu.region"() ({
        %run_scoped3A_160 = tpu.sem_alloc : memref<!tpu.dma_semaphore, #tpu.memory_space<semaphore_mem>>
        %dma_start3A_161 = arith.constant 0 : i32
        %dma_start3A_162 = arith.constant 0 : i32
        %dma_start3A_163 = tpu.memref_slice %arg8[%run_scoped3A_131, %dma_start3A_161, %dma_start3A_162] : memref<4x64x128xf32, #tpu.memory_space<vmem>> -> memref<1x64x128xf32, #tpu.memory_space<vmem>>
        %dma_start3A_164 = tpu.memref_squeeze %dma_start3A_163 : memref<1x64x128xf32, #tpu.memory_space<vmem>> -> memref<64x128xf32, #tpu.memory_space<vmem>>
        %dma_start3A_165 = arith.constant 0 : i32
        %dma_start3A_166 = tpu.memref_slice %arg7[%add3A_130, %dma_start3A_165] : memref<32x64xi32, #tpu.memory_space<vmem>> -> memref<1x64xi32, #tpu.memory_space<vmem>>
        %dma_start3A_167 = tpu.memref_squeeze %dma_start3A_166 : memref<1x64xi32, #tpu.memory_space<vmem>> -> memref<64xi32, #tpu.memory_space<vmem>>
        %dma_start3A_168 = arith.constant 0 : i32
        %dma_start3A_169 = arith.constant 0 : i32
        %dma_start3A_170 = tpu.memref_slice %arg9[%dma_start3A_168, %dma_start3A_169] : memref<10240x128xf32, #tpu.memory_space<vmem_shared>> -> memref<10240x128xf32, #tpu.memory_space<vmem_shared>>
        tpu.enqueue_indirect_dma source(%dma_start3A_164 : memref<64x128xf32, #tpu.memory_space<vmem>>) target(%dma_start3A_170 : memref<10240x128xf32, #tpu.memory_space<vmem_shared>>) offsets(%dma_start3A_167 : memref<64xi32, #tpu.memory_space<vmem>>) semaphore(%run_scoped3A_160 : memref<!tpu.dma_semaphore, #tpu.memory_space<semaphore_mem>>) {add = true}
        %dma_wait3A_171 = arith.constant 0 : i32
        %dma_wait3A_172 = arith.constant 0 : i32
        %dma_wait3A_173 = tpu.memref_slice %arg8[%run_scoped3A_131, %dma_wait3A_171, %dma_wait3A_172] : memref<4x64x128xf32, #tpu.memory_space<vmem>> -> memref<1x64x128xf32, #tpu.memory_space<vmem>>
        %dma_wait3A_174 = tpu.memref_squeeze %dma_wait3A_173 : memref<1x64x128xf32, #tpu.memory_space<vmem>> -> memref<64x128xf32, #tpu.memory_space<vmem>>
        %dma_wait3A_175 = arith.constant 0 : i32
        %dma_wait3A_176 = tpu.memref_slice %arg7[%add3A_130, %dma_wait3A_175] : memref<32x64xi32, #tpu.memory_space<vmem>> -> memref<1x64xi32, #tpu.memory_space<vmem>>
        %dma_wait3A_177 = tpu.memref_squeeze %dma_wait3A_176 : memref<1x64xi32, #tpu.memory_space<vmem>> -> memref<64xi32, #tpu.memory_space<vmem>>
        %dma_wait3A_178 = arith.constant 0 : i32
        %dma_wait3A_179 = arith.constant 0 : i32
        %dma_wait3A_180 = tpu.memref_slice %arg9[%dma_wait3A_178, %dma_wait3A_179] : memref<10240x128xf32, #tpu.memory_space<vmem_shared>> -> memref<10240x128xf32, #tpu.memory_space<vmem_shared>>
        tpu.wait_indirect_dma semaphore(%run_scoped3A_160 : memref<!tpu.dma_semaphore, #tpu.memory_space<semaphore_mem>>) src(%dma_wait3A_174 : memref<64x128xf32, #tpu.memory_space<vmem>>) dst(%dma_wait3A_180 : memref<10240x128xf32, #tpu.memory_space<vmem_shared>>)
        tpu.yield
      }) : () -> ()
      %dma_wait3A_132 = arith.constant 2 : i32
      %dma_wait3A_133 = arith.constant 0 : i32
      %dma_wait3A_134 = arith.constant 0 : i32
      %dma_wait3A_135 = tpu.memref_slice %arg8[%dma_wait3A_132, %dma_wait3A_133, %dma_wait3A_134] : memref<4x64x128xf32, #tpu.memory_space<vmem>> -> memref<1x64x128xf32, #tpu.memory_space<vmem>>
      %dma_wait3A_136 = tpu.memref_squeeze %dma_wait3A_135 : memref<1x64x128xf32, #tpu.memory_space<vmem>> -> memref<64x128xf32, #tpu.memory_space<vmem>>
      %dma_wait3A_137 = arith.constant 0 : i32
      %dma_wait3A_138 = tpu.memref_slice %arg6[%add3A_80, %dma_wait3A_137] : memref<32x64xi32, #tpu.memory_space<vmem>> -> memref<1x64xi32, #tpu.memory_space<vmem>>
      %dma_wait3A_139 = tpu.memref_squeeze %dma_wait3A_138 : memref<1x64xi32, #tpu.memory_space<vmem>> -> memref<64xi32, #tpu.memory_space<vmem>>
      %dma_wait3A_140 = arith.constant 0 : i32
      %dma_wait3A_141 = arith.constant 0 : i32
      %dma_wait3A_142 = tpu.memref_slice %arg2[%dma_wait3A_140, %dma_wait3A_141] : memref<10240x128xf32, #tpu.memory_space<hbm>> -> memref<10240x128xf32, #tpu.memory_space<hbm>>
      tpu.wait_indirect_dma semaphore(%arg12 : memref<!tpu.dma_semaphore, #tpu.memory_space<semaphore_mem>>) src(%dma_wait3A_142 : memref<10240x128xf32, #tpu.memory_space<hbm>>) dst(%dma_wait3A_136 : memref<64x128xf32, #tpu.memory_space<vmem>>)
      %add3A_143 = arith.constant 2 : i32
      %add3A_144 = arith.addi %add3A_53, %add3A_143 : i32
      %run_scoped3A_145 = arith.constant 2 : i32
      "tpu.region"() ({
        %run_scoped3A_160 = tpu.sem_alloc : memref<!tpu.dma_semaphore, #tpu.memory_space<semaphore_mem>>
        %dma_start3A_161 = arith.constant 0 : i32
        %dma_start3A_162 = arith.constant 0 : i32
        %dma_start3A_163 = tpu.memref_slice %arg8[%run_scoped3A_145, %dma_start3A_161, %dma_start3A_162] : memref<4x64x128xf32, #tpu.memory_space<vmem>> -> memref<1x64x128xf32, #tpu.memory_space<vmem>>
        %dma_start3A_164 = tpu.memref_squeeze %dma_start3A_163 : memref<1x64x128xf32, #tpu.memory_space<vmem>> -> memref<64x128xf32, #tpu.memory_space<vmem>>
        %dma_start3A_165 = arith.constant 0 : i32
        %dma_start3A_166 = tpu.memref_slice %arg7[%add3A_144, %dma_start3A_165] : memref<32x64xi32, #tpu.memory_space<vmem>> -> memref<1x64xi32, #tpu.memory_space<vmem>>
        %dma_start3A_167 = tpu.memref_squeeze %dma_start3A_166 : memref<1x64xi32, #tpu.memory_space<vmem>> -> memref<64xi32, #tpu.memory_space<vmem>>
        %dma_start3A_168 = arith.constant 0 : i32
        %dma_start3A_169 = arith.constant 0 : i32
        %dma_start3A_170 = tpu.memref_slice %arg9[%dma_start3A_168, %dma_start3A_169] : memref<10240x128xf32, #tpu.memory_space<vmem_shared>> -> memref<10240x128xf32, #tpu.memory_space<vmem_shared>>
        tpu.enqueue_indirect_dma source(%dma_start3A_164 : memref<64x128xf32, #tpu.memory_space<vmem>>) target(%dma_start3A_170 : memref<10240x128xf32, #tpu.memory_space<vmem_shared>>) offsets(%dma_start3A_167 : memref<64xi32, #tpu.memory_space<vmem>>) semaphore(%run_scoped3A_160 : memref<!tpu.dma_semaphore, #tpu.memory_space<semaphore_mem>>) {add = true}
        %dma_wait3A_171 = arith.constant 0 : i32
        %dma_wait3A_172 = arith.constant 0 : i32
        %dma_wait3A_173 = tpu.memref_slice %arg8[%run_scoped3A_145, %dma_wait3A_171, %dma_wait3A_172] : memref<4x64x128xf32, #tpu.memory_space<vmem>> -> memref<1x64x128xf32, #tpu.memory_space<vmem>>
        %dma_wait3A_174 = tpu.memref_squeeze %dma_wait3A_173 : memref<1x64x128xf32, #tpu.memory_space<vmem>> -> memref<64x128xf32, #tpu.memory_space<vmem>>
        %dma_wait3A_175 = arith.constant 0 : i32
        %dma_wait3A_176 = tpu.memref_slice %arg7[%add3A_144, %dma_wait3A_175] : memref<32x64xi32, #tpu.memory_space<vmem>> -> memref<1x64xi32, #tpu.memory_space<vmem>>
        %dma_wait3A_177 = tpu.memref_squeeze %dma_wait3A_176 : memref<1x64xi32, #tpu.memory_space<vmem>> -> memref<64xi32, #tpu.memory_space<vmem>>
        %dma_wait3A_178 = arith.constant 0 : i32
        %dma_wait3A_179 = arith.constant 0 : i32
        %dma_wait3A_180 = tpu.memref_slice %arg9[%dma_wait3A_178, %dma_wait3A_179] : memref<10240x128xf32, #tpu.memory_space<vmem_shared>> -> memref<10240x128xf32, #tpu.memory_space<vmem_shared>>
        tpu.wait_indirect_dma semaphore(%run_scoped3A_160 : memref<!tpu.dma_semaphore, #tpu.memory_space<semaphore_mem>>) src(%dma_wait3A_174 : memref<64x128xf32, #tpu.memory_space<vmem>>) dst(%dma_wait3A_180 : memref<10240x128xf32, #tpu.memory_space<vmem_shared>>)
        tpu.yield
      }) : () -> ()
      %dma_wait3A_146 = arith.constant 3 : i32
      %dma_wait3A_147 = arith.constant 0 : i32
      %dma_wait3A_148 = arith.constant 0 : i32
      %dma_wait3A_149 = tpu.memref_slice %arg8[%dma_wait3A_146, %dma_wait3A_147, %dma_wait3A_148] : memref<4x64x128xf32, #tpu.memory_space<vmem>> -> memref<1x64x128xf32, #tpu.memory_space<vmem>>
      %dma_wait3A_150 = tpu.memref_squeeze %dma_wait3A_149 : memref<1x64x128xf32, #tpu.memory_space<vmem>> -> memref<64x128xf32, #tpu.memory_space<vmem>>
      %dma_wait3A_151 = arith.constant 0 : i32
      %dma_wait3A_152 = tpu.memref_slice %arg6[%add3A_93, %dma_wait3A_151] : memref<32x64xi32, #tpu.memory_space<vmem>> -> memref<1x64xi32, #tpu.memory_space<vmem>>
      %dma_wait3A_153 = tpu.memref_squeeze %dma_wait3A_152 : memref<1x64xi32, #tpu.memory_space<vmem>> -> memref<64xi32, #tpu.memory_space<vmem>>
      %dma_wait3A_154 = arith.constant 0 : i32
      %dma_wait3A_155 = arith.constant 0 : i32
      %dma_wait3A_156 = tpu.memref_slice %arg2[%dma_wait3A_154, %dma_wait3A_155] : memref<10240x128xf32, #tpu.memory_space<hbm>> -> memref<10240x128xf32, #tpu.memory_space<hbm>>
      tpu.wait_indirect_dma semaphore(%arg13 : memref<!tpu.dma_semaphore, #tpu.memory_space<semaphore_mem>>) src(%dma_wait3A_156 : memref<10240x128xf32, #tpu.memory_space<hbm>>) dst(%dma_wait3A_150 : memref<64x128xf32, #tpu.memory_space<vmem>>)
      %add3A_157 = arith.constant 3 : i32
      %add3A_158 = arith.addi %add3A_53, %add3A_157 : i32
      %run_scoped3A_159 = arith.constant 3 : i32
      "tpu.region"() ({
        %run_scoped3A_160 = tpu.sem_alloc : memref<!tpu.dma_semaphore, #tpu.memory_space<semaphore_mem>>
        %dma_start3A_161 = arith.constant 0 : i32
        %dma_start3A_162 = arith.constant 0 : i32
        %dma_start3A_163 = tpu.memref_slice %arg8[%run_scoped3A_159, %dma_start3A_161, %dma_start3A_162] : memref<4x64x128xf32, #tpu.memory_space<vmem>> -> memref<1x64x128xf32, #tpu.memory_space<vmem>>
        %dma_start3A_164 = tpu.memref_squeeze %dma_start3A_163 : memref<1x64x128xf32, #tpu.memory_space<vmem>> -> memref<64x128xf32, #tpu.memory_space<vmem>>
        %dma_start3A_165 = arith.constant 0 : i32
        %dma_start3A_166 = tpu.memref_slice %arg7[%add3A_158, %dma_start3A_165] : memref<32x64xi32, #tpu.memory_space<vmem>> -> memref<1x64xi32, #tpu.memory_space<vmem>>
        %dma_start3A_167 = tpu.memref_squeeze %dma_start3A_166 : memref<1x64xi32, #tpu.memory_space<vmem>> -> memref<64xi32, #tpu.memory_space<vmem>>
        %dma_start3A_168 = arith.constant 0 : i32
        %dma_start3A_169 = arith.constant 0 : i32
        %dma_start3A_170 = tpu.memref_slice %arg9[%dma_start3A_168, %dma_start3A_169] : memref<10240x128xf32, #tpu.memory_space<vmem_shared>> -> memref<10240x128xf32, #tpu.memory_space<vmem_shared>>
        tpu.enqueue_indirect_dma source(%dma_start3A_164 : memref<64x128xf32, #tpu.memory_space<vmem>>) target(%dma_start3A_170 : memref<10240x128xf32, #tpu.memory_space<vmem_shared>>) offsets(%dma_start3A_167 : memref<64xi32, #tpu.memory_space<vmem>>) semaphore(%run_scoped3A_160 : memref<!tpu.dma_semaphore, #tpu.memory_space<semaphore_mem>>) {add = true}
        %dma_wait3A_171 = arith.constant 0 : i32
        %dma_wait3A_172 = arith.constant 0 : i32
        %dma_wait3A_173 = tpu.memref_slice %arg8[%run_scoped3A_159, %dma_wait3A_171, %dma_wait3A_172] : memref<4x64x128xf32, #tpu.memory_space<vmem>> -> memref<1x64x128xf32, #tpu.memory_space<vmem>>
        %dma_wait3A_174 = tpu.memref_squeeze %dma_wait3A_173 : memref<1x64x128xf32, #tpu.memory_space<vmem>> -> memref<64x128xf32, #tpu.memory_space<vmem>>
        %dma_wait3A_175 = arith.constant 0 : i32
        %dma_wait3A_176 = tpu.memref_slice %arg7[%add3A_158, %dma_wait3A_175] : memref<32x64xi32, #tpu.memory_space<vmem>> -> memref<1x64xi32, #tpu.memory_space<vmem>>
        %dma_wait3A_177 = tpu.memref_squeeze %dma_wait3A_176 : memref<1x64xi32, #tpu.memory_space<vmem>> -> memref<64xi32, #tpu.memory_space<vmem>>
        %dma_wait3A_178 = arith.constant 0 : i32
        %dma_wait3A_179 = arith.constant 0 : i32
        %dma_wait3A_180 = tpu.memref_slice %arg9[%dma_wait3A_178, %dma_wait3A_179] : memref<10240x128xf32, #tpu.memory_space<vmem_shared>> -> memref<10240x128xf32, #tpu.memory_space<vmem_shared>>
        tpu.wait_indirect_dma semaphore(%run_scoped3A_160 : memref<!tpu.dma_semaphore, #tpu.memory_space<semaphore_mem>>) src(%dma_wait3A_174 : memref<64x128xf32, #tpu.memory_space<vmem>>) dst(%dma_wait3A_180 : memref<10240x128xf32, #tpu.memory_space<vmem_shared>>)
        tpu.yield
      }) : () -> ()
    }
    %scan3A_15 = arith.constant 8 : i32
    %run_scoped3A_16 = arith.constant 1 : i32
    "tpu.region"() ({
      %run_scoped3A_49 = tpu.sem_alloc : memref<!tpu.dma_semaphore, #tpu.memory_space<semaphore_mem>>
      %dma_start3A = arith.constant 0 : i32
      %dma_start3A_50 = arith.constant 0 : i32
      %dma_start3A_51 = tpu.memref_slice %arg3[%add3A, %run_scoped3A_16, %dma_start3A, %dma_start3A_50] : memref<32x5x32x64xi32, #tpu.memory_space<hbm>> -> memref<1x1x32x64xi32, #tpu.memory_space<hbm>>
      %dma_start3A_52 = tpu.memref_squeeze %dma_start3A_51 : memref<1x1x32x64xi32, #tpu.memory_space<hbm>> -> memref<32x64xi32, #tpu.memory_space<hbm>>
      %dma_start3A_53 = arith.constant 0 : i32
      %dma_start3A_54 = arith.constant 0 : i32
      %dma_start3A_55 = tpu.memref_slice %arg3[%add3A, %run_scoped3A_16, %dma_start3A_53, %dma_start3A_54] : memref<32x5x32x64xi32, #tpu.memory_space<hbm>> -> memref<1x1x32x64xi32, #tpu.memory_space<hbm>>
      %dma_start3A_56 = tpu.memref_squeeze %dma_start3A_55 : memref<1x1x32x64xi32, #tpu.memory_space<hbm>> -> memref<32x64xi32, #tpu.memory_space<hbm>>
      tpu.enqueue_dma source(%dma_start3A_56 : memref<32x64xi32, #tpu.memory_space<hbm>>) target(%arg6 : memref<32x64xi32, #tpu.memory_space<vmem>>) target_semaphore(%run_scoped3A_49 : memref<!tpu.dma_semaphore, #tpu.memory_space<semaphore_mem>>)
      %dma_wait3A = arith.constant 0 : i32
      %dma_wait3A_57 = arith.constant 0 : i32
      %dma_wait3A_58 = tpu.memref_slice %arg3[%add3A, %run_scoped3A_16, %dma_wait3A, %dma_wait3A_57] : memref<32x5x32x64xi32, #tpu.memory_space<hbm>> -> memref<1x1x32x64xi32, #tpu.memory_space<hbm>>
      %dma_wait3A_59 = tpu.memref_squeeze %dma_wait3A_58 : memref<1x1x32x64xi32, #tpu.memory_space<hbm>> -> memref<32x64xi32, #tpu.memory_space<hbm>>
      %dma_wait3A_60 = arith.constant 0 : i32
      %dma_wait3A_61 = arith.constant 0 : i32
      %dma_wait3A_62 = tpu.memref_slice %arg3[%add3A, %run_scoped3A_16, %dma_wait3A_60, %dma_wait3A_61] : memref<32x5x32x64xi32, #tpu.memory_space<hbm>> -> memref<1x1x32x64xi32, #tpu.memory_space<hbm>>
      %dma_wait3A_63 = tpu.memref_squeeze %dma_wait3A_62 : memref<1x1x32x64xi32, #tpu.memory_space<hbm>> -> memref<32x64xi32, #tpu.memory_space<hbm>>
      tpu.wait_dma2 semaphore(%run_scoped3A_49 : memref<!tpu.dma_semaphore, #tpu.memory_space<semaphore_mem>>) src(%dma_wait3A_63 : memref<32x64xi32, #tpu.memory_space<hbm>>) dst(%arg6 : memref<32x64xi32, #tpu.memory_space<vmem>>)
      tpu.yield
    }) : () -> ()
    %run_scoped3A_17 = arith.constant 1 : i32
    "tpu.region"() ({
      %run_scoped3A_49 = tpu.sem_alloc : memref<!tpu.dma_semaphore, #tpu.memory_space<semaphore_mem>>
      %dma_start3A = arith.constant 0 : i32
      %dma_start3A_50 = arith.constant 0 : i32
      %dma_start3A_51 = tpu.memref_slice %arg4[%add3A, %run_scoped3A_17, %dma_start3A, %dma_start3A_50] : memref<32x5x32x64xi32, #tpu.memory_space<hbm>> -> memref<1x1x32x64xi32, #tpu.memory_space<hbm>>
      %dma_start3A_52 = tpu.memref_squeeze %dma_start3A_51 : memref<1x1x32x64xi32, #tpu.memory_space<hbm>> -> memref<32x64xi32, #tpu.memory_space<hbm>>
      %dma_start3A_53 = arith.constant 0 : i32
      %dma_start3A_54 = arith.constant 0 : i32
      %dma_start3A_55 = tpu.memref_slice %arg4[%add3A, %run_scoped3A_17, %dma_start3A_53, %dma_start3A_54] : memref<32x5x32x64xi32, #tpu.memory_space<hbm>> -> memref<1x1x32x64xi32, #tpu.memory_space<hbm>>
      %dma_start3A_56 = tpu.memref_squeeze %dma_start3A_55 : memref<1x1x32x64xi32, #tpu.memory_space<hbm>> -> memref<32x64xi32, #tpu.memory_space<hbm>>
      tpu.enqueue_dma source(%dma_start3A_56 : memref<32x64xi32, #tpu.memory_space<hbm>>) target(%arg7 : memref<32x64xi32, #tpu.memory_space<vmem>>) target_semaphore(%run_scoped3A_49 : memref<!tpu.dma_semaphore, #tpu.memory_space<semaphore_mem>>)
      %dma_wait3A = arith.constant 0 : i32
      %dma_wait3A_57 = arith.constant 0 : i32
      %dma_wait3A_58 = tpu.memref_slice %arg4[%add3A, %run_scoped3A_17, %dma_wait3A, %dma_wait3A_57] : memref<32x5x32x64xi32, #tpu.memory_space<hbm>> -> memref<1x1x32x64xi32, #tpu.memory_space<hbm>>
      %dma_wait3A_59 = tpu.memref_squeeze %dma_wait3A_58 : memref<1x1x32x64xi32, #tpu.memory_space<hbm>> -> memref<32x64xi32, #tpu.memory_space<hbm>>
      %dma_wait3A_60 = arith.constant 0 : i32
      %dma_wait3A_61 = arith.constant 0 : i32
      %dma_wait3A_62 = tpu.memref_slice %arg4[%add3A, %run_scoped3A_17, %dma_wait3A_60, %dma_wait3A_61] : memref<32x5x32x64xi32, #tpu.memory_space<hbm>> -> memref<1x1x32x64xi32, #tpu.memory_space<hbm>>
      %dma_wait3A_63 = tpu.memref_squeeze %dma_wait3A_62 : memref<1x1x32x64xi32, #tpu.memory_space<hbm>> -> memref<32x64xi32, #tpu.memory_space<hbm>>
      tpu.wait_dma2 semaphore(%run_scoped3A_49 : memref<!tpu.dma_semaphore, #tpu.memory_space<semaphore_mem>>) src(%dma_wait3A_63 : memref<32x64xi32, #tpu.memory_space<hbm>>) dst(%arg7 : memref<32x64xi32, #tpu.memory_space<vmem>>)
      tpu.yield
    }) : () -> ()
    %scan3A_18 = arith.constant 0 : i32
    %scan3A_19 = arith.constant 8 : i32
    %scan3A_20 = arith.addi %scan3A_18, %scan3A_19 : i32
    %scan3A_21 = arith.constant 1 : i32
    scf.for %scan3A_49 = %scan3A_18 to %scan3A_20 step %scan3A_21  : i32 {
      %mul3A_50 = arith.constant 4 : i32
      %mul3A_51 = arith.muli %scan3A_49, %mul3A_50 : i32
      %add3A_52 = arith.constant 0 : i32
      %add3A_53 = arith.addi %add3A_52, %mul3A_51 : i32
      %add3A_54 = arith.constant 0 : i32
      %add3A_55 = arith.addi %add3A_53, %add3A_54 : i32
      %dma_start3A = arith.constant 0 : i32
      %dma_start3A_56 = arith.constant 0 : i32
      %dma_start3A_57 = arith.constant 0 : i32
      %dma_start3A_58 = tpu.memref_slice %arg8[%dma_start3A, %dma_start3A_56, %dma_start3A_57] : memref<4x64x128xf32, #tpu.memory_space<vmem>> -> memref<1x64x128xf32, #tpu.memory_space<vmem>>
      %dma_start3A_59 = tpu.memref_squeeze %dma_start3A_58 : memref<1x64x128xf32, #tpu.memory_space<vmem>> -> memref<64x128xf32, #tpu.memory_space<vmem>>
      %dma_start3A_60 = arith.constant 0 : i32
      %dma_start3A_61 = tpu.memref_slice %arg6[%add3A_55, %dma_start3A_60] : memref<32x64xi32, #tpu.memory_space<vmem>> -> memref<1x64xi32, #tpu.memory_space<vmem>>
      %dma_start3A_62 = tpu.memref_squeeze %dma_start3A_61 : memref<1x64xi32, #tpu.memory_space<vmem>> -> memref<64xi32, #tpu.memory_space<vmem>>
      %dma_start3A_63 = arith.constant 0 : i32
      %dma_start3A_64 = arith.constant 0 : i32
      %dma_start3A_65 = tpu.memref_slice %arg2[%dma_start3A_63, %dma_start3A_64] : memref<10240x128xf32, #tpu.memory_space<hbm>> -> memref<10240x128xf32, #tpu.memory_space<hbm>>
      tpu.enqueue_indirect_dma source(%dma_start3A_65 : memref<10240x128xf32, #tpu.memory_space<hbm>>) target(%dma_start3A_59 : memref<64x128xf32, #tpu.memory_space<vmem>>) offsets(%dma_start3A_62 : memref<64xi32, #tpu.memory_space<vmem>>) semaphore(%arg10 : memref<!tpu.dma_semaphore, #tpu.memory_space<semaphore_mem>>)
      %add3A_66 = arith.constant 1 : i32
      %add3A_67 = arith.addi %add3A_53, %add3A_66 : i32
      %dma_start3A_68 = arith.constant 1 : i32
      %dma_start3A_69 = arith.constant 0 : i32
      %dma_start3A_70 = arith.constant 0 : i32
      %dma_start3A_71 = tpu.memref_slice %arg8[%dma_start3A_68, %dma_start3A_69, %dma_start3A_70] : memref<4x64x128xf32, #tpu.memory_space<vmem>> -> memref<1x64x128xf32, #tpu.memory_space<vmem>>
      %dma_start3A_72 = tpu.memref_squeeze %dma_start3A_71 : memref<1x64x128xf32, #tpu.memory_space<vmem>> -> memref<64x128xf32, #tpu.memory_space<vmem>>
      %dma_start3A_73 = arith.constant 0 : i32
      %dma_start3A_74 = tpu.memref_slice %arg6[%add3A_67, %dma_start3A_73] : memref<32x64xi32, #tpu.memory_space<vmem>> -> memref<1x64xi32, #tpu.memory_space<vmem>>
      %dma_start3A_75 = tpu.memref_squeeze %dma_start3A_74 : memref<1x64xi32, #tpu.memory_space<vmem>> -> memref<64xi32, #tpu.memory_space<vmem>>
      %dma_start3A_76 = arith.constant 0 : i32
      %dma_start3A_77 = arith.constant 0 : i32
      %dma_start3A_78 = tpu.memref_slice %arg2[%dma_start3A_76, %dma_start3A_77] : memref<10240x128xf32, #tpu.memory_space<hbm>> -> memref<10240x128xf32, #tpu.memory_space<hbm>>
      tpu.enqueue_indirect_dma source(%dma_start3A_78 : memref<10240x128xf32, #tpu.memory_space<hbm>>) target(%dma_start3A_72 : memref<64x128xf32, #tpu.memory_space<vmem>>) offsets(%dma_start3A_75 : memref<64xi32, #tpu.memory_space<vmem>>) semaphore(%arg11 : memref<!tpu.dma_semaphore, #tpu.memory_space<semaphore_mem>>)
      %add3A_79 = arith.constant 2 : i32
      %add3A_80 = arith.addi %add3A_53, %add3A_79 : i32
      %dma_start3A_81 = arith.constant 2 : i32
      %dma_start3A_82 = arith.constant 0 : i32
      %dma_start3A_83 = arith.constant 0 : i32
      %dma_start3A_84 = tpu.memref_slice %arg8[%dma_start3A_81, %dma_start3A_82, %dma_start3A_83] : memref<4x64x128xf32, #tpu.memory_space<vmem>> -> memref<1x64x128xf32, #tpu.memory_space<vmem>>
      %dma_start3A_85 = tpu.memref_squeeze %dma_start3A_84 : memref<1x64x128xf32, #tpu.memory_space<vmem>> -> memref<64x128xf32, #tpu.memory_space<vmem>>
      %dma_start3A_86 = arith.constant 0 : i32
      %dma_start3A_87 = tpu.memref_slice %arg6[%add3A_80, %dma_start3A_86] : memref<32x64xi32, #tpu.memory_space<vmem>> -> memref<1x64xi32, #tpu.memory_space<vmem>>
      %dma_start3A_88 = tpu.memref_squeeze %dma_start3A_87 : memref<1x64xi32, #tpu.memory_space<vmem>> -> memref<64xi32, #tpu.memory_space<vmem>>
      %dma_start3A_89 = arith.constant 0 : i32
      %dma_start3A_90 = arith.constant 0 : i32
      %dma_start3A_91 = tpu.memref_slice %arg2[%dma_start3A_89, %dma_start3A_90] : memref<10240x128xf32, #tpu.memory_space<hbm>> -> memref<10240x128xf32, #tpu.memory_space<hbm>>
      tpu.enqueue_indirect_dma source(%dma_start3A_91 : memref<10240x128xf32, #tpu.memory_space<hbm>>) target(%dma_start3A_85 : memref<64x128xf32, #tpu.memory_space<vmem>>) offsets(%dma_start3A_88 : memref<64xi32, #tpu.memory_space<vmem>>) semaphore(%arg12 : memref<!tpu.dma_semaphore, #tpu.memory_space<semaphore_mem>>)
      %add3A_92 = arith.constant 3 : i32
      %add3A_93 = arith.addi %add3A_53, %add3A_92 : i32
      %dma_start3A_94 = arith.constant 3 : i32
      %dma_start3A_95 = arith.constant 0 : i32
      %dma_start3A_96 = arith.constant 0 : i32
      %dma_start3A_97 = tpu.memref_slice %arg8[%dma_start3A_94, %dma_start3A_95, %dma_start3A_96] : memref<4x64x128xf32, #tpu.memory_space<vmem>> -> memref<1x64x128xf32, #tpu.memory_space<vmem>>
      %dma_start3A_98 = tpu.memref_squeeze %dma_start3A_97 : memref<1x64x128xf32, #tpu.memory_space<vmem>> -> memref<64x128xf32, #tpu.memory_space<vmem>>
      %dma_start3A_99 = arith.constant 0 : i32
      %dma_start3A_100 = tpu.memref_slice %arg6[%add3A_93, %dma_start3A_99] : memref<32x64xi32, #tpu.memory_space<vmem>> -> memref<1x64xi32, #tpu.memory_space<vmem>>
      %dma_start3A_101 = tpu.memref_squeeze %dma_start3A_100 : memref<1x64xi32, #tpu.memory_space<vmem>> -> memref<64xi32, #tpu.memory_space<vmem>>
      %dma_start3A_102 = arith.constant 0 : i32
      %dma_start3A_103 = arith.constant 0 : i32
      %dma_start3A_104 = tpu.memref_slice %arg2[%dma_start3A_102, %dma_start3A_103] : memref<10240x128xf32, #tpu.memory_space<hbm>> -> memref<10240x128xf32, #tpu.memory_space<hbm>>
      tpu.enqueue_indirect_dma source(%dma_start3A_104 : memref<10240x128xf32, #tpu.memory_space<hbm>>) target(%dma_start3A_98 : memref<64x128xf32, #tpu.memory_space<vmem>>) offsets(%dma_start3A_101 : memref<64xi32, #tpu.memory_space<vmem>>) semaphore(%arg13 : memref<!tpu.dma_semaphore, #tpu.memory_space<semaphore_mem>>)
      %dma_wait3A = arith.constant 0 : i32
      %dma_wait3A_105 = arith.constant 0 : i32
      %dma_wait3A_106 = arith.constant 0 : i32
      %dma_wait3A_107 = tpu.memref_slice %arg8[%dma_wait3A, %dma_wait3A_105, %dma_wait3A_106] : memref<4x64x128xf32, #tpu.memory_space<vmem>> -> memref<1x64x128xf32, #tpu.memory_space<vmem>>
      %dma_wait3A_108 = tpu.memref_squeeze %dma_wait3A_107 : memref<1x64x128xf32, #tpu.memory_space<vmem>> -> memref<64x128xf32, #tpu.memory_space<vmem>>
      %dma_wait3A_109 = arith.constant 0 : i32
      %dma_wait3A_110 = tpu.memref_slice %arg6[%add3A_55, %dma_wait3A_109] : memref<32x64xi32, #tpu.memory_space<vmem>> -> memref<1x64xi32, #tpu.memory_space<vmem>>
      %dma_wait3A_111 = tpu.memref_squeeze %dma_wait3A_110 : memref<1x64xi32, #tpu.memory_space<vmem>> -> memref<64xi32, #tpu.memory_space<vmem>>
      %dma_wait3A_112 = arith.constant 0 : i32
      %dma_wait3A_113 = arith.constant 0 : i32
      %dma_wait3A_114 = tpu.memref_slice %arg2[%dma_wait3A_112, %dma_wait3A_113] : memref<10240x128xf32, #tpu.memory_space<hbm>> -> memref<10240x128xf32, #tpu.memory_space<hbm>>
      tpu.wait_indirect_dma semaphore(%arg10 : memref<!tpu.dma_semaphore, #tpu.memory_space<semaphore_mem>>) src(%dma_wait3A_114 : memref<10240x128xf32, #tpu.memory_space<hbm>>) dst(%dma_wait3A_108 : memref<64x128xf32, #tpu.memory_space<vmem>>)
      %add3A_115 = arith.constant 0 : i32
      %add3A_116 = arith.addi %add3A_53, %add3A_115 : i32
      %run_scoped3A_117 = arith.constant 0 : i32
      "tpu.region"() ({
        %run_scoped3A_160 = tpu.sem_alloc : memref<!tpu.dma_semaphore, #tpu.memory_space<semaphore_mem>>
        %dma_start3A_161 = arith.constant 0 : i32
        %dma_start3A_162 = arith.constant 0 : i32
        %dma_start3A_163 = tpu.memref_slice %arg8[%run_scoped3A_117, %dma_start3A_161, %dma_start3A_162] : memref<4x64x128xf32, #tpu.memory_space<vmem>> -> memref<1x64x128xf32, #tpu.memory_space<vmem>>
        %dma_start3A_164 = tpu.memref_squeeze %dma_start3A_163 : memref<1x64x128xf32, #tpu.memory_space<vmem>> -> memref<64x128xf32, #tpu.memory_space<vmem>>
        %dma_start3A_165 = arith.constant 0 : i32
        %dma_start3A_166 = tpu.memref_slice %arg7[%add3A_116, %dma_start3A_165] : memref<32x64xi32, #tpu.memory_space<vmem>> -> memref<1x64xi32, #tpu.memory_space<vmem>>
        %dma_start3A_167 = tpu.memref_squeeze %dma_start3A_166 : memref<1x64xi32, #tpu.memory_space<vmem>> -> memref<64xi32, #tpu.memory_space<vmem>>
        %dma_start3A_168 = arith.constant 0 : i32
        %dma_start3A_169 = arith.constant 0 : i32
        %dma_start3A_170 = tpu.memref_slice %arg9[%dma_start3A_168, %dma_start3A_169] : memref<10240x128xf32, #tpu.memory_space<vmem_shared>> -> memref<10240x128xf32, #tpu.memory_space<vmem_shared>>
        tpu.enqueue_indirect_dma source(%dma_start3A_164 : memref<64x128xf32, #tpu.memory_space<vmem>>) target(%dma_start3A_170 : memref<10240x128xf32, #tpu.memory_space<vmem_shared>>) offsets(%dma_start3A_167 : memref<64xi32, #tpu.memory_space<vmem>>) semaphore(%run_scoped3A_160 : memref<!tpu.dma_semaphore, #tpu.memory_space<semaphore_mem>>) {add = true}
        %dma_wait3A_171 = arith.constant 0 : i32
        %dma_wait3A_172 = arith.constant 0 : i32
        %dma_wait3A_173 = tpu.memref_slice %arg8[%run_scoped3A_117, %dma_wait3A_171, %dma_wait3A_172] : memref<4x64x128xf32, #tpu.memory_space<vmem>> -> memref<1x64x128xf32, #tpu.memory_space<vmem>>
        %dma_wait3A_174 = tpu.memref_squeeze %dma_wait3A_173 : memref<1x64x128xf32, #tpu.memory_space<vmem>> -> memref<64x128xf32, #tpu.memory_space<vmem>>
        %dma_wait3A_175 = arith.constant 0 : i32
        %dma_wait3A_176 = tpu.memref_slice %arg7[%add3A_116, %dma_wait3A_175] : memref<32x64xi32, #tpu.memory_space<vmem>> -> memref<1x64xi32, #tpu.memory_space<vmem>>
        %dma_wait3A_177 = tpu.memref_squeeze %dma_wait3A_176 : memref<1x64xi32, #tpu.memory_space<vmem>> -> memref<64xi32, #tpu.memory_space<vmem>>
        %dma_wait3A_178 = arith.constant 0 : i32
        %dma_wait3A_179 = arith.constant 0 : i32
        %dma_wait3A_180 = tpu.memref_slice %arg9[%dma_wait3A_178, %dma_wait3A_179] : memref<10240x128xf32, #tpu.memory_space<vmem_shared>> -> memref<10240x128xf32, #tpu.memory_space<vmem_shared>>
        tpu.wait_indirect_dma semaphore(%run_scoped3A_160 : memref<!tpu.dma_semaphore, #tpu.memory_space<semaphore_mem>>) src(%dma_wait3A_174 : memref<64x128xf32, #tpu.memory_space<vmem>>) dst(%dma_wait3A_180 : memref<10240x128xf32, #tpu.memory_space<vmem_shared>>)
        tpu.yield
      }) : () -> ()
      %dma_wait3A_118 = arith.constant 1 : i32
      %dma_wait3A_119 = arith.constant 0 : i32
      %dma_wait3A_120 = arith.constant 0 : i32
      %dma_wait3A_121 = tpu.memref_slice %arg8[%dma_wait3A_118, %dma_wait3A_119, %dma_wait3A_120] : memref<4x64x128xf32, #tpu.memory_space<vmem>> -> memref<1x64x128xf32, #tpu.memory_space<vmem>>
      %dma_wait3A_122 = tpu.memref_squeeze %dma_wait3A_121 : memref<1x64x128xf32, #tpu.memory_space<vmem>> -> memref<64x128xf32, #tpu.memory_space<vmem>>
      %dma_wait3A_123 = arith.constant 0 : i32
      %dma_wait3A_124 = tpu.memref_slice %arg6[%add3A_67, %dma_wait3A_123] : memref<32x64xi32, #tpu.memory_space<vmem>> -> memref<1x64xi32, #tpu.memory_space<vmem>>
      %dma_wait3A_125 = tpu.memref_squeeze %dma_wait3A_124 : memref<1x64xi32, #tpu.memory_space<vmem>> -> memref<64xi32, #tpu.memory_space<vmem>>
      %dma_wait3A_126 = arith.constant 0 : i32
      %dma_wait3A_127 = arith.constant 0 : i32
      %dma_wait3A_128 = tpu.memref_slice %arg2[%dma_wait3A_126, %dma_wait3A_127] : memref<10240x128xf32, #tpu.memory_space<hbm>> -> memref<10240x128xf32, #tpu.memory_space<hbm>>
      tpu.wait_indirect_dma semaphore(%arg11 : memref<!tpu.dma_semaphore, #tpu.memory_space<semaphore_mem>>) src(%dma_wait3A_128 : memref<10240x128xf32, #tpu.memory_space<hbm>>) dst(%dma_wait3A_122 : memref<64x128xf32, #tpu.memory_space<vmem>>)
      %add3A_129 = arith.constant 1 : i32
      %add3A_130 = arith.addi %add3A_53, %add3A_129 : i32
      %run_scoped3A_131 = arith.constant 1 : i32
      "tpu.region"() ({
        %run_scoped3A_160 = tpu.sem_alloc : memref<!tpu.dma_semaphore, #tpu.memory_space<semaphore_mem>>
        %dma_start3A_161 = arith.constant 0 : i32
        %dma_start3A_162 = arith.constant 0 : i32
        %dma_start3A_163 = tpu.memref_slice %arg8[%run_scoped3A_131, %dma_start3A_161, %dma_start3A_162] : memref<4x64x128xf32, #tpu.memory_space<vmem>> -> memref<1x64x128xf32, #tpu.memory_space<vmem>>
        %dma_start3A_164 = tpu.memref_squeeze %dma_start3A_163 : memref<1x64x128xf32, #tpu.memory_space<vmem>> -> memref<64x128xf32, #tpu.memory_space<vmem>>
        %dma_start3A_165 = arith.constant 0 : i32
        %dma_start3A_166 = tpu.memref_slice %arg7[%add3A_130, %dma_start3A_165] : memref<32x64xi32, #tpu.memory_space<vmem>> -> memref<1x64xi32, #tpu.memory_space<vmem>>
        %dma_start3A_167 = tpu.memref_squeeze %dma_start3A_166 : memref<1x64xi32, #tpu.memory_space<vmem>> -> memref<64xi32, #tpu.memory_space<vmem>>
        %dma_start3A_168 = arith.constant 0 : i32
        %dma_start3A_169 = arith.constant 0 : i32
        %dma_start3A_170 = tpu.memref_slice %arg9[%dma_start3A_168, %dma_start3A_169] : memref<10240x128xf32, #tpu.memory_space<vmem_shared>> -> memref<10240x128xf32, #tpu.memory_space<vmem_shared>>
        tpu.enqueue_indirect_dma source(%dma_start3A_164 : memref<64x128xf32, #tpu.memory_space<vmem>>) target(%dma_start3A_170 : memref<10240x128xf32, #tpu.memory_space<vmem_shared>>) offsets(%dma_start3A_167 : memref<64xi32, #tpu.memory_space<vmem>>) semaphore(%run_scoped3A_160 : memref<!tpu.dma_semaphore, #tpu.memory_space<semaphore_mem>>) {add = true}
        %dma_wait3A_171 = arith.constant 0 : i32
        %dma_wait3A_172 = arith.constant 0 : i32
        %dma_wait3A_173 = tpu.memref_slice %arg8[%run_scoped3A_131, %dma_wait3A_171, %dma_wait3A_172] : memref<4x64x128xf32, #tpu.memory_space<vmem>> -> memref<1x64x128xf32, #tpu.memory_space<vmem>>
        %dma_wait3A_174 = tpu.memref_squeeze %dma_wait3A_173 : memref<1x64x128xf32, #tpu.memory_space<vmem>> -> memref<64x128xf32, #tpu.memory_space<vmem>>
        %dma_wait3A_175 = arith.constant 0 : i32
        %dma_wait3A_176 = tpu.memref_slice %arg7[%add3A_130, %dma_wait3A_175] : memref<32x64xi32, #tpu.memory_space<vmem>> -> memref<1x64xi32, #tpu.memory_space<vmem>>
        %dma_wait3A_177 = tpu.memref_squeeze %dma_wait3A_176 : memref<1x64xi32, #tpu.memory_space<vmem>> -> memref<64xi32, #tpu.memory_space<vmem>>
        %dma_wait3A_178 = arith.constant 0 : i32
        %dma_wait3A_179 = arith.constant 0 : i32
        %dma_wait3A_180 = tpu.memref_slice %arg9[%dma_wait3A_178, %dma_wait3A_179] : memref<10240x128xf32, #tpu.memory_space<vmem_shared>> -> memref<10240x128xf32, #tpu.memory_space<vmem_shared>>
        tpu.wait_indirect_dma semaphore(%run_scoped3A_160 : memref<!tpu.dma_semaphore, #tpu.memory_space<semaphore_mem>>) src(%dma_wait3A_174 : memref<64x128xf32, #tpu.memory_space<vmem>>) dst(%dma_wait3A_180 : memref<10240x128xf32, #tpu.memory_space<vmem_shared>>)
        tpu.yield
      }) : () -> ()
      %dma_wait3A_132 = arith.constant 2 : i32
      %dma_wait3A_133 = arith.constant 0 : i32
      %dma_wait3A_134 = arith.constant 0 : i32
      %dma_wait3A_135 = tpu.memref_slice %arg8[%dma_wait3A_132, %dma_wait3A_133, %dma_wait3A_134] : memref<4x64x128xf32, #tpu.memory_space<vmem>> -> memref<1x64x128xf32, #tpu.memory_space<vmem>>
      %dma_wait3A_136 = tpu.memref_squeeze %dma_wait3A_135 : memref<1x64x128xf32, #tpu.memory_space<vmem>> -> memref<64x128xf32, #tpu.memory_space<vmem>>
      %dma_wait3A_137 = arith.constant 0 : i32
      %dma_wait3A_138 = tpu.memref_slice %arg6[%add3A_80, %dma_wait3A_137] : memref<32x64xi32, #tpu.memory_space<vmem>> -> memref<1x64xi32, #tpu.memory_space<vmem>>
      %dma_wait3A_139 = tpu.memref_squeeze %dma_wait3A_138 : memref<1x64xi32, #tpu.memory_space<vmem>> -> memref<64xi32, #tpu.memory_space<vmem>>
      %dma_wait3A_140 = arith.constant 0 : i32
      %dma_wait3A_141 = arith.constant 0 : i32
      %dma_wait3A_142 = tpu.memref_slice %arg2[%dma_wait3A_140, %dma_wait3A_141] : memref<10240x128xf32, #tpu.memory_space<hbm>> -> memref<10240x128xf32, #tpu.memory_space<hbm>>
      tpu.wait_indirect_dma semaphore(%arg12 : memref<!tpu.dma_semaphore, #tpu.memory_space<semaphore_mem>>) src(%dma_wait3A_142 : memref<10240x128xf32, #tpu.memory_space<hbm>>) dst(%dma_wait3A_136 : memref<64x128xf32, #tpu.memory_space<vmem>>)
      %add3A_143 = arith.constant 2 : i32
      %add3A_144 = arith.addi %add3A_53, %add3A_143 : i32
      %run_scoped3A_145 = arith.constant 2 : i32
      "tpu.region"() ({
        %run_scoped3A_160 = tpu.sem_alloc : memref<!tpu.dma_semaphore, #tpu.memory_space<semaphore_mem>>
        %dma_start3A_161 = arith.constant 0 : i32
        %dma_start3A_162 = arith.constant 0 : i32
        %dma_start3A_163 = tpu.memref_slice %arg8[%run_scoped3A_145, %dma_start3A_161, %dma_start3A_162] : memref<4x64x128xf32, #tpu.memory_space<vmem>> -> memref<1x64x128xf32, #tpu.memory_space<vmem>>
        %dma_start3A_164 = tpu.memref_squeeze %dma_start3A_163 : memref<1x64x128xf32, #tpu.memory_space<vmem>> -> memref<64x128xf32, #tpu.memory_space<vmem>>
        %dma_start3A_165 = arith.constant 0 : i32
        %dma_start3A_166 = tpu.memref_slice %arg7[%add3A_144, %dma_start3A_165] : memref<32x64xi32, #tpu.memory_space<vmem>> -> memref<1x64xi32, #tpu.memory_space<vmem>>
        %dma_start3A_167 = tpu.memref_squeeze %dma_start3A_166 : memref<1x64xi32, #tpu.memory_space<vmem>> -> memref<64xi32, #tpu.memory_space<vmem>>
        %dma_start3A_168 = arith.constant 0 : i32
        %dma_start3A_169 = arith.constant 0 : i32
        %dma_start3A_170 = tpu.memref_slice %arg9[%dma_start3A_168, %dma_start3A_169] : memref<10240x128xf32, #tpu.memory_space<vmem_shared>> -> memref<10240x128xf32, #tpu.memory_space<vmem_shared>>
        tpu.enqueue_indirect_dma source(%dma_start3A_164 : memref<64x128xf32, #tpu.memory_space<vmem>>) target(%dma_start3A_170 : memref<10240x128xf32, #tpu.memory_space<vmem_shared>>) offsets(%dma_start3A_167 : memref<64xi32, #tpu.memory_space<vmem>>) semaphore(%run_scoped3A_160 : memref<!tpu.dma_semaphore, #tpu.memory_space<semaphore_mem>>) {add = true}
        %dma_wait3A_171 = arith.constant 0 : i32
        %dma_wait3A_172 = arith.constant 0 : i32
        %dma_wait3A_173 = tpu.memref_slice %arg8[%run_scoped3A_145, %dma_wait3A_171, %dma_wait3A_172] : memref<4x64x128xf32, #tpu.memory_space<vmem>> -> memref<1x64x128xf32, #tpu.memory_space<vmem>>
        %dma_wait3A_174 = tpu.memref_squeeze %dma_wait3A_173 : memref<1x64x128xf32, #tpu.memory_space<vmem>> -> memref<64x128xf32, #tpu.memory_space<vmem>>
        %dma_wait3A_175 = arith.constant 0 : i32
        %dma_wait3A_176 = tpu.memref_slice %arg7[%add3A_144, %dma_wait3A_175] : memref<32x64xi32, #tpu.memory_space<vmem>> -> memref<1x64xi32, #tpu.memory_space<vmem>>
        %dma_wait3A_177 = tpu.memref_squeeze %dma_wait3A_176 : memref<1x64xi32, #tpu.memory_space<vmem>> -> memref<64xi32, #tpu.memory_space<vmem>>
        %dma_wait3A_178 = arith.constant 0 : i32
        %dma_wait3A_179 = arith.constant 0 : i32
        %dma_wait3A_180 = tpu.memref_slice %arg9[%dma_wait3A_178, %dma_wait3A_179] : memref<10240x128xf32, #tpu.memory_space<vmem_shared>> -> memref<10240x128xf32, #tpu.memory_space<vmem_shared>>
        tpu.wait_indirect_dma semaphore(%run_scoped3A_160 : memref<!tpu.dma_semaphore, #tpu.memory_space<semaphore_mem>>) src(%dma_wait3A_174 : memref<64x128xf32, #tpu.memory_space<vmem>>) dst(%dma_wait3A_180 : memref<10240x128xf32, #tpu.memory_space<vmem_shared>>)
        tpu.yield
      }) : () -> ()
      %dma_wait3A_146 = arith.constant 3 : i32
      %dma_wait3A_147 = arith.constant 0 : i32
      %dma_wait3A_148 = arith.constant 0 : i32
      %dma_wait3A_149 = tpu.memref_slice %arg8[%dma_wait3A_146, %dma_wait3A_147, %dma_wait3A_148] : memref<4x64x128xf32, #tpu.memory_space<vmem>> -> memref<1x64x128xf32, #tpu.memory_space<vmem>>
      %dma_wait3A_150 = tpu.memref_squeeze %dma_wait3A_149 : memref<1x64x128xf32, #tpu.memory_space<vmem>> -> memref<64x128xf32, #tpu.memory_space<vmem>>
      %dma_wait3A_151 = arith.constant 0 : i32
      %dma_wait3A_152 = tpu.memref_slice %arg6[%add3A_93, %dma_wait3A_151] : memref<32x64xi32, #tpu.memory_space<vmem>> -> memref<1x64xi32, #tpu.memory_space<vmem>>
      %dma_wait3A_153 = tpu.memref_squeeze %dma_wait3A_152 : memref<1x64xi32, #tpu.memory_space<vmem>> -> memref<64xi32, #tpu.memory_space<vmem>>
      %dma_wait3A_154 = arith.constant 0 : i32
      %dma_wait3A_155 = arith.constant 0 : i32
      %dma_wait3A_156 = tpu.memref_slice %arg2[%dma_wait3A_154, %dma_wait3A_155] : memref<10240x128xf32, #tpu.memory_space<hbm>> -> memref<10240x128xf32, #tpu.memory_space<hbm>>
      tpu.wait_indirect_dma semaphore(%arg13 : memref<!tpu.dma_semaphore, #tpu.memory_space<semaphore_mem>>) src(%dma_wait3A_156 : memref<10240x128xf32, #tpu.memory_space<hbm>>) dst(%dma_wait3A_150 : memref<64x128xf32, #tpu.memory_space<vmem>>)
      %add3A_157 = arith.constant 3 : i32
      %add3A_158 = arith.addi %add3A_53, %add3A_157 : i32
      %run_scoped3A_159 = arith.constant 3 : i32
      "tpu.region"() ({
        %run_scoped3A_160 = tpu.sem_alloc : memref<!tpu.dma_semaphore, #tpu.memory_space<semaphore_mem>>
        %dma_start3A_161 = arith.constant 0 : i32
        %dma_start3A_162 = arith.constant 0 : i32
        %dma_start3A_163 = tpu.memref_slice %arg8[%run_scoped3A_159, %dma_start3A_161, %dma_start3A_162] : memref<4x64x128xf32, #tpu.memory_space<vmem>> -> memref<1x64x128xf32, #tpu.memory_space<vmem>>
        %dma_start3A_164 = tpu.memref_squeeze %dma_start3A_163 : memref<1x64x128xf32, #tpu.memory_space<vmem>> -> memref<64x128xf32, #tpu.memory_space<vmem>>
        %dma_start3A_165 = arith.constant 0 : i32
        %dma_start3A_166 = tpu.memref_slice %arg7[%add3A_158, %dma_start3A_165] : memref<32x64xi32, #tpu.memory_space<vmem>> -> memref<1x64xi32, #tpu.memory_space<vmem>>
        %dma_start3A_167 = tpu.memref_squeeze %dma_start3A_166 : memref<1x64xi32, #tpu.memory_space<vmem>> -> memref<64xi32, #tpu.memory_space<vmem>>
        %dma_start3A_168 = arith.constant 0 : i32
        %dma_start3A_169 = arith.constant 0 : i32
        %dma_start3A_170 = tpu.memref_slice %arg9[%dma_start3A_168, %dma_start3A_169] : memref<10240x128xf32, #tpu.memory_space<vmem_shared>> -> memref<10240x128xf32, #tpu.memory_space<vmem_shared>>
        tpu.enqueue_indirect_dma source(%dma_start3A_164 : memref<64x128xf32, #tpu.memory_space<vmem>>) target(%dma_start3A_170 : memref<10240x128xf32, #tpu.memory_space<vmem_shared>>) offsets(%dma_start3A_167 : memref<64xi32, #tpu.memory_space<vmem>>) semaphore(%run_scoped3A_160 : memref<!tpu.dma_semaphore, #tpu.memory_space<semaphore_mem>>) {add = true}
        %dma_wait3A_171 = arith.constant 0 : i32
        %dma_wait3A_172 = arith.constant 0 : i32
        %dma_wait3A_173 = tpu.memref_slice %arg8[%run_scoped3A_159, %dma_wait3A_171, %dma_wait3A_172] : memref<4x64x128xf32, #tpu.memory_space<vmem>> -> memref<1x64x128xf32, #tpu.memory_space<vmem>>
        %dma_wait3A_174 = tpu.memref_squeeze %dma_wait3A_173 : memref<1x64x128xf32, #tpu.memory_space<vmem>> -> memref<64x128xf32, #tpu.memory_space<vmem>>
        %dma_wait3A_175 = arith.constant 0 : i32
        %dma_wait3A_176 = tpu.memref_slice %arg7[%add3A_158, %dma_wait3A_175] : memref<32x64xi32, #tpu.memory_space<vmem>> -> memref<1x64xi32, #tpu.memory_space<vmem>>
        %dma_wait3A_177 = tpu.memref_squeeze %dma_wait3A_176 : memref<1x64xi32, #tpu.memory_space<vmem>> -> memref<64xi32, #tpu.memory_space<vmem>>
        %dma_wait3A_178 = arith.constant 0 : i32
        %dma_wait3A_179 = arith.constant 0 : i32
        %dma_wait3A_180 = tpu.memref_slice %arg9[%dma_wait3A_178, %dma_wait3A_179] : memref<10240x128xf32, #tpu.memory_space<vmem_shared>> -> memref<10240x128xf32, #tpu.memory_space<vmem_shared>>
        tpu.wait_indirect_dma semaphore(%run_scoped3A_160 : memref<!tpu.dma_semaphore, #tpu.memory_space<semaphore_mem>>) src(%dma_wait3A_174 : memref<64x128xf32, #tpu.memory_space<vmem>>) dst(%dma_wait3A_180 : memref<10240x128xf32, #tpu.memory_space<vmem_shared>>)
        tpu.yield
      }) : () -> ()
    }
    %scan3A_22 = arith.constant 8 : i32
    %run_scoped3A_23 = arith.constant 2 : i32
    "tpu.region"() ({
      %run_scoped3A_49 = tpu.sem_alloc : memref<!tpu.dma_semaphore, #tpu.memory_space<semaphore_mem>>
      %dma_start3A = arith.constant 0 : i32
      %dma_start3A_50 = arith.constant 0 : i32
      %dma_start3A_51 = tpu.memref_slice %arg3[%add3A, %run_scoped3A_23, %dma_start3A, %dma_start3A_50] : memref<32x5x32x64xi32, #tpu.memory_space<hbm>> -> memref<1x1x32x64xi32, #tpu.memory_space<hbm>>
      %dma_start3A_52 = tpu.memref_squeeze %dma_start3A_51 : memref<1x1x32x64xi32, #tpu.memory_space<hbm>> -> memref<32x64xi32, #tpu.memory_space<hbm>>
      %dma_start3A_53 = arith.constant 0 : i32
      %dma_start3A_54 = arith.constant 0 : i32
      %dma_start3A_55 = tpu.memref_slice %arg3[%add3A, %run_scoped3A_23, %dma_start3A_53, %dma_start3A_54] : memref<32x5x32x64xi32, #tpu.memory_space<hbm>> -> memref<1x1x32x64xi32, #tpu.memory_space<hbm>>
      %dma_start3A_56 = tpu.memref_squeeze %dma_start3A_55 : memref<1x1x32x64xi32, #tpu.memory_space<hbm>> -> memref<32x64xi32, #tpu.memory_space<hbm>>
      tpu.enqueue_dma source(%dma_start3A_56 : memref<32x64xi32, #tpu.memory_space<hbm>>) target(%arg6 : memref<32x64xi32, #tpu.memory_space<vmem>>) target_semaphore(%run_scoped3A_49 : memref<!tpu.dma_semaphore, #tpu.memory_space<semaphore_mem>>)
      %dma_wait3A = arith.constant 0 : i32
      %dma_wait3A_57 = arith.constant 0 : i32
      %dma_wait3A_58 = tpu.memref_slice %arg3[%add3A, %run_scoped3A_23, %dma_wait3A, %dma_wait3A_57] : memref<32x5x32x64xi32, #tpu.memory_space<hbm>> -> memref<1x1x32x64xi32, #tpu.memory_space<hbm>>
      %dma_wait3A_59 = tpu.memref_squeeze %dma_wait3A_58 : memref<1x1x32x64xi32, #tpu.memory_space<hbm>> -> memref<32x64xi32, #tpu.memory_space<hbm>>
      %dma_wait3A_60 = arith.constant 0 : i32
      %dma_wait3A_61 = arith.constant 0 : i32
      %dma_wait3A_62 = tpu.memref_slice %arg3[%add3A, %run_scoped3A_23, %dma_wait3A_60, %dma_wait3A_61] : memref<32x5x32x64xi32, #tpu.memory_space<hbm>> -> memref<1x1x32x64xi32, #tpu.memory_space<hbm>>
      %dma_wait3A_63 = tpu.memref_squeeze %dma_wait3A_62 : memref<1x1x32x64xi32, #tpu.memory_space<hbm>> -> memref<32x64xi32, #tpu.memory_space<hbm>>
      tpu.wait_dma2 semaphore(%run_scoped3A_49 : memref<!tpu.dma_semaphore, #tpu.memory_space<semaphore_mem>>) src(%dma_wait3A_63 : memref<32x64xi32, #tpu.memory_space<hbm>>) dst(%arg6 : memref<32x64xi32, #tpu.memory_space<vmem>>)
      tpu.yield
    }) : () -> ()
    %run_scoped3A_24 = arith.constant 2 : i32
    "tpu.region"() ({
      %run_scoped3A_49 = tpu.sem_alloc : memref<!tpu.dma_semaphore, #tpu.memory_space<semaphore_mem>>
      %dma_start3A = arith.constant 0 : i32
      %dma_start3A_50 = arith.constant 0 : i32
      %dma_start3A_51 = tpu.memref_slice %arg4[%add3A, %run_scoped3A_24, %dma_start3A, %dma_start3A_50] : memref<32x5x32x64xi32, #tpu.memory_space<hbm>> -> memref<1x1x32x64xi32, #tpu.memory_space<hbm>>
      %dma_start3A_52 = tpu.memref_squeeze %dma_start3A_51 : memref<1x1x32x64xi32, #tpu.memory_space<hbm>> -> memref<32x64xi32, #tpu.memory_space<hbm>>
      %dma_start3A_53 = arith.constant 0 : i32
      %dma_start3A_54 = arith.constant 0 : i32
      %dma_start3A_55 = tpu.memref_slice %arg4[%add3A, %run_scoped3A_24, %dma_start3A_53, %dma_start3A_54] : memref<32x5x32x64xi32, #tpu.memory_space<hbm>> -> memref<1x1x32x64xi32, #tpu.memory_space<hbm>>
      %dma_start3A_56 = tpu.memref_squeeze %dma_start3A_55 : memref<1x1x32x64xi32, #tpu.memory_space<hbm>> -> memref<32x64xi32, #tpu.memory_space<hbm>>
      tpu.enqueue_dma source(%dma_start3A_56 : memref<32x64xi32, #tpu.memory_space<hbm>>) target(%arg7 : memref<32x64xi32, #tpu.memory_space<vmem>>) target_semaphore(%run_scoped3A_49 : memref<!tpu.dma_semaphore, #tpu.memory_space<semaphore_mem>>)
      %dma_wait3A = arith.constant 0 : i32
      %dma_wait3A_57 = arith.constant 0 : i32
      %dma_wait3A_58 = tpu.memref_slice %arg4[%add3A, %run_scoped3A_24, %dma_wait3A, %dma_wait3A_57] : memref<32x5x32x64xi32, #tpu.memory_space<hbm>> -> memref<1x1x32x64xi32, #tpu.memory_space<hbm>>
      %dma_wait3A_59 = tpu.memref_squeeze %dma_wait3A_58 : memref<1x1x32x64xi32, #tpu.memory_space<hbm>> -> memref<32x64xi32, #tpu.memory_space<hbm>>
      %dma_wait3A_60 = arith.constant 0 : i32
      %dma_wait3A_61 = arith.constant 0 : i32
      %dma_wait3A_62 = tpu.memref_slice %arg4[%add3A, %run_scoped3A_24, %dma_wait3A_60, %dma_wait3A_61] : memref<32x5x32x64xi32, #tpu.memory_space<hbm>> -> memref<1x1x32x64xi32, #tpu.memory_space<hbm>>
      %dma_wait3A_63 = tpu.memref_squeeze %dma_wait3A_62 : memref<1x1x32x64xi32, #tpu.memory_space<hbm>> -> memref<32x64xi32, #tpu.memory_space<hbm>>
      tpu.wait_dma2 semaphore(%run_scoped3A_49 : memref<!tpu.dma_semaphore, #tpu.memory_space<semaphore_mem>>) src(%dma_wait3A_63 : memref<32x64xi32, #tpu.memory_space<hbm>>) dst(%arg7 : memref<32x64xi32, #tpu.memory_space<vmem>>)
      tpu.yield
    }) : () -> ()
    %scan3A_25 = arith.constant 0 : i32
    %scan3A_26 = arith.constant 8 : i32
    %scan3A_27 = arith.addi %scan3A_25, %scan3A_26 : i32
    %scan3A_28 = arith.constant 1 : i32
    scf.for %scan3A_49 = %scan3A_25 to %scan3A_27 step %scan3A_28  : i32 {
      %mul3A_50 = arith.constant 4 : i32
      %mul3A_51 = arith.muli %scan3A_49, %mul3A_50 : i32
      %add3A_52 = arith.constant 0 : i32
      %add3A_53 = arith.addi %add3A_52, %mul3A_51 : i32
      %add3A_54 = arith.constant 0 : i32
      %add3A_55 = arith.addi %add3A_53, %add3A_54 : i32
      %dma_start3A = arith.constant 0 : i32
      %dma_start3A_56 = arith.constant 0 : i32
      %dma_start3A_57 = arith.constant 0 : i32
      %dma_start3A_58 = tpu.memref_slice %arg8[%dma_start3A, %dma_start3A_56, %dma_start3A_57] : memref<4x64x128xf32, #tpu.memory_space<vmem>> -> memref<1x64x128xf32, #tpu.memory_space<vmem>>
      %dma_start3A_59 = tpu.memref_squeeze %dma_start3A_58 : memref<1x64x128xf32, #tpu.memory_space<vmem>> -> memref<64x128xf32, #tpu.memory_space<vmem>>
      %dma_start3A_60 = arith.constant 0 : i32
      %dma_start3A_61 = tpu.memref_slice %arg6[%add3A_55, %dma_start3A_60] : memref<32x64xi32, #tpu.memory_space<vmem>> -> memref<1x64xi32, #tpu.memory_space<vmem>>
      %dma_start3A_62 = tpu.memref_squeeze %dma_start3A_61 : memref<1x64xi32, #tpu.memory_space<vmem>> -> memref<64xi32, #tpu.memory_space<vmem>>
      %dma_start3A_63 = arith.constant 0 : i32
      %dma_start3A_64 = arith.constant 0 : i32
      %dma_start3A_65 = tpu.memref_slice %arg2[%dma_start3A_63, %dma_start3A_64] : memref<10240x128xf32, #tpu.memory_space<hbm>> -> memref<10240x128xf32, #tpu.memory_space<hbm>>
      tpu.enqueue_indirect_dma source(%dma_start3A_65 : memref<10240x128xf32, #tpu.memory_space<hbm>>) target(%dma_start3A_59 : memref<64x128xf32, #tpu.memory_space<vmem>>) offsets(%dma_start3A_62 : memref<64xi32, #tpu.memory_space<vmem>>) semaphore(%arg10 : memref<!tpu.dma_semaphore, #tpu.memory_space<semaphore_mem>>)
      %add3A_66 = arith.constant 1 : i32
      %add3A_67 = arith.addi %add3A_53, %add3A_66 : i32
      %dma_start3A_68 = arith.constant 1 : i32
      %dma_start3A_69 = arith.constant 0 : i32
      %dma_start3A_70 = arith.constant 0 : i32
      %dma_start3A_71 = tpu.memref_slice %arg8[%dma_start3A_68, %dma_start3A_69, %dma_start3A_70] : memref<4x64x128xf32, #tpu.memory_space<vmem>> -> memref<1x64x128xf32, #tpu.memory_space<vmem>>
      %dma_start3A_72 = tpu.memref_squeeze %dma_start3A_71 : memref<1x64x128xf32, #tpu.memory_space<vmem>> -> memref<64x128xf32, #tpu.memory_space<vmem>>
      %dma_start3A_73 = arith.constant 0 : i32
      %dma_start3A_74 = tpu.memref_slice %arg6[%add3A_67, %dma_start3A_73] : memref<32x64xi32, #tpu.memory_space<vmem>> -> memref<1x64xi32, #tpu.memory_space<vmem>>
      %dma_start3A_75 = tpu.memref_squeeze %dma_start3A_74 : memref<1x64xi32, #tpu.memory_space<vmem>> -> memref<64xi32, #tpu.memory_space<vmem>>
      %dma_start3A_76 = arith.constant 0 : i32
      %dma_start3A_77 = arith.constant 0 : i32
      %dma_start3A_78 = tpu.memref_slice %arg2[%dma_start3A_76, %dma_start3A_77] : memref<10240x128xf32, #tpu.memory_space<hbm>> -> memref<10240x128xf32, #tpu.memory_space<hbm>>
      tpu.enqueue_indirect_dma source(%dma_start3A_78 : memref<10240x128xf32, #tpu.memory_space<hbm>>) target(%dma_start3A_72 : memref<64x128xf32, #tpu.memory_space<vmem>>) offsets(%dma_start3A_75 : memref<64xi32, #tpu.memory_space<vmem>>) semaphore(%arg11 : memref<!tpu.dma_semaphore, #tpu.memory_space<semaphore_mem>>)
      %add3A_79 = arith.constant 2 : i32
      %add3A_80 = arith.addi %add3A_53, %add3A_79 : i32
      %dma_start3A_81 = arith.constant 2 : i32
      %dma_start3A_82 = arith.constant 0 : i32
      %dma_start3A_83 = arith.constant 0 : i32
      %dma_start3A_84 = tpu.memref_slice %arg8[%dma_start3A_81, %dma_start3A_82, %dma_start3A_83] : memref<4x64x128xf32, #tpu.memory_space<vmem>> -> memref<1x64x128xf32, #tpu.memory_space<vmem>>
      %dma_start3A_85 = tpu.memref_squeeze %dma_start3A_84 : memref<1x64x128xf32, #tpu.memory_space<vmem>> -> memref<64x128xf32, #tpu.memory_space<vmem>>
      %dma_start3A_86 = arith.constant 0 : i32
      %dma_start3A_87 = tpu.memref_slice %arg6[%add3A_80, %dma_start3A_86] : memref<32x64xi32, #tpu.memory_space<vmem>> -> memref<1x64xi32, #tpu.memory_space<vmem>>
      %dma_start3A_88 = tpu.memref_squeeze %dma_start3A_87 : memref<1x64xi32, #tpu.memory_space<vmem>> -> memref<64xi32, #tpu.memory_space<vmem>>
      %dma_start3A_89 = arith.constant 0 : i32
      %dma_start3A_90 = arith.constant 0 : i32
      %dma_start3A_91 = tpu.memref_slice %arg2[%dma_start3A_89, %dma_start3A_90] : memref<10240x128xf32, #tpu.memory_space<hbm>> -> memref<10240x128xf32, #tpu.memory_space<hbm>>
      tpu.enqueue_indirect_dma source(%dma_start3A_91 : memref<10240x128xf32, #tpu.memory_space<hbm>>) target(%dma_start3A_85 : memref<64x128xf32, #tpu.memory_space<vmem>>) offsets(%dma_start3A_88 : memref<64xi32, #tpu.memory_space<vmem>>) semaphore(%arg12 : memref<!tpu.dma_semaphore, #tpu.memory_space<semaphore_mem>>)
      %add3A_92 = arith.constant 3 : i32
      %add3A_93 = arith.addi %add3A_53, %add3A_92 : i32
      %dma_start3A_94 = arith.constant 3 : i32
      %dma_start3A_95 = arith.constant 0 : i32
      %dma_start3A_96 = arith.constant 0 : i32
      %dma_start3A_97 = tpu.memref_slice %arg8[%dma_start3A_94, %dma_start3A_95, %dma_start3A_96] : memref<4x64x128xf32, #tpu.memory_space<vmem>> -> memref<1x64x128xf32, #tpu.memory_space<vmem>>
      %dma_start3A_98 = tpu.memref_squeeze %dma_start3A_97 : memref<1x64x128xf32, #tpu.memory_space<vmem>> -> memref<64x128xf32, #tpu.memory_space<vmem>>
      %dma_start3A_99 = arith.constant 0 : i32
      %dma_start3A_100 = tpu.memref_slice %arg6[%add3A_93, %dma_start3A_99] : memref<32x64xi32, #tpu.memory_space<vmem>> -> memref<1x64xi32, #tpu.memory_space<vmem>>
      %dma_start3A_101 = tpu.memref_squeeze %dma_start3A_100 : memref<1x64xi32, #tpu.memory_space<vmem>> -> memref<64xi32, #tpu.memory_space<vmem>>
      %dma_start3A_102 = arith.constant 0 : i32
      %dma_start3A_103 = arith.constant 0 : i32
      %dma_start3A_104 = tpu.memref_slice %arg2[%dma_start3A_102, %dma_start3A_103] : memref<10240x128xf32, #tpu.memory_space<hbm>> -> memref<10240x128xf32, #tpu.memory_space<hbm>>
      tpu.enqueue_indirect_dma source(%dma_start3A_104 : memref<10240x128xf32, #tpu.memory_space<hbm>>) target(%dma_start3A_98 : memref<64x128xf32, #tpu.memory_space<vmem>>) offsets(%dma_start3A_101 : memref<64xi32, #tpu.memory_space<vmem>>) semaphore(%arg13 : memref<!tpu.dma_semaphore, #tpu.memory_space<semaphore_mem>>)
      %dma_wait3A = arith.constant 0 : i32
      %dma_wait3A_105 = arith.constant 0 : i32
      %dma_wait3A_106 = arith.constant 0 : i32
      %dma_wait3A_107 = tpu.memref_slice %arg8[%dma_wait3A, %dma_wait3A_105, %dma_wait3A_106] : memref<4x64x128xf32, #tpu.memory_space<vmem>> -> memref<1x64x128xf32, #tpu.memory_space<vmem>>
      %dma_wait3A_108 = tpu.memref_squeeze %dma_wait3A_107 : memref<1x64x128xf32, #tpu.memory_space<vmem>> -> memref<64x128xf32, #tpu.memory_space<vmem>>
      %dma_wait3A_109 = arith.constant 0 : i32
      %dma_wait3A_110 = tpu.memref_slice %arg6[%add3A_55, %dma_wait3A_109] : memref<32x64xi32, #tpu.memory_space<vmem>> -> memref<1x64xi32, #tpu.memory_space<vmem>>
      %dma_wait3A_111 = tpu.memref_squeeze %dma_wait3A_110 : memref<1x64xi32, #tpu.memory_space<vmem>> -> memref<64xi32, #tpu.memory_space<vmem>>
      %dma_wait3A_112 = arith.constant 0 : i32
      %dma_wait3A_113 = arith.constant 0 : i32
      %dma_wait3A_114 = tpu.memref_slice %arg2[%dma_wait3A_112, %dma_wait3A_113] : memref<10240x128xf32, #tpu.memory_space<hbm>> -> memref<10240x128xf32, #tpu.memory_space<hbm>>
      tpu.wait_indirect_dma semaphore(%arg10 : memref<!tpu.dma_semaphore, #tpu.memory_space<semaphore_mem>>) src(%dma_wait3A_114 : memref<10240x128xf32, #tpu.memory_space<hbm>>) dst(%dma_wait3A_108 : memref<64x128xf32, #tpu.memory_space<vmem>>)
      %add3A_115 = arith.constant 0 : i32
      %add3A_116 = arith.addi %add3A_53, %add3A_115 : i32
      %run_scoped3A_117 = arith.constant 0 : i32
      "tpu.region"() ({
        %run_scoped3A_160 = tpu.sem_alloc : memref<!tpu.dma_semaphore, #tpu.memory_space<semaphore_mem>>
        %dma_start3A_161 = arith.constant 0 : i32
        %dma_start3A_162 = arith.constant 0 : i32
        %dma_start3A_163 = tpu.memref_slice %arg8[%run_scoped3A_117, %dma_start3A_161, %dma_start3A_162] : memref<4x64x128xf32, #tpu.memory_space<vmem>> -> memref<1x64x128xf32, #tpu.memory_space<vmem>>
        %dma_start3A_164 = tpu.memref_squeeze %dma_start3A_163 : memref<1x64x128xf32, #tpu.memory_space<vmem>> -> memref<64x128xf32, #tpu.memory_space<vmem>>
        %dma_start3A_165 = arith.constant 0 : i32
        %dma_start3A_166 = tpu.memref_slice %arg7[%add3A_116, %dma_start3A_165] : memref<32x64xi32, #tpu.memory_space<vmem>> -> memref<1x64xi32, #tpu.memory_space<vmem>>
        %dma_start3A_167 = tpu.memref_squeeze %dma_start3A_166 : memref<1x64xi32, #tpu.memory_space<vmem>> -> memref<64xi32, #tpu.memory_space<vmem>>
        %dma_start3A_168 = arith.constant 0 : i32
        %dma_start3A_169 = arith.constant 0 : i32
        %dma_start3A_170 = tpu.memref_slice %arg9[%dma_start3A_168, %dma_start3A_169] : memref<10240x128xf32, #tpu.memory_space<vmem_shared>> -> memref<10240x128xf32, #tpu.memory_space<vmem_shared>>
        tpu.enqueue_indirect_dma source(%dma_start3A_164 : memref<64x128xf32, #tpu.memory_space<vmem>>) target(%dma_start3A_170 : memref<10240x128xf32, #tpu.memory_space<vmem_shared>>) offsets(%dma_start3A_167 : memref<64xi32, #tpu.memory_space<vmem>>) semaphore(%run_scoped3A_160 : memref<!tpu.dma_semaphore, #tpu.memory_space<semaphore_mem>>) {add = true}
        %dma_wait3A_171 = arith.constant 0 : i32
        %dma_wait3A_172 = arith.constant 0 : i32
        %dma_wait3A_173 = tpu.memref_slice %arg8[%run_scoped3A_117, %dma_wait3A_171, %dma_wait3A_172] : memref<4x64x128xf32, #tpu.memory_space<vmem>> -> memref<1x64x128xf32, #tpu.memory_space<vmem>>
        %dma_wait3A_174 = tpu.memref_squeeze %dma_wait3A_173 : memref<1x64x128xf32, #tpu.memory_space<vmem>> -> memref<64x128xf32, #tpu.memory_space<vmem>>
        %dma_wait3A_175 = arith.constant 0 : i32
        %dma_wait3A_176 = tpu.memref_slice %arg7[%add3A_116, %dma_wait3A_175] : memref<32x64xi32, #tpu.memory_space<vmem>> -> memref<1x64xi32, #tpu.memory_space<vmem>>
        %dma_wait3A_177 = tpu.memref_squeeze %dma_wait3A_176 : memref<1x64xi32, #tpu.memory_space<vmem>> -> memref<64xi32, #tpu.memory_space<vmem>>
        %dma_wait3A_178 = arith.constant 0 : i32
        %dma_wait3A_179 = arith.constant 0 : i32
        %dma_wait3A_180 = tpu.memref_slice %arg9[%dma_wait3A_178, %dma_wait3A_179] : memref<10240x128xf32, #tpu.memory_space<vmem_shared>> -> memref<10240x128xf32, #tpu.memory_space<vmem_shared>>
        tpu.wait_indirect_dma semaphore(%run_scoped3A_160 : memref<!tpu.dma_semaphore, #tpu.memory_space<semaphore_mem>>) src(%dma_wait3A_174 : memref<64x128xf32, #tpu.memory_space<vmem>>) dst(%dma_wait3A_180 : memref<10240x128xf32, #tpu.memory_space<vmem_shared>>)
        tpu.yield
      }) : () -> ()
      %dma_wait3A_118 = arith.constant 1 : i32
      %dma_wait3A_119 = arith.constant 0 : i32
      %dma_wait3A_120 = arith.constant 0 : i32
      %dma_wait3A_121 = tpu.memref_slice %arg8[%dma_wait3A_118, %dma_wait3A_119, %dma_wait3A_120] : memref<4x64x128xf32, #tpu.memory_space<vmem>> -> memref<1x64x128xf32, #tpu.memory_space<vmem>>
      %dma_wait3A_122 = tpu.memref_squeeze %dma_wait3A_121 : memref<1x64x128xf32, #tpu.memory_space<vmem>> -> memref<64x128xf32, #tpu.memory_space<vmem>>
      %dma_wait3A_123 = arith.constant 0 : i32
      %dma_wait3A_124 = tpu.memref_slice %arg6[%add3A_67, %dma_wait3A_123] : memref<32x64xi32, #tpu.memory_space<vmem>> -> memref<1x64xi32, #tpu.memory_space<vmem>>
      %dma_wait3A_125 = tpu.memref_squeeze %dma_wait3A_124 : memref<1x64xi32, #tpu.memory_space<vmem>> -> memref<64xi32, #tpu.memory_space<vmem>>
      %dma_wait3A_126 = arith.constant 0 : i32
      %dma_wait3A_127 = arith.constant 0 : i32
      %dma_wait3A_128 = tpu.memref_slice %arg2[%dma_wait3A_126, %dma_wait3A_127] : memref<10240x128xf32, #tpu.memory_space<hbm>> -> memref<10240x128xf32, #tpu.memory_space<hbm>>
      tpu.wait_indirect_dma semaphore(%arg11 : memref<!tpu.dma_semaphore, #tpu.memory_space<semaphore_mem>>) src(%dma_wait3A_128 : memref<10240x128xf32, #tpu.memory_space<hbm>>) dst(%dma_wait3A_122 : memref<64x128xf32, #tpu.memory_space<vmem>>)
      %add3A_129 = arith.constant 1 : i32
      %add3A_130 = arith.addi %add3A_53, %add3A_129 : i32
      %run_scoped3A_131 = arith.constant 1 : i32
      "tpu.region"() ({
        %run_scoped3A_160 = tpu.sem_alloc : memref<!tpu.dma_semaphore, #tpu.memory_space<semaphore_mem>>
        %dma_start3A_161 = arith.constant 0 : i32
        %dma_start3A_162 = arith.constant 0 : i32
        %dma_start3A_163 = tpu.memref_slice %arg8[%run_scoped3A_131, %dma_start3A_161, %dma_start3A_162] : memref<4x64x128xf32, #tpu.memory_space<vmem>> -> memref<1x64x128xf32, #tpu.memory_space<vmem>>
        %dma_start3A_164 = tpu.memref_squeeze %dma_start3A_163 : memref<1x64x128xf32, #tpu.memory_space<vmem>> -> memref<64x128xf32, #tpu.memory_space<vmem>>
        %dma_start3A_165 = arith.constant 0 : i32
        %dma_start3A_166 = tpu.memref_slice %arg7[%add3A_130, %dma_start3A_165] : memref<32x64xi32, #tpu.memory_space<vmem>> -> memref<1x64xi32, #tpu.memory_space<vmem>>
        %dma_start3A_167 = tpu.memref_squeeze %dma_start3A_166 : memref<1x64xi32, #tpu.memory_space<vmem>> -> memref<64xi32, #tpu.memory_space<vmem>>
        %dma_start3A_168 = arith.constant 0 : i32
        %dma_start3A_169 = arith.constant 0 : i32
        %dma_start3A_170 = tpu.memref_slice %arg9[%dma_start3A_168, %dma_start3A_169] : memref<10240x128xf32, #tpu.memory_space<vmem_shared>> -> memref<10240x128xf32, #tpu.memory_space<vmem_shared>>
        tpu.enqueue_indirect_dma source(%dma_start3A_164 : memref<64x128xf32, #tpu.memory_space<vmem>>) target(%dma_start3A_170 : memref<10240x128xf32, #tpu.memory_space<vmem_shared>>) offsets(%dma_start3A_167 : memref<64xi32, #tpu.memory_space<vmem>>) semaphore(%run_scoped3A_160 : memref<!tpu.dma_semaphore, #tpu.memory_space<semaphore_mem>>) {add = true}
        %dma_wait3A_171 = arith.constant 0 : i32
        %dma_wait3A_172 = arith.constant 0 : i32
        %dma_wait3A_173 = tpu.memref_slice %arg8[%run_scoped3A_131, %dma_wait3A_171, %dma_wait3A_172] : memref<4x64x128xf32, #tpu.memory_space<vmem>> -> memref<1x64x128xf32, #tpu.memory_space<vmem>>
        %dma_wait3A_174 = tpu.memref_squeeze %dma_wait3A_173 : memref<1x64x128xf32, #tpu.memory_space<vmem>> -> memref<64x128xf32, #tpu.memory_space<vmem>>
        %dma_wait3A_175 = arith.constant 0 : i32
        %dma_wait3A_176 = tpu.memref_slice %arg7[%add3A_130, %dma_wait3A_175] : memref<32x64xi32, #tpu.memory_space<vmem>> -> memref<1x64xi32, #tpu.memory_space<vmem>>
        %dma_wait3A_177 = tpu.memref_squeeze %dma_wait3A_176 : memref<1x64xi32, #tpu.memory_space<vmem>> -> memref<64xi32, #tpu.memory_space<vmem>>
        %dma_wait3A_178 = arith.constant 0 : i32
        %dma_wait3A_179 = arith.constant 0 : i32
        %dma_wait3A_180 = tpu.memref_slice %arg9[%dma_wait3A_178, %dma_wait3A_179] : memref<10240x128xf32, #tpu.memory_space<vmem_shared>> -> memref<10240x128xf32, #tpu.memory_space<vmem_shared>>
        tpu.wait_indirect_dma semaphore(%run_scoped3A_160 : memref<!tpu.dma_semaphore, #tpu.memory_space<semaphore_mem>>) src(%dma_wait3A_174 : memref<64x128xf32, #tpu.memory_space<vmem>>) dst(%dma_wait3A_180 : memref<10240x128xf32, #tpu.memory_space<vmem_shared>>)
        tpu.yield
      }) : () -> ()
      %dma_wait3A_132 = arith.constant 2 : i32
      %dma_wait3A_133 = arith.constant 0 : i32
      %dma_wait3A_134 = arith.constant 0 : i32
      %dma_wait3A_135 = tpu.memref_slice %arg8[%dma_wait3A_132, %dma_wait3A_133, %dma_wait3A_134] : memref<4x64x128xf32, #tpu.memory_space<vmem>> -> memref<1x64x128xf32, #tpu.memory_space<vmem>>
      %dma_wait3A_136 = tpu.memref_squeeze %dma_wait3A_135 : memref<1x64x128xf32, #tpu.memory_space<vmem>> -> memref<64x128xf32, #tpu.memory_space<vmem>>
      %dma_wait3A_137 = arith.constant 0 : i32
      %dma_wait3A_138 = tpu.memref_slice %arg6[%add3A_80, %dma_wait3A_137] : memref<32x64xi32, #tpu.memory_space<vmem>> -> memref<1x64xi32, #tpu.memory_space<vmem>>
      %dma_wait3A_139 = tpu.memref_squeeze %dma_wait3A_138 : memref<1x64xi32, #tpu.memory_space<vmem>> -> memref<64xi32, #tpu.memory_space<vmem>>
      %dma_wait3A_140 = arith.constant 0 : i32
      %dma_wait3A_141 = arith.constant 0 : i32
      %dma_wait3A_142 = tpu.memref_slice %arg2[%dma_wait3A_140, %dma_wait3A_141] : memref<10240x128xf32, #tpu.memory_space<hbm>> -> memref<10240x128xf32, #tpu.memory_space<hbm>>
      tpu.wait_indirect_dma semaphore(%arg12 : memref<!tpu.dma_semaphore, #tpu.memory_space<semaphore_mem>>) src(%dma_wait3A_142 : memref<10240x128xf32, #tpu.memory_space<hbm>>) dst(%dma_wait3A_136 : memref<64x128xf32, #tpu.memory_space<vmem>>)
      %add3A_143 = arith.constant 2 : i32
      %add3A_144 = arith.addi %add3A_53, %add3A_143 : i32
      %run_scoped3A_145 = arith.constant 2 : i32
      "tpu.region"() ({
        %run_scoped3A_160 = tpu.sem_alloc : memref<!tpu.dma_semaphore, #tpu.memory_space<semaphore_mem>>
        %dma_start3A_161 = arith.constant 0 : i32
        %dma_start3A_162 = arith.constant 0 : i32
        %dma_start3A_163 = tpu.memref_slice %arg8[%run_scoped3A_145, %dma_start3A_161, %dma_start3A_162] : memref<4x64x128xf32, #tpu.memory_space<vmem>> -> memref<1x64x128xf32, #tpu.memory_space<vmem>>
        %dma_start3A_164 = tpu.memref_squeeze %dma_start3A_163 : memref<1x64x128xf32, #tpu.memory_space<vmem>> -> memref<64x128xf32, #tpu.memory_space<vmem>>
        %dma_start3A_165 = arith.constant 0 : i32
        %dma_start3A_166 = tpu.memref_slice %arg7[%add3A_144, %dma_start3A_165] : memref<32x64xi32, #tpu.memory_space<vmem>> -> memref<1x64xi32, #tpu.memory_space<vmem>>
        %dma_start3A_167 = tpu.memref_squeeze %dma_start3A_166 : memref<1x64xi32, #tpu.memory_space<vmem>> -> memref<64xi32, #tpu.memory_space<vmem>>
        %dma_start3A_168 = arith.constant 0 : i32
        %dma_start3A_169 = arith.constant 0 : i32
        %dma_start3A_170 = tpu.memref_slice %arg9[%dma_start3A_168, %dma_start3A_169] : memref<10240x128xf32, #tpu.memory_space<vmem_shared>> -> memref<10240x128xf32, #tpu.memory_space<vmem_shared>>
        tpu.enqueue_indirect_dma source(%dma_start3A_164 : memref<64x128xf32, #tpu.memory_space<vmem>>) target(%dma_start3A_170 : memref<10240x128xf32, #tpu.memory_space<vmem_shared>>) offsets(%dma_start3A_167 : memref<64xi32, #tpu.memory_space<vmem>>) semaphore(%run_scoped3A_160 : memref<!tpu.dma_semaphore, #tpu.memory_space<semaphore_mem>>) {add = true}
        %dma_wait3A_171 = arith.constant 0 : i32
        %dma_wait3A_172 = arith.constant 0 : i32
        %dma_wait3A_173 = tpu.memref_slice %arg8[%run_scoped3A_145, %dma_wait3A_171, %dma_wait3A_172] : memref<4x64x128xf32, #tpu.memory_space<vmem>> -> memref<1x64x128xf32, #tpu.memory_space<vmem>>
        %dma_wait3A_174 = tpu.memref_squeeze %dma_wait3A_173 : memref<1x64x128xf32, #tpu.memory_space<vmem>> -> memref<64x128xf32, #tpu.memory_space<vmem>>
        %dma_wait3A_175 = arith.constant 0 : i32
        %dma_wait3A_176 = tpu.memref_slice %arg7[%add3A_144, %dma_wait3A_175] : memref<32x64xi32, #tpu.memory_space<vmem>> -> memref<1x64xi32, #tpu.memory_space<vmem>>
        %dma_wait3A_177 = tpu.memref_squeeze %dma_wait3A_176 : memref<1x64xi32, #tpu.memory_space<vmem>> -> memref<64xi32, #tpu.memory_space<vmem>>
        %dma_wait3A_178 = arith.constant 0 : i32
        %dma_wait3A_179 = arith.constant 0 : i32
        %dma_wait3A_180 = tpu.memref_slice %arg9[%dma_wait3A_178, %dma_wait3A_179] : memref<10240x128xf32, #tpu.memory_space<vmem_shared>> -> memref<10240x128xf32, #tpu.memory_space<vmem_shared>>
        tpu.wait_indirect_dma semaphore(%run_scoped3A_160 : memref<!tpu.dma_semaphore, #tpu.memory_space<semaphore_mem>>) src(%dma_wait3A_174 : memref<64x128xf32, #tpu.memory_space<vmem>>) dst(%dma_wait3A_180 : memref<10240x128xf32, #tpu.memory_space<vmem_shared>>)
        tpu.yield
      }) : () -> ()
      %dma_wait3A_146 = arith.constant 3 : i32
      %dma_wait3A_147 = arith.constant 0 : i32
      %dma_wait3A_148 = arith.constant 0 : i32
      %dma_wait3A_149 = tpu.memref_slice %arg8[%dma_wait3A_146, %dma_wait3A_147, %dma_wait3A_148] : memref<4x64x128xf32, #tpu.memory_space<vmem>> -> memref<1x64x128xf32, #tpu.memory_space<vmem>>
      %dma_wait3A_150 = tpu.memref_squeeze %dma_wait3A_149 : memref<1x64x128xf32, #tpu.memory_space<vmem>> -> memref<64x128xf32, #tpu.memory_space<vmem>>
      %dma_wait3A_151 = arith.constant 0 : i32
      %dma_wait3A_152 = tpu.memref_slice %arg6[%add3A_93, %dma_wait3A_151] : memref<32x64xi32, #tpu.memory_space<vmem>> -> memref<1x64xi32, #tpu.memory_space<vmem>>
      %dma_wait3A_153 = tpu.memref_squeeze %dma_wait3A_152 : memref<1x64xi32, #tpu.memory_space<vmem>> -> memref<64xi32, #tpu.memory_space<vmem>>
      %dma_wait3A_154 = arith.constant 0 : i32
      %dma_wait3A_155 = arith.constant 0 : i32
      %dma_wait3A_156 = tpu.memref_slice %arg2[%dma_wait3A_154, %dma_wait3A_155] : memref<10240x128xf32, #tpu.memory_space<hbm>> -> memref<10240x128xf32, #tpu.memory_space<hbm>>
      tpu.wait_indirect_dma semaphore(%arg13 : memref<!tpu.dma_semaphore, #tpu.memory_space<semaphore_mem>>) src(%dma_wait3A_156 : memref<10240x128xf32, #tpu.memory_space<hbm>>) dst(%dma_wait3A_150 : memref<64x128xf32, #tpu.memory_space<vmem>>)
      %add3A_157 = arith.constant 3 : i32
      %add3A_158 = arith.addi %add3A_53, %add3A_157 : i32
      %run_scoped3A_159 = arith.constant 3 : i32
      "tpu.region"() ({
        %run_scoped3A_160 = tpu.sem_alloc : memref<!tpu.dma_semaphore, #tpu.memory_space<semaphore_mem>>
        %dma_start3A_161 = arith.constant 0 : i32
        %dma_start3A_162 = arith.constant 0 : i32
        %dma_start3A_163 = tpu.memref_slice %arg8[%run_scoped3A_159, %dma_start3A_161, %dma_start3A_162] : memref<4x64x128xf32, #tpu.memory_space<vmem>> -> memref<1x64x128xf32, #tpu.memory_space<vmem>>
        %dma_start3A_164 = tpu.memref_squeeze %dma_start3A_163 : memref<1x64x128xf32, #tpu.memory_space<vmem>> -> memref<64x128xf32, #tpu.memory_space<vmem>>
        %dma_start3A_165 = arith.constant 0 : i32
        %dma_start3A_166 = tpu.memref_slice %arg7[%add3A_158, %dma_start3A_165] : memref<32x64xi32, #tpu.memory_space<vmem>> -> memref<1x64xi32, #tpu.memory_space<vmem>>
        %dma_start3A_167 = tpu.memref_squeeze %dma_start3A_166 : memref<1x64xi32, #tpu.memory_space<vmem>> -> memref<64xi32, #tpu.memory_space<vmem>>
        %dma_start3A_168 = arith.constant 0 : i32
        %dma_start3A_169 = arith.constant 0 : i32
        %dma_start3A_170 = tpu.memref_slice %arg9[%dma_start3A_168, %dma_start3A_169] : memref<10240x128xf32, #tpu.memory_space<vmem_shared>> -> memref<10240x128xf32, #tpu.memory_space<vmem_shared>>
        tpu.enqueue_indirect_dma source(%dma_start3A_164 : memref<64x128xf32, #tpu.memory_space<vmem>>) target(%dma_start3A_170 : memref<10240x128xf32, #tpu.memory_space<vmem_shared>>) offsets(%dma_start3A_167 : memref<64xi32, #tpu.memory_space<vmem>>) semaphore(%run_scoped3A_160 : memref<!tpu.dma_semaphore, #tpu.memory_space<semaphore_mem>>) {add = true}
        %dma_wait3A_171 = arith.constant 0 : i32
        %dma_wait3A_172 = arith.constant 0 : i32
        %dma_wait3A_173 = tpu.memref_slice %arg8[%run_scoped3A_159, %dma_wait3A_171, %dma_wait3A_172] : memref<4x64x128xf32, #tpu.memory_space<vmem>> -> memref<1x64x128xf32, #tpu.memory_space<vmem>>
        %dma_wait3A_174 = tpu.memref_squeeze %dma_wait3A_173 : memref<1x64x128xf32, #tpu.memory_space<vmem>> -> memref<64x128xf32, #tpu.memory_space<vmem>>
        %dma_wait3A_175 = arith.constant 0 : i32
        %dma_wait3A_176 = tpu.memref_slice %arg7[%add3A_158, %dma_wait3A_175] : memref<32x64xi32, #tpu.memory_space<vmem>> -> memref<1x64xi32, #tpu.memory_space<vmem>>
        %dma_wait3A_177 = tpu.memref_squeeze %dma_wait3A_176 : memref<1x64xi32, #tpu.memory_space<vmem>> -> memref<64xi32, #tpu.memory_space<vmem>>
        %dma_wait3A_178 = arith.constant 0 : i32
        %dma_wait3A_179 = arith.constant 0 : i32
        %dma_wait3A_180 = tpu.memref_slice %arg9[%dma_wait3A_178, %dma_wait3A_179] : memref<10240x128xf32, #tpu.memory_space<vmem_shared>> -> memref<10240x128xf32, #tpu.memory_space<vmem_shared>>
        tpu.wait_indirect_dma semaphore(%run_scoped3A_160 : memref<!tpu.dma_semaphore, #tpu.memory_space<semaphore_mem>>) src(%dma_wait3A_174 : memref<64x128xf32, #tpu.memory_space<vmem>>) dst(%dma_wait3A_180 : memref<10240x128xf32, #tpu.memory_space<vmem_shared>>)
        tpu.yield
      }) : () -> ()
    }
    %scan3A_29 = arith.constant 8 : i32
    %run_scoped3A_30 = arith.constant 3 : i32
    "tpu.region"() ({
      %run_scoped3A_49 = tpu.sem_alloc : memref<!tpu.dma_semaphore, #tpu.memory_space<semaphore_mem>>
      %dma_start3A = arith.constant 0 : i32
      %dma_start3A_50 = arith.constant 0 : i32
      %dma_start3A_51 = tpu.memref_slice %arg3[%add3A, %run_scoped3A_30, %dma_start3A, %dma_start3A_50] : memref<32x5x32x64xi32, #tpu.memory_space<hbm>> -> memref<1x1x32x64xi32, #tpu.memory_space<hbm>>
      %dma_start3A_52 = tpu.memref_squeeze %dma_start3A_51 : memref<1x1x32x64xi32, #tpu.memory_space<hbm>> -> memref<32x64xi32, #tpu.memory_space<hbm>>
      %dma_start3A_53 = arith.constant 0 : i32
      %dma_start3A_54 = arith.constant 0 : i32
      %dma_start3A_55 = tpu.memref_slice %arg3[%add3A, %run_scoped3A_30, %dma_start3A_53, %dma_start3A_54] : memref<32x5x32x64xi32, #tpu.memory_space<hbm>> -> memref<1x1x32x64xi32, #tpu.memory_space<hbm>>
      %dma_start3A_56 = tpu.memref_squeeze %dma_start3A_55 : memref<1x1x32x64xi32, #tpu.memory_space<hbm>> -> memref<32x64xi32, #tpu.memory_space<hbm>>
      tpu.enqueue_dma source(%dma_start3A_56 : memref<32x64xi32, #tpu.memory_space<hbm>>) target(%arg6 : memref<32x64xi32, #tpu.memory_space<vmem>>) target_semaphore(%run_scoped3A_49 : memref<!tpu.dma_semaphore, #tpu.memory_space<semaphore_mem>>)
      %dma_wait3A = arith.constant 0 : i32
      %dma_wait3A_57 = arith.constant 0 : i32
      %dma_wait3A_58 = tpu.memref_slice %arg3[%add3A, %run_scoped3A_30, %dma_wait3A, %dma_wait3A_57] : memref<32x5x32x64xi32, #tpu.memory_space<hbm>> -> memref<1x1x32x64xi32, #tpu.memory_space<hbm>>
      %dma_wait3A_59 = tpu.memref_squeeze %dma_wait3A_58 : memref<1x1x32x64xi32, #tpu.memory_space<hbm>> -> memref<32x64xi32, #tpu.memory_space<hbm>>
      %dma_wait3A_60 = arith.constant 0 : i32
      %dma_wait3A_61 = arith.constant 0 : i32
      %dma_wait3A_62 = tpu.memref_slice %arg3[%add3A, %run_scoped3A_30, %dma_wait3A_60, %dma_wait3A_61] : memref<32x5x32x64xi32, #tpu.memory_space<hbm>> -> memref<1x1x32x64xi32, #tpu.memory_space<hbm>>
      %dma_wait3A_63 = tpu.memref_squeeze %dma_wait3A_62 : memref<1x1x32x64xi32, #tpu.memory_space<hbm>> -> memref<32x64xi32, #tpu.memory_space<hbm>>
      tpu.wait_dma2 semaphore(%run_scoped3A_49 : memref<!tpu.dma_semaphore, #tpu.memory_space<semaphore_mem>>) src(%dma_wait3A_63 : memref<32x64xi32, #tpu.memory_space<hbm>>) dst(%arg6 : memref<32x64xi32, #tpu.memory_space<vmem>>)
      tpu.yield
    }) : () -> ()
    %run_scoped3A_31 = arith.constant 3 : i32
    "tpu.region"() ({
      %run_scoped3A_49 = tpu.sem_alloc : memref<!tpu.dma_semaphore, #tpu.memory_space<semaphore_mem>>
      %dma_start3A = arith.constant 0 : i32
      %dma_start3A_50 = arith.constant 0 : i32
      %dma_start3A_51 = tpu.memref_slice %arg4[%add3A, %run_scoped3A_31, %dma_start3A, %dma_start3A_50] : memref<32x5x32x64xi32, #tpu.memory_space<hbm>> -> memref<1x1x32x64xi32, #tpu.memory_space<hbm>>
      %dma_start3A_52 = tpu.memref_squeeze %dma_start3A_51 : memref<1x1x32x64xi32, #tpu.memory_space<hbm>> -> memref<32x64xi32, #tpu.memory_space<hbm>>
      %dma_start3A_53 = arith.constant 0 : i32
      %dma_start3A_54 = arith.constant 0 : i32
      %dma_start3A_55 = tpu.memref_slice %arg4[%add3A, %run_scoped3A_31, %dma_start3A_53, %dma_start3A_54] : memref<32x5x32x64xi32, #tpu.memory_space<hbm>> -> memref<1x1x32x64xi32, #tpu.memory_space<hbm>>
      %dma_start3A_56 = tpu.memref_squeeze %dma_start3A_55 : memref<1x1x32x64xi32, #tpu.memory_space<hbm>> -> memref<32x64xi32, #tpu.memory_space<hbm>>
      tpu.enqueue_dma source(%dma_start3A_56 : memref<32x64xi32, #tpu.memory_space<hbm>>) target(%arg7 : memref<32x64xi32, #tpu.memory_space<vmem>>) target_semaphore(%run_scoped3A_49 : memref<!tpu.dma_semaphore, #tpu.memory_space<semaphore_mem>>)
      %dma_wait3A = arith.constant 0 : i32
      %dma_wait3A_57 = arith.constant 0 : i32
      %dma_wait3A_58 = tpu.memref_slice %arg4[%add3A, %run_scoped3A_31, %dma_wait3A, %dma_wait3A_57] : memref<32x5x32x64xi32, #tpu.memory_space<hbm>> -> memref<1x1x32x64xi32, #tpu.memory_space<hbm>>
      %dma_wait3A_59 = tpu.memref_squeeze %dma_wait3A_58 : memref<1x1x32x64xi32, #tpu.memory_space<hbm>> -> memref<32x64xi32, #tpu.memory_space<hbm>>
      %dma_wait3A_60 = arith.constant 0 : i32
      %dma_wait3A_61 = arith.constant 0 : i32
      %dma_wait3A_62 = tpu.memref_slice %arg4[%add3A, %run_scoped3A_31, %dma_wait3A_60, %dma_wait3A_61] : memref<32x5x32x64xi32, #tpu.memory_space<hbm>> -> memref<1x1x32x64xi32, #tpu.memory_space<hbm>>
      %dma_wait3A_63 = tpu.memref_squeeze %dma_wait3A_62 : memref<1x1x32x64xi32, #tpu.memory_space<hbm>> -> memref<32x64xi32, #tpu.memory_space<hbm>>
      tpu.wait_dma2 semaphore(%run_scoped3A_49 : memref<!tpu.dma_semaphore, #tpu.memory_space<semaphore_mem>>) src(%dma_wait3A_63 : memref<32x64xi32, #tpu.memory_space<hbm>>) dst(%arg7 : memref<32x64xi32, #tpu.memory_space<vmem>>)
      tpu.yield
    }) : () -> ()
    %scan3A_32 = arith.constant 0 : i32
    %scan3A_33 = arith.constant 8 : i32
    %scan3A_34 = arith.addi %scan3A_32, %scan3A_33 : i32
    %scan3A_35 = arith.constant 1 : i32
    scf.for %scan3A_49 = %scan3A_32 to %scan3A_34 step %scan3A_35  : i32 {
      %mul3A_50 = arith.constant 4 : i32
      %mul3A_51 = arith.muli %scan3A_49, %mul3A_50 : i32
      %add3A_52 = arith.constant 0 : i32
      %add3A_53 = arith.addi %add3A_52, %mul3A_51 : i32
      %add3A_54 = arith.constant 0 : i32
      %add3A_55 = arith.addi %add3A_53, %add3A_54 : i32
      %dma_start3A = arith.constant 0 : i32
      %dma_start3A_56 = arith.constant 0 : i32
      %dma_start3A_57 = arith.constant 0 : i32
      %dma_start3A_58 = tpu.memref_slice %arg8[%dma_start3A, %dma_start3A_56, %dma_start3A_57] : memref<4x64x128xf32, #tpu.memory_space<vmem>> -> memref<1x64x128xf32, #tpu.memory_space<vmem>>
      %dma_start3A_59 = tpu.memref_squeeze %dma_start3A_58 : memref<1x64x128xf32, #tpu.memory_space<vmem>> -> memref<64x128xf32, #tpu.memory_space<vmem>>
      %dma_start3A_60 = arith.constant 0 : i32
      %dma_start3A_61 = tpu.memref_slice %arg6[%add3A_55, %dma_start3A_60] : memref<32x64xi32, #tpu.memory_space<vmem>> -> memref<1x64xi32, #tpu.memory_space<vmem>>
      %dma_start3A_62 = tpu.memref_squeeze %dma_start3A_61 : memref<1x64xi32, #tpu.memory_space<vmem>> -> memref<64xi32, #tpu.memory_space<vmem>>
      %dma_start3A_63 = arith.constant 0 : i32
      %dma_start3A_64 = arith.constant 0 : i32
      %dma_start3A_65 = tpu.memref_slice %arg2[%dma_start3A_63, %dma_start3A_64] : memref<10240x128xf32, #tpu.memory_space<hbm>> -> memref<10240x128xf32, #tpu.memory_space<hbm>>
      tpu.enqueue_indirect_dma source(%dma_start3A_65 : memref<10240x128xf32, #tpu.memory_space<hbm>>) target(%dma_start3A_59 : memref<64x128xf32, #tpu.memory_space<vmem>>) offsets(%dma_start3A_62 : memref<64xi32, #tpu.memory_space<vmem>>) semaphore(%arg10 : memref<!tpu.dma_semaphore, #tpu.memory_space<semaphore_mem>>)
      %add3A_66 = arith.constant 1 : i32
      %add3A_67 = arith.addi %add3A_53, %add3A_66 : i32
      %dma_start3A_68 = arith.constant 1 : i32
      %dma_start3A_69 = arith.constant 0 : i32
      %dma_start3A_70 = arith.constant 0 : i32
      %dma_start3A_71 = tpu.memref_slice %arg8[%dma_start3A_68, %dma_start3A_69, %dma_start3A_70] : memref<4x64x128xf32, #tpu.memory_space<vmem>> -> memref<1x64x128xf32, #tpu.memory_space<vmem>>
      %dma_start3A_72 = tpu.memref_squeeze %dma_start3A_71 : memref<1x64x128xf32, #tpu.memory_space<vmem>> -> memref<64x128xf32, #tpu.memory_space<vmem>>
      %dma_start3A_73 = arith.constant 0 : i32
      %dma_start3A_74 = tpu.memref_slice %arg6[%add3A_67, %dma_start3A_73] : memref<32x64xi32, #tpu.memory_space<vmem>> -> memref<1x64xi32, #tpu.memory_space<vmem>>
      %dma_start3A_75 = tpu.memref_squeeze %dma_start3A_74 : memref<1x64xi32, #tpu.memory_space<vmem>> -> memref<64xi32, #tpu.memory_space<vmem>>
      %dma_start3A_76 = arith.constant 0 : i32
      %dma_start3A_77 = arith.constant 0 : i32
      %dma_start3A_78 = tpu.memref_slice %arg2[%dma_start3A_76, %dma_start3A_77] : memref<10240x128xf32, #tpu.memory_space<hbm>> -> memref<10240x128xf32, #tpu.memory_space<hbm>>
      tpu.enqueue_indirect_dma source(%dma_start3A_78 : memref<10240x128xf32, #tpu.memory_space<hbm>>) target(%dma_start3A_72 : memref<64x128xf32, #tpu.memory_space<vmem>>) offsets(%dma_start3A_75 : memref<64xi32, #tpu.memory_space<vmem>>) semaphore(%arg11 : memref<!tpu.dma_semaphore, #tpu.memory_space<semaphore_mem>>)
      %add3A_79 = arith.constant 2 : i32
      %add3A_80 = arith.addi %add3A_53, %add3A_79 : i32
      %dma_start3A_81 = arith.constant 2 : i32
      %dma_start3A_82 = arith.constant 0 : i32
      %dma_start3A_83 = arith.constant 0 : i32
      %dma_start3A_84 = tpu.memref_slice %arg8[%dma_start3A_81, %dma_start3A_82, %dma_start3A_83] : memref<4x64x128xf32, #tpu.memory_space<vmem>> -> memref<1x64x128xf32, #tpu.memory_space<vmem>>
      %dma_start3A_85 = tpu.memref_squeeze %dma_start3A_84 : memref<1x64x128xf32, #tpu.memory_space<vmem>> -> memref<64x128xf32, #tpu.memory_space<vmem>>
      %dma_start3A_86 = arith.constant 0 : i32
      %dma_start3A_87 = tpu.memref_slice %arg6[%add3A_80, %dma_start3A_86] : memref<32x64xi32, #tpu.memory_space<vmem>> -> memref<1x64xi32, #tpu.memory_space<vmem>>
      %dma_start3A_88 = tpu.memref_squeeze %dma_start3A_87 : memref<1x64xi32, #tpu.memory_space<vmem>> -> memref<64xi32, #tpu.memory_space<vmem>>
      %dma_start3A_89 = arith.constant 0 : i32
      %dma_start3A_90 = arith.constant 0 : i32
      %dma_start3A_91 = tpu.memref_slice %arg2[%dma_start3A_89, %dma_start3A_90] : memref<10240x128xf32, #tpu.memory_space<hbm>> -> memref<10240x128xf32, #tpu.memory_space<hbm>>
      tpu.enqueue_indirect_dma source(%dma_start3A_91 : memref<10240x128xf32, #tpu.memory_space<hbm>>) target(%dma_start3A_85 : memref<64x128xf32, #tpu.memory_space<vmem>>) offsets(%dma_start3A_88 : memref<64xi32, #tpu.memory_space<vmem>>) semaphore(%arg12 : memref<!tpu.dma_semaphore, #tpu.memory_space<semaphore_mem>>)
      %add3A_92 = arith.constant 3 : i32
      %add3A_93 = arith.addi %add3A_53, %add3A_92 : i32
      %dma_start3A_94 = arith.constant 3 : i32
      %dma_start3A_95 = arith.constant 0 : i32
      %dma_start3A_96 = arith.constant 0 : i32
      %dma_start3A_97 = tpu.memref_slice %arg8[%dma_start3A_94, %dma_start3A_95, %dma_start3A_96] : memref<4x64x128xf32, #tpu.memory_space<vmem>> -> memref<1x64x128xf32, #tpu.memory_space<vmem>>
      %dma_start3A_98 = tpu.memref_squeeze %dma_start3A_97 : memref<1x64x128xf32, #tpu.memory_space<vmem>> -> memref<64x128xf32, #tpu.memory_space<vmem>>
      %dma_start3A_99 = arith.constant 0 : i32
      %dma_start3A_100 = tpu.memref_slice %arg6[%add3A_93, %dma_start3A_99] : memref<32x64xi32, #tpu.memory_space<vmem>> -> memref<1x64xi32, #tpu.memory_space<vmem>>
      %dma_start3A_101 = tpu.memref_squeeze %dma_start3A_100 : memref<1x64xi32, #tpu.memory_space<vmem>> -> memref<64xi32, #tpu.memory_space<vmem>>
      %dma_start3A_102 = arith.constant 0 : i32
      %dma_start3A_103 = arith.constant 0 : i32
      %dma_start3A_104 = tpu.memref_slice %arg2[%dma_start3A_102, %dma_start3A_103] : memref<10240x128xf32, #tpu.memory_space<hbm>> -> memref<10240x128xf32, #tpu.memory_space<hbm>>
      tpu.enqueue_indirect_dma source(%dma_start3A_104 : memref<10240x128xf32, #tpu.memory_space<hbm>>) target(%dma_start3A_98 : memref<64x128xf32, #tpu.memory_space<vmem>>) offsets(%dma_start3A_101 : memref<64xi32, #tpu.memory_space<vmem>>) semaphore(%arg13 : memref<!tpu.dma_semaphore, #tpu.memory_space<semaphore_mem>>)
      %dma_wait3A = arith.constant 0 : i32
      %dma_wait3A_105 = arith.constant 0 : i32
      %dma_wait3A_106 = arith.constant 0 : i32
      %dma_wait3A_107 = tpu.memref_slice %arg8[%dma_wait3A, %dma_wait3A_105, %dma_wait3A_106] : memref<4x64x128xf32, #tpu.memory_space<vmem>> -> memref<1x64x128xf32, #tpu.memory_space<vmem>>
      %dma_wait3A_108 = tpu.memref_squeeze %dma_wait3A_107 : memref<1x64x128xf32, #tpu.memory_space<vmem>> -> memref<64x128xf32, #tpu.memory_space<vmem>>
      %dma_wait3A_109 = arith.constant 0 : i32
      %dma_wait3A_110 = tpu.memref_slice %arg6[%add3A_55, %dma_wait3A_109] : memref<32x64xi32, #tpu.memory_space<vmem>> -> memref<1x64xi32, #tpu.memory_space<vmem>>
      %dma_wait3A_111 = tpu.memref_squeeze %dma_wait3A_110 : memref<1x64xi32, #tpu.memory_space<vmem>> -> memref<64xi32, #tpu.memory_space<vmem>>
      %dma_wait3A_112 = arith.constant 0 : i32
      %dma_wait3A_113 = arith.constant 0 : i32
      %dma_wait3A_114 = tpu.memref_slice %arg2[%dma_wait3A_112, %dma_wait3A_113] : memref<10240x128xf32, #tpu.memory_space<hbm>> -> memref<10240x128xf32, #tpu.memory_space<hbm>>
      tpu.wait_indirect_dma semaphore(%arg10 : memref<!tpu.dma_semaphore, #tpu.memory_space<semaphore_mem>>) src(%dma_wait3A_114 : memref<10240x128xf32, #tpu.memory_space<hbm>>) dst(%dma_wait3A_108 : memref<64x128xf32, #tpu.memory_space<vmem>>)
      %add3A_115 = arith.constant 0 : i32
      %add3A_116 = arith.addi %add3A_53, %add3A_115 : i32
      %run_scoped3A_117 = arith.constant 0 : i32
      "tpu.region"() ({
        %run_scoped3A_160 = tpu.sem_alloc : memref<!tpu.dma_semaphore, #tpu.memory_space<semaphore_mem>>
        %dma_start3A_161 = arith.constant 0 : i32
        %dma_start3A_162 = arith.constant 0 : i32
        %dma_start3A_163 = tpu.memref_slice %arg8[%run_scoped3A_117, %dma_start3A_161, %dma_start3A_162] : memref<4x64x128xf32, #tpu.memory_space<vmem>> -> memref<1x64x128xf32, #tpu.memory_space<vmem>>
        %dma_start3A_164 = tpu.memref_squeeze %dma_start3A_163 : memref<1x64x128xf32, #tpu.memory_space<vmem>> -> memref<64x128xf32, #tpu.memory_space<vmem>>
        %dma_start3A_165 = arith.constant 0 : i32
        %dma_start3A_166 = tpu.memref_slice %arg7[%add3A_116, %dma_start3A_165] : memref<32x64xi32, #tpu.memory_space<vmem>> -> memref<1x64xi32, #tpu.memory_space<vmem>>
        %dma_start3A_167 = tpu.memref_squeeze %dma_start3A_166 : memref<1x64xi32, #tpu.memory_space<vmem>> -> memref<64xi32, #tpu.memory_space<vmem>>
        %dma_start3A_168 = arith.constant 0 : i32
        %dma_start3A_169 = arith.constant 0 : i32
        %dma_start3A_170 = tpu.memref_slice %arg9[%dma_start3A_168, %dma_start3A_169] : memref<10240x128xf32, #tpu.memory_space<vmem_shared>> -> memref<10240x128xf32, #tpu.memory_space<vmem_shared>>
        tpu.enqueue_indirect_dma source(%dma_start3A_164 : memref<64x128xf32, #tpu.memory_space<vmem>>) target(%dma_start3A_170 : memref<10240x128xf32, #tpu.memory_space<vmem_shared>>) offsets(%dma_start3A_167 : memref<64xi32, #tpu.memory_space<vmem>>) semaphore(%run_scoped3A_160 : memref<!tpu.dma_semaphore, #tpu.memory_space<semaphore_mem>>) {add = true}
        %dma_wait3A_171 = arith.constant 0 : i32
        %dma_wait3A_172 = arith.constant 0 : i32
        %dma_wait3A_173 = tpu.memref_slice %arg8[%run_scoped3A_117, %dma_wait3A_171, %dma_wait3A_172] : memref<4x64x128xf32, #tpu.memory_space<vmem>> -> memref<1x64x128xf32, #tpu.memory_space<vmem>>
        %dma_wait3A_174 = tpu.memref_squeeze %dma_wait3A_173 : memref<1x64x128xf32, #tpu.memory_space<vmem>> -> memref<64x128xf32, #tpu.memory_space<vmem>>
        %dma_wait3A_175 = arith.constant 0 : i32
        %dma_wait3A_176 = tpu.memref_slice %arg7[%add3A_116, %dma_wait3A_175] : memref<32x64xi32, #tpu.memory_space<vmem>> -> memref<1x64xi32, #tpu.memory_space<vmem>>
        %dma_wait3A_177 = tpu.memref_squeeze %dma_wait3A_176 : memref<1x64xi32, #tpu.memory_space<vmem>> -> memref<64xi32, #tpu.memory_space<vmem>>
        %dma_wait3A_178 = arith.constant 0 : i32
        %dma_wait3A_179 = arith.constant 0 : i32
        %dma_wait3A_180 = tpu.memref_slice %arg9[%dma_wait3A_178, %dma_wait3A_179] : memref<10240x128xf32, #tpu.memory_space<vmem_shared>> -> memref<10240x128xf32, #tpu.memory_space<vmem_shared>>
        tpu.wait_indirect_dma semaphore(%run_scoped3A_160 : memref<!tpu.dma_semaphore, #tpu.memory_space<semaphore_mem>>) src(%dma_wait3A_174 : memref<64x128xf32, #tpu.memory_space<vmem>>) dst(%dma_wait3A_180 : memref<10240x128xf32, #tpu.memory_space<vmem_shared>>)
        tpu.yield
      }) : () -> ()
      %dma_wait3A_118 = arith.constant 1 : i32
      %dma_wait3A_119 = arith.constant 0 : i32
      %dma_wait3A_120 = arith.constant 0 : i32
      %dma_wait3A_121 = tpu.memref_slice %arg8[%dma_wait3A_118, %dma_wait3A_119, %dma_wait3A_120] : memref<4x64x128xf32, #tpu.memory_space<vmem>> -> memref<1x64x128xf32, #tpu.memory_space<vmem>>
      %dma_wait3A_122 = tpu.memref_squeeze %dma_wait3A_121 : memref<1x64x128xf32, #tpu.memory_space<vmem>> -> memref<64x128xf32, #tpu.memory_space<vmem>>
      %dma_wait3A_123 = arith.constant 0 : i32
      %dma_wait3A_124 = tpu.memref_slice %arg6[%add3A_67, %dma_wait3A_123] : memref<32x64xi32, #tpu.memory_space<vmem>> -> memref<1x64xi32, #tpu.memory_space<vmem>>
      %dma_wait3A_125 = tpu.memref_squeeze %dma_wait3A_124 : memref<1x64xi32, #tpu.memory_space<vmem>> -> memref<64xi32, #tpu.memory_space<vmem>>
      %dma_wait3A_126 = arith.constant 0 : i32
      %dma_wait3A_127 = arith.constant 0 : i32
      %dma_wait3A_128 = tpu.memref_slice %arg2[%dma_wait3A_126, %dma_wait3A_127] : memref<10240x128xf32, #tpu.memory_space<hbm>> -> memref<10240x128xf32, #tpu.memory_space<hbm>>
      tpu.wait_indirect_dma semaphore(%arg11 : memref<!tpu.dma_semaphore, #tpu.memory_space<semaphore_mem>>) src(%dma_wait3A_128 : memref<10240x128xf32, #tpu.memory_space<hbm>>) dst(%dma_wait3A_122 : memref<64x128xf32, #tpu.memory_space<vmem>>)
      %add3A_129 = arith.constant 1 : i32
      %add3A_130 = arith.addi %add3A_53, %add3A_129 : i32
      %run_scoped3A_131 = arith.constant 1 : i32
      "tpu.region"() ({
        %run_scoped3A_160 = tpu.sem_alloc : memref<!tpu.dma_semaphore, #tpu.memory_space<semaphore_mem>>
        %dma_start3A_161 = arith.constant 0 : i32
        %dma_start3A_162 = arith.constant 0 : i32
        %dma_start3A_163 = tpu.memref_slice %arg8[%run_scoped3A_131, %dma_start3A_161, %dma_start3A_162] : memref<4x64x128xf32, #tpu.memory_space<vmem>> -> memref<1x64x128xf32, #tpu.memory_space<vmem>>
        %dma_start3A_164 = tpu.memref_squeeze %dma_start3A_163 : memref<1x64x128xf32, #tpu.memory_space<vmem>> -> memref<64x128xf32, #tpu.memory_space<vmem>>
        %dma_start3A_165 = arith.constant 0 : i32
        %dma_start3A_166 = tpu.memref_slice %arg7[%add3A_130, %dma_start3A_165] : memref<32x64xi32, #tpu.memory_space<vmem>> -> memref<1x64xi32, #tpu.memory_space<vmem>>
        %dma_start3A_167 = tpu.memref_squeeze %dma_start3A_166 : memref<1x64xi32, #tpu.memory_space<vmem>> -> memref<64xi32, #tpu.memory_space<vmem>>
        %dma_start3A_168 = arith.constant 0 : i32
        %dma_start3A_169 = arith.constant 0 : i32
        %dma_start3A_170 = tpu.memref_slice %arg9[%dma_start3A_168, %dma_start3A_169] : memref<10240x128xf32, #tpu.memory_space<vmem_shared>> -> memref<10240x128xf32, #tpu.memory_space<vmem_shared>>
        tpu.enqueue_indirect_dma source(%dma_start3A_164 : memref<64x128xf32, #tpu.memory_space<vmem>>) target(%dma_start3A_170 : memref<10240x128xf32, #tpu.memory_space<vmem_shared>>) offsets(%dma_start3A_167 : memref<64xi32, #tpu.memory_space<vmem>>) semaphore(%run_scoped3A_160 : memref<!tpu.dma_semaphore, #tpu.memory_space<semaphore_mem>>) {add = true}
        %dma_wait3A_171 = arith.constant 0 : i32
        %dma_wait3A_172 = arith.constant 0 : i32
        %dma_wait3A_173 = tpu.memref_slice %arg8[%run_scoped3A_131, %dma_wait3A_171, %dma_wait3A_172] : memref<4x64x128xf32, #tpu.memory_space<vmem>> -> memref<1x64x128xf32, #tpu.memory_space<vmem>>
        %dma_wait3A_174 = tpu.memref_squeeze %dma_wait3A_173 : memref<1x64x128xf32, #tpu.memory_space<vmem>> -> memref<64x128xf32, #tpu.memory_space<vmem>>
        %dma_wait3A_175 = arith.constant 0 : i32
        %dma_wait3A_176 = tpu.memref_slice %arg7[%add3A_130, %dma_wait3A_175] : memref<32x64xi32, #tpu.memory_space<vmem>> -> memref<1x64xi32, #tpu.memory_space<vmem>>
        %dma_wait3A_177 = tpu.memref_squeeze %dma_wait3A_176 : memref<1x64xi32, #tpu.memory_space<vmem>> -> memref<64xi32, #tpu.memory_space<vmem>>
        %dma_wait3A_178 = arith.constant 0 : i32
        %dma_wait3A_179 = arith.constant 0 : i32
        %dma_wait3A_180 = tpu.memref_slice %arg9[%dma_wait3A_178, %dma_wait3A_179] : memref<10240x128xf32, #tpu.memory_space<vmem_shared>> -> memref<10240x128xf32, #tpu.memory_space<vmem_shared>>
        tpu.wait_indirect_dma semaphore(%run_scoped3A_160 : memref<!tpu.dma_semaphore, #tpu.memory_space<semaphore_mem>>) src(%dma_wait3A_174 : memref<64x128xf32, #tpu.memory_space<vmem>>) dst(%dma_wait3A_180 : memref<10240x128xf32, #tpu.memory_space<vmem_shared>>)
        tpu.yield
      }) : () -> ()
      %dma_wait3A_132 = arith.constant 2 : i32
      %dma_wait3A_133 = arith.constant 0 : i32
      %dma_wait3A_134 = arith.constant 0 : i32
      %dma_wait3A_135 = tpu.memref_slice %arg8[%dma_wait3A_132, %dma_wait3A_133, %dma_wait3A_134] : memref<4x64x128xf32, #tpu.memory_space<vmem>> -> memref<1x64x128xf32, #tpu.memory_space<vmem>>
      %dma_wait3A_136 = tpu.memref_squeeze %dma_wait3A_135 : memref<1x64x128xf32, #tpu.memory_space<vmem>> -> memref<64x128xf32, #tpu.memory_space<vmem>>
      %dma_wait3A_137 = arith.constant 0 : i32
      %dma_wait3A_138 = tpu.memref_slice %arg6[%add3A_80, %dma_wait3A_137] : memref<32x64xi32, #tpu.memory_space<vmem>> -> memref<1x64xi32, #tpu.memory_space<vmem>>
      %dma_wait3A_139 = tpu.memref_squeeze %dma_wait3A_138 : memref<1x64xi32, #tpu.memory_space<vmem>> -> memref<64xi32, #tpu.memory_space<vmem>>
      %dma_wait3A_140 = arith.constant 0 : i32
      %dma_wait3A_141 = arith.constant 0 : i32
      %dma_wait3A_142 = tpu.memref_slice %arg2[%dma_wait3A_140, %dma_wait3A_141] : memref<10240x128xf32, #tpu.memory_space<hbm>> -> memref<10240x128xf32, #tpu.memory_space<hbm>>
      tpu.wait_indirect_dma semaphore(%arg12 : memref<!tpu.dma_semaphore, #tpu.memory_space<semaphore_mem>>) src(%dma_wait3A_142 : memref<10240x128xf32, #tpu.memory_space<hbm>>) dst(%dma_wait3A_136 : memref<64x128xf32, #tpu.memory_space<vmem>>)
      %add3A_143 = arith.constant 2 : i32
      %add3A_144 = arith.addi %add3A_53, %add3A_143 : i32
      %run_scoped3A_145 = arith.constant 2 : i32
      "tpu.region"() ({
        %run_scoped3A_160 = tpu.sem_alloc : memref<!tpu.dma_semaphore, #tpu.memory_space<semaphore_mem>>
        %dma_start3A_161 = arith.constant 0 : i32
        %dma_start3A_162 = arith.constant 0 : i32
        %dma_start3A_163 = tpu.memref_slice %arg8[%run_scoped3A_145, %dma_start3A_161, %dma_start3A_162] : memref<4x64x128xf32, #tpu.memory_space<vmem>> -> memref<1x64x128xf32, #tpu.memory_space<vmem>>
        %dma_start3A_164 = tpu.memref_squeeze %dma_start3A_163 : memref<1x64x128xf32, #tpu.memory_space<vmem>> -> memref<64x128xf32, #tpu.memory_space<vmem>>
        %dma_start3A_165 = arith.constant 0 : i32
        %dma_start3A_166 = tpu.memref_slice %arg7[%add3A_144, %dma_start3A_165] : memref<32x64xi32, #tpu.memory_space<vmem>> -> memref<1x64xi32, #tpu.memory_space<vmem>>
        %dma_start3A_167 = tpu.memref_squeeze %dma_start3A_166 : memref<1x64xi32, #tpu.memory_space<vmem>> -> memref<64xi32, #tpu.memory_space<vmem>>
        %dma_start3A_168 = arith.constant 0 : i32
        %dma_start3A_169 = arith.constant 0 : i32
        %dma_start3A_170 = tpu.memref_slice %arg9[%dma_start3A_168, %dma_start3A_169] : memref<10240x128xf32, #tpu.memory_space<vmem_shared>> -> memref<10240x128xf32, #tpu.memory_space<vmem_shared>>
        tpu.enqueue_indirect_dma source(%dma_start3A_164 : memref<64x128xf32, #tpu.memory_space<vmem>>) target(%dma_start3A_170 : memref<10240x128xf32, #tpu.memory_space<vmem_shared>>) offsets(%dma_start3A_167 : memref<64xi32, #tpu.memory_space<vmem>>) semaphore(%run_scoped3A_160 : memref<!tpu.dma_semaphore, #tpu.memory_space<semaphore_mem>>) {add = true}
        %dma_wait3A_171 = arith.constant 0 : i32
        %dma_wait3A_172 = arith.constant 0 : i32
        %dma_wait3A_173 = tpu.memref_slice %arg8[%run_scoped3A_145, %dma_wait3A_171, %dma_wait3A_172] : memref<4x64x128xf32, #tpu.memory_space<vmem>> -> memref<1x64x128xf32, #tpu.memory_space<vmem>>
        %dma_wait3A_174 = tpu.memref_squeeze %dma_wait3A_173 : memref<1x64x128xf32, #tpu.memory_space<vmem>> -> memref<64x128xf32, #tpu.memory_space<vmem>>
        %dma_wait3A_175 = arith.constant 0 : i32
        %dma_wait3A_176 = tpu.memref_slice %arg7[%add3A_144, %dma_wait3A_175] : memref<32x64xi32, #tpu.memory_space<vmem>> -> memref<1x64xi32, #tpu.memory_space<vmem>>
        %dma_wait3A_177 = tpu.memref_squeeze %dma_wait3A_176 : memref<1x64xi32, #tpu.memory_space<vmem>> -> memref<64xi32, #tpu.memory_space<vmem>>
        %dma_wait3A_178 = arith.constant 0 : i32
        %dma_wait3A_179 = arith.constant 0 : i32
        %dma_wait3A_180 = tpu.memref_slice %arg9[%dma_wait3A_178, %dma_wait3A_179] : memref<10240x128xf32, #tpu.memory_space<vmem_shared>> -> memref<10240x128xf32, #tpu.memory_space<vmem_shared>>
        tpu.wait_indirect_dma semaphore(%run_scoped3A_160 : memref<!tpu.dma_semaphore, #tpu.memory_space<semaphore_mem>>) src(%dma_wait3A_174 : memref<64x128xf32, #tpu.memory_space<vmem>>) dst(%dma_wait3A_180 : memref<10240x128xf32, #tpu.memory_space<vmem_shared>>)
        tpu.yield
      }) : () -> ()
      %dma_wait3A_146 = arith.constant 3 : i32
      %dma_wait3A_147 = arith.constant 0 : i32
      %dma_wait3A_148 = arith.constant 0 : i32
      %dma_wait3A_149 = tpu.memref_slice %arg8[%dma_wait3A_146, %dma_wait3A_147, %dma_wait3A_148] : memref<4x64x128xf32, #tpu.memory_space<vmem>> -> memref<1x64x128xf32, #tpu.memory_space<vmem>>
      %dma_wait3A_150 = tpu.memref_squeeze %dma_wait3A_149 : memref<1x64x128xf32, #tpu.memory_space<vmem>> -> memref<64x128xf32, #tpu.memory_space<vmem>>
      %dma_wait3A_151 = arith.constant 0 : i32
      %dma_wait3A_152 = tpu.memref_slice %arg6[%add3A_93, %dma_wait3A_151] : memref<32x64xi32, #tpu.memory_space<vmem>> -> memref<1x64xi32, #tpu.memory_space<vmem>>
      %dma_wait3A_153 = tpu.memref_squeeze %dma_wait3A_152 : memref<1x64xi32, #tpu.memory_space<vmem>> -> memref<64xi32, #tpu.memory_space<vmem>>
      %dma_wait3A_154 = arith.constant 0 : i32
      %dma_wait3A_155 = arith.constant 0 : i32
      %dma_wait3A_156 = tpu.memref_slice %arg2[%dma_wait3A_154, %dma_wait3A_155] : memref<10240x128xf32, #tpu.memory_space<hbm>> -> memref<10240x128xf32, #tpu.memory_space<hbm>>
      tpu.wait_indirect_dma semaphore(%arg13 : memref<!tpu.dma_semaphore, #tpu.memory_space<semaphore_mem>>) src(%dma_wait3A_156 : memref<10240x128xf32, #tpu.memory_space<hbm>>) dst(%dma_wait3A_150 : memref<64x128xf32, #tpu.memory_space<vmem>>)
      %add3A_157 = arith.constant 3 : i32
      %add3A_158 = arith.addi %add3A_53, %add3A_157 : i32
      %run_scoped3A_159 = arith.constant 3 : i32
      "tpu.region"() ({
        %run_scoped3A_160 = tpu.sem_alloc : memref<!tpu.dma_semaphore, #tpu.memory_space<semaphore_mem>>
        %dma_start3A_161 = arith.constant 0 : i32
        %dma_start3A_162 = arith.constant 0 : i32
        %dma_start3A_163 = tpu.memref_slice %arg8[%run_scoped3A_159, %dma_start3A_161, %dma_start3A_162] : memref<4x64x128xf32, #tpu.memory_space<vmem>> -> memref<1x64x128xf32, #tpu.memory_space<vmem>>
        %dma_start3A_164 = tpu.memref_squeeze %dma_start3A_163 : memref<1x64x128xf32, #tpu.memory_space<vmem>> -> memref<64x128xf32, #tpu.memory_space<vmem>>
        %dma_start3A_165 = arith.constant 0 : i32
        %dma_start3A_166 = tpu.memref_slice %arg7[%add3A_158, %dma_start3A_165] : memref<32x64xi32, #tpu.memory_space<vmem>> -> memref<1x64xi32, #tpu.memory_space<vmem>>
        %dma_start3A_167 = tpu.memref_squeeze %dma_start3A_166 : memref<1x64xi32, #tpu.memory_space<vmem>> -> memref<64xi32, #tpu.memory_space<vmem>>
        %dma_start3A_168 = arith.constant 0 : i32
        %dma_start3A_169 = arith.constant 0 : i32
        %dma_start3A_170 = tpu.memref_slice %arg9[%dma_start3A_168, %dma_start3A_169] : memref<10240x128xf32, #tpu.memory_space<vmem_shared>> -> memref<10240x128xf32, #tpu.memory_space<vmem_shared>>
        tpu.enqueue_indirect_dma source(%dma_start3A_164 : memref<64x128xf32, #tpu.memory_space<vmem>>) target(%dma_start3A_170 : memref<10240x128xf32, #tpu.memory_space<vmem_shared>>) offsets(%dma_start3A_167 : memref<64xi32, #tpu.memory_space<vmem>>) semaphore(%run_scoped3A_160 : memref<!tpu.dma_semaphore, #tpu.memory_space<semaphore_mem>>) {add = true}
        %dma_wait3A_171 = arith.constant 0 : i32
        %dma_wait3A_172 = arith.constant 0 : i32
        %dma_wait3A_173 = tpu.memref_slice %arg8[%run_scoped3A_159, %dma_wait3A_171, %dma_wait3A_172] : memref<4x64x128xf32, #tpu.memory_space<vmem>> -> memref<1x64x128xf32, #tpu.memory_space<vmem>>
        %dma_wait3A_174 = tpu.memref_squeeze %dma_wait3A_173 : memref<1x64x128xf32, #tpu.memory_space<vmem>> -> memref<64x128xf32, #tpu.memory_space<vmem>>
        %dma_wait3A_175 = arith.constant 0 : i32
        %dma_wait3A_176 = tpu.memref_slice %arg7[%add3A_158, %dma_wait3A_175] : memref<32x64xi32, #tpu.memory_space<vmem>> -> memref<1x64xi32, #tpu.memory_space<vmem>>
        %dma_wait3A_177 = tpu.memref_squeeze %dma_wait3A_176 : memref<1x64xi32, #tpu.memory_space<vmem>> -> memref<64xi32, #tpu.memory_space<vmem>>
        %dma_wait3A_178 = arith.constant 0 : i32
        %dma_wait3A_179 = arith.constant 0 : i32
        %dma_wait3A_180 = tpu.memref_slice %arg9[%dma_wait3A_178, %dma_wait3A_179] : memref<10240x128xf32, #tpu.memory_space<vmem_shared>> -> memref<10240x128xf32, #tpu.memory_space<vmem_shared>>
        tpu.wait_indirect_dma semaphore(%run_scoped3A_160 : memref<!tpu.dma_semaphore, #tpu.memory_space<semaphore_mem>>) src(%dma_wait3A_174 : memref<64x128xf32, #tpu.memory_space<vmem>>) dst(%dma_wait3A_180 : memref<10240x128xf32, #tpu.memory_space<vmem_shared>>)
        tpu.yield
      }) : () -> ()
    }
    %scan3A_36 = arith.constant 8 : i32
    %run_scoped3A_37 = arith.constant 4 : i32
    "tpu.region"() ({
      %run_scoped3A_49 = tpu.sem_alloc : memref<!tpu.dma_semaphore, #tpu.memory_space<semaphore_mem>>
      %dma_start3A = arith.constant 0 : i32
      %dma_start3A_50 = arith.constant 0 : i32
      %dma_start3A_51 = tpu.memref_slice %arg3[%add3A, %run_scoped3A_37, %dma_start3A, %dma_start3A_50] : memref<32x5x32x64xi32, #tpu.memory_space<hbm>> -> memref<1x1x32x64xi32, #tpu.memory_space<hbm>>
      %dma_start3A_52 = tpu.memref_squeeze %dma_start3A_51 : memref<1x1x32x64xi32, #tpu.memory_space<hbm>> -> memref<32x64xi32, #tpu.memory_space<hbm>>
      %dma_start3A_53 = arith.constant 0 : i32
      %dma_start3A_54 = arith.constant 0 : i32
      %dma_start3A_55 = tpu.memref_slice %arg3[%add3A, %run_scoped3A_37, %dma_start3A_53, %dma_start3A_54] : memref<32x5x32x64xi32, #tpu.memory_space<hbm>> -> memref<1x1x32x64xi32, #tpu.memory_space<hbm>>
      %dma_start3A_56 = tpu.memref_squeeze %dma_start3A_55 : memref<1x1x32x64xi32, #tpu.memory_space<hbm>> -> memref<32x64xi32, #tpu.memory_space<hbm>>
      tpu.enqueue_dma source(%dma_start3A_56 : memref<32x64xi32, #tpu.memory_space<hbm>>) target(%arg6 : memref<32x64xi32, #tpu.memory_space<vmem>>) target_semaphore(%run_scoped3A_49 : memref<!tpu.dma_semaphore, #tpu.memory_space<semaphore_mem>>)
      %dma_wait3A = arith.constant 0 : i32
      %dma_wait3A_57 = arith.constant 0 : i32
      %dma_wait3A_58 = tpu.memref_slice %arg3[%add3A, %run_scoped3A_37, %dma_wait3A, %dma_wait3A_57] : memref<32x5x32x64xi32, #tpu.memory_space<hbm>> -> memref<1x1x32x64xi32, #tpu.memory_space<hbm>>
      %dma_wait3A_59 = tpu.memref_squeeze %dma_wait3A_58 : memref<1x1x32x64xi32, #tpu.memory_space<hbm>> -> memref<32x64xi32, #tpu.memory_space<hbm>>
      %dma_wait3A_60 = arith.constant 0 : i32
      %dma_wait3A_61 = arith.constant 0 : i32
      %dma_wait3A_62 = tpu.memref_slice %arg3[%add3A, %run_scoped3A_37, %dma_wait3A_60, %dma_wait3A_61] : memref<32x5x32x64xi32, #tpu.memory_space<hbm>> -> memref<1x1x32x64xi32, #tpu.memory_space<hbm>>
      %dma_wait3A_63 = tpu.memref_squeeze %dma_wait3A_62 : memref<1x1x32x64xi32, #tpu.memory_space<hbm>> -> memref<32x64xi32, #tpu.memory_space<hbm>>
      tpu.wait_dma2 semaphore(%run_scoped3A_49 : memref<!tpu.dma_semaphore, #tpu.memory_space<semaphore_mem>>) src(%dma_wait3A_63 : memref<32x64xi32, #tpu.memory_space<hbm>>) dst(%arg6 : memref<32x64xi32, #tpu.memory_space<vmem>>)
      tpu.yield
    }) : () -> ()
    %run_scoped3A_38 = arith.constant 4 : i32
    "tpu.region"() ({
      %run_scoped3A_49 = tpu.sem_alloc : memref<!tpu.dma_semaphore, #tpu.memory_space<semaphore_mem>>
      %dma_start3A = arith.constant 0 : i32
      %dma_start3A_50 = arith.constant 0 : i32
      %dma_start3A_51 = tpu.memref_slice %arg4[%add3A, %run_scoped3A_38, %dma_start3A, %dma_start3A_50] : memref<32x5x32x64xi32, #tpu.memory_space<hbm>> -> memref<1x1x32x64xi32, #tpu.memory_space<hbm>>
      %dma_start3A_52 = tpu.memref_squeeze %dma_start3A_51 : memref<1x1x32x64xi32, #tpu.memory_space<hbm>> -> memref<32x64xi32, #tpu.memory_space<hbm>>
      %dma_start3A_53 = arith.constant 0 : i32
      %dma_start3A_54 = arith.constant 0 : i32
      %dma_start3A_55 = tpu.memref_slice %arg4[%add3A, %run_scoped3A_38, %dma_start3A_53, %dma_start3A_54] : memref<32x5x32x64xi32, #tpu.memory_space<hbm>> -> memref<1x1x32x64xi32, #tpu.memory_space<hbm>>
      %dma_start3A_56 = tpu.memref_squeeze %dma_start3A_55 : memref<1x1x32x64xi32, #tpu.memory_space<hbm>> -> memref<32x64xi32, #tpu.memory_space<hbm>>
      tpu.enqueue_dma source(%dma_start3A_56 : memref<32x64xi32, #tpu.memory_space<hbm>>) target(%arg7 : memref<32x64xi32, #tpu.memory_space<vmem>>) target_semaphore(%run_scoped3A_49 : memref<!tpu.dma_semaphore, #tpu.memory_space<semaphore_mem>>)
      %dma_wait3A = arith.constant 0 : i32
      %dma_wait3A_57 = arith.constant 0 : i32
      %dma_wait3A_58 = tpu.memref_slice %arg4[%add3A, %run_scoped3A_38, %dma_wait3A, %dma_wait3A_57] : memref<32x5x32x64xi32, #tpu.memory_space<hbm>> -> memref<1x1x32x64xi32, #tpu.memory_space<hbm>>
      %dma_wait3A_59 = tpu.memref_squeeze %dma_wait3A_58 : memref<1x1x32x64xi32, #tpu.memory_space<hbm>> -> memref<32x64xi32, #tpu.memory_space<hbm>>
      %dma_wait3A_60 = arith.constant 0 : i32
      %dma_wait3A_61 = arith.constant 0 : i32
      %dma_wait3A_62 = tpu.memref_slice %arg4[%add3A, %run_scoped3A_38, %dma_wait3A_60, %dma_wait3A_61] : memref<32x5x32x64xi32, #tpu.memory_space<hbm>> -> memref<1x1x32x64xi32, #tpu.memory_space<hbm>>
      %dma_wait3A_63 = tpu.memref_squeeze %dma_wait3A_62 : memref<1x1x32x64xi32, #tpu.memory_space<hbm>> -> memref<32x64xi32, #tpu.memory_space<hbm>>
      tpu.wait_dma2 semaphore(%run_scoped3A_49 : memref<!tpu.dma_semaphore, #tpu.memory_space<semaphore_mem>>) src(%dma_wait3A_63 : memref<32x64xi32, #tpu.memory_space<hbm>>) dst(%arg7 : memref<32x64xi32, #tpu.memory_space<vmem>>)
      tpu.yield
    }) : () -> ()
    %scan3A_39 = arith.constant 0 : i32
    %scan3A_40 = arith.constant 8 : i32
    %scan3A_41 = arith.addi %scan3A_39, %scan3A_40 : i32
    %scan3A_42 = arith.constant 1 : i32
    scf.for %scan3A_49 = %scan3A_39 to %scan3A_41 step %scan3A_42  : i32 {
      %mul3A_50 = arith.constant 4 : i32
      %mul3A_51 = arith.muli %scan3A_49, %mul3A_50 : i32
      %add3A_52 = arith.constant 0 : i32
      %add3A_53 = arith.addi %add3A_52, %mul3A_51 : i32
      %add3A_54 = arith.constant 0 : i32
      %add3A_55 = arith.addi %add3A_53, %add3A_54 : i32
      %dma_start3A = arith.constant 0 : i32
      %dma_start3A_56 = arith.constant 0 : i32
      %dma_start3A_57 = arith.constant 0 : i32
      %dma_start3A_58 = tpu.memref_slice %arg8[%dma_start3A, %dma_start3A_56, %dma_start3A_57] : memref<4x64x128xf32, #tpu.memory_space<vmem>> -> memref<1x64x128xf32, #tpu.memory_space<vmem>>
      %dma_start3A_59 = tpu.memref_squeeze %dma_start3A_58 : memref<1x64x128xf32, #tpu.memory_space<vmem>> -> memref<64x128xf32, #tpu.memory_space<vmem>>
      %dma_start3A_60 = arith.constant 0 : i32
      %dma_start3A_61 = tpu.memref_slice %arg6[%add3A_55, %dma_start3A_60] : memref<32x64xi32, #tpu.memory_space<vmem>> -> memref<1x64xi32, #tpu.memory_space<vmem>>
      %dma_start3A_62 = tpu.memref_squeeze %dma_start3A_61 : memref<1x64xi32, #tpu.memory_space<vmem>> -> memref<64xi32, #tpu.memory_space<vmem>>
      %dma_start3A_63 = arith.constant 0 : i32
      %dma_start3A_64 = arith.constant 0 : i32
      %dma_start3A_65 = tpu.memref_slice %arg2[%dma_start3A_63, %dma_start3A_64] : memref<10240x128xf32, #tpu.memory_space<hbm>> -> memref<10240x128xf32, #tpu.memory_space<hbm>>
      tpu.enqueue_indirect_dma source(%dma_start3A_65 : memref<10240x128xf32, #tpu.memory_space<hbm>>) target(%dma_start3A_59 : memref<64x128xf32, #tpu.memory_space<vmem>>) offsets(%dma_start3A_62 : memref<64xi32, #tpu.memory_space<vmem>>) semaphore(%arg10 : memref<!tpu.dma_semaphore, #tpu.memory_space<semaphore_mem>>)
      %add3A_66 = arith.constant 1 : i32
      %add3A_67 = arith.addi %add3A_53, %add3A_66 : i32
      %dma_start3A_68 = arith.constant 1 : i32
      %dma_start3A_69 = arith.constant 0 : i32
      %dma_start3A_70 = arith.constant 0 : i32
      %dma_start3A_71 = tpu.memref_slice %arg8[%dma_start3A_68, %dma_start3A_69, %dma_start3A_70] : memref<4x64x128xf32, #tpu.memory_space<vmem>> -> memref<1x64x128xf32, #tpu.memory_space<vmem>>
      %dma_start3A_72 = tpu.memref_squeeze %dma_start3A_71 : memref<1x64x128xf32, #tpu.memory_space<vmem>> -> memref<64x128xf32, #tpu.memory_space<vmem>>
      %dma_start3A_73 = arith.constant 0 : i32
      %dma_start3A_74 = tpu.memref_slice %arg6[%add3A_67, %dma_start3A_73] : memref<32x64xi32, #tpu.memory_space<vmem>> -> memref<1x64xi32, #tpu.memory_space<vmem>>
      %dma_start3A_75 = tpu.memref_squeeze %dma_start3A_74 : memref<1x64xi32, #tpu.memory_space<vmem>> -> memref<64xi32, #tpu.memory_space<vmem>>
      %dma_start3A_76 = arith.constant 0 : i32
      %dma_start3A_77 = arith.constant 0 : i32
      %dma_start3A_78 = tpu.memref_slice %arg2[%dma_start3A_76, %dma_start3A_77] : memref<10240x128xf32, #tpu.memory_space<hbm>> -> memref<10240x128xf32, #tpu.memory_space<hbm>>
      tpu.enqueue_indirect_dma source(%dma_start3A_78 : memref<10240x128xf32, #tpu.memory_space<hbm>>) target(%dma_start3A_72 : memref<64x128xf32, #tpu.memory_space<vmem>>) offsets(%dma_start3A_75 : memref<64xi32, #tpu.memory_space<vmem>>) semaphore(%arg11 : memref<!tpu.dma_semaphore, #tpu.memory_space<semaphore_mem>>)
      %add3A_79 = arith.constant 2 : i32
      %add3A_80 = arith.addi %add3A_53, %add3A_79 : i32
      %dma_start3A_81 = arith.constant 2 : i32
      %dma_start3A_82 = arith.constant 0 : i32
      %dma_start3A_83 = arith.constant 0 : i32
      %dma_start3A_84 = tpu.memref_slice %arg8[%dma_start3A_81, %dma_start3A_82, %dma_start3A_83] : memref<4x64x128xf32, #tpu.memory_space<vmem>> -> memref<1x64x128xf32, #tpu.memory_space<vmem>>
      %dma_start3A_85 = tpu.memref_squeeze %dma_start3A_84 : memref<1x64x128xf32, #tpu.memory_space<vmem>> -> memref<64x128xf32, #tpu.memory_space<vmem>>
      %dma_start3A_86 = arith.constant 0 : i32
      %dma_start3A_87 = tpu.memref_slice %arg6[%add3A_80, %dma_start3A_86] : memref<32x64xi32, #tpu.memory_space<vmem>> -> memref<1x64xi32, #tpu.memory_space<vmem>>
      %dma_start3A_88 = tpu.memref_squeeze %dma_start3A_87 : memref<1x64xi32, #tpu.memory_space<vmem>> -> memref<64xi32, #tpu.memory_space<vmem>>
      %dma_start3A_89 = arith.constant 0 : i32
      %dma_start3A_90 = arith.constant 0 : i32
      %dma_start3A_91 = tpu.memref_slice %arg2[%dma_start3A_89, %dma_start3A_90] : memref<10240x128xf32, #tpu.memory_space<hbm>> -> memref<10240x128xf32, #tpu.memory_space<hbm>>
      tpu.enqueue_indirect_dma source(%dma_start3A_91 : memref<10240x128xf32, #tpu.memory_space<hbm>>) target(%dma_start3A_85 : memref<64x128xf32, #tpu.memory_space<vmem>>) offsets(%dma_start3A_88 : memref<64xi32, #tpu.memory_space<vmem>>) semaphore(%arg12 : memref<!tpu.dma_semaphore, #tpu.memory_space<semaphore_mem>>)
      %add3A_92 = arith.constant 3 : i32
      %add3A_93 = arith.addi %add3A_53, %add3A_92 : i32
      %dma_start3A_94 = arith.constant 3 : i32
      %dma_start3A_95 = arith.constant 0 : i32
      %dma_start3A_96 = arith.constant 0 : i32
      %dma_start3A_97 = tpu.memref_slice %arg8[%dma_start3A_94, %dma_start3A_95, %dma_start3A_96] : memref<4x64x128xf32, #tpu.memory_space<vmem>> -> memref<1x64x128xf32, #tpu.memory_space<vmem>>
      %dma_start3A_98 = tpu.memref_squeeze %dma_start3A_97 : memref<1x64x128xf32, #tpu.memory_space<vmem>> -> memref<64x128xf32, #tpu.memory_space<vmem>>
      %dma_start3A_99 = arith.constant 0 : i32
      %dma_start3A_100 = tpu.memref_slice %arg6[%add3A_93, %dma_start3A_99] : memref<32x64xi32, #tpu.memory_space<vmem>> -> memref<1x64xi32, #tpu.memory_space<vmem>>
      %dma_start3A_101 = tpu.memref_squeeze %dma_start3A_100 : memref<1x64xi32, #tpu.memory_space<vmem>> -> memref<64xi32, #tpu.memory_space<vmem>>
      %dma_start3A_102 = arith.constant 0 : i32
      %dma_start3A_103 = arith.constant 0 : i32
      %dma_start3A_104 = tpu.memref_slice %arg2[%dma_start3A_102, %dma_start3A_103] : memref<10240x128xf32, #tpu.memory_space<hbm>> -> memref<10240x128xf32, #tpu.memory_space<hbm>>
      tpu.enqueue_indirect_dma source(%dma_start3A_104 : memref<10240x128xf32, #tpu.memory_space<hbm>>) target(%dma_start3A_98 : memref<64x128xf32, #tpu.memory_space<vmem>>) offsets(%dma_start3A_101 : memref<64xi32, #tpu.memory_space<vmem>>) semaphore(%arg13 : memref<!tpu.dma_semaphore, #tpu.memory_space<semaphore_mem>>)
      %dma_wait3A = arith.constant 0 : i32
      %dma_wait3A_105 = arith.constant 0 : i32
      %dma_wait3A_106 = arith.constant 0 : i32
      %dma_wait3A_107 = tpu.memref_slice %arg8[%dma_wait3A, %dma_wait3A_105, %dma_wait3A_106] : memref<4x64x128xf32, #tpu.memory_space<vmem>> -> memref<1x64x128xf32, #tpu.memory_space<vmem>>
      %dma_wait3A_108 = tpu.memref_squeeze %dma_wait3A_107 : memref<1x64x128xf32, #tpu.memory_space<vmem>> -> memref<64x128xf32, #tpu.memory_space<vmem>>
      %dma_wait3A_109 = arith.constant 0 : i32
      %dma_wait3A_110 = tpu.memref_slice %arg6[%add3A_55, %dma_wait3A_109] : memref<32x64xi32, #tpu.memory_space<vmem>> -> memref<1x64xi32, #tpu.memory_space<vmem>>
      %dma_wait3A_111 = tpu.memref_squeeze %dma_wait3A_110 : memref<1x64xi32, #tpu.memory_space<vmem>> -> memref<64xi32, #tpu.memory_space<vmem>>
      %dma_wait3A_112 = arith.constant 0 : i32
      %dma_wait3A_113 = arith.constant 0 : i32
      %dma_wait3A_114 = tpu.memref_slice %arg2[%dma_wait3A_112, %dma_wait3A_113] : memref<10240x128xf32, #tpu.memory_space<hbm>> -> memref<10240x128xf32, #tpu.memory_space<hbm>>
      tpu.wait_indirect_dma semaphore(%arg10 : memref<!tpu.dma_semaphore, #tpu.memory_space<semaphore_mem>>) src(%dma_wait3A_114 : memref<10240x128xf32, #tpu.memory_space<hbm>>) dst(%dma_wait3A_108 : memref<64x128xf32, #tpu.memory_space<vmem>>)
      %add3A_115 = arith.constant 0 : i32
      %add3A_116 = arith.addi %add3A_53, %add3A_115 : i32
      %run_scoped3A_117 = arith.constant 0 : i32
      "tpu.region"() ({
        %run_scoped3A_160 = tpu.sem_alloc : memref<!tpu.dma_semaphore, #tpu.memory_space<semaphore_mem>>
        %dma_start3A_161 = arith.constant 0 : i32
        %dma_start3A_162 = arith.constant 0 : i32
        %dma_start3A_163 = tpu.memref_slice %arg8[%run_scoped3A_117, %dma_start3A_161, %dma_start3A_162] : memref<4x64x128xf32, #tpu.memory_space<vmem>> -> memref<1x64x128xf32, #tpu.memory_space<vmem>>
        %dma_start3A_164 = tpu.memref_squeeze %dma_start3A_163 : memref<1x64x128xf32, #tpu.memory_space<vmem>> -> memref<64x128xf32, #tpu.memory_space<vmem>>
        %dma_start3A_165 = arith.constant 0 : i32
        %dma_start3A_166 = tpu.memref_slice %arg7[%add3A_116, %dma_start3A_165] : memref<32x64xi32, #tpu.memory_space<vmem>> -> memref<1x64xi32, #tpu.memory_space<vmem>>
        %dma_start3A_167 = tpu.memref_squeeze %dma_start3A_166 : memref<1x64xi32, #tpu.memory_space<vmem>> -> memref<64xi32, #tpu.memory_space<vmem>>
        %dma_start3A_168 = arith.constant 0 : i32
        %dma_start3A_169 = arith.constant 0 : i32
        %dma_start3A_170 = tpu.memref_slice %arg9[%dma_start3A_168, %dma_start3A_169] : memref<10240x128xf32, #tpu.memory_space<vmem_shared>> -> memref<10240x128xf32, #tpu.memory_space<vmem_shared>>
        tpu.enqueue_indirect_dma source(%dma_start3A_164 : memref<64x128xf32, #tpu.memory_space<vmem>>) target(%dma_start3A_170 : memref<10240x128xf32, #tpu.memory_space<vmem_shared>>) offsets(%dma_start3A_167 : memref<64xi32, #tpu.memory_space<vmem>>) semaphore(%run_scoped3A_160 : memref<!tpu.dma_semaphore, #tpu.memory_space<semaphore_mem>>) {add = true}
        %dma_wait3A_171 = arith.constant 0 : i32
        %dma_wait3A_172 = arith.constant 0 : i32
        %dma_wait3A_173 = tpu.memref_slice %arg8[%run_scoped3A_117, %dma_wait3A_171, %dma_wait3A_172] : memref<4x64x128xf32, #tpu.memory_space<vmem>> -> memref<1x64x128xf32, #tpu.memory_space<vmem>>
        %dma_wait3A_174 = tpu.memref_squeeze %dma_wait3A_173 : memref<1x64x128xf32, #tpu.memory_space<vmem>> -> memref<64x128xf32, #tpu.memory_space<vmem>>
        %dma_wait3A_175 = arith.constant 0 : i32
        %dma_wait3A_176 = tpu.memref_slice %arg7[%add3A_116, %dma_wait3A_175] : memref<32x64xi32, #tpu.memory_space<vmem>> -> memref<1x64xi32, #tpu.memory_space<vmem>>
        %dma_wait3A_177 = tpu.memref_squeeze %dma_wait3A_176 : memref<1x64xi32, #tpu.memory_space<vmem>> -> memref<64xi32, #tpu.memory_space<vmem>>
        %dma_wait3A_178 = arith.constant 0 : i32
        %dma_wait3A_179 = arith.constant 0 : i32
        %dma_wait3A_180 = tpu.memref_slice %arg9[%dma_wait3A_178, %dma_wait3A_179] : memref<10240x128xf32, #tpu.memory_space<vmem_shared>> -> memref<10240x128xf32, #tpu.memory_space<vmem_shared>>
        tpu.wait_indirect_dma semaphore(%run_scoped3A_160 : memref<!tpu.dma_semaphore, #tpu.memory_space<semaphore_mem>>) src(%dma_wait3A_174 : memref<64x128xf32, #tpu.memory_space<vmem>>) dst(%dma_wait3A_180 : memref<10240x128xf32, #tpu.memory_space<vmem_shared>>)
        tpu.yield
      }) : () -> ()
      %dma_wait3A_118 = arith.constant 1 : i32
      %dma_wait3A_119 = arith.constant 0 : i32
      %dma_wait3A_120 = arith.constant 0 : i32
      %dma_wait3A_121 = tpu.memref_slice %arg8[%dma_wait3A_118, %dma_wait3A_119, %dma_wait3A_120] : memref<4x64x128xf32, #tpu.memory_space<vmem>> -> memref<1x64x128xf32, #tpu.memory_space<vmem>>
      %dma_wait3A_122 = tpu.memref_squeeze %dma_wait3A_121 : memref<1x64x128xf32, #tpu.memory_space<vmem>> -> memref<64x128xf32, #tpu.memory_space<vmem>>
      %dma_wait3A_123 = arith.constant 0 : i32
      %dma_wait3A_124 = tpu.memref_slice %arg6[%add3A_67, %dma_wait3A_123] : memref<32x64xi32, #tpu.memory_space<vmem>> -> memref<1x64xi32, #tpu.memory_space<vmem>>
      %dma_wait3A_125 = tpu.memref_squeeze %dma_wait3A_124 : memref<1x64xi32, #tpu.memory_space<vmem>> -> memref<64xi32, #tpu.memory_space<vmem>>
      %dma_wait3A_126 = arith.constant 0 : i32
      %dma_wait3A_127 = arith.constant 0 : i32
      %dma_wait3A_128 = tpu.memref_slice %arg2[%dma_wait3A_126, %dma_wait3A_127] : memref<10240x128xf32, #tpu.memory_space<hbm>> -> memref<10240x128xf32, #tpu.memory_space<hbm>>
      tpu.wait_indirect_dma semaphore(%arg11 : memref<!tpu.dma_semaphore, #tpu.memory_space<semaphore_mem>>) src(%dma_wait3A_128 : memref<10240x128xf32, #tpu.memory_space<hbm>>) dst(%dma_wait3A_122 : memref<64x128xf32, #tpu.memory_space<vmem>>)
      %add3A_129 = arith.constant 1 : i32
      %add3A_130 = arith.addi %add3A_53, %add3A_129 : i32
      %run_scoped3A_131 = arith.constant 1 : i32
      "tpu.region"() ({
        %run_scoped3A_160 = tpu.sem_alloc : memref<!tpu.dma_semaphore, #tpu.memory_space<semaphore_mem>>
        %dma_start3A_161 = arith.constant 0 : i32
        %dma_start3A_162 = arith.constant 0 : i32
        %dma_start3A_163 = tpu.memref_slice %arg8[%run_scoped3A_131, %dma_start3A_161, %dma_start3A_162] : memref<4x64x128xf32, #tpu.memory_space<vmem>> -> memref<1x64x128xf32, #tpu.memory_space<vmem>>
        %dma_start3A_164 = tpu.memref_squeeze %dma_start3A_163 : memref<1x64x128xf32, #tpu.memory_space<vmem>> -> memref<64x128xf32, #tpu.memory_space<vmem>>
        %dma_start3A_165 = arith.constant 0 : i32
        %dma_start3A_166 = tpu.memref_slice %arg7[%add3A_130, %dma_start3A_165] : memref<32x64xi32, #tpu.memory_space<vmem>> -> memref<1x64xi32, #tpu.memory_space<vmem>>
        %dma_start3A_167 = tpu.memref_squeeze %dma_start3A_166 : memref<1x64xi32, #tpu.memory_space<vmem>> -> memref<64xi32, #tpu.memory_space<vmem>>
        %dma_start3A_168 = arith.constant 0 : i32
        %dma_start3A_169 = arith.constant 0 : i32
        %dma_start3A_170 = tpu.memref_slice %arg9[%dma_start3A_168, %dma_start3A_169] : memref<10240x128xf32, #tpu.memory_space<vmem_shared>> -> memref<10240x128xf32, #tpu.memory_space<vmem_shared>>
        tpu.enqueue_indirect_dma source(%dma_start3A_164 : memref<64x128xf32, #tpu.memory_space<vmem>>) target(%dma_start3A_170 : memref<10240x128xf32, #tpu.memory_space<vmem_shared>>) offsets(%dma_start3A_167 : memref<64xi32, #tpu.memory_space<vmem>>) semaphore(%run_scoped3A_160 : memref<!tpu.dma_semaphore, #tpu.memory_space<semaphore_mem>>) {add = true}
        %dma_wait3A_171 = arith.constant 0 : i32
        %dma_wait3A_172 = arith.constant 0 : i32
        %dma_wait3A_173 = tpu.memref_slice %arg8[%run_scoped3A_131, %dma_wait3A_171, %dma_wait3A_172] : memref<4x64x128xf32, #tpu.memory_space<vmem>> -> memref<1x64x128xf32, #tpu.memory_space<vmem>>
        %dma_wait3A_174 = tpu.memref_squeeze %dma_wait3A_173 : memref<1x64x128xf32, #tpu.memory_space<vmem>> -> memref<64x128xf32, #tpu.memory_space<vmem>>
        %dma_wait3A_175 = arith.constant 0 : i32
        %dma_wait3A_176 = tpu.memref_slice %arg7[%add3A_130, %dma_wait3A_175] : memref<32x64xi32, #tpu.memory_space<vmem>> -> memref<1x64xi32, #tpu.memory_space<vmem>>
        %dma_wait3A_177 = tpu.memref_squeeze %dma_wait3A_176 : memref<1x64xi32, #tpu.memory_space<vmem>> -> memref<64xi32, #tpu.memory_space<vmem>>
        %dma_wait3A_178 = arith.constant 0 : i32
        %dma_wait3A_179 = arith.constant 0 : i32
        %dma_wait3A_180 = tpu.memref_slice %arg9[%dma_wait3A_178, %dma_wait3A_179] : memref<10240x128xf32, #tpu.memory_space<vmem_shared>> -> memref<10240x128xf32, #tpu.memory_space<vmem_shared>>
        tpu.wait_indirect_dma semaphore(%run_scoped3A_160 : memref<!tpu.dma_semaphore, #tpu.memory_space<semaphore_mem>>) src(%dma_wait3A_174 : memref<64x128xf32, #tpu.memory_space<vmem>>) dst(%dma_wait3A_180 : memref<10240x128xf32, #tpu.memory_space<vmem_shared>>)
        tpu.yield
      }) : () -> ()
      %dma_wait3A_132 = arith.constant 2 : i32
      %dma_wait3A_133 = arith.constant 0 : i32
      %dma_wait3A_134 = arith.constant 0 : i32
      %dma_wait3A_135 = tpu.memref_slice %arg8[%dma_wait3A_132, %dma_wait3A_133, %dma_wait3A_134] : memref<4x64x128xf32, #tpu.memory_space<vmem>> -> memref<1x64x128xf32, #tpu.memory_space<vmem>>
      %dma_wait3A_136 = tpu.memref_squeeze %dma_wait3A_135 : memref<1x64x128xf32, #tpu.memory_space<vmem>> -> memref<64x128xf32, #tpu.memory_space<vmem>>
      %dma_wait3A_137 = arith.constant 0 : i32
      %dma_wait3A_138 = tpu.memref_slice %arg6[%add3A_80, %dma_wait3A_137] : memref<32x64xi32, #tpu.memory_space<vmem>> -> memref<1x64xi32, #tpu.memory_space<vmem>>
      %dma_wait3A_139 = tpu.memref_squeeze %dma_wait3A_138 : memref<1x64xi32, #tpu.memory_space<vmem>> -> memref<64xi32, #tpu.memory_space<vmem>>
      %dma_wait3A_140 = arith.constant 0 : i32
      %dma_wait3A_141 = arith.constant 0 : i32
      %dma_wait3A_142 = tpu.memref_slice %arg2[%dma_wait3A_140, %dma_wait3A_141] : memref<10240x128xf32, #tpu.memory_space<hbm>> -> memref<10240x128xf32, #tpu.memory_space<hbm>>
      tpu.wait_indirect_dma semaphore(%arg12 : memref<!tpu.dma_semaphore, #tpu.memory_space<semaphore_mem>>) src(%dma_wait3A_142 : memref<10240x128xf32, #tpu.memory_space<hbm>>) dst(%dma_wait3A_136 : memref<64x128xf32, #tpu.memory_space<vmem>>)
      %add3A_143 = arith.constant 2 : i32
      %add3A_144 = arith.addi %add3A_53, %add3A_143 : i32
      %run_scoped3A_145 = arith.constant 2 : i32
      "tpu.region"() ({
        %run_scoped3A_160 = tpu.sem_alloc : memref<!tpu.dma_semaphore, #tpu.memory_space<semaphore_mem>>
        %dma_start3A_161 = arith.constant 0 : i32
        %dma_start3A_162 = arith.constant 0 : i32
        %dma_start3A_163 = tpu.memref_slice %arg8[%run_scoped3A_145, %dma_start3A_161, %dma_start3A_162] : memref<4x64x128xf32, #tpu.memory_space<vmem>> -> memref<1x64x128xf32, #tpu.memory_space<vmem>>
        %dma_start3A_164 = tpu.memref_squeeze %dma_start3A_163 : memref<1x64x128xf32, #tpu.memory_space<vmem>> -> memref<64x128xf32, #tpu.memory_space<vmem>>
        %dma_start3A_165 = arith.constant 0 : i32
        %dma_start3A_166 = tpu.memref_slice %arg7[%add3A_144, %dma_start3A_165] : memref<32x64xi32, #tpu.memory_space<vmem>> -> memref<1x64xi32, #tpu.memory_space<vmem>>
        %dma_start3A_167 = tpu.memref_squeeze %dma_start3A_166 : memref<1x64xi32, #tpu.memory_space<vmem>> -> memref<64xi32, #tpu.memory_space<vmem>>
        %dma_start3A_168 = arith.constant 0 : i32
        %dma_start3A_169 = arith.constant 0 : i32
        %dma_start3A_170 = tpu.memref_slice %arg9[%dma_start3A_168, %dma_start3A_169] : memref<10240x128xf32, #tpu.memory_space<vmem_shared>> -> memref<10240x128xf32, #tpu.memory_space<vmem_shared>>
        tpu.enqueue_indirect_dma source(%dma_start3A_164 : memref<64x128xf32, #tpu.memory_space<vmem>>) target(%dma_start3A_170 : memref<10240x128xf32, #tpu.memory_space<vmem_shared>>) offsets(%dma_start3A_167 : memref<64xi32, #tpu.memory_space<vmem>>) semaphore(%run_scoped3A_160 : memref<!tpu.dma_semaphore, #tpu.memory_space<semaphore_mem>>) {add = true}
        %dma_wait3A_171 = arith.constant 0 : i32
        %dma_wait3A_172 = arith.constant 0 : i32
        %dma_wait3A_173 = tpu.memref_slice %arg8[%run_scoped3A_145, %dma_wait3A_171, %dma_wait3A_172] : memref<4x64x128xf32, #tpu.memory_space<vmem>> -> memref<1x64x128xf32, #tpu.memory_space<vmem>>
        %dma_wait3A_174 = tpu.memref_squeeze %dma_wait3A_173 : memref<1x64x128xf32, #tpu.memory_space<vmem>> -> memref<64x128xf32, #tpu.memory_space<vmem>>
        %dma_wait3A_175 = arith.constant 0 : i32
        %dma_wait3A_176 = tpu.memref_slice %arg7[%add3A_144, %dma_wait3A_175] : memref<32x64xi32, #tpu.memory_space<vmem>> -> memref<1x64xi32, #tpu.memory_space<vmem>>
        %dma_wait3A_177 = tpu.memref_squeeze %dma_wait3A_176 : memref<1x64xi32, #tpu.memory_space<vmem>> -> memref<64xi32, #tpu.memory_space<vmem>>
        %dma_wait3A_178 = arith.constant 0 : i32
        %dma_wait3A_179 = arith.constant 0 : i32
        %dma_wait3A_180 = tpu.memref_slice %arg9[%dma_wait3A_178, %dma_wait3A_179] : memref<10240x128xf32, #tpu.memory_space<vmem_shared>> -> memref<10240x128xf32, #tpu.memory_space<vmem_shared>>
        tpu.wait_indirect_dma semaphore(%run_scoped3A_160 : memref<!tpu.dma_semaphore, #tpu.memory_space<semaphore_mem>>) src(%dma_wait3A_174 : memref<64x128xf32, #tpu.memory_space<vmem>>) dst(%dma_wait3A_180 : memref<10240x128xf32, #tpu.memory_space<vmem_shared>>)
        tpu.yield
      }) : () -> ()
      %dma_wait3A_146 = arith.constant 3 : i32
      %dma_wait3A_147 = arith.constant 0 : i32
      %dma_wait3A_148 = arith.constant 0 : i32
      %dma_wait3A_149 = tpu.memref_slice %arg8[%dma_wait3A_146, %dma_wait3A_147, %dma_wait3A_148] : memref<4x64x128xf32, #tpu.memory_space<vmem>> -> memref<1x64x128xf32, #tpu.memory_space<vmem>>
      %dma_wait3A_150 = tpu.memref_squeeze %dma_wait3A_149 : memref<1x64x128xf32, #tpu.memory_space<vmem>> -> memref<64x128xf32, #tpu.memory_space<vmem>>
      %dma_wait3A_151 = arith.constant 0 : i32
      %dma_wait3A_152 = tpu.memref_slice %arg6[%add3A_93, %dma_wait3A_151] : memref<32x64xi32, #tpu.memory_space<vmem>> -> memref<1x64xi32, #tpu.memory_space<vmem>>
      %dma_wait3A_153 = tpu.memref_squeeze %dma_wait3A_152 : memref<1x64xi32, #tpu.memory_space<vmem>> -> memref<64xi32, #tpu.memory_space<vmem>>
      %dma_wait3A_154 = arith.constant 0 : i32
      %dma_wait3A_155 = arith.constant 0 : i32
      %dma_wait3A_156 = tpu.memref_slice %arg2[%dma_wait3A_154, %dma_wait3A_155] : memref<10240x128xf32, #tpu.memory_space<hbm>> -> memref<10240x128xf32, #tpu.memory_space<hbm>>
      tpu.wait_indirect_dma semaphore(%arg13 : memref<!tpu.dma_semaphore, #tpu.memory_space<semaphore_mem>>) src(%dma_wait3A_156 : memref<10240x128xf32, #tpu.memory_space<hbm>>) dst(%dma_wait3A_150 : memref<64x128xf32, #tpu.memory_space<vmem>>)
      %add3A_157 = arith.constant 3 : i32
      %add3A_158 = arith.addi %add3A_53, %add3A_157 : i32
      %run_scoped3A_159 = arith.constant 3 : i32
      "tpu.region"() ({
        %run_scoped3A_160 = tpu.sem_alloc : memref<!tpu.dma_semaphore, #tpu.memory_space<semaphore_mem>>
        %dma_start3A_161 = arith.constant 0 : i32
        %dma_start3A_162 = arith.constant 0 : i32
        %dma_start3A_163 = tpu.memref_slice %arg8[%run_scoped3A_159, %dma_start3A_161, %dma_start3A_162] : memref<4x64x128xf32, #tpu.memory_space<vmem>> -> memref<1x64x128xf32, #tpu.memory_space<vmem>>
        %dma_start3A_164 = tpu.memref_squeeze %dma_start3A_163 : memref<1x64x128xf32, #tpu.memory_space<vmem>> -> memref<64x128xf32, #tpu.memory_space<vmem>>
        %dma_start3A_165 = arith.constant 0 : i32
        %dma_start3A_166 = tpu.memref_slice %arg7[%add3A_158, %dma_start3A_165] : memref<32x64xi32, #tpu.memory_space<vmem>> -> memref<1x64xi32, #tpu.memory_space<vmem>>
        %dma_start3A_167 = tpu.memref_squeeze %dma_start3A_166 : memref<1x64xi32, #tpu.memory_space<vmem>> -> memref<64xi32, #tpu.memory_space<vmem>>
        %dma_start3A_168 = arith.constant 0 : i32
        %dma_start3A_169 = arith.constant 0 : i32
        %dma_start3A_170 = tpu.memref_slice %arg9[%dma_start3A_168, %dma_start3A_169] : memref<10240x128xf32, #tpu.memory_space<vmem_shared>> -> memref<10240x128xf32, #tpu.memory_space<vmem_shared>>
        tpu.enqueue_indirect_dma source(%dma_start3A_164 : memref<64x128xf32, #tpu.memory_space<vmem>>) target(%dma_start3A_170 : memref<10240x128xf32, #tpu.memory_space<vmem_shared>>) offsets(%dma_start3A_167 : memref<64xi32, #tpu.memory_space<vmem>>) semaphore(%run_scoped3A_160 : memref<!tpu.dma_semaphore, #tpu.memory_space<semaphore_mem>>) {add = true}
        %dma_wait3A_171 = arith.constant 0 : i32
        %dma_wait3A_172 = arith.constant 0 : i32
        %dma_wait3A_173 = tpu.memref_slice %arg8[%run_scoped3A_159, %dma_wait3A_171, %dma_wait3A_172] : memref<4x64x128xf32, #tpu.memory_space<vmem>> -> memref<1x64x128xf32, #tpu.memory_space<vmem>>
        %dma_wait3A_174 = tpu.memref_squeeze %dma_wait3A_173 : memref<1x64x128xf32, #tpu.memory_space<vmem>> -> memref<64x128xf32, #tpu.memory_space<vmem>>
        %dma_wait3A_175 = arith.constant 0 : i32
        %dma_wait3A_176 = tpu.memref_slice %arg7[%add3A_158, %dma_wait3A_175] : memref<32x64xi32, #tpu.memory_space<vmem>> -> memref<1x64xi32, #tpu.memory_space<vmem>>
        %dma_wait3A_177 = tpu.memref_squeeze %dma_wait3A_176 : memref<1x64xi32, #tpu.memory_space<vmem>> -> memref<64xi32, #tpu.memory_space<vmem>>
        %dma_wait3A_178 = arith.constant 0 : i32
        %dma_wait3A_179 = arith.constant 0 : i32
        %dma_wait3A_180 = tpu.memref_slice %arg9[%dma_wait3A_178, %dma_wait3A_179] : memref<10240x128xf32, #tpu.memory_space<vmem_shared>> -> memref<10240x128xf32, #tpu.memory_space<vmem_shared>>
        tpu.wait_indirect_dma semaphore(%run_scoped3A_160 : memref<!tpu.dma_semaphore, #tpu.memory_space<semaphore_mem>>) src(%dma_wait3A_174 : memref<64x128xf32, #tpu.memory_space<vmem>>) dst(%dma_wait3A_180 : memref<10240x128xf32, #tpu.memory_space<vmem_shared>>)
        tpu.yield
      }) : () -> ()
    }
    %scan3A_43 = arith.constant 8 : i32
    %barrier3A_44 = arith.constant 0 : index
    tpu.barrier barrier_id(%barrier3A_44)
    %mul3A_45 = arith.constant 640 : i32
    %mul3A_46 = arith.muli %arg1, %mul3A_45 : i32
    %mul3A_47 = arith.constant 640 : i32
    %mul3A_48 = arith.muli %arg1, %mul3A_47 : i32
    "tpu.region"() ({
      %run_scoped3A_49 = tpu.sem_alloc : memref<!tpu.dma_semaphore, #tpu.memory_space<semaphore_mem>>
      %dma_start3A = arith.constant 0 : i32
      %dma_start3A_50 = tpu.memref_slice %arg5[%arg0, %mul3A_48, %dma_start3A] : memref<2x10240x128xf32, #tpu.memory_space<hbm>> -> memref<1x640x128xf32, #tpu.memory_space<hbm>>
      %dma_start3A_51 = tpu.memref_squeeze %dma_start3A_50 : memref<1x640x128xf32, #tpu.memory_space<hbm>> -> memref<640x128xf32, #tpu.memory_space<hbm>>
      %dma_start3A_52 = arith.constant 0 : i32
      %dma_start3A_53 = tpu.memref_slice %arg9[%mul3A_46, %dma_start3A_52] : memref<10240x128xf32, #tpu.memory_space<vmem_shared>> -> memref<640x128xf32, #tpu.memory_space<vmem_shared>>
      tpu.enqueue_dma source(%dma_start3A_53 : memref<640x128xf32, #tpu.memory_space<vmem_shared>>) target(%dma_start3A_51 : memref<640x128xf32, #tpu.memory_space<hbm>>) target_semaphore(%run_scoped3A_49 : memref<!tpu.dma_semaphore, #tpu.memory_space<semaphore_mem>>)
      %dma_wait3A = arith.constant 0 : i32
      %dma_wait3A_54 = tpu.memref_slice %arg5[%arg0, %mul3A_48, %dma_wait3A] : memref<2x10240x128xf32, #tpu.memory_space<hbm>> -> memref<1x640x128xf32, #tpu.memory_space<hbm>>
      %dma_wait3A_55 = tpu.memref_squeeze %dma_wait3A_54 : memref<1x640x128xf32, #tpu.memory_space<hbm>> -> memref<640x128xf32, #tpu.memory_space<hbm>>
      %dma_wait3A_56 = arith.constant 0 : i32
      %dma_wait3A_57 = tpu.memref_slice %arg9[%mul3A_46, %dma_wait3A_56] : memref<10240x128xf32, #tpu.memory_space<vmem_shared>> -> memref<640x128xf32, #tpu.memory_space<vmem_shared>>
      tpu.wait_dma2 semaphore(%run_scoped3A_49 : memref<!tpu.dma_semaphore, #tpu.memory_space<semaphore_mem>>) src(%dma_wait3A_57 : memref<640x128xf32, #tpu.memory_space<vmem_shared>>) dst(%dma_wait3A_55 : memref<640x128xf32, #tpu.memory_space<hbm>>)
      tpu.yield
    }) : () -> ()
    return
  }
}

#map = affine_map<(d0, d1) -> (0, 0)>
#map1 = affine_map<(d0, d1) -> (0, 0, 0, 0)>
#map2 = affine_map<(d0, d1) -> (0, 0, 0)>
module attributes {stable_mosaic.version = 14 : i64} {
  func.func @_sc_propagate(%arg0: i32, %arg1: i32, %arg2: memref<10240x128xf32, #tpu.memory_space<hbm>>, %arg3: memref<32x5x32x64xi32, #tpu.memory_space<hbm>>, %arg4: memref<32x5x32x64xi32, #tpu.memory_space<hbm>>, %arg5: memref<2x10240x128xf32, #tpu.memory_space<hbm>>, %arg6: memref<32x64xi32, #tpu.memory_space<vmem>>, %arg7: memref<32x64xi32, #tpu.memory_space<vmem>>, %arg8: memref<4x64x128xf32, #tpu.memory_space<vmem>>, %arg9: memref<10240x128xf32, #tpu.memory_space<vmem_shared>>, %arg10: memref<!tpu.dma_semaphore, #tpu.memory_space<semaphore_mem>>, %arg11: memref<!tpu.dma_semaphore, #tpu.memory_space<semaphore_mem>>, %arg12: memref<!tpu.dma_semaphore, #tpu.memory_space<semaphore_mem>>, %arg13: memref<!tpu.dma_semaphore, #tpu.memory_space<semaphore_mem>>, %arg14: memref<!tpu.dma_semaphore, #tpu.memory_space<semaphore_mem>>, %arg15: memref<!tpu.dma_semaphore, #tpu.memory_space<semaphore_mem>>, %arg16: memref<!tpu.dma_semaphore, #tpu.memory_space<semaphore_mem>>, %arg17: memref<!tpu.dma_semaphore, #tpu.memory_space<semaphore_mem>>) attributes {dimension_semantics = [#tpu.dimension_semantics<core_parallel>, #tpu.dimension_semantics<subcore_parallel>], iteration_bounds = array<i64: 2, 16>, scalar_prefetch = 0 : i64, scratch_operands = 12 : i64, tpu.core_type = #tpu.core_type<sc_vector_subcore>, window_params = [{transform_indices = #map}, {transform_indices = #map1}, {transform_indices = #map1}, {transform_indices = #map2}]} {
    %mul3A = arith.constant 16 : i32
    %mul3A_0 = arith.muli %arg0, %mul3A : i32
    %add3A = arith.addi %mul3A_0, %arg1 : i32
    %scan3A = arith.constant 0 : i32
    %scan3A_1 = arith.constant 64 : i32
    %scan3A_2 = arith.addi %scan3A, %scan3A_1 : i32
    %scan3A_3 = arith.constant 1 : i32
    scf.for %scan3A_49 = %scan3A to %scan3A_2 step %scan3A_3  : i32 {
      %mul3A_50 = arith.constant 1 : i32
      %mul3A_51 = arith.muli %scan3A_49, %mul3A_50 : i32
      %add3A_52 = arith.constant 0 : i32
      %add3A_53 = arith.addi %add3A_52, %mul3A_51 : i32
      %scan3A_54 = arith.constant 0 : i32
      %scan3A_55 = arith.constant 8 : i32
      %scan3A_56 = arith.addi %scan3A_54, %scan3A_55 : i32
      %scan3A_57 = arith.constant 1 : i32
      scf.for %scan3A_59 = %scan3A_54 to %scan3A_56 step %scan3A_57  : i32 {
        %mul3A_60 = arith.constant 1 : i32
        %mul3A_61 = arith.muli %scan3A_59, %mul3A_60 : i32
        %add3A_62 = arith.constant 0 : i32
        %add3A_63 = arith.addi %add3A_62, %mul3A_61 : i32
        %broadcast_in_dim3A = arith.constant 0.000000e+00 : f32
        %broadcast_in_dim3A_64 = vector.broadcast %broadcast_in_dim3A : f32 to vector<16xf32>
        %mul3A_65 = arith.constant 16 : i32
        %mul3A_66 = arith.muli %add3A_63, %mul3A_65 : i32
        %swap3A = arith.constant 0 : i32
        %swap3A_67 = arith.index_cast %swap3A : i32 to index
        %swap3A_68 = arith.index_cast %add3A_53 : i32 to index
        %swap3A_69 = arith.index_cast %mul3A_66 : i32 to index
        %swap3A_70 = tpu.vector_load %arg8[%swap3A_67, %swap3A_68, %swap3A_69] {strides = array<i32>} : memref<4x64x128xf32, #tpu.memory_space<vmem>>, vector<1x1x16xf32>,
        %swap3A_71 = vector.shape_cast %swap3A_70 : vector<1x1x16xf32> to vector<16xf32>
        %swap3A_72 = vector.shape_cast %broadcast_in_dim3A_64 : vector<16xf32> to vector<1x1x16xf32>
        tpu.vector_store %arg8[%swap3A_67, %swap3A_68, %swap3A_69], %swap3A_72 {strides = array<i32>} : memref<4x64x128xf32, #tpu.memory_space<vmem>>, vector<1x1x16xf32>,
      }
      %scan3A_58 = arith.constant 8 : i32
    }
    %scan3A_4 = arith.constant 64 : i32
    %scan3A_5 = arith.constant 0 : i32
    %scan3A_6 = arith.constant 10 : i32
    %scan3A_7 = arith.addi %scan3A_5, %scan3A_6 : i32
    %scan3A_8 = arith.constant 1 : i32
    scf.for %scan3A_49 = %scan3A_5 to %scan3A_7 step %scan3A_8  : i32 {
      %mul3A_50 = arith.constant 1 : i32
      %mul3A_51 = arith.muli %scan3A_49, %mul3A_50 : i32
      %add3A_52 = arith.constant 0 : i32
      %add3A_53 = arith.addi %add3A_52, %mul3A_51 : i32
      %mul3A_54 = arith.constant 640 : i32
      %mul3A_55 = arith.muli %arg1, %mul3A_54 : i32
      %mul3A_56 = arith.constant 64 : i32
      %mul3A_57 = arith.muli %add3A_53, %mul3A_56 : i32
      %add3A_58 = arith.addi %mul3A_55, %mul3A_57 : i32
      %run_scoped3A_59 = arith.constant 0 : i32
      "tpu.region"() ({
        %run_scoped3A_60 = tpu.sem_alloc : memref<!tpu.dma_semaphore, #tpu.memory_space<semaphore_mem>>
        %dma_start3A = arith.constant 0 : i32
        %dma_start3A_61 = arith.constant 0 : i32
        %dma_start3A_62 = tpu.memref_slice %arg8[%run_scoped3A_59, %dma_start3A, %dma_start3A_61] : memref<4x64x128xf32, #tpu.memory_space<vmem>> -> memref<1x64x128xf32, #tpu.memory_space<vmem>>
        %dma_start3A_63 = tpu.memref_squeeze %dma_start3A_62 : memref<1x64x128xf32, #tpu.memory_space<vmem>> -> memref<64x128xf32, #tpu.memory_space<vmem>>
        %dma_start3A_64 = arith.constant 0 : i32
        %dma_start3A_65 = tpu.memref_slice %arg9[%add3A_58, %dma_start3A_64] : memref<10240x128xf32, #tpu.memory_space<vmem_shared>> -> memref<64x128xf32, #tpu.memory_space<vmem_shared>>
        %dma_start3A_66 = arith.constant 0 : i32
        %dma_start3A_67 = tpu.memref_slice %arg9[%add3A_58, %dma_start3A_66] : memref<10240x128xf32, #tpu.memory_space<vmem_shared>> -> memref<64x128xf32, #tpu.memory_space<vmem_shared>>
        %dma_start3A_68 = arith.constant 0 : i32
        %dma_start3A_69 = arith.constant 0 : i32
        %dma_start3A_70 = tpu.memref_slice %arg8[%run_scoped3A_59, %dma_start3A_68, %dma_start3A_69] : memref<4x64x128xf32, #tpu.memory_space<vmem>> -> memref<1x64x128xf32, #tpu.memory_space<vmem>>
        %dma_start3A_71 = tpu.memref_squeeze %dma_start3A_70 : memref<1x64x128xf32, #tpu.memory_space<vmem>> -> memref<64x128xf32, #tpu.memory_space<vmem>>
        tpu.enqueue_dma source(%dma_start3A_71 : memref<64x128xf32, #tpu.memory_space<vmem>>) target(%dma_start3A_67 : memref<64x128xf32, #tpu.memory_space<vmem_shared>>) target_semaphore(%run_scoped3A_60 : memref<!tpu.dma_semaphore, #tpu.memory_space<semaphore_mem>>)
        %dma_wait3A = arith.constant 0 : i32
        %dma_wait3A_72 = arith.constant 0 : i32
        %dma_wait3A_73 = tpu.memref_slice %arg8[%run_scoped3A_59, %dma_wait3A, %dma_wait3A_72] : memref<4x64x128xf32, #tpu.memory_space<vmem>> -> memref<1x64x128xf32, #tpu.memory_space<vmem>>
        %dma_wait3A_74 = tpu.memref_squeeze %dma_wait3A_73 : memref<1x64x128xf32, #tpu.memory_space<vmem>> -> memref<64x128xf32, #tpu.memory_space<vmem>>
        %dma_wait3A_75 = arith.constant 0 : i32
        %dma_wait3A_76 = tpu.memref_slice %arg9[%add3A_58, %dma_wait3A_75] : memref<10240x128xf32, #tpu.memory_space<vmem_shared>> -> memref<64x128xf32, #tpu.memory_space<vmem_shared>>
        %dma_wait3A_77 = arith.constant 0 : i32
        %dma_wait3A_78 = tpu.memref_slice %arg9[%add3A_58, %dma_wait3A_77] : memref<10240x128xf32, #tpu.memory_space<vmem_shared>> -> memref<64x128xf32, #tpu.memory_space<vmem_shared>>
        %dma_wait3A_79 = arith.constant 0 : i32
        %dma_wait3A_80 = arith.constant 0 : i32
        %dma_wait3A_81 = tpu.memref_slice %arg8[%run_scoped3A_59, %dma_wait3A_79, %dma_wait3A_80] : memref<4x64x128xf32, #tpu.memory_space<vmem>> -> memref<1x64x128xf32, #tpu.memory_space<vmem>>
        %dma_wait3A_82 = tpu.memref_squeeze %dma_wait3A_81 : memref<1x64x128xf32, #tpu.memory_space<vmem>> -> memref<64x128xf32, #tpu.memory_space<vmem>>
        tpu.wait_dma2 semaphore(%run_scoped3A_60 : memref<!tpu.dma_semaphore, #tpu.memory_space<semaphore_mem>>) src(%dma_wait3A_82 : memref<64x128xf32, #tpu.memory_space<vmem>>) dst(%dma_wait3A_78 : memref<64x128xf32, #tpu.memory_space<vmem_shared>>)
        tpu.yield
      }) : () -> ()
    }
    %scan3A_9 = arith.constant 10 : i32
    %barrier3A = arith.constant 0 : index
    tpu.barrier barrier_id(%barrier3A)
    %run_scoped3A = arith.constant 0 : i32
    "tpu.region"() ({
      %run_scoped3A_49 = tpu.sem_alloc : memref<!tpu.dma_semaphore, #tpu.memory_space<semaphore_mem>>
      %dma_start3A = arith.constant 0 : i32
      %dma_start3A_50 = arith.constant 0 : i32
      %dma_start3A_51 = tpu.memref_slice %arg3[%add3A, %run_scoped3A, %dma_start3A, %dma_start3A_50] : memref<32x5x32x64xi32, #tpu.memory_space<hbm>> -> memref<1x1x32x64xi32, #tpu.memory_space<hbm>>
      %dma_start3A_52 = tpu.memref_squeeze %dma_start3A_51 : memref<1x1x32x64xi32, #tpu.memory_space<hbm>> -> memref<32x64xi32, #tpu.memory_space<hbm>>
      %dma_start3A_53 = arith.constant 0 : i32
      %dma_start3A_54 = arith.constant 0 : i32
      %dma_start3A_55 = tpu.memref_slice %arg3[%add3A, %run_scoped3A, %dma_start3A_53, %dma_start3A_54] : memref<32x5x32x64xi32, #tpu.memory_space<hbm>> -> memref<1x1x32x64xi32, #tpu.memory_space<hbm>>
      %dma_start3A_56 = tpu.memref_squeeze %dma_start3A_55 : memref<1x1x32x64xi32, #tpu.memory_space<hbm>> -> memref<32x64xi32, #tpu.memory_space<hbm>>
      tpu.enqueue_dma source(%dma_start3A_56 : memref<32x64xi32, #tpu.memory_space<hbm>>) target(%arg6 : memref<32x64xi32, #tpu.memory_space<vmem>>) target_semaphore(%run_scoped3A_49 : memref<!tpu.dma_semaphore, #tpu.memory_space<semaphore_mem>>)
      %dma_wait3A = arith.constant 0 : i32
      %dma_wait3A_57 = arith.constant 0 : i32
      %dma_wait3A_58 = tpu.memref_slice %arg3[%add3A, %run_scoped3A, %dma_wait3A, %dma_wait3A_57] : memref<32x5x32x64xi32, #tpu.memory_space<hbm>> -> memref<1x1x32x64xi32, #tpu.memory_space<hbm>>
      %dma_wait3A_59 = tpu.memref_squeeze %dma_wait3A_58 : memref<1x1x32x64xi32, #tpu.memory_space<hbm>> -> memref<32x64xi32, #tpu.memory_space<hbm>>
      %dma_wait3A_60 = arith.constant 0 : i32
      %dma_wait3A_61 = arith.constant 0 : i32
      %dma_wait3A_62 = tpu.memref_slice %arg3[%add3A, %run_scoped3A, %dma_wait3A_60, %dma_wait3A_61] : memref<32x5x32x64xi32, #tpu.memory_space<hbm>> -> memref<1x1x32x64xi32, #tpu.memory_space<hbm>>
      %dma_wait3A_63 = tpu.memref_squeeze %dma_wait3A_62 : memref<1x1x32x64xi32, #tpu.memory_space<hbm>> -> memref<32x64xi32, #tpu.memory_space<hbm>>
      tpu.wait_dma2 semaphore(%run_scoped3A_49 : memref<!tpu.dma_semaphore, #tpu.memory_space<semaphore_mem>>) src(%dma_wait3A_63 : memref<32x64xi32, #tpu.memory_space<hbm>>) dst(%arg6 : memref<32x64xi32, #tpu.memory_space<vmem>>)
      tpu.yield
    }) : () -> ()
    %run_scoped3A_10 = arith.constant 0 : i32
    "tpu.region"() ({
      %run_scoped3A_49 = tpu.sem_alloc : memref<!tpu.dma_semaphore, #tpu.memory_space<semaphore_mem>>
      %dma_start3A = arith.constant 0 : i32
      %dma_start3A_50 = arith.constant 0 : i32
      %dma_start3A_51 = tpu.memref_slice %arg4[%add3A, %run_scoped3A_10, %dma_start3A, %dma_start3A_50] : memref<32x5x32x64xi32, #tpu.memory_space<hbm>> -> memref<1x1x32x64xi32, #tpu.memory_space<hbm>>
      %dma_start3A_52 = tpu.memref_squeeze %dma_start3A_51 : memref<1x1x32x64xi32, #tpu.memory_space<hbm>> -> memref<32x64xi32, #tpu.memory_space<hbm>>
      %dma_start3A_53 = arith.constant 0 : i32
      %dma_start3A_54 = arith.constant 0 : i32
      %dma_start3A_55 = tpu.memref_slice %arg4[%add3A, %run_scoped3A_10, %dma_start3A_53, %dma_start3A_54] : memref<32x5x32x64xi32, #tpu.memory_space<hbm>> -> memref<1x1x32x64xi32, #tpu.memory_space<hbm>>
      %dma_start3A_56 = tpu.memref_squeeze %dma_start3A_55 : memref<1x1x32x64xi32, #tpu.memory_space<hbm>> -> memref<32x64xi32, #tpu.memory_space<hbm>>
      tpu.enqueue_dma source(%dma_start3A_56 : memref<32x64xi32, #tpu.memory_space<hbm>>) target(%arg7 : memref<32x64xi32, #tpu.memory_space<vmem>>) target_semaphore(%run_scoped3A_49 : memref<!tpu.dma_semaphore, #tpu.memory_space<semaphore_mem>>)
      %dma_wait3A = arith.constant 0 : i32
      %dma_wait3A_57 = arith.constant 0 : i32
      %dma_wait3A_58 = tpu.memref_slice %arg4[%add3A, %run_scoped3A_10, %dma_wait3A, %dma_wait3A_57] : memref<32x5x32x64xi32, #tpu.memory_space<hbm>> -> memref<1x1x32x64xi32, #tpu.memory_space<hbm>>
      %dma_wait3A_59 = tpu.memref_squeeze %dma_wait3A_58 : memref<1x1x32x64xi32, #tpu.memory_space<hbm>> -> memref<32x64xi32, #tpu.memory_space<hbm>>
      %dma_wait3A_60 = arith.constant 0 : i32
      %dma_wait3A_61 = arith.constant 0 : i32
      %dma_wait3A_62 = tpu.memref_slice %arg4[%add3A, %run_scoped3A_10, %dma_wait3A_60, %dma_wait3A_61] : memref<32x5x32x64xi32, #tpu.memory_space<hbm>> -> memref<1x1x32x64xi32, #tpu.memory_space<hbm>>
      %dma_wait3A_63 = tpu.memref_squeeze %dma_wait3A_62 : memref<1x1x32x64xi32, #tpu.memory_space<hbm>> -> memref<32x64xi32, #tpu.memory_space<hbm>>
      tpu.wait_dma2 semaphore(%run_scoped3A_49 : memref<!tpu.dma_semaphore, #tpu.memory_space<semaphore_mem>>) src(%dma_wait3A_63 : memref<32x64xi32, #tpu.memory_space<hbm>>) dst(%arg7 : memref<32x64xi32, #tpu.memory_space<vmem>>)
      tpu.yield
    }) : () -> ()
    %scan3A_11 = arith.constant 0 : i32
    %scan3A_12 = arith.constant 8 : i32
    %scan3A_13 = arith.addi %scan3A_11, %scan3A_12 : i32
    %scan3A_14 = arith.constant 1 : i32
    scf.for %scan3A_49 = %scan3A_11 to %scan3A_13 step %scan3A_14  : i32 {
      %mul3A_50 = arith.constant 4 : i32
      %mul3A_51 = arith.muli %scan3A_49, %mul3A_50 : i32
      %add3A_52 = arith.constant 0 : i32
      %add3A_53 = arith.addi %add3A_52, %mul3A_51 : i32
      %add3A_54 = arith.constant 0 : i32
      %add3A_55 = arith.addi %add3A_53, %add3A_54 : i32
      %dma_start3A = arith.constant 0 : i32
      %dma_start3A_56 = arith.constant 0 : i32
      %dma_start3A_57 = arith.constant 0 : i32
      %dma_start3A_58 = tpu.memref_slice %arg8[%dma_start3A, %dma_start3A_56, %dma_start3A_57] : memref<4x64x128xf32, #tpu.memory_space<vmem>> -> memref<1x64x128xf32, #tpu.memory_space<vmem>>
      %dma_start3A_59 = tpu.memref_squeeze %dma_start3A_58 : memref<1x64x128xf32, #tpu.memory_space<vmem>> -> memref<64x128xf32, #tpu.memory_space<vmem>>
      %dma_start3A_60 = arith.constant 0 : i32
      %dma_start3A_61 = tpu.memref_slice %arg6[%add3A_55, %dma_start3A_60] : memref<32x64xi32, #tpu.memory_space<vmem>> -> memref<1x64xi32, #tpu.memory_space<vmem>>
      %dma_start3A_62 = tpu.memref_squeeze %dma_start3A_61 : memref<1x64xi32, #tpu.memory_space<vmem>> -> memref<64xi32, #tpu.memory_space<vmem>>
      %dma_start3A_63 = arith.constant 0 : i32
      %dma_start3A_64 = arith.constant 0 : i32
      %dma_start3A_65 = tpu.memref_slice %arg2[%dma_start3A_63, %dma_start3A_64] : memref<10240x128xf32, #tpu.memory_space<hbm>> -> memref<10240x128xf32, #tpu.memory_space<hbm>>
      tpu.enqueue_indirect_dma source(%dma_start3A_65 : memref<10240x128xf32, #tpu.memory_space<hbm>>) target(%dma_start3A_59 : memref<64x128xf32, #tpu.memory_space<vmem>>) offsets(%dma_start3A_62 : memref<64xi32, #tpu.memory_space<vmem>>) semaphore(%arg10 : memref<!tpu.dma_semaphore, #tpu.memory_space<semaphore_mem>>)
      %add3A_66 = arith.constant 1 : i32
      %add3A_67 = arith.addi %add3A_53, %add3A_66 : i32
      %dma_start3A_68 = arith.constant 1 : i32
      %dma_start3A_69 = arith.constant 0 : i32
      %dma_start3A_70 = arith.constant 0 : i32
      %dma_start3A_71 = tpu.memref_slice %arg8[%dma_start3A_68, %dma_start3A_69, %dma_start3A_70] : memref<4x64x128xf32, #tpu.memory_space<vmem>> -> memref<1x64x128xf32, #tpu.memory_space<vmem>>
      %dma_start3A_72 = tpu.memref_squeeze %dma_start3A_71 : memref<1x64x128xf32, #tpu.memory_space<vmem>> -> memref<64x128xf32, #tpu.memory_space<vmem>>
      %dma_start3A_73 = arith.constant 0 : i32
      %dma_start3A_74 = tpu.memref_slice %arg6[%add3A_67, %dma_start3A_73] : memref<32x64xi32, #tpu.memory_space<vmem>> -> memref<1x64xi32, #tpu.memory_space<vmem>>
      %dma_start3A_75 = tpu.memref_squeeze %dma_start3A_74 : memref<1x64xi32, #tpu.memory_space<vmem>> -> memref<64xi32, #tpu.memory_space<vmem>>
      %dma_start3A_76 = arith.constant 0 : i32
      %dma_start3A_77 = arith.constant 0 : i32
      %dma_start3A_78 = tpu.memref_slice %arg2[%dma_start3A_76, %dma_start3A_77] : memref<10240x128xf32, #tpu.memory_space<hbm>> -> memref<10240x128xf32, #tpu.memory_space<hbm>>
      tpu.enqueue_indirect_dma source(%dma_start3A_78 : memref<10240x128xf32, #tpu.memory_space<hbm>>) target(%dma_start3A_72 : memref<64x128xf32, #tpu.memory_space<vmem>>) offsets(%dma_start3A_75 : memref<64xi32, #tpu.memory_space<vmem>>) semaphore(%arg11 : memref<!tpu.dma_semaphore, #tpu.memory_space<semaphore_mem>>)
      %add3A_79 = arith.constant 2 : i32
      %add3A_80 = arith.addi %add3A_53, %add3A_79 : i32
      %dma_start3A_81 = arith.constant 2 : i32
      %dma_start3A_82 = arith.constant 0 : i32
      %dma_start3A_83 = arith.constant 0 : i32
      %dma_start3A_84 = tpu.memref_slice %arg8[%dma_start3A_81, %dma_start3A_82, %dma_start3A_83] : memref<4x64x128xf32, #tpu.memory_space<vmem>> -> memref<1x64x128xf32, #tpu.memory_space<vmem>>
      %dma_start3A_85 = tpu.memref_squeeze %dma_start3A_84 : memref<1x64x128xf32, #tpu.memory_space<vmem>> -> memref<64x128xf32, #tpu.memory_space<vmem>>
      %dma_start3A_86 = arith.constant 0 : i32
      %dma_start3A_87 = tpu.memref_slice %arg6[%add3A_80, %dma_start3A_86] : memref<32x64xi32, #tpu.memory_space<vmem>> -> memref<1x64xi32, #tpu.memory_space<vmem>>
      %dma_start3A_88 = tpu.memref_squeeze %dma_start3A_87 : memref<1x64xi32, #tpu.memory_space<vmem>> -> memref<64xi32, #tpu.memory_space<vmem>>
      %dma_start3A_89 = arith.constant 0 : i32
      %dma_start3A_90 = arith.constant 0 : i32
      %dma_start3A_91 = tpu.memref_slice %arg2[%dma_start3A_89, %dma_start3A_90] : memref<10240x128xf32, #tpu.memory_space<hbm>> -> memref<10240x128xf32, #tpu.memory_space<hbm>>
      tpu.enqueue_indirect_dma source(%dma_start3A_91 : memref<10240x128xf32, #tpu.memory_space<hbm>>) target(%dma_start3A_85 : memref<64x128xf32, #tpu.memory_space<vmem>>) offsets(%dma_start3A_88 : memref<64xi32, #tpu.memory_space<vmem>>) semaphore(%arg12 : memref<!tpu.dma_semaphore, #tpu.memory_space<semaphore_mem>>)
      %add3A_92 = arith.constant 3 : i32
      %add3A_93 = arith.addi %add3A_53, %add3A_92 : i32
      %dma_start3A_94 = arith.constant 3 : i32
      %dma_start3A_95 = arith.constant 0 : i32
      %dma_start3A_96 = arith.constant 0 : i32
      %dma_start3A_97 = tpu.memref_slice %arg8[%dma_start3A_94, %dma_start3A_95, %dma_start3A_96] : memref<4x64x128xf32, #tpu.memory_space<vmem>> -> memref<1x64x128xf32, #tpu.memory_space<vmem>>
      %dma_start3A_98 = tpu.memref_squeeze %dma_start3A_97 : memref<1x64x128xf32, #tpu.memory_space<vmem>> -> memref<64x128xf32, #tpu.memory_space<vmem>>
      %dma_start3A_99 = arith.constant 0 : i32
      %dma_start3A_100 = tpu.memref_slice %arg6[%add3A_93, %dma_start3A_99] : memref<32x64xi32, #tpu.memory_space<vmem>> -> memref<1x64xi32, #tpu.memory_space<vmem>>
      %dma_start3A_101 = tpu.memref_squeeze %dma_start3A_100 : memref<1x64xi32, #tpu.memory_space<vmem>> -> memref<64xi32, #tpu.memory_space<vmem>>
      %dma_start3A_102 = arith.constant 0 : i32
      %dma_start3A_103 = arith.constant 0 : i32
      %dma_start3A_104 = tpu.memref_slice %arg2[%dma_start3A_102, %dma_start3A_103] : memref<10240x128xf32, #tpu.memory_space<hbm>> -> memref<10240x128xf32, #tpu.memory_space<hbm>>
      tpu.enqueue_indirect_dma source(%dma_start3A_104 : memref<10240x128xf32, #tpu.memory_space<hbm>>) target(%dma_start3A_98 : memref<64x128xf32, #tpu.memory_space<vmem>>) offsets(%dma_start3A_101 : memref<64xi32, #tpu.memory_space<vmem>>) semaphore(%arg13 : memref<!tpu.dma_semaphore, #tpu.memory_space<semaphore_mem>>)
      %dma_wait3A = arith.constant 0 : i32
      %dma_wait3A_105 = arith.constant 0 : i32
      %dma_wait3A_106 = arith.constant 0 : i32
      %dma_wait3A_107 = tpu.memref_slice %arg8[%dma_wait3A, %dma_wait3A_105, %dma_wait3A_106] : memref<4x64x128xf32, #tpu.memory_space<vmem>> -> memref<1x64x128xf32, #tpu.memory_space<vmem>>
      %dma_wait3A_108 = tpu.memref_squeeze %dma_wait3A_107 : memref<1x64x128xf32, #tpu.memory_space<vmem>> -> memref<64x128xf32, #tpu.memory_space<vmem>>
      %dma_wait3A_109 = arith.constant 0 : i32
      %dma_wait3A_110 = tpu.memref_slice %arg6[%add3A_55, %dma_wait3A_109] : memref<32x64xi32, #tpu.memory_space<vmem>> -> memref<1x64xi32, #tpu.memory_space<vmem>>
      %dma_wait3A_111 = tpu.memref_squeeze %dma_wait3A_110 : memref<1x64xi32, #tpu.memory_space<vmem>> -> memref<64xi32, #tpu.memory_space<vmem>>
      %dma_wait3A_112 = arith.constant 0 : i32
      %dma_wait3A_113 = arith.constant 0 : i32
      %dma_wait3A_114 = tpu.memref_slice %arg2[%dma_wait3A_112, %dma_wait3A_113] : memref<10240x128xf32, #tpu.memory_space<hbm>> -> memref<10240x128xf32, #tpu.memory_space<hbm>>
      tpu.wait_indirect_dma semaphore(%arg10 : memref<!tpu.dma_semaphore, #tpu.memory_space<semaphore_mem>>) src(%dma_wait3A_114 : memref<10240x128xf32, #tpu.memory_space<hbm>>) dst(%dma_wait3A_108 : memref<64x128xf32, #tpu.memory_space<vmem>>)
      %add3A_115 = arith.constant 0 : i32
      %add3A_116 = arith.addi %add3A_53, %add3A_115 : i32
      %run_scoped3A_117 = arith.constant 0 : i32
      "tpu.region"() ({
        %run_scoped3A_160 = tpu.sem_alloc : memref<!tpu.dma_semaphore, #tpu.memory_space<semaphore_mem>>
        %dma_start3A_161 = arith.constant 0 : i32
        %dma_start3A_162 = arith.constant 0 : i32
        %dma_start3A_163 = tpu.memref_slice %arg8[%run_scoped3A_117, %dma_start3A_161, %dma_start3A_162] : memref<4x64x128xf32, #tpu.memory_space<vmem>> -> memref<1x64x128xf32, #tpu.memory_space<vmem>>
        %dma_start3A_164 = tpu.memref_squeeze %dma_start3A_163 : memref<1x64x128xf32, #tpu.memory_space<vmem>> -> memref<64x128xf32, #tpu.memory_space<vmem>>
        %dma_start3A_165 = arith.constant 0 : i32
        %dma_start3A_166 = tpu.memref_slice %arg7[%add3A_116, %dma_start3A_165] : memref<32x64xi32, #tpu.memory_space<vmem>> -> memref<1x64xi32, #tpu.memory_space<vmem>>
        %dma_start3A_167 = tpu.memref_squeeze %dma_start3A_166 : memref<1x64xi32, #tpu.memory_space<vmem>> -> memref<64xi32, #tpu.memory_space<vmem>>
        %dma_start3A_168 = arith.constant 0 : i32
        %dma_start3A_169 = arith.constant 0 : i32
        %dma_start3A_170 = tpu.memref_slice %arg9[%dma_start3A_168, %dma_start3A_169] : memref<10240x128xf32, #tpu.memory_space<vmem_shared>> -> memref<10240x128xf32, #tpu.memory_space<vmem_shared>>
        tpu.enqueue_indirect_dma source(%dma_start3A_164 : memref<64x128xf32, #tpu.memory_space<vmem>>) target(%dma_start3A_170 : memref<10240x128xf32, #tpu.memory_space<vmem_shared>>) offsets(%dma_start3A_167 : memref<64xi32, #tpu.memory_space<vmem>>) semaphore(%run_scoped3A_160 : memref<!tpu.dma_semaphore, #tpu.memory_space<semaphore_mem>>) {add = true}
        %dma_wait3A_171 = arith.constant 0 : i32
        %dma_wait3A_172 = arith.constant 0 : i32
        %dma_wait3A_173 = tpu.memref_slice %arg8[%run_scoped3A_117, %dma_wait3A_171, %dma_wait3A_172] : memref<4x64x128xf32, #tpu.memory_space<vmem>> -> memref<1x64x128xf32, #tpu.memory_space<vmem>>
        %dma_wait3A_174 = tpu.memref_squeeze %dma_wait3A_173 : memref<1x64x128xf32, #tpu.memory_space<vmem>> -> memref<64x128xf32, #tpu.memory_space<vmem>>
        %dma_wait3A_175 = arith.constant 0 : i32
        %dma_wait3A_176 = tpu.memref_slice %arg7[%add3A_116, %dma_wait3A_175] : memref<32x64xi32, #tpu.memory_space<vmem>> -> memref<1x64xi32, #tpu.memory_space<vmem>>
        %dma_wait3A_177 = tpu.memref_squeeze %dma_wait3A_176 : memref<1x64xi32, #tpu.memory_space<vmem>> -> memref<64xi32, #tpu.memory_space<vmem>>
        %dma_wait3A_178 = arith.constant 0 : i32
        %dma_wait3A_179 = arith.constant 0 : i32
        %dma_wait3A_180 = tpu.memref_slice %arg9[%dma_wait3A_178, %dma_wait3A_179] : memref<10240x128xf32, #tpu.memory_space<vmem_shared>> -> memref<10240x128xf32, #tpu.memory_space<vmem_shared>>
        tpu.wait_indirect_dma semaphore(%run_scoped3A_160 : memref<!tpu.dma_semaphore, #tpu.memory_space<semaphore_mem>>) src(%dma_wait3A_174 : memref<64x128xf32, #tpu.memory_space<vmem>>) dst(%dma_wait3A_180 : memref<10240x128xf32, #tpu.memory_space<vmem_shared>>)
        tpu.yield
      }) : () -> ()
      %dma_wait3A_118 = arith.constant 1 : i32
      %dma_wait3A_119 = arith.constant 0 : i32
      %dma_wait3A_120 = arith.constant 0 : i32
      %dma_wait3A_121 = tpu.memref_slice %arg8[%dma_wait3A_118, %dma_wait3A_119, %dma_wait3A_120] : memref<4x64x128xf32, #tpu.memory_space<vmem>> -> memref<1x64x128xf32, #tpu.memory_space<vmem>>
      %dma_wait3A_122 = tpu.memref_squeeze %dma_wait3A_121 : memref<1x64x128xf32, #tpu.memory_space<vmem>> -> memref<64x128xf32, #tpu.memory_space<vmem>>
      %dma_wait3A_123 = arith.constant 0 : i32
      %dma_wait3A_124 = tpu.memref_slice %arg6[%add3A_67, %dma_wait3A_123] : memref<32x64xi32, #tpu.memory_space<vmem>> -> memref<1x64xi32, #tpu.memory_space<vmem>>
      %dma_wait3A_125 = tpu.memref_squeeze %dma_wait3A_124 : memref<1x64xi32, #tpu.memory_space<vmem>> -> memref<64xi32, #tpu.memory_space<vmem>>
      %dma_wait3A_126 = arith.constant 0 : i32
      %dma_wait3A_127 = arith.constant 0 : i32
      %dma_wait3A_128 = tpu.memref_slice %arg2[%dma_wait3A_126, %dma_wait3A_127] : memref<10240x128xf32, #tpu.memory_space<hbm>> -> memref<10240x128xf32, #tpu.memory_space<hbm>>
      tpu.wait_indirect_dma semaphore(%arg11 : memref<!tpu.dma_semaphore, #tpu.memory_space<semaphore_mem>>) src(%dma_wait3A_128 : memref<10240x128xf32, #tpu.memory_space<hbm>>) dst(%dma_wait3A_122 : memref<64x128xf32, #tpu.memory_space<vmem>>)
      %add3A_129 = arith.constant 1 : i32
      %add3A_130 = arith.addi %add3A_53, %add3A_129 : i32
      %run_scoped3A_131 = arith.constant 1 : i32
      "tpu.region"() ({
        %run_scoped3A_160 = tpu.sem_alloc : memref<!tpu.dma_semaphore, #tpu.memory_space<semaphore_mem>>
        %dma_start3A_161 = arith.constant 0 : i32
        %dma_start3A_162 = arith.constant 0 : i32
        %dma_start3A_163 = tpu.memref_slice %arg8[%run_scoped3A_131, %dma_start3A_161, %dma_start3A_162] : memref<4x64x128xf32, #tpu.memory_space<vmem>> -> memref<1x64x128xf32, #tpu.memory_space<vmem>>
        %dma_start3A_164 = tpu.memref_squeeze %dma_start3A_163 : memref<1x64x128xf32, #tpu.memory_space<vmem>> -> memref<64x128xf32, #tpu.memory_space<vmem>>
        %dma_start3A_165 = arith.constant 0 : i32
        %dma_start3A_166 = tpu.memref_slice %arg7[%add3A_130, %dma_start3A_165] : memref<32x64xi32, #tpu.memory_space<vmem>> -> memref<1x64xi32, #tpu.memory_space<vmem>>
        %dma_start3A_167 = tpu.memref_squeeze %dma_start3A_166 : memref<1x64xi32, #tpu.memory_space<vmem>> -> memref<64xi32, #tpu.memory_space<vmem>>
        %dma_start3A_168 = arith.constant 0 : i32
        %dma_start3A_169 = arith.constant 0 : i32
        %dma_start3A_170 = tpu.memref_slice %arg9[%dma_start3A_168, %dma_start3A_169] : memref<10240x128xf32, #tpu.memory_space<vmem_shared>> -> memref<10240x128xf32, #tpu.memory_space<vmem_shared>>
        tpu.enqueue_indirect_dma source(%dma_start3A_164 : memref<64x128xf32, #tpu.memory_space<vmem>>) target(%dma_start3A_170 : memref<10240x128xf32, #tpu.memory_space<vmem_shared>>) offsets(%dma_start3A_167 : memref<64xi32, #tpu.memory_space<vmem>>) semaphore(%run_scoped3A_160 : memref<!tpu.dma_semaphore, #tpu.memory_space<semaphore_mem>>) {add = true}
        %dma_wait3A_171 = arith.constant 0 : i32
        %dma_wait3A_172 = arith.constant 0 : i32
        %dma_wait3A_173 = tpu.memref_slice %arg8[%run_scoped3A_131, %dma_wait3A_171, %dma_wait3A_172] : memref<4x64x128xf32, #tpu.memory_space<vmem>> -> memref<1x64x128xf32, #tpu.memory_space<vmem>>
        %dma_wait3A_174 = tpu.memref_squeeze %dma_wait3A_173 : memref<1x64x128xf32, #tpu.memory_space<vmem>> -> memref<64x128xf32, #tpu.memory_space<vmem>>
        %dma_wait3A_175 = arith.constant 0 : i32
        %dma_wait3A_176 = tpu.memref_slice %arg7[%add3A_130, %dma_wait3A_175] : memref<32x64xi32, #tpu.memory_space<vmem>> -> memref<1x64xi32, #tpu.memory_space<vmem>>
        %dma_wait3A_177 = tpu.memref_squeeze %dma_wait3A_176 : memref<1x64xi32, #tpu.memory_space<vmem>> -> memref<64xi32, #tpu.memory_space<vmem>>
        %dma_wait3A_178 = arith.constant 0 : i32
        %dma_wait3A_179 = arith.constant 0 : i32
        %dma_wait3A_180 = tpu.memref_slice %arg9[%dma_wait3A_178, %dma_wait3A_179] : memref<10240x128xf32, #tpu.memory_space<vmem_shared>> -> memref<10240x128xf32, #tpu.memory_space<vmem_shared>>
        tpu.wait_indirect_dma semaphore(%run_scoped3A_160 : memref<!tpu.dma_semaphore, #tpu.memory_space<semaphore_mem>>) src(%dma_wait3A_174 : memref<64x128xf32, #tpu.memory_space<vmem>>) dst(%dma_wait3A_180 : memref<10240x128xf32, #tpu.memory_space<vmem_shared>>)
        tpu.yield
      }) : () -> ()
      %dma_wait3A_132 = arith.constant 2 : i32
      %dma_wait3A_133 = arith.constant 0 : i32
      %dma_wait3A_134 = arith.constant 0 : i32
      %dma_wait3A_135 = tpu.memref_slice %arg8[%dma_wait3A_132, %dma_wait3A_133, %dma_wait3A_134] : memref<4x64x128xf32, #tpu.memory_space<vmem>> -> memref<1x64x128xf32, #tpu.memory_space<vmem>>
      %dma_wait3A_136 = tpu.memref_squeeze %dma_wait3A_135 : memref<1x64x128xf32, #tpu.memory_space<vmem>> -> memref<64x128xf32, #tpu.memory_space<vmem>>
      %dma_wait3A_137 = arith.constant 0 : i32
      %dma_wait3A_138 = tpu.memref_slice %arg6[%add3A_80, %dma_wait3A_137] : memref<32x64xi32, #tpu.memory_space<vmem>> -> memref<1x64xi32, #tpu.memory_space<vmem>>
      %dma_wait3A_139 = tpu.memref_squeeze %dma_wait3A_138 : memref<1x64xi32, #tpu.memory_space<vmem>> -> memref<64xi32, #tpu.memory_space<vmem>>
      %dma_wait3A_140 = arith.constant 0 : i32
      %dma_wait3A_141 = arith.constant 0 : i32
      %dma_wait3A_142 = tpu.memref_slice %arg2[%dma_wait3A_140, %dma_wait3A_141] : memref<10240x128xf32, #tpu.memory_space<hbm>> -> memref<10240x128xf32, #tpu.memory_space<hbm>>
      tpu.wait_indirect_dma semaphore(%arg12 : memref<!tpu.dma_semaphore, #tpu.memory_space<semaphore_mem>>) src(%dma_wait3A_142 : memref<10240x128xf32, #tpu.memory_space<hbm>>) dst(%dma_wait3A_136 : memref<64x128xf32, #tpu.memory_space<vmem>>)
      %add3A_143 = arith.constant 2 : i32
      %add3A_144 = arith.addi %add3A_53, %add3A_143 : i32
      %run_scoped3A_145 = arith.constant 2 : i32
      "tpu.region"() ({
        %run_scoped3A_160 = tpu.sem_alloc : memref<!tpu.dma_semaphore, #tpu.memory_space<semaphore_mem>>
        %dma_start3A_161 = arith.constant 0 : i32
        %dma_start3A_162 = arith.constant 0 : i32
        %dma_start3A_163 = tpu.memref_slice %arg8[%run_scoped3A_145, %dma_start3A_161, %dma_start3A_162] : memref<4x64x128xf32, #tpu.memory_space<vmem>> -> memref<1x64x128xf32, #tpu.memory_space<vmem>>
        %dma_start3A_164 = tpu.memref_squeeze %dma_start3A_163 : memref<1x64x128xf32, #tpu.memory_space<vmem>> -> memref<64x128xf32, #tpu.memory_space<vmem>>
        %dma_start3A_165 = arith.constant 0 : i32
        %dma_start3A_166 = tpu.memref_slice %arg7[%add3A_144, %dma_start3A_165] : memref<32x64xi32, #tpu.memory_space<vmem>> -> memref<1x64xi32, #tpu.memory_space<vmem>>
        %dma_start3A_167 = tpu.memref_squeeze %dma_start3A_166 : memref<1x64xi32, #tpu.memory_space<vmem>> -> memref<64xi32, #tpu.memory_space<vmem>>
        %dma_start3A_168 = arith.constant 0 : i32
        %dma_start3A_169 = arith.constant 0 : i32
        %dma_start3A_170 = tpu.memref_slice %arg9[%dma_start3A_168, %dma_start3A_169] : memref<10240x128xf32, #tpu.memory_space<vmem_shared>> -> memref<10240x128xf32, #tpu.memory_space<vmem_shared>>
        tpu.enqueue_indirect_dma source(%dma_start3A_164 : memref<64x128xf32, #tpu.memory_space<vmem>>) target(%dma_start3A_170 : memref<10240x128xf32, #tpu.memory_space<vmem_shared>>) offsets(%dma_start3A_167 : memref<64xi32, #tpu.memory_space<vmem>>) semaphore(%run_scoped3A_160 : memref<!tpu.dma_semaphore, #tpu.memory_space<semaphore_mem>>) {add = true}
        %dma_wait3A_171 = arith.constant 0 : i32
        %dma_wait3A_172 = arith.constant 0 : i32
        %dma_wait3A_173 = tpu.memref_slice %arg8[%run_scoped3A_145, %dma_wait3A_171, %dma_wait3A_172] : memref<4x64x128xf32, #tpu.memory_space<vmem>> -> memref<1x64x128xf32, #tpu.memory_space<vmem>>
        %dma_wait3A_174 = tpu.memref_squeeze %dma_wait3A_173 : memref<1x64x128xf32, #tpu.memory_space<vmem>> -> memref<64x128xf32, #tpu.memory_space<vmem>>
        %dma_wait3A_175 = arith.constant 0 : i32
        %dma_wait3A_176 = tpu.memref_slice %arg7[%add3A_144, %dma_wait3A_175] : memref<32x64xi32, #tpu.memory_space<vmem>> -> memref<1x64xi32, #tpu.memory_space<vmem>>
        %dma_wait3A_177 = tpu.memref_squeeze %dma_wait3A_176 : memref<1x64xi32, #tpu.memory_space<vmem>> -> memref<64xi32, #tpu.memory_space<vmem>>
        %dma_wait3A_178 = arith.constant 0 : i32
        %dma_wait3A_179 = arith.constant 0 : i32
        %dma_wait3A_180 = tpu.memref_slice %arg9[%dma_wait3A_178, %dma_wait3A_179] : memref<10240x128xf32, #tpu.memory_space<vmem_shared>> -> memref<10240x128xf32, #tpu.memory_space<vmem_shared>>
        tpu.wait_indirect_dma semaphore(%run_scoped3A_160 : memref<!tpu.dma_semaphore, #tpu.memory_space<semaphore_mem>>) src(%dma_wait3A_174 : memref<64x128xf32, #tpu.memory_space<vmem>>) dst(%dma_wait3A_180 : memref<10240x128xf32, #tpu.memory_space<vmem_shared>>)
        tpu.yield
      }) : () -> ()
      %dma_wait3A_146 = arith.constant 3 : i32
      %dma_wait3A_147 = arith.constant 0 : i32
      %dma_wait3A_148 = arith.constant 0 : i32
      %dma_wait3A_149 = tpu.memref_slice %arg8[%dma_wait3A_146, %dma_wait3A_147, %dma_wait3A_148] : memref<4x64x128xf32, #tpu.memory_space<vmem>> -> memref<1x64x128xf32, #tpu.memory_space<vmem>>
      %dma_wait3A_150 = tpu.memref_squeeze %dma_wait3A_149 : memref<1x64x128xf32, #tpu.memory_space<vmem>> -> memref<64x128xf32, #tpu.memory_space<vmem>>
      %dma_wait3A_151 = arith.constant 0 : i32
      %dma_wait3A_152 = tpu.memref_slice %arg6[%add3A_93, %dma_wait3A_151] : memref<32x64xi32, #tpu.memory_space<vmem>> -> memref<1x64xi32, #tpu.memory_space<vmem>>
      %dma_wait3A_153 = tpu.memref_squeeze %dma_wait3A_152 : memref<1x64xi32, #tpu.memory_space<vmem>> -> memref<64xi32, #tpu.memory_space<vmem>>
      %dma_wait3A_154 = arith.constant 0 : i32
      %dma_wait3A_155 = arith.constant 0 : i32
      %dma_wait3A_156 = tpu.memref_slice %arg2[%dma_wait3A_154, %dma_wait3A_155] : memref<10240x128xf32, #tpu.memory_space<hbm>> -> memref<10240x128xf32, #tpu.memory_space<hbm>>
      tpu.wait_indirect_dma semaphore(%arg13 : memref<!tpu.dma_semaphore, #tpu.memory_space<semaphore_mem>>) src(%dma_wait3A_156 : memref<10240x128xf32, #tpu.memory_space<hbm>>) dst(%dma_wait3A_150 : memref<64x128xf32, #tpu.memory_space<vmem>>)
      %add3A_157 = arith.constant 3 : i32
      %add3A_158 = arith.addi %add3A_53, %add3A_157 : i32
      %run_scoped3A_159 = arith.constant 3 : i32
      "tpu.region"() ({
        %run_scoped3A_160 = tpu.sem_alloc : memref<!tpu.dma_semaphore, #tpu.memory_space<semaphore_mem>>
        %dma_start3A_161 = arith.constant 0 : i32
        %dma_start3A_162 = arith.constant 0 : i32
        %dma_start3A_163 = tpu.memref_slice %arg8[%run_scoped3A_159, %dma_start3A_161, %dma_start3A_162] : memref<4x64x128xf32, #tpu.memory_space<vmem>> -> memref<1x64x128xf32, #tpu.memory_space<vmem>>
        %dma_start3A_164 = tpu.memref_squeeze %dma_start3A_163 : memref<1x64x128xf32, #tpu.memory_space<vmem>> -> memref<64x128xf32, #tpu.memory_space<vmem>>
        %dma_start3A_165 = arith.constant 0 : i32
        %dma_start3A_166 = tpu.memref_slice %arg7[%add3A_158, %dma_start3A_165] : memref<32x64xi32, #tpu.memory_space<vmem>> -> memref<1x64xi32, #tpu.memory_space<vmem>>
        %dma_start3A_167 = tpu.memref_squeeze %dma_start3A_166 : memref<1x64xi32, #tpu.memory_space<vmem>> -> memref<64xi32, #tpu.memory_space<vmem>>
        %dma_start3A_168 = arith.constant 0 : i32
        %dma_start3A_169 = arith.constant 0 : i32
        %dma_start3A_170 = tpu.memref_slice %arg9[%dma_start3A_168, %dma_start3A_169] : memref<10240x128xf32, #tpu.memory_space<vmem_shared>> -> memref<10240x128xf32, #tpu.memory_space<vmem_shared>>
        tpu.enqueue_indirect_dma source(%dma_start3A_164 : memref<64x128xf32, #tpu.memory_space<vmem>>) target(%dma_start3A_170 : memref<10240x128xf32, #tpu.memory_space<vmem_shared>>) offsets(%dma_start3A_167 : memref<64xi32, #tpu.memory_space<vmem>>) semaphore(%run_scoped3A_160 : memref<!tpu.dma_semaphore, #tpu.memory_space<semaphore_mem>>) {add = true}
        %dma_wait3A_171 = arith.constant 0 : i32
        %dma_wait3A_172 = arith.constant 0 : i32
        %dma_wait3A_173 = tpu.memref_slice %arg8[%run_scoped3A_159, %dma_wait3A_171, %dma_wait3A_172] : memref<4x64x128xf32, #tpu.memory_space<vmem>> -> memref<1x64x128xf32, #tpu.memory_space<vmem>>
        %dma_wait3A_174 = tpu.memref_squeeze %dma_wait3A_173 : memref<1x64x128xf32, #tpu.memory_space<vmem>> -> memref<64x128xf32, #tpu.memory_space<vmem>>
        %dma_wait3A_175 = arith.constant 0 : i32
        %dma_wait3A_176 = tpu.memref_slice %arg7[%add3A_158, %dma_wait3A_175] : memref<32x64xi32, #tpu.memory_space<vmem>> -> memref<1x64xi32, #tpu.memory_space<vmem>>
        %dma_wait3A_177 = tpu.memref_squeeze %dma_wait3A_176 : memref<1x64xi32, #tpu.memory_space<vmem>> -> memref<64xi32, #tpu.memory_space<vmem>>
        %dma_wait3A_178 = arith.constant 0 : i32
        %dma_wait3A_179 = arith.constant 0 : i32
        %dma_wait3A_180 = tpu.memref_slice %arg9[%dma_wait3A_178, %dma_wait3A_179] : memref<10240x128xf32, #tpu.memory_space<vmem_shared>> -> memref<10240x128xf32, #tpu.memory_space<vmem_shared>>
        tpu.wait_indirect_dma semaphore(%run_scoped3A_160 : memref<!tpu.dma_semaphore, #tpu.memory_space<semaphore_mem>>) src(%dma_wait3A_174 : memref<64x128xf32, #tpu.memory_space<vmem>>) dst(%dma_wait3A_180 : memref<10240x128xf32, #tpu.memory_space<vmem_shared>>)
        tpu.yield
      }) : () -> ()
    }
    %scan3A_15 = arith.constant 8 : i32
    %run_scoped3A_16 = arith.constant 1 : i32
    "tpu.region"() ({
      %run_scoped3A_49 = tpu.sem_alloc : memref<!tpu.dma_semaphore, #tpu.memory_space<semaphore_mem>>
      %dma_start3A = arith.constant 0 : i32
      %dma_start3A_50 = arith.constant 0 : i32
      %dma_start3A_51 = tpu.memref_slice %arg3[%add3A, %run_scoped3A_16, %dma_start3A, %dma_start3A_50] : memref<32x5x32x64xi32, #tpu.memory_space<hbm>> -> memref<1x1x32x64xi32, #tpu.memory_space<hbm>>
      %dma_start3A_52 = tpu.memref_squeeze %dma_start3A_51 : memref<1x1x32x64xi32, #tpu.memory_space<hbm>> -> memref<32x64xi32, #tpu.memory_space<hbm>>
      %dma_start3A_53 = arith.constant 0 : i32
      %dma_start3A_54 = arith.constant 0 : i32
      %dma_start3A_55 = tpu.memref_slice %arg3[%add3A, %run_scoped3A_16, %dma_start3A_53, %dma_start3A_54] : memref<32x5x32x64xi32, #tpu.memory_space<hbm>> -> memref<1x1x32x64xi32, #tpu.memory_space<hbm>>
      %dma_start3A_56 = tpu.memref_squeeze %dma_start3A_55 : memref<1x1x32x64xi32, #tpu.memory_space<hbm>> -> memref<32x64xi32, #tpu.memory_space<hbm>>
      tpu.enqueue_dma source(%dma_start3A_56 : memref<32x64xi32, #tpu.memory_space<hbm>>) target(%arg6 : memref<32x64xi32, #tpu.memory_space<vmem>>) target_semaphore(%run_scoped3A_49 : memref<!tpu.dma_semaphore, #tpu.memory_space<semaphore_mem>>)
      %dma_wait3A = arith.constant 0 : i32
      %dma_wait3A_57 = arith.constant 0 : i32
      %dma_wait3A_58 = tpu.memref_slice %arg3[%add3A, %run_scoped3A_16, %dma_wait3A, %dma_wait3A_57] : memref<32x5x32x64xi32, #tpu.memory_space<hbm>> -> memref<1x1x32x64xi32, #tpu.memory_space<hbm>>
      %dma_wait3A_59 = tpu.memref_squeeze %dma_wait3A_58 : memref<1x1x32x64xi32, #tpu.memory_space<hbm>> -> memref<32x64xi32, #tpu.memory_space<hbm>>
      %dma_wait3A_60 = arith.constant 0 : i32
      %dma_wait3A_61 = arith.constant 0 : i32
      %dma_wait3A_62 = tpu.memref_slice %arg3[%add3A, %run_scoped3A_16, %dma_wait3A_60, %dma_wait3A_61] : memref<32x5x32x64xi32, #tpu.memory_space<hbm>> -> memref<1x1x32x64xi32, #tpu.memory_space<hbm>>
      %dma_wait3A_63 = tpu.memref_squeeze %dma_wait3A_62 : memref<1x1x32x64xi32, #tpu.memory_space<hbm>> -> memref<32x64xi32, #tpu.memory_space<hbm>>
      tpu.wait_dma2 semaphore(%run_scoped3A_49 : memref<!tpu.dma_semaphore, #tpu.memory_space<semaphore_mem>>) src(%dma_wait3A_63 : memref<32x64xi32, #tpu.memory_space<hbm>>) dst(%arg6 : memref<32x64xi32, #tpu.memory_space<vmem>>)
      tpu.yield
    }) : () -> ()
    %run_scoped3A_17 = arith.constant 1 : i32
    "tpu.region"() ({
      %run_scoped3A_49 = tpu.sem_alloc : memref<!tpu.dma_semaphore, #tpu.memory_space<semaphore_mem>>
      %dma_start3A = arith.constant 0 : i32
      %dma_start3A_50 = arith.constant 0 : i32
      %dma_start3A_51 = tpu.memref_slice %arg4[%add3A, %run_scoped3A_17, %dma_start3A, %dma_start3A_50] : memref<32x5x32x64xi32, #tpu.memory_space<hbm>> -> memref<1x1x32x64xi32, #tpu.memory_space<hbm>>
      %dma_start3A_52 = tpu.memref_squeeze %dma_start3A_51 : memref<1x1x32x64xi32, #tpu.memory_space<hbm>> -> memref<32x64xi32, #tpu.memory_space<hbm>>
      %dma_start3A_53 = arith.constant 0 : i32
      %dma_start3A_54 = arith.constant 0 : i32
      %dma_start3A_55 = tpu.memref_slice %arg4[%add3A, %run_scoped3A_17, %dma_start3A_53, %dma_start3A_54] : memref<32x5x32x64xi32, #tpu.memory_space<hbm>> -> memref<1x1x32x64xi32, #tpu.memory_space<hbm>>
      %dma_start3A_56 = tpu.memref_squeeze %dma_start3A_55 : memref<1x1x32x64xi32, #tpu.memory_space<hbm>> -> memref<32x64xi32, #tpu.memory_space<hbm>>
      tpu.enqueue_dma source(%dma_start3A_56 : memref<32x64xi32, #tpu.memory_space<hbm>>) target(%arg7 : memref<32x64xi32, #tpu.memory_space<vmem>>) target_semaphore(%run_scoped3A_49 : memref<!tpu.dma_semaphore, #tpu.memory_space<semaphore_mem>>)
      %dma_wait3A = arith.constant 0 : i32
      %dma_wait3A_57 = arith.constant 0 : i32
      %dma_wait3A_58 = tpu.memref_slice %arg4[%add3A, %run_scoped3A_17, %dma_wait3A, %dma_wait3A_57] : memref<32x5x32x64xi32, #tpu.memory_space<hbm>> -> memref<1x1x32x64xi32, #tpu.memory_space<hbm>>
      %dma_wait3A_59 = tpu.memref_squeeze %dma_wait3A_58 : memref<1x1x32x64xi32, #tpu.memory_space<hbm>> -> memref<32x64xi32, #tpu.memory_space<hbm>>
      %dma_wait3A_60 = arith.constant 0 : i32
      %dma_wait3A_61 = arith.constant 0 : i32
      %dma_wait3A_62 = tpu.memref_slice %arg4[%add3A, %run_scoped3A_17, %dma_wait3A_60, %dma_wait3A_61] : memref<32x5x32x64xi32, #tpu.memory_space<hbm>> -> memref<1x1x32x64xi32, #tpu.memory_space<hbm>>
      %dma_wait3A_63 = tpu.memref_squeeze %dma_wait3A_62 : memref<1x1x32x64xi32, #tpu.memory_space<hbm>> -> memref<32x64xi32, #tpu.memory_space<hbm>>
      tpu.wait_dma2 semaphore(%run_scoped3A_49 : memref<!tpu.dma_semaphore, #tpu.memory_space<semaphore_mem>>) src(%dma_wait3A_63 : memref<32x64xi32, #tpu.memory_space<hbm>>) dst(%arg7 : memref<32x64xi32, #tpu.memory_space<vmem>>)
      tpu.yield
    }) : () -> ()
    %scan3A_18 = arith.constant 0 : i32
    %scan3A_19 = arith.constant 8 : i32
    %scan3A_20 = arith.addi %scan3A_18, %scan3A_19 : i32
    %scan3A_21 = arith.constant 1 : i32
    scf.for %scan3A_49 = %scan3A_18 to %scan3A_20 step %scan3A_21  : i32 {
      %mul3A_50 = arith.constant 4 : i32
      %mul3A_51 = arith.muli %scan3A_49, %mul3A_50 : i32
      %add3A_52 = arith.constant 0 : i32
      %add3A_53 = arith.addi %add3A_52, %mul3A_51 : i32
      %add3A_54 = arith.constant 0 : i32
      %add3A_55 = arith.addi %add3A_53, %add3A_54 : i32
      %dma_start3A = arith.constant 0 : i32
      %dma_start3A_56 = arith.constant 0 : i32
      %dma_start3A_57 = arith.constant 0 : i32
      %dma_start3A_58 = tpu.memref_slice %arg8[%dma_start3A, %dma_start3A_56, %dma_start3A_57] : memref<4x64x128xf32, #tpu.memory_space<vmem>> -> memref<1x64x128xf32, #tpu.memory_space<vmem>>
      %dma_start3A_59 = tpu.memref_squeeze %dma_start3A_58 : memref<1x64x128xf32, #tpu.memory_space<vmem>> -> memref<64x128xf32, #tpu.memory_space<vmem>>
      %dma_start3A_60 = arith.constant 0 : i32
      %dma_start3A_61 = tpu.memref_slice %arg6[%add3A_55, %dma_start3A_60] : memref<32x64xi32, #tpu.memory_space<vmem>> -> memref<1x64xi32, #tpu.memory_space<vmem>>
      %dma_start3A_62 = tpu.memref_squeeze %dma_start3A_61 : memref<1x64xi32, #tpu.memory_space<vmem>> -> memref<64xi32, #tpu.memory_space<vmem>>
      %dma_start3A_63 = arith.constant 0 : i32
      %dma_start3A_64 = arith.constant 0 : i32
      %dma_start3A_65 = tpu.memref_slice %arg2[%dma_start3A_63, %dma_start3A_64] : memref<10240x128xf32, #tpu.memory_space<hbm>> -> memref<10240x128xf32, #tpu.memory_space<hbm>>
      tpu.enqueue_indirect_dma source(%dma_start3A_65 : memref<10240x128xf32, #tpu.memory_space<hbm>>) target(%dma_start3A_59 : memref<64x128xf32, #tpu.memory_space<vmem>>) offsets(%dma_start3A_62 : memref<64xi32, #tpu.memory_space<vmem>>) semaphore(%arg10 : memref<!tpu.dma_semaphore, #tpu.memory_space<semaphore_mem>>)
      %add3A_66 = arith.constant 1 : i32
      %add3A_67 = arith.addi %add3A_53, %add3A_66 : i32
      %dma_start3A_68 = arith.constant 1 : i32
      %dma_start3A_69 = arith.constant 0 : i32
      %dma_start3A_70 = arith.constant 0 : i32
      %dma_start3A_71 = tpu.memref_slice %arg8[%dma_start3A_68, %dma_start3A_69, %dma_start3A_70] : memref<4x64x128xf32, #tpu.memory_space<vmem>> -> memref<1x64x128xf32, #tpu.memory_space<vmem>>
      %dma_start3A_72 = tpu.memref_squeeze %dma_start3A_71 : memref<1x64x128xf32, #tpu.memory_space<vmem>> -> memref<64x128xf32, #tpu.memory_space<vmem>>
      %dma_start3A_73 = arith.constant 0 : i32
      %dma_start3A_74 = tpu.memref_slice %arg6[%add3A_67, %dma_start3A_73] : memref<32x64xi32, #tpu.memory_space<vmem>> -> memref<1x64xi32, #tpu.memory_space<vmem>>
      %dma_start3A_75 = tpu.memref_squeeze %dma_start3A_74 : memref<1x64xi32, #tpu.memory_space<vmem>> -> memref<64xi32, #tpu.memory_space<vmem>>
      %dma_start3A_76 = arith.constant 0 : i32
      %dma_start3A_77 = arith.constant 0 : i32
      %dma_start3A_78 = tpu.memref_slice %arg2[%dma_start3A_76, %dma_start3A_77] : memref<10240x128xf32, #tpu.memory_space<hbm>> -> memref<10240x128xf32, #tpu.memory_space<hbm>>
      tpu.enqueue_indirect_dma source(%dma_start3A_78 : memref<10240x128xf32, #tpu.memory_space<hbm>>) target(%dma_start3A_72 : memref<64x128xf32, #tpu.memory_space<vmem>>) offsets(%dma_start3A_75 : memref<64xi32, #tpu.memory_space<vmem>>) semaphore(%arg11 : memref<!tpu.dma_semaphore, #tpu.memory_space<semaphore_mem>>)
      %add3A_79 = arith.constant 2 : i32
      %add3A_80 = arith.addi %add3A_53, %add3A_79 : i32
      %dma_start3A_81 = arith.constant 2 : i32
      %dma_start3A_82 = arith.constant 0 : i32
      %dma_start3A_83 = arith.constant 0 : i32
      %dma_start3A_84 = tpu.memref_slice %arg8[%dma_start3A_81, %dma_start3A_82, %dma_start3A_83] : memref<4x64x128xf32, #tpu.memory_space<vmem>> -> memref<1x64x128xf32, #tpu.memory_space<vmem>>
      %dma_start3A_85 = tpu.memref_squeeze %dma_start3A_84 : memref<1x64x128xf32, #tpu.memory_space<vmem>> -> memref<64x128xf32, #tpu.memory_space<vmem>>
      %dma_start3A_86 = arith.constant 0 : i32
      %dma_start3A_87 = tpu.memref_slice %arg6[%add3A_80, %dma_start3A_86] : memref<32x64xi32, #tpu.memory_space<vmem>> -> memref<1x64xi32, #tpu.memory_space<vmem>>
      %dma_start3A_88 = tpu.memref_squeeze %dma_start3A_87 : memref<1x64xi32, #tpu.memory_space<vmem>> -> memref<64xi32, #tpu.memory_space<vmem>>
      %dma_start3A_89 = arith.constant 0 : i32
      %dma_start3A_90 = arith.constant 0 : i32
      %dma_start3A_91 = tpu.memref_slice %arg2[%dma_start3A_89, %dma_start3A_90] : memref<10240x128xf32, #tpu.memory_space<hbm>> -> memref<10240x128xf32, #tpu.memory_space<hbm>>
      tpu.enqueue_indirect_dma source(%dma_start3A_91 : memref<10240x128xf32, #tpu.memory_space<hbm>>) target(%dma_start3A_85 : memref<64x128xf32, #tpu.memory_space<vmem>>) offsets(%dma_start3A_88 : memref<64xi32, #tpu.memory_space<vmem>>) semaphore(%arg12 : memref<!tpu.dma_semaphore, #tpu.memory_space<semaphore_mem>>)
      %add3A_92 = arith.constant 3 : i32
      %add3A_93 = arith.addi %add3A_53, %add3A_92 : i32
      %dma_start3A_94 = arith.constant 3 : i32
      %dma_start3A_95 = arith.constant 0 : i32
      %dma_start3A_96 = arith.constant 0 : i32
      %dma_start3A_97 = tpu.memref_slice %arg8[%dma_start3A_94, %dma_start3A_95, %dma_start3A_96] : memref<4x64x128xf32, #tpu.memory_space<vmem>> -> memref<1x64x128xf32, #tpu.memory_space<vmem>>
      %dma_start3A_98 = tpu.memref_squeeze %dma_start3A_97 : memref<1x64x128xf32, #tpu.memory_space<vmem>> -> memref<64x128xf32, #tpu.memory_space<vmem>>
      %dma_start3A_99 = arith.constant 0 : i32
      %dma_start3A_100 = tpu.memref_slice %arg6[%add3A_93, %dma_start3A_99] : memref<32x64xi32, #tpu.memory_space<vmem>> -> memref<1x64xi32, #tpu.memory_space<vmem>>
      %dma_start3A_101 = tpu.memref_squeeze %dma_start3A_100 : memref<1x64xi32, #tpu.memory_space<vmem>> -> memref<64xi32, #tpu.memory_space<vmem>>
      %dma_start3A_102 = arith.constant 0 : i32
      %dma_start3A_103 = arith.constant 0 : i32
      %dma_start3A_104 = tpu.memref_slice %arg2[%dma_start3A_102, %dma_start3A_103] : memref<10240x128xf32, #tpu.memory_space<hbm>> -> memref<10240x128xf32, #tpu.memory_space<hbm>>
      tpu.enqueue_indirect_dma source(%dma_start3A_104 : memref<10240x128xf32, #tpu.memory_space<hbm>>) target(%dma_start3A_98 : memref<64x128xf32, #tpu.memory_space<vmem>>) offsets(%dma_start3A_101 : memref<64xi32, #tpu.memory_space<vmem>>) semaphore(%arg13 : memref<!tpu.dma_semaphore, #tpu.memory_space<semaphore_mem>>)
      %dma_wait3A = arith.constant 0 : i32
      %dma_wait3A_105 = arith.constant 0 : i32
      %dma_wait3A_106 = arith.constant 0 : i32
      %dma_wait3A_107 = tpu.memref_slice %arg8[%dma_wait3A, %dma_wait3A_105, %dma_wait3A_106] : memref<4x64x128xf32, #tpu.memory_space<vmem>> -> memref<1x64x128xf32, #tpu.memory_space<vmem>>
      %dma_wait3A_108 = tpu.memref_squeeze %dma_wait3A_107 : memref<1x64x128xf32, #tpu.memory_space<vmem>> -> memref<64x128xf32, #tpu.memory_space<vmem>>
      %dma_wait3A_109 = arith.constant 0 : i32
      %dma_wait3A_110 = tpu.memref_slice %arg6[%add3A_55, %dma_wait3A_109] : memref<32x64xi32, #tpu.memory_space<vmem>> -> memref<1x64xi32, #tpu.memory_space<vmem>>
      %dma_wait3A_111 = tpu.memref_squeeze %dma_wait3A_110 : memref<1x64xi32, #tpu.memory_space<vmem>> -> memref<64xi32, #tpu.memory_space<vmem>>
      %dma_wait3A_112 = arith.constant 0 : i32
      %dma_wait3A_113 = arith.constant 0 : i32
      %dma_wait3A_114 = tpu.memref_slice %arg2[%dma_wait3A_112, %dma_wait3A_113] : memref<10240x128xf32, #tpu.memory_space<hbm>> -> memref<10240x128xf32, #tpu.memory_space<hbm>>
      tpu.wait_indirect_dma semaphore(%arg10 : memref<!tpu.dma_semaphore, #tpu.memory_space<semaphore_mem>>) src(%dma_wait3A_114 : memref<10240x128xf32, #tpu.memory_space<hbm>>) dst(%dma_wait3A_108 : memref<64x128xf32, #tpu.memory_space<vmem>>)
      %add3A_115 = arith.constant 0 : i32
      %add3A_116 = arith.addi %add3A_53, %add3A_115 : i32
      %run_scoped3A_117 = arith.constant 0 : i32
      "tpu.region"() ({
        %run_scoped3A_160 = tpu.sem_alloc : memref<!tpu.dma_semaphore, #tpu.memory_space<semaphore_mem>>
        %dma_start3A_161 = arith.constant 0 : i32
        %dma_start3A_162 = arith.constant 0 : i32
        %dma_start3A_163 = tpu.memref_slice %arg8[%run_scoped3A_117, %dma_start3A_161, %dma_start3A_162] : memref<4x64x128xf32, #tpu.memory_space<vmem>> -> memref<1x64x128xf32, #tpu.memory_space<vmem>>
        %dma_start3A_164 = tpu.memref_squeeze %dma_start3A_163 : memref<1x64x128xf32, #tpu.memory_space<vmem>> -> memref<64x128xf32, #tpu.memory_space<vmem>>
        %dma_start3A_165 = arith.constant 0 : i32
        %dma_start3A_166 = tpu.memref_slice %arg7[%add3A_116, %dma_start3A_165] : memref<32x64xi32, #tpu.memory_space<vmem>> -> memref<1x64xi32, #tpu.memory_space<vmem>>
        %dma_start3A_167 = tpu.memref_squeeze %dma_start3A_166 : memref<1x64xi32, #tpu.memory_space<vmem>> -> memref<64xi32, #tpu.memory_space<vmem>>
        %dma_start3A_168 = arith.constant 0 : i32
        %dma_start3A_169 = arith.constant 0 : i32
        %dma_start3A_170 = tpu.memref_slice %arg9[%dma_start3A_168, %dma_start3A_169] : memref<10240x128xf32, #tpu.memory_space<vmem_shared>> -> memref<10240x128xf32, #tpu.memory_space<vmem_shared>>
        tpu.enqueue_indirect_dma source(%dma_start3A_164 : memref<64x128xf32, #tpu.memory_space<vmem>>) target(%dma_start3A_170 : memref<10240x128xf32, #tpu.memory_space<vmem_shared>>) offsets(%dma_start3A_167 : memref<64xi32, #tpu.memory_space<vmem>>) semaphore(%run_scoped3A_160 : memref<!tpu.dma_semaphore, #tpu.memory_space<semaphore_mem>>) {add = true}
        %dma_wait3A_171 = arith.constant 0 : i32
        %dma_wait3A_172 = arith.constant 0 : i32
        %dma_wait3A_173 = tpu.memref_slice %arg8[%run_scoped3A_117, %dma_wait3A_171, %dma_wait3A_172] : memref<4x64x128xf32, #tpu.memory_space<vmem>> -> memref<1x64x128xf32, #tpu.memory_space<vmem>>
        %dma_wait3A_174 = tpu.memref_squeeze %dma_wait3A_173 : memref<1x64x128xf32, #tpu.memory_space<vmem>> -> memref<64x128xf32, #tpu.memory_space<vmem>>
        %dma_wait3A_175 = arith.constant 0 : i32
        %dma_wait3A_176 = tpu.memref_slice %arg7[%add3A_116, %dma_wait3A_175] : memref<32x64xi32, #tpu.memory_space<vmem>> -> memref<1x64xi32, #tpu.memory_space<vmem>>
        %dma_wait3A_177 = tpu.memref_squeeze %dma_wait3A_176 : memref<1x64xi32, #tpu.memory_space<vmem>> -> memref<64xi32, #tpu.memory_space<vmem>>
        %dma_wait3A_178 = arith.constant 0 : i32
        %dma_wait3A_179 = arith.constant 0 : i32
        %dma_wait3A_180 = tpu.memref_slice %arg9[%dma_wait3A_178, %dma_wait3A_179] : memref<10240x128xf32, #tpu.memory_space<vmem_shared>> -> memref<10240x128xf32, #tpu.memory_space<vmem_shared>>
        tpu.wait_indirect_dma semaphore(%run_scoped3A_160 : memref<!tpu.dma_semaphore, #tpu.memory_space<semaphore_mem>>) src(%dma_wait3A_174 : memref<64x128xf32, #tpu.memory_space<vmem>>) dst(%dma_wait3A_180 : memref<10240x128xf32, #tpu.memory_space<vmem_shared>>)
        tpu.yield
      }) : () -> ()
      %dma_wait3A_118 = arith.constant 1 : i32
      %dma_wait3A_119 = arith.constant 0 : i32
      %dma_wait3A_120 = arith.constant 0 : i32
      %dma_wait3A_121 = tpu.memref_slice %arg8[%dma_wait3A_118, %dma_wait3A_119, %dma_wait3A_120] : memref<4x64x128xf32, #tpu.memory_space<vmem>> -> memref<1x64x128xf32, #tpu.memory_space<vmem>>
      %dma_wait3A_122 = tpu.memref_squeeze %dma_wait3A_121 : memref<1x64x128xf32, #tpu.memory_space<vmem>> -> memref<64x128xf32, #tpu.memory_space<vmem>>
      %dma_wait3A_123 = arith.constant 0 : i32
      %dma_wait3A_124 = tpu.memref_slice %arg6[%add3A_67, %dma_wait3A_123] : memref<32x64xi32, #tpu.memory_space<vmem>> -> memref<1x64xi32, #tpu.memory_space<vmem>>
      %dma_wait3A_125 = tpu.memref_squeeze %dma_wait3A_124 : memref<1x64xi32, #tpu.memory_space<vmem>> -> memref<64xi32, #tpu.memory_space<vmem>>
      %dma_wait3A_126 = arith.constant 0 : i32
      %dma_wait3A_127 = arith.constant 0 : i32
      %dma_wait3A_128 = tpu.memref_slice %arg2[%dma_wait3A_126, %dma_wait3A_127] : memref<10240x128xf32, #tpu.memory_space<hbm>> -> memref<10240x128xf32, #tpu.memory_space<hbm>>
      tpu.wait_indirect_dma semaphore(%arg11 : memref<!tpu.dma_semaphore, #tpu.memory_space<semaphore_mem>>) src(%dma_wait3A_128 : memref<10240x128xf32, #tpu.memory_space<hbm>>) dst(%dma_wait3A_122 : memref<64x128xf32, #tpu.memory_space<vmem>>)
      %add3A_129 = arith.constant 1 : i32
      %add3A_130 = arith.addi %add3A_53, %add3A_129 : i32
      %run_scoped3A_131 = arith.constant 1 : i32
      "tpu.region"() ({
        %run_scoped3A_160 = tpu.sem_alloc : memref<!tpu.dma_semaphore, #tpu.memory_space<semaphore_mem>>
        %dma_start3A_161 = arith.constant 0 : i32
        %dma_start3A_162 = arith.constant 0 : i32
        %dma_start3A_163 = tpu.memref_slice %arg8[%run_scoped3A_131, %dma_start3A_161, %dma_start3A_162] : memref<4x64x128xf32, #tpu.memory_space<vmem>> -> memref<1x64x128xf32, #tpu.memory_space<vmem>>
        %dma_start3A_164 = tpu.memref_squeeze %dma_start3A_163 : memref<1x64x128xf32, #tpu.memory_space<vmem>> -> memref<64x128xf32, #tpu.memory_space<vmem>>
        %dma_start3A_165 = arith.constant 0 : i32
        %dma_start3A_166 = tpu.memref_slice %arg7[%add3A_130, %dma_start3A_165] : memref<32x64xi32, #tpu.memory_space<vmem>> -> memref<1x64xi32, #tpu.memory_space<vmem>>
        %dma_start3A_167 = tpu.memref_squeeze %dma_start3A_166 : memref<1x64xi32, #tpu.memory_space<vmem>> -> memref<64xi32, #tpu.memory_space<vmem>>
        %dma_start3A_168 = arith.constant 0 : i32
        %dma_start3A_169 = arith.constant 0 : i32
        %dma_start3A_170 = tpu.memref_slice %arg9[%dma_start3A_168, %dma_start3A_169] : memref<10240x128xf32, #tpu.memory_space<vmem_shared>> -> memref<10240x128xf32, #tpu.memory_space<vmem_shared>>
        tpu.enqueue_indirect_dma source(%dma_start3A_164 : memref<64x128xf32, #tpu.memory_space<vmem>>) target(%dma_start3A_170 : memref<10240x128xf32, #tpu.memory_space<vmem_shared>>) offsets(%dma_start3A_167 : memref<64xi32, #tpu.memory_space<vmem>>) semaphore(%run_scoped3A_160 : memref<!tpu.dma_semaphore, #tpu.memory_space<semaphore_mem>>) {add = true}
        %dma_wait3A_171 = arith.constant 0 : i32
        %dma_wait3A_172 = arith.constant 0 : i32
        %dma_wait3A_173 = tpu.memref_slice %arg8[%run_scoped3A_131, %dma_wait3A_171, %dma_wait3A_172] : memref<4x64x128xf32, #tpu.memory_space<vmem>> -> memref<1x64x128xf32, #tpu.memory_space<vmem>>
        %dma_wait3A_174 = tpu.memref_squeeze %dma_wait3A_173 : memref<1x64x128xf32, #tpu.memory_space<vmem>> -> memref<64x128xf32, #tpu.memory_space<vmem>>
        %dma_wait3A_175 = arith.constant 0 : i32
        %dma_wait3A_176 = tpu.memref_slice %arg7[%add3A_130, %dma_wait3A_175] : memref<32x64xi32, #tpu.memory_space<vmem>> -> memref<1x64xi32, #tpu.memory_space<vmem>>
        %dma_wait3A_177 = tpu.memref_squeeze %dma_wait3A_176 : memref<1x64xi32, #tpu.memory_space<vmem>> -> memref<64xi32, #tpu.memory_space<vmem>>
        %dma_wait3A_178 = arith.constant 0 : i32
        %dma_wait3A_179 = arith.constant 0 : i32
        %dma_wait3A_180 = tpu.memref_slice %arg9[%dma_wait3A_178, %dma_wait3A_179] : memref<10240x128xf32, #tpu.memory_space<vmem_shared>> -> memref<10240x128xf32, #tpu.memory_space<vmem_shared>>
        tpu.wait_indirect_dma semaphore(%run_scoped3A_160 : memref<!tpu.dma_semaphore, #tpu.memory_space<semaphore_mem>>) src(%dma_wait3A_174 : memref<64x128xf32, #tpu.memory_space<vmem>>) dst(%dma_wait3A_180 : memref<10240x128xf32, #tpu.memory_space<vmem_shared>>)
        tpu.yield
      }) : () -> ()
      %dma_wait3A_132 = arith.constant 2 : i32
      %dma_wait3A_133 = arith.constant 0 : i32
      %dma_wait3A_134 = arith.constant 0 : i32
      %dma_wait3A_135 = tpu.memref_slice %arg8[%dma_wait3A_132, %dma_wait3A_133, %dma_wait3A_134] : memref<4x64x128xf32, #tpu.memory_space<vmem>> -> memref<1x64x128xf32, #tpu.memory_space<vmem>>
      %dma_wait3A_136 = tpu.memref_squeeze %dma_wait3A_135 : memref<1x64x128xf32, #tpu.memory_space<vmem>> -> memref<64x128xf32, #tpu.memory_space<vmem>>
      %dma_wait3A_137 = arith.constant 0 : i32
      %dma_wait3A_138 = tpu.memref_slice %arg6[%add3A_80, %dma_wait3A_137] : memref<32x64xi32, #tpu.memory_space<vmem>> -> memref<1x64xi32, #tpu.memory_space<vmem>>
      %dma_wait3A_139 = tpu.memref_squeeze %dma_wait3A_138 : memref<1x64xi32, #tpu.memory_space<vmem>> -> memref<64xi32, #tpu.memory_space<vmem>>
      %dma_wait3A_140 = arith.constant 0 : i32
      %dma_wait3A_141 = arith.constant 0 : i32
      %dma_wait3A_142 = tpu.memref_slice %arg2[%dma_wait3A_140, %dma_wait3A_141] : memref<10240x128xf32, #tpu.memory_space<hbm>> -> memref<10240x128xf32, #tpu.memory_space<hbm>>
      tpu.wait_indirect_dma semaphore(%arg12 : memref<!tpu.dma_semaphore, #tpu.memory_space<semaphore_mem>>) src(%dma_wait3A_142 : memref<10240x128xf32, #tpu.memory_space<hbm>>) dst(%dma_wait3A_136 : memref<64x128xf32, #tpu.memory_space<vmem>>)
      %add3A_143 = arith.constant 2 : i32
      %add3A_144 = arith.addi %add3A_53, %add3A_143 : i32
      %run_scoped3A_145 = arith.constant 2 : i32
      "tpu.region"() ({
        %run_scoped3A_160 = tpu.sem_alloc : memref<!tpu.dma_semaphore, #tpu.memory_space<semaphore_mem>>
        %dma_start3A_161 = arith.constant 0 : i32
        %dma_start3A_162 = arith.constant 0 : i32
        %dma_start3A_163 = tpu.memref_slice %arg8[%run_scoped3A_145, %dma_start3A_161, %dma_start3A_162] : memref<4x64x128xf32, #tpu.memory_space<vmem>> -> memref<1x64x128xf32, #tpu.memory_space<vmem>>
        %dma_start3A_164 = tpu.memref_squeeze %dma_start3A_163 : memref<1x64x128xf32, #tpu.memory_space<vmem>> -> memref<64x128xf32, #tpu.memory_space<vmem>>
        %dma_start3A_165 = arith.constant 0 : i32
        %dma_start3A_166 = tpu.memref_slice %arg7[%add3A_144, %dma_start3A_165] : memref<32x64xi32, #tpu.memory_space<vmem>> -> memref<1x64xi32, #tpu.memory_space<vmem>>
        %dma_start3A_167 = tpu.memref_squeeze %dma_start3A_166 : memref<1x64xi32, #tpu.memory_space<vmem>> -> memref<64xi32, #tpu.memory_space<vmem>>
        %dma_start3A_168 = arith.constant 0 : i32
        %dma_start3A_169 = arith.constant 0 : i32
        %dma_start3A_170 = tpu.memref_slice %arg9[%dma_start3A_168, %dma_start3A_169] : memref<10240x128xf32, #tpu.memory_space<vmem_shared>> -> memref<10240x128xf32, #tpu.memory_space<vmem_shared>>
        tpu.enqueue_indirect_dma source(%dma_start3A_164 : memref<64x128xf32, #tpu.memory_space<vmem>>) target(%dma_start3A_170 : memref<10240x128xf32, #tpu.memory_space<vmem_shared>>) offsets(%dma_start3A_167 : memref<64xi32, #tpu.memory_space<vmem>>) semaphore(%run_scoped3A_160 : memref<!tpu.dma_semaphore, #tpu.memory_space<semaphore_mem>>) {add = true}
        %dma_wait3A_171 = arith.constant 0 : i32
        %dma_wait3A_172 = arith.constant 0 : i32
        %dma_wait3A_173 = tpu.memref_slice %arg8[%run_scoped3A_145, %dma_wait3A_171, %dma_wait3A_172] : memref<4x64x128xf32, #tpu.memory_space<vmem>> -> memref<1x64x128xf32, #tpu.memory_space<vmem>>
        %dma_wait3A_174 = tpu.memref_squeeze %dma_wait3A_173 : memref<1x64x128xf32, #tpu.memory_space<vmem>> -> memref<64x128xf32, #tpu.memory_space<vmem>>
        %dma_wait3A_175 = arith.constant 0 : i32
        %dma_wait3A_176 = tpu.memref_slice %arg7[%add3A_144, %dma_wait3A_175] : memref<32x64xi32, #tpu.memory_space<vmem>> -> memref<1x64xi32, #tpu.memory_space<vmem>>
        %dma_wait3A_177 = tpu.memref_squeeze %dma_wait3A_176 : memref<1x64xi32, #tpu.memory_space<vmem>> -> memref<64xi32, #tpu.memory_space<vmem>>
        %dma_wait3A_178 = arith.constant 0 : i32
        %dma_wait3A_179 = arith.constant 0 : i32
        %dma_wait3A_180 = tpu.memref_slice %arg9[%dma_wait3A_178, %dma_wait3A_179] : memref<10240x128xf32, #tpu.memory_space<vmem_shared>> -> memref<10240x128xf32, #tpu.memory_space<vmem_shared>>
        tpu.wait_indirect_dma semaphore(%run_scoped3A_160 : memref<!tpu.dma_semaphore, #tpu.memory_space<semaphore_mem>>) src(%dma_wait3A_174 : memref<64x128xf32, #tpu.memory_space<vmem>>) dst(%dma_wait3A_180 : memref<10240x128xf32, #tpu.memory_space<vmem_shared>>)
        tpu.yield
      }) : () -> ()
      %dma_wait3A_146 = arith.constant 3 : i32
      %dma_wait3A_147 = arith.constant 0 : i32
      %dma_wait3A_148 = arith.constant 0 : i32
      %dma_wait3A_149 = tpu.memref_slice %arg8[%dma_wait3A_146, %dma_wait3A_147, %dma_wait3A_148] : memref<4x64x128xf32, #tpu.memory_space<vmem>> -> memref<1x64x128xf32, #tpu.memory_space<vmem>>
      %dma_wait3A_150 = tpu.memref_squeeze %dma_wait3A_149 : memref<1x64x128xf32, #tpu.memory_space<vmem>> -> memref<64x128xf32, #tpu.memory_space<vmem>>
      %dma_wait3A_151 = arith.constant 0 : i32
      %dma_wait3A_152 = tpu.memref_slice %arg6[%add3A_93, %dma_wait3A_151] : memref<32x64xi32, #tpu.memory_space<vmem>> -> memref<1x64xi32, #tpu.memory_space<vmem>>
      %dma_wait3A_153 = tpu.memref_squeeze %dma_wait3A_152 : memref<1x64xi32, #tpu.memory_space<vmem>> -> memref<64xi32, #tpu.memory_space<vmem>>
      %dma_wait3A_154 = arith.constant 0 : i32
      %dma_wait3A_155 = arith.constant 0 : i32
      %dma_wait3A_156 = tpu.memref_slice %arg2[%dma_wait3A_154, %dma_wait3A_155] : memref<10240x128xf32, #tpu.memory_space<hbm>> -> memref<10240x128xf32, #tpu.memory_space<hbm>>
      tpu.wait_indirect_dma semaphore(%arg13 : memref<!tpu.dma_semaphore, #tpu.memory_space<semaphore_mem>>) src(%dma_wait3A_156 : memref<10240x128xf32, #tpu.memory_space<hbm>>) dst(%dma_wait3A_150 : memref<64x128xf32, #tpu.memory_space<vmem>>)
      %add3A_157 = arith.constant 3 : i32
      %add3A_158 = arith.addi %add3A_53, %add3A_157 : i32
      %run_scoped3A_159 = arith.constant 3 : i32
      "tpu.region"() ({
        %run_scoped3A_160 = tpu.sem_alloc : memref<!tpu.dma_semaphore, #tpu.memory_space<semaphore_mem>>
        %dma_start3A_161 = arith.constant 0 : i32
        %dma_start3A_162 = arith.constant 0 : i32
        %dma_start3A_163 = tpu.memref_slice %arg8[%run_scoped3A_159, %dma_start3A_161, %dma_start3A_162] : memref<4x64x128xf32, #tpu.memory_space<vmem>> -> memref<1x64x128xf32, #tpu.memory_space<vmem>>
        %dma_start3A_164 = tpu.memref_squeeze %dma_start3A_163 : memref<1x64x128xf32, #tpu.memory_space<vmem>> -> memref<64x128xf32, #tpu.memory_space<vmem>>
        %dma_start3A_165 = arith.constant 0 : i32
        %dma_start3A_166 = tpu.memref_slice %arg7[%add3A_158, %dma_start3A_165] : memref<32x64xi32, #tpu.memory_space<vmem>> -> memref<1x64xi32, #tpu.memory_space<vmem>>
        %dma_start3A_167 = tpu.memref_squeeze %dma_start3A_166 : memref<1x64xi32, #tpu.memory_space<vmem>> -> memref<64xi32, #tpu.memory_space<vmem>>
        %dma_start3A_168 = arith.constant 0 : i32
        %dma_start3A_169 = arith.constant 0 : i32
        %dma_start3A_170 = tpu.memref_slice %arg9[%dma_start3A_168, %dma_start3A_169] : memref<10240x128xf32, #tpu.memory_space<vmem_shared>> -> memref<10240x128xf32, #tpu.memory_space<vmem_shared>>
        tpu.enqueue_indirect_dma source(%dma_start3A_164 : memref<64x128xf32, #tpu.memory_space<vmem>>) target(%dma_start3A_170 : memref<10240x128xf32, #tpu.memory_space<vmem_shared>>) offsets(%dma_start3A_167 : memref<64xi32, #tpu.memory_space<vmem>>) semaphore(%run_scoped3A_160 : memref<!tpu.dma_semaphore, #tpu.memory_space<semaphore_mem>>) {add = true}
        %dma_wait3A_171 = arith.constant 0 : i32
        %dma_wait3A_172 = arith.constant 0 : i32
        %dma_wait3A_173 = tpu.memref_slice %arg8[%run_scoped3A_159, %dma_wait3A_171, %dma_wait3A_172] : memref<4x64x128xf32, #tpu.memory_space<vmem>> -> memref<1x64x128xf32, #tpu.memory_space<vmem>>
        %dma_wait3A_174 = tpu.memref_squeeze %dma_wait3A_173 : memref<1x64x128xf32, #tpu.memory_space<vmem>> -> memref<64x128xf32, #tpu.memory_space<vmem>>
        %dma_wait3A_175 = arith.constant 0 : i32
        %dma_wait3A_176 = tpu.memref_slice %arg7[%add3A_158, %dma_wait3A_175] : memref<32x64xi32, #tpu.memory_space<vmem>> -> memref<1x64xi32, #tpu.memory_space<vmem>>
        %dma_wait3A_177 = tpu.memref_squeeze %dma_wait3A_176 : memref<1x64xi32, #tpu.memory_space<vmem>> -> memref<64xi32, #tpu.memory_space<vmem>>
        %dma_wait3A_178 = arith.constant 0 : i32
        %dma_wait3A_179 = arith.constant 0 : i32
        %dma_wait3A_180 = tpu.memref_slice %arg9[%dma_wait3A_178, %dma_wait3A_179] : memref<10240x128xf32, #tpu.memory_space<vmem_shared>> -> memref<10240x128xf32, #tpu.memory_space<vmem_shared>>
        tpu.wait_indirect_dma semaphore(%run_scoped3A_160 : memref<!tpu.dma_semaphore, #tpu.memory_space<semaphore_mem>>) src(%dma_wait3A_174 : memref<64x128xf32, #tpu.memory_space<vmem>>) dst(%dma_wait3A_180 : memref<10240x128xf32, #tpu.memory_space<vmem_shared>>)
        tpu.yield
      }) : () -> ()
    }
    %scan3A_22 = arith.constant 8 : i32
    %run_scoped3A_23 = arith.constant 2 : i32
    "tpu.region"() ({
      %run_scoped3A_49 = tpu.sem_alloc : memref<!tpu.dma_semaphore, #tpu.memory_space<semaphore_mem>>
      %dma_start3A = arith.constant 0 : i32
      %dma_start3A_50 = arith.constant 0 : i32
      %dma_start3A_51 = tpu.memref_slice %arg3[%add3A, %run_scoped3A_23, %dma_start3A, %dma_start3A_50] : memref<32x5x32x64xi32, #tpu.memory_space<hbm>> -> memref<1x1x32x64xi32, #tpu.memory_space<hbm>>
      %dma_start3A_52 = tpu.memref_squeeze %dma_start3A_51 : memref<1x1x32x64xi32, #tpu.memory_space<hbm>> -> memref<32x64xi32, #tpu.memory_space<hbm>>
      %dma_start3A_53 = arith.constant 0 : i32
      %dma_start3A_54 = arith.constant 0 : i32
      %dma_start3A_55 = tpu.memref_slice %arg3[%add3A, %run_scoped3A_23, %dma_start3A_53, %dma_start3A_54] : memref<32x5x32x64xi32, #tpu.memory_space<hbm>> -> memref<1x1x32x64xi32, #tpu.memory_space<hbm>>
      %dma_start3A_56 = tpu.memref_squeeze %dma_start3A_55 : memref<1x1x32x64xi32, #tpu.memory_space<hbm>> -> memref<32x64xi32, #tpu.memory_space<hbm>>
      tpu.enqueue_dma source(%dma_start3A_56 : memref<32x64xi32, #tpu.memory_space<hbm>>) target(%arg6 : memref<32x64xi32, #tpu.memory_space<vmem>>) target_semaphore(%run_scoped3A_49 : memref<!tpu.dma_semaphore, #tpu.memory_space<semaphore_mem>>)
      %dma_wait3A = arith.constant 0 : i32
      %dma_wait3A_57 = arith.constant 0 : i32
      %dma_wait3A_58 = tpu.memref_slice %arg3[%add3A, %run_scoped3A_23, %dma_wait3A, %dma_wait3A_57] : memref<32x5x32x64xi32, #tpu.memory_space<hbm>> -> memref<1x1x32x64xi32, #tpu.memory_space<hbm>>
      %dma_wait3A_59 = tpu.memref_squeeze %dma_wait3A_58 : memref<1x1x32x64xi32, #tpu.memory_space<hbm>> -> memref<32x64xi32, #tpu.memory_space<hbm>>
      %dma_wait3A_60 = arith.constant 0 : i32
      %dma_wait3A_61 = arith.constant 0 : i32
      %dma_wait3A_62 = tpu.memref_slice %arg3[%add3A, %run_scoped3A_23, %dma_wait3A_60, %dma_wait3A_61] : memref<32x5x32x64xi32, #tpu.memory_space<hbm>> -> memref<1x1x32x64xi32, #tpu.memory_space<hbm>>
      %dma_wait3A_63 = tpu.memref_squeeze %dma_wait3A_62 : memref<1x1x32x64xi32, #tpu.memory_space<hbm>> -> memref<32x64xi32, #tpu.memory_space<hbm>>
      tpu.wait_dma2 semaphore(%run_scoped3A_49 : memref<!tpu.dma_semaphore, #tpu.memory_space<semaphore_mem>>) src(%dma_wait3A_63 : memref<32x64xi32, #tpu.memory_space<hbm>>) dst(%arg6 : memref<32x64xi32, #tpu.memory_space<vmem>>)
      tpu.yield
    }) : () -> ()
    %run_scoped3A_24 = arith.constant 2 : i32
    "tpu.region"() ({
      %run_scoped3A_49 = tpu.sem_alloc : memref<!tpu.dma_semaphore, #tpu.memory_space<semaphore_mem>>
      %dma_start3A = arith.constant 0 : i32
      %dma_start3A_50 = arith.constant 0 : i32
      %dma_start3A_51 = tpu.memref_slice %arg4[%add3A, %run_scoped3A_24, %dma_start3A, %dma_start3A_50] : memref<32x5x32x64xi32, #tpu.memory_space<hbm>> -> memref<1x1x32x64xi32, #tpu.memory_space<hbm>>
      %dma_start3A_52 = tpu.memref_squeeze %dma_start3A_51 : memref<1x1x32x64xi32, #tpu.memory_space<hbm>> -> memref<32x64xi32, #tpu.memory_space<hbm>>
      %dma_start3A_53 = arith.constant 0 : i32
      %dma_start3A_54 = arith.constant 0 : i32
      %dma_start3A_55 = tpu.memref_slice %arg4[%add3A, %run_scoped3A_24, %dma_start3A_53, %dma_start3A_54] : memref<32x5x32x64xi32, #tpu.memory_space<hbm>> -> memref<1x1x32x64xi32, #tpu.memory_space<hbm>>
      %dma_start3A_56 = tpu.memref_squeeze %dma_start3A_55 : memref<1x1x32x64xi32, #tpu.memory_space<hbm>> -> memref<32x64xi32, #tpu.memory_space<hbm>>
      tpu.enqueue_dma source(%dma_start3A_56 : memref<32x64xi32, #tpu.memory_space<hbm>>) target(%arg7 : memref<32x64xi32, #tpu.memory_space<vmem>>) target_semaphore(%run_scoped3A_49 : memref<!tpu.dma_semaphore, #tpu.memory_space<semaphore_mem>>)
      %dma_wait3A = arith.constant 0 : i32
      %dma_wait3A_57 = arith.constant 0 : i32
      %dma_wait3A_58 = tpu.memref_slice %arg4[%add3A, %run_scoped3A_24, %dma_wait3A, %dma_wait3A_57] : memref<32x5x32x64xi32, #tpu.memory_space<hbm>> -> memref<1x1x32x64xi32, #tpu.memory_space<hbm>>
      %dma_wait3A_59 = tpu.memref_squeeze %dma_wait3A_58 : memref<1x1x32x64xi32, #tpu.memory_space<hbm>> -> memref<32x64xi32, #tpu.memory_space<hbm>>
      %dma_wait3A_60 = arith.constant 0 : i32
      %dma_wait3A_61 = arith.constant 0 : i32
      %dma_wait3A_62 = tpu.memref_slice %arg4[%add3A, %run_scoped3A_24, %dma_wait3A_60, %dma_wait3A_61] : memref<32x5x32x64xi32, #tpu.memory_space<hbm>> -> memref<1x1x32x64xi32, #tpu.memory_space<hbm>>
      %dma_wait3A_63 = tpu.memref_squeeze %dma_wait3A_62 : memref<1x1x32x64xi32, #tpu.memory_space<hbm>> -> memref<32x64xi32, #tpu.memory_space<hbm>>
      tpu.wait_dma2 semaphore(%run_scoped3A_49 : memref<!tpu.dma_semaphore, #tpu.memory_space<semaphore_mem>>) src(%dma_wait3A_63 : memref<32x64xi32, #tpu.memory_space<hbm>>) dst(%arg7 : memref<32x64xi32, #tpu.memory_space<vmem>>)
      tpu.yield
    }) : () -> ()
    %scan3A_25 = arith.constant 0 : i32
    %scan3A_26 = arith.constant 8 : i32
    %scan3A_27 = arith.addi %scan3A_25, %scan3A_26 : i32
    %scan3A_28 = arith.constant 1 : i32
    scf.for %scan3A_49 = %scan3A_25 to %scan3A_27 step %scan3A_28  : i32 {
      %mul3A_50 = arith.constant 4 : i32
      %mul3A_51 = arith.muli %scan3A_49, %mul3A_50 : i32
      %add3A_52 = arith.constant 0 : i32
      %add3A_53 = arith.addi %add3A_52, %mul3A_51 : i32
      %add3A_54 = arith.constant 0 : i32
      %add3A_55 = arith.addi %add3A_53, %add3A_54 : i32
      %dma_start3A = arith.constant 0 : i32
      %dma_start3A_56 = arith.constant 0 : i32
      %dma_start3A_57 = arith.constant 0 : i32
      %dma_start3A_58 = tpu.memref_slice %arg8[%dma_start3A, %dma_start3A_56, %dma_start3A_57] : memref<4x64x128xf32, #tpu.memory_space<vmem>> -> memref<1x64x128xf32, #tpu.memory_space<vmem>>
      %dma_start3A_59 = tpu.memref_squeeze %dma_start3A_58 : memref<1x64x128xf32, #tpu.memory_space<vmem>> -> memref<64x128xf32, #tpu.memory_space<vmem>>
      %dma_start3A_60 = arith.constant 0 : i32
      %dma_start3A_61 = tpu.memref_slice %arg6[%add3A_55, %dma_start3A_60] : memref<32x64xi32, #tpu.memory_space<vmem>> -> memref<1x64xi32, #tpu.memory_space<vmem>>
      %dma_start3A_62 = tpu.memref_squeeze %dma_start3A_61 : memref<1x64xi32, #tpu.memory_space<vmem>> -> memref<64xi32, #tpu.memory_space<vmem>>
      %dma_start3A_63 = arith.constant 0 : i32
      %dma_start3A_64 = arith.constant 0 : i32
      %dma_start3A_65 = tpu.memref_slice %arg2[%dma_start3A_63, %dma_start3A_64] : memref<10240x128xf32, #tpu.memory_space<hbm>> -> memref<10240x128xf32, #tpu.memory_space<hbm>>
      tpu.enqueue_indirect_dma source(%dma_start3A_65 : memref<10240x128xf32, #tpu.memory_space<hbm>>) target(%dma_start3A_59 : memref<64x128xf32, #tpu.memory_space<vmem>>) offsets(%dma_start3A_62 : memref<64xi32, #tpu.memory_space<vmem>>) semaphore(%arg10 : memref<!tpu.dma_semaphore, #tpu.memory_space<semaphore_mem>>)
      %add3A_66 = arith.constant 1 : i32
      %add3A_67 = arith.addi %add3A_53, %add3A_66 : i32
      %dma_start3A_68 = arith.constant 1 : i32
      %dma_start3A_69 = arith.constant 0 : i32
      %dma_start3A_70 = arith.constant 0 : i32
      %dma_start3A_71 = tpu.memref_slice %arg8[%dma_start3A_68, %dma_start3A_69, %dma_start3A_70] : memref<4x64x128xf32, #tpu.memory_space<vmem>> -> memref<1x64x128xf32, #tpu.memory_space<vmem>>
      %dma_start3A_72 = tpu.memref_squeeze %dma_start3A_71 : memref<1x64x128xf32, #tpu.memory_space<vmem>> -> memref<64x128xf32, #tpu.memory_space<vmem>>
      %dma_start3A_73 = arith.constant 0 : i32
      %dma_start3A_74 = tpu.memref_slice %arg6[%add3A_67, %dma_start3A_73] : memref<32x64xi32, #tpu.memory_space<vmem>> -> memref<1x64xi32, #tpu.memory_space<vmem>>
      %dma_start3A_75 = tpu.memref_squeeze %dma_start3A_74 : memref<1x64xi32, #tpu.memory_space<vmem>> -> memref<64xi32, #tpu.memory_space<vmem>>
      %dma_start3A_76 = arith.constant 0 : i32
      %dma_start3A_77 = arith.constant 0 : i32
      %dma_start3A_78 = tpu.memref_slice %arg2[%dma_start3A_76, %dma_start3A_77] : memref<10240x128xf32, #tpu.memory_space<hbm>> -> memref<10240x128xf32, #tpu.memory_space<hbm>>
      tpu.enqueue_indirect_dma source(%dma_start3A_78 : memref<10240x128xf32, #tpu.memory_space<hbm>>) target(%dma_start3A_72 : memref<64x128xf32, #tpu.memory_space<vmem>>) offsets(%dma_start3A_75 : memref<64xi32, #tpu.memory_space<vmem>>) semaphore(%arg11 : memref<!tpu.dma_semaphore, #tpu.memory_space<semaphore_mem>>)
      %add3A_79 = arith.constant 2 : i32
      %add3A_80 = arith.addi %add3A_53, %add3A_79 : i32
      %dma_start3A_81 = arith.constant 2 : i32
      %dma_start3A_82 = arith.constant 0 : i32
      %dma_start3A_83 = arith.constant 0 : i32
      %dma_start3A_84 = tpu.memref_slice %arg8[%dma_start3A_81, %dma_start3A_82, %dma_start3A_83] : memref<4x64x128xf32, #tpu.memory_space<vmem>> -> memref<1x64x128xf32, #tpu.memory_space<vmem>>
      %dma_start3A_85 = tpu.memref_squeeze %dma_start3A_84 : memref<1x64x128xf32, #tpu.memory_space<vmem>> -> memref<64x128xf32, #tpu.memory_space<vmem>>
      %dma_start3A_86 = arith.constant 0 : i32
      %dma_start3A_87 = tpu.memref_slice %arg6[%add3A_80, %dma_start3A_86] : memref<32x64xi32, #tpu.memory_space<vmem>> -> memref<1x64xi32, #tpu.memory_space<vmem>>
      %dma_start3A_88 = tpu.memref_squeeze %dma_start3A_87 : memref<1x64xi32, #tpu.memory_space<vmem>> -> memref<64xi32, #tpu.memory_space<vmem>>
      %dma_start3A_89 = arith.constant 0 : i32
      %dma_start3A_90 = arith.constant 0 : i32
      %dma_start3A_91 = tpu.memref_slice %arg2[%dma_start3A_89, %dma_start3A_90] : memref<10240x128xf32, #tpu.memory_space<hbm>> -> memref<10240x128xf32, #tpu.memory_space<hbm>>
      tpu.enqueue_indirect_dma source(%dma_start3A_91 : memref<10240x128xf32, #tpu.memory_space<hbm>>) target(%dma_start3A_85 : memref<64x128xf32, #tpu.memory_space<vmem>>) offsets(%dma_start3A_88 : memref<64xi32, #tpu.memory_space<vmem>>) semaphore(%arg12 : memref<!tpu.dma_semaphore, #tpu.memory_space<semaphore_mem>>)
      %add3A_92 = arith.constant 3 : i32
      %add3A_93 = arith.addi %add3A_53, %add3A_92 : i32
      %dma_start3A_94 = arith.constant 3 : i32
      %dma_start3A_95 = arith.constant 0 : i32
      %dma_start3A_96 = arith.constant 0 : i32
      %dma_start3A_97 = tpu.memref_slice %arg8[%dma_start3A_94, %dma_start3A_95, %dma_start3A_96] : memref<4x64x128xf32, #tpu.memory_space<vmem>> -> memref<1x64x128xf32, #tpu.memory_space<vmem>>
      %dma_start3A_98 = tpu.memref_squeeze %dma_start3A_97 : memref<1x64x128xf32, #tpu.memory_space<vmem>> -> memref<64x128xf32, #tpu.memory_space<vmem>>
      %dma_start3A_99 = arith.constant 0 : i32
      %dma_start3A_100 = tpu.memref_slice %arg6[%add3A_93, %dma_start3A_99] : memref<32x64xi32, #tpu.memory_space<vmem>> -> memref<1x64xi32, #tpu.memory_space<vmem>>
      %dma_start3A_101 = tpu.memref_squeeze %dma_start3A_100 : memref<1x64xi32, #tpu.memory_space<vmem>> -> memref<64xi32, #tpu.memory_space<vmem>>
      %dma_start3A_102 = arith.constant 0 : i32
      %dma_start3A_103 = arith.constant 0 : i32
      %dma_start3A_104 = tpu.memref_slice %arg2[%dma_start3A_102, %dma_start3A_103] : memref<10240x128xf32, #tpu.memory_space<hbm>> -> memref<10240x128xf32, #tpu.memory_space<hbm>>
      tpu.enqueue_indirect_dma source(%dma_start3A_104 : memref<10240x128xf32, #tpu.memory_space<hbm>>) target(%dma_start3A_98 : memref<64x128xf32, #tpu.memory_space<vmem>>) offsets(%dma_start3A_101 : memref<64xi32, #tpu.memory_space<vmem>>) semaphore(%arg13 : memref<!tpu.dma_semaphore, #tpu.memory_space<semaphore_mem>>)
      %dma_wait3A = arith.constant 0 : i32
      %dma_wait3A_105 = arith.constant 0 : i32
      %dma_wait3A_106 = arith.constant 0 : i32
      %dma_wait3A_107 = tpu.memref_slice %arg8[%dma_wait3A, %dma_wait3A_105, %dma_wait3A_106] : memref<4x64x128xf32, #tpu.memory_space<vmem>> -> memref<1x64x128xf32, #tpu.memory_space<vmem>>
      %dma_wait3A_108 = tpu.memref_squeeze %dma_wait3A_107 : memref<1x64x128xf32, #tpu.memory_space<vmem>> -> memref<64x128xf32, #tpu.memory_space<vmem>>
      %dma_wait3A_109 = arith.constant 0 : i32
      %dma_wait3A_110 = tpu.memref_slice %arg6[%add3A_55, %dma_wait3A_109] : memref<32x64xi32, #tpu.memory_space<vmem>> -> memref<1x64xi32, #tpu.memory_space<vmem>>
      %dma_wait3A_111 = tpu.memref_squeeze %dma_wait3A_110 : memref<1x64xi32, #tpu.memory_space<vmem>> -> memref<64xi32, #tpu.memory_space<vmem>>
      %dma_wait3A_112 = arith.constant 0 : i32
      %dma_wait3A_113 = arith.constant 0 : i32
      %dma_wait3A_114 = tpu.memref_slice %arg2[%dma_wait3A_112, %dma_wait3A_113] : memref<10240x128xf32, #tpu.memory_space<hbm>> -> memref<10240x128xf32, #tpu.memory_space<hbm>>
      tpu.wait_indirect_dma semaphore(%arg10 : memref<!tpu.dma_semaphore, #tpu.memory_space<semaphore_mem>>) src(%dma_wait3A_114 : memref<10240x128xf32, #tpu.memory_space<hbm>>) dst(%dma_wait3A_108 : memref<64x128xf32, #tpu.memory_space<vmem>>)
      %add3A_115 = arith.constant 0 : i32
      %add3A_116 = arith.addi %add3A_53, %add3A_115 : i32
      %run_scoped3A_117 = arith.constant 0 : i32
      "tpu.region"() ({
        %run_scoped3A_160 = tpu.sem_alloc : memref<!tpu.dma_semaphore, #tpu.memory_space<semaphore_mem>>
        %dma_start3A_161 = arith.constant 0 : i32
        %dma_start3A_162 = arith.constant 0 : i32
        %dma_start3A_163 = tpu.memref_slice %arg8[%run_scoped3A_117, %dma_start3A_161, %dma_start3A_162] : memref<4x64x128xf32, #tpu.memory_space<vmem>> -> memref<1x64x128xf32, #tpu.memory_space<vmem>>
        %dma_start3A_164 = tpu.memref_squeeze %dma_start3A_163 : memref<1x64x128xf32, #tpu.memory_space<vmem>> -> memref<64x128xf32, #tpu.memory_space<vmem>>
        %dma_start3A_165 = arith.constant 0 : i32
        %dma_start3A_166 = tpu.memref_slice %arg7[%add3A_116, %dma_start3A_165] : memref<32x64xi32, #tpu.memory_space<vmem>> -> memref<1x64xi32, #tpu.memory_space<vmem>>
        %dma_start3A_167 = tpu.memref_squeeze %dma_start3A_166 : memref<1x64xi32, #tpu.memory_space<vmem>> -> memref<64xi32, #tpu.memory_space<vmem>>
        %dma_start3A_168 = arith.constant 0 : i32
        %dma_start3A_169 = arith.constant 0 : i32
        %dma_start3A_170 = tpu.memref_slice %arg9[%dma_start3A_168, %dma_start3A_169] : memref<10240x128xf32, #tpu.memory_space<vmem_shared>> -> memref<10240x128xf32, #tpu.memory_space<vmem_shared>>
        tpu.enqueue_indirect_dma source(%dma_start3A_164 : memref<64x128xf32, #tpu.memory_space<vmem>>) target(%dma_start3A_170 : memref<10240x128xf32, #tpu.memory_space<vmem_shared>>) offsets(%dma_start3A_167 : memref<64xi32, #tpu.memory_space<vmem>>) semaphore(%run_scoped3A_160 : memref<!tpu.dma_semaphore, #tpu.memory_space<semaphore_mem>>) {add = true}
        %dma_wait3A_171 = arith.constant 0 : i32
        %dma_wait3A_172 = arith.constant 0 : i32
        %dma_wait3A_173 = tpu.memref_slice %arg8[%run_scoped3A_117, %dma_wait3A_171, %dma_wait3A_172] : memref<4x64x128xf32, #tpu.memory_space<vmem>> -> memref<1x64x128xf32, #tpu.memory_space<vmem>>
        %dma_wait3A_174 = tpu.memref_squeeze %dma_wait3A_173 : memref<1x64x128xf32, #tpu.memory_space<vmem>> -> memref<64x128xf32, #tpu.memory_space<vmem>>
        %dma_wait3A_175 = arith.constant 0 : i32
        %dma_wait3A_176 = tpu.memref_slice %arg7[%add3A_116, %dma_wait3A_175] : memref<32x64xi32, #tpu.memory_space<vmem>> -> memref<1x64xi32, #tpu.memory_space<vmem>>
        %dma_wait3A_177 = tpu.memref_squeeze %dma_wait3A_176 : memref<1x64xi32, #tpu.memory_space<vmem>> -> memref<64xi32, #tpu.memory_space<vmem>>
        %dma_wait3A_178 = arith.constant 0 : i32
        %dma_wait3A_179 = arith.constant 0 : i32
        %dma_wait3A_180 = tpu.memref_slice %arg9[%dma_wait3A_178, %dma_wait3A_179] : memref<10240x128xf32, #tpu.memory_space<vmem_shared>> -> memref<10240x128xf32, #tpu.memory_space<vmem_shared>>
        tpu.wait_indirect_dma semaphore(%run_scoped3A_160 : memref<!tpu.dma_semaphore, #tpu.memory_space<semaphore_mem>>) src(%dma_wait3A_174 : memref<64x128xf32, #tpu.memory_space<vmem>>) dst(%dma_wait3A_180 : memref<10240x128xf32, #tpu.memory_space<vmem_shared>>)
        tpu.yield
      }) : () -> ()
      %dma_wait3A_118 = arith.constant 1 : i32
      %dma_wait3A_119 = arith.constant 0 : i32
      %dma_wait3A_120 = arith.constant 0 : i32
      %dma_wait3A_121 = tpu.memref_slice %arg8[%dma_wait3A_118, %dma_wait3A_119, %dma_wait3A_120] : memref<4x64x128xf32, #tpu.memory_space<vmem>> -> memref<1x64x128xf32, #tpu.memory_space<vmem>>
      %dma_wait3A_122 = tpu.memref_squeeze %dma_wait3A_121 : memref<1x64x128xf32, #tpu.memory_space<vmem>> -> memref<64x128xf32, #tpu.memory_space<vmem>>
      %dma_wait3A_123 = arith.constant 0 : i32
      %dma_wait3A_124 = tpu.memref_slice %arg6[%add3A_67, %dma_wait3A_123] : memref<32x64xi32, #tpu.memory_space<vmem>> -> memref<1x64xi32, #tpu.memory_space<vmem>>
      %dma_wait3A_125 = tpu.memref_squeeze %dma_wait3A_124 : memref<1x64xi32, #tpu.memory_space<vmem>> -> memref<64xi32, #tpu.memory_space<vmem>>
      %dma_wait3A_126 = arith.constant 0 : i32
      %dma_wait3A_127 = arith.constant 0 : i32
      %dma_wait3A_128 = tpu.memref_slice %arg2[%dma_wait3A_126, %dma_wait3A_127] : memref<10240x128xf32, #tpu.memory_space<hbm>> -> memref<10240x128xf32, #tpu.memory_space<hbm>>
      tpu.wait_indirect_dma semaphore(%arg11 : memref<!tpu.dma_semaphore, #tpu.memory_space<semaphore_mem>>) src(%dma_wait3A_128 : memref<10240x128xf32, #tpu.memory_space<hbm>>) dst(%dma_wait3A_122 : memref<64x128xf32, #tpu.memory_space<vmem>>)
      %add3A_129 = arith.constant 1 : i32
      %add3A_130 = arith.addi %add3A_53, %add3A_129 : i32
      %run_scoped3A_131 = arith.constant 1 : i32
      "tpu.region"() ({
        %run_scoped3A_160 = tpu.sem_alloc : memref<!tpu.dma_semaphore, #tpu.memory_space<semaphore_mem>>
        %dma_start3A_161 = arith.constant 0 : i32
        %dma_start3A_162 = arith.constant 0 : i32
        %dma_start3A_163 = tpu.memref_slice %arg8[%run_scoped3A_131, %dma_start3A_161, %dma_start3A_162] : memref<4x64x128xf32, #tpu.memory_space<vmem>> -> memref<1x64x128xf32, #tpu.memory_space<vmem>>
        %dma_start3A_164 = tpu.memref_squeeze %dma_start3A_163 : memref<1x64x128xf32, #tpu.memory_space<vmem>> -> memref<64x128xf32, #tpu.memory_space<vmem>>
        %dma_start3A_165 = arith.constant 0 : i32
        %dma_start3A_166 = tpu.memref_slice %arg7[%add3A_130, %dma_start3A_165] : memref<32x64xi32, #tpu.memory_space<vmem>> -> memref<1x64xi32, #tpu.memory_space<vmem>>
        %dma_start3A_167 = tpu.memref_squeeze %dma_start3A_166 : memref<1x64xi32, #tpu.memory_space<vmem>> -> memref<64xi32, #tpu.memory_space<vmem>>
        %dma_start3A_168 = arith.constant 0 : i32
        %dma_start3A_169 = arith.constant 0 : i32
        %dma_start3A_170 = tpu.memref_slice %arg9[%dma_start3A_168, %dma_start3A_169] : memref<10240x128xf32, #tpu.memory_space<vmem_shared>> -> memref<10240x128xf32, #tpu.memory_space<vmem_shared>>
        tpu.enqueue_indirect_dma source(%dma_start3A_164 : memref<64x128xf32, #tpu.memory_space<vmem>>) target(%dma_start3A_170 : memref<10240x128xf32, #tpu.memory_space<vmem_shared>>) offsets(%dma_start3A_167 : memref<64xi32, #tpu.memory_space<vmem>>) semaphore(%run_scoped3A_160 : memref<!tpu.dma_semaphore, #tpu.memory_space<semaphore_mem>>) {add = true}
        %dma_wait3A_171 = arith.constant 0 : i32
        %dma_wait3A_172 = arith.constant 0 : i32
        %dma_wait3A_173 = tpu.memref_slice %arg8[%run_scoped3A_131, %dma_wait3A_171, %dma_wait3A_172] : memref<4x64x128xf32, #tpu.memory_space<vmem>> -> memref<1x64x128xf32, #tpu.memory_space<vmem>>
        %dma_wait3A_174 = tpu.memref_squeeze %dma_wait3A_173 : memref<1x64x128xf32, #tpu.memory_space<vmem>> -> memref<64x128xf32, #tpu.memory_space<vmem>>
        %dma_wait3A_175 = arith.constant 0 : i32
        %dma_wait3A_176 = tpu.memref_slice %arg7[%add3A_130, %dma_wait3A_175] : memref<32x64xi32, #tpu.memory_space<vmem>> -> memref<1x64xi32, #tpu.memory_space<vmem>>
        %dma_wait3A_177 = tpu.memref_squeeze %dma_wait3A_176 : memref<1x64xi32, #tpu.memory_space<vmem>> -> memref<64xi32, #tpu.memory_space<vmem>>
        %dma_wait3A_178 = arith.constant 0 : i32
        %dma_wait3A_179 = arith.constant 0 : i32
        %dma_wait3A_180 = tpu.memref_slice %arg9[%dma_wait3A_178, %dma_wait3A_179] : memref<10240x128xf32, #tpu.memory_space<vmem_shared>> -> memref<10240x128xf32, #tpu.memory_space<vmem_shared>>
        tpu.wait_indirect_dma semaphore(%run_scoped3A_160 : memref<!tpu.dma_semaphore, #tpu.memory_space<semaphore_mem>>) src(%dma_wait3A_174 : memref<64x128xf32, #tpu.memory_space<vmem>>) dst(%dma_wait3A_180 : memref<10240x128xf32, #tpu.memory_space<vmem_shared>>)
        tpu.yield
      }) : () -> ()
      %dma_wait3A_132 = arith.constant 2 : i32
      %dma_wait3A_133 = arith.constant 0 : i32
      %dma_wait3A_134 = arith.constant 0 : i32
      %dma_wait3A_135 = tpu.memref_slice %arg8[%dma_wait3A_132, %dma_wait3A_133, %dma_wait3A_134] : memref<4x64x128xf32, #tpu.memory_space<vmem>> -> memref<1x64x128xf32, #tpu.memory_space<vmem>>
      %dma_wait3A_136 = tpu.memref_squeeze %dma_wait3A_135 : memref<1x64x128xf32, #tpu.memory_space<vmem>> -> memref<64x128xf32, #tpu.memory_space<vmem>>
      %dma_wait3A_137 = arith.constant 0 : i32
      %dma_wait3A_138 = tpu.memref_slice %arg6[%add3A_80, %dma_wait3A_137] : memref<32x64xi32, #tpu.memory_space<vmem>> -> memref<1x64xi32, #tpu.memory_space<vmem>>
      %dma_wait3A_139 = tpu.memref_squeeze %dma_wait3A_138 : memref<1x64xi32, #tpu.memory_space<vmem>> -> memref<64xi32, #tpu.memory_space<vmem>>
      %dma_wait3A_140 = arith.constant 0 : i32
      %dma_wait3A_141 = arith.constant 0 : i32
      %dma_wait3A_142 = tpu.memref_slice %arg2[%dma_wait3A_140, %dma_wait3A_141] : memref<10240x128xf32, #tpu.memory_space<hbm>> -> memref<10240x128xf32, #tpu.memory_space<hbm>>
      tpu.wait_indirect_dma semaphore(%arg12 : memref<!tpu.dma_semaphore, #tpu.memory_space<semaphore_mem>>) src(%dma_wait3A_142 : memref<10240x128xf32, #tpu.memory_space<hbm>>) dst(%dma_wait3A_136 : memref<64x128xf32, #tpu.memory_space<vmem>>)
      %add3A_143 = arith.constant 2 : i32
      %add3A_144 = arith.addi %add3A_53, %add3A_143 : i32
      %run_scoped3A_145 = arith.constant 2 : i32
      "tpu.region"() ({
        %run_scoped3A_160 = tpu.sem_alloc : memref<!tpu.dma_semaphore, #tpu.memory_space<semaphore_mem>>
        %dma_start3A_161 = arith.constant 0 : i32
        %dma_start3A_162 = arith.constant 0 : i32
        %dma_start3A_163 = tpu.memref_slice %arg8[%run_scoped3A_145, %dma_start3A_161, %dma_start3A_162] : memref<4x64x128xf32, #tpu.memory_space<vmem>> -> memref<1x64x128xf32, #tpu.memory_space<vmem>>
        %dma_start3A_164 = tpu.memref_squeeze %dma_start3A_163 : memref<1x64x128xf32, #tpu.memory_space<vmem>> -> memref<64x128xf32, #tpu.memory_space<vmem>>
        %dma_start3A_165 = arith.constant 0 : i32
        %dma_start3A_166 = tpu.memref_slice %arg7[%add3A_144, %dma_start3A_165] : memref<32x64xi32, #tpu.memory_space<vmem>> -> memref<1x64xi32, #tpu.memory_space<vmem>>
        %dma_start3A_167 = tpu.memref_squeeze %dma_start3A_166 : memref<1x64xi32, #tpu.memory_space<vmem>> -> memref<64xi32, #tpu.memory_space<vmem>>
        %dma_start3A_168 = arith.constant 0 : i32
        %dma_start3A_169 = arith.constant 0 : i32
        %dma_start3A_170 = tpu.memref_slice %arg9[%dma_start3A_168, %dma_start3A_169] : memref<10240x128xf32, #tpu.memory_space<vmem_shared>> -> memref<10240x128xf32, #tpu.memory_space<vmem_shared>>
        tpu.enqueue_indirect_dma source(%dma_start3A_164 : memref<64x128xf32, #tpu.memory_space<vmem>>) target(%dma_start3A_170 : memref<10240x128xf32, #tpu.memory_space<vmem_shared>>) offsets(%dma_start3A_167 : memref<64xi32, #tpu.memory_space<vmem>>) semaphore(%run_scoped3A_160 : memref<!tpu.dma_semaphore, #tpu.memory_space<semaphore_mem>>) {add = true}
        %dma_wait3A_171 = arith.constant 0 : i32
        %dma_wait3A_172 = arith.constant 0 : i32
        %dma_wait3A_173 = tpu.memref_slice %arg8[%run_scoped3A_145, %dma_wait3A_171, %dma_wait3A_172] : memref<4x64x128xf32, #tpu.memory_space<vmem>> -> memref<1x64x128xf32, #tpu.memory_space<vmem>>
        %dma_wait3A_174 = tpu.memref_squeeze %dma_wait3A_173 : memref<1x64x128xf32, #tpu.memory_space<vmem>> -> memref<64x128xf32, #tpu.memory_space<vmem>>
        %dma_wait3A_175 = arith.constant 0 : i32
        %dma_wait3A_176 = tpu.memref_slice %arg7[%add3A_144, %dma_wait3A_175] : memref<32x64xi32, #tpu.memory_space<vmem>> -> memref<1x64xi32, #tpu.memory_space<vmem>>
        %dma_wait3A_177 = tpu.memref_squeeze %dma_wait3A_176 : memref<1x64xi32, #tpu.memory_space<vmem>> -> memref<64xi32, #tpu.memory_space<vmem>>
        %dma_wait3A_178 = arith.constant 0 : i32
        %dma_wait3A_179 = arith.constant 0 : i32
        %dma_wait3A_180 = tpu.memref_slice %arg9[%dma_wait3A_178, %dma_wait3A_179] : memref<10240x128xf32, #tpu.memory_space<vmem_shared>> -> memref<10240x128xf32, #tpu.memory_space<vmem_shared>>
        tpu.wait_indirect_dma semaphore(%run_scoped3A_160 : memref<!tpu.dma_semaphore, #tpu.memory_space<semaphore_mem>>) src(%dma_wait3A_174 : memref<64x128xf32, #tpu.memory_space<vmem>>) dst(%dma_wait3A_180 : memref<10240x128xf32, #tpu.memory_space<vmem_shared>>)
        tpu.yield
      }) : () -> ()
      %dma_wait3A_146 = arith.constant 3 : i32
      %dma_wait3A_147 = arith.constant 0 : i32
      %dma_wait3A_148 = arith.constant 0 : i32
      %dma_wait3A_149 = tpu.memref_slice %arg8[%dma_wait3A_146, %dma_wait3A_147, %dma_wait3A_148] : memref<4x64x128xf32, #tpu.memory_space<vmem>> -> memref<1x64x128xf32, #tpu.memory_space<vmem>>
      %dma_wait3A_150 = tpu.memref_squeeze %dma_wait3A_149 : memref<1x64x128xf32, #tpu.memory_space<vmem>> -> memref<64x128xf32, #tpu.memory_space<vmem>>
      %dma_wait3A_151 = arith.constant 0 : i32
      %dma_wait3A_152 = tpu.memref_slice %arg6[%add3A_93, %dma_wait3A_151] : memref<32x64xi32, #tpu.memory_space<vmem>> -> memref<1x64xi32, #tpu.memory_space<vmem>>
      %dma_wait3A_153 = tpu.memref_squeeze %dma_wait3A_152 : memref<1x64xi32, #tpu.memory_space<vmem>> -> memref<64xi32, #tpu.memory_space<vmem>>
      %dma_wait3A_154 = arith.constant 0 : i32
      %dma_wait3A_155 = arith.constant 0 : i32
      %dma_wait3A_156 = tpu.memref_slice %arg2[%dma_wait3A_154, %dma_wait3A_155] : memref<10240x128xf32, #tpu.memory_space<hbm>> -> memref<10240x128xf32, #tpu.memory_space<hbm>>
      tpu.wait_indirect_dma semaphore(%arg13 : memref<!tpu.dma_semaphore, #tpu.memory_space<semaphore_mem>>) src(%dma_wait3A_156 : memref<10240x128xf32, #tpu.memory_space<hbm>>) dst(%dma_wait3A_150 : memref<64x128xf32, #tpu.memory_space<vmem>>)
      %add3A_157 = arith.constant 3 : i32
      %add3A_158 = arith.addi %add3A_53, %add3A_157 : i32
      %run_scoped3A_159 = arith.constant 3 : i32
      "tpu.region"() ({
        %run_scoped3A_160 = tpu.sem_alloc : memref<!tpu.dma_semaphore, #tpu.memory_space<semaphore_mem>>
        %dma_start3A_161 = arith.constant 0 : i32
        %dma_start3A_162 = arith.constant 0 : i32
        %dma_start3A_163 = tpu.memref_slice %arg8[%run_scoped3A_159, %dma_start3A_161, %dma_start3A_162] : memref<4x64x128xf32, #tpu.memory_space<vmem>> -> memref<1x64x128xf32, #tpu.memory_space<vmem>>
        %dma_start3A_164 = tpu.memref_squeeze %dma_start3A_163 : memref<1x64x128xf32, #tpu.memory_space<vmem>> -> memref<64x128xf32, #tpu.memory_space<vmem>>
        %dma_start3A_165 = arith.constant 0 : i32
        %dma_start3A_166 = tpu.memref_slice %arg7[%add3A_158, %dma_start3A_165] : memref<32x64xi32, #tpu.memory_space<vmem>> -> memref<1x64xi32, #tpu.memory_space<vmem>>
        %dma_start3A_167 = tpu.memref_squeeze %dma_start3A_166 : memref<1x64xi32, #tpu.memory_space<vmem>> -> memref<64xi32, #tpu.memory_space<vmem>>
        %dma_start3A_168 = arith.constant 0 : i32
        %dma_start3A_169 = arith.constant 0 : i32
        %dma_start3A_170 = tpu.memref_slice %arg9[%dma_start3A_168, %dma_start3A_169] : memref<10240x128xf32, #tpu.memory_space<vmem_shared>> -> memref<10240x128xf32, #tpu.memory_space<vmem_shared>>
        tpu.enqueue_indirect_dma source(%dma_start3A_164 : memref<64x128xf32, #tpu.memory_space<vmem>>) target(%dma_start3A_170 : memref<10240x128xf32, #tpu.memory_space<vmem_shared>>) offsets(%dma_start3A_167 : memref<64xi32, #tpu.memory_space<vmem>>) semaphore(%run_scoped3A_160 : memref<!tpu.dma_semaphore, #tpu.memory_space<semaphore_mem>>) {add = true}
        %dma_wait3A_171 = arith.constant 0 : i32
        %dma_wait3A_172 = arith.constant 0 : i32
        %dma_wait3A_173 = tpu.memref_slice %arg8[%run_scoped3A_159, %dma_wait3A_171, %dma_wait3A_172] : memref<4x64x128xf32, #tpu.memory_space<vmem>> -> memref<1x64x128xf32, #tpu.memory_space<vmem>>
        %dma_wait3A_174 = tpu.memref_squeeze %dma_wait3A_173 : memref<1x64x128xf32, #tpu.memory_space<vmem>> -> memref<64x128xf32, #tpu.memory_space<vmem>>
        %dma_wait3A_175 = arith.constant 0 : i32
        %dma_wait3A_176 = tpu.memref_slice %arg7[%add3A_158, %dma_wait3A_175] : memref<32x64xi32, #tpu.memory_space<vmem>> -> memref<1x64xi32, #tpu.memory_space<vmem>>
        %dma_wait3A_177 = tpu.memref_squeeze %dma_wait3A_176 : memref<1x64xi32, #tpu.memory_space<vmem>> -> memref<64xi32, #tpu.memory_space<vmem>>
        %dma_wait3A_178 = arith.constant 0 : i32
        %dma_wait3A_179 = arith.constant 0 : i32
        %dma_wait3A_180 = tpu.memref_slice %arg9[%dma_wait3A_178, %dma_wait3A_179] : memref<10240x128xf32, #tpu.memory_space<vmem_shared>> -> memref<10240x128xf32, #tpu.memory_space<vmem_shared>>
        tpu.wait_indirect_dma semaphore(%run_scoped3A_160 : memref<!tpu.dma_semaphore, #tpu.memory_space<semaphore_mem>>) src(%dma_wait3A_174 : memref<64x128xf32, #tpu.memory_space<vmem>>) dst(%dma_wait3A_180 : memref<10240x128xf32, #tpu.memory_space<vmem_shared>>)
        tpu.yield
      }) : () -> ()
    }
    %scan3A_29 = arith.constant 8 : i32
    %run_scoped3A_30 = arith.constant 3 : i32
    "tpu.region"() ({
      %run_scoped3A_49 = tpu.sem_alloc : memref<!tpu.dma_semaphore, #tpu.memory_space<semaphore_mem>>
      %dma_start3A = arith.constant 0 : i32
      %dma_start3A_50 = arith.constant 0 : i32
      %dma_start3A_51 = tpu.memref_slice %arg3[%add3A, %run_scoped3A_30, %dma_start3A, %dma_start3A_50] : memref<32x5x32x64xi32, #tpu.memory_space<hbm>> -> memref<1x1x32x64xi32, #tpu.memory_space<hbm>>
      %dma_start3A_52 = tpu.memref_squeeze %dma_start3A_51 : memref<1x1x32x64xi32, #tpu.memory_space<hbm>> -> memref<32x64xi32, #tpu.memory_space<hbm>>
      %dma_start3A_53 = arith.constant 0 : i32
      %dma_start3A_54 = arith.constant 0 : i32
      %dma_start3A_55 = tpu.memref_slice %arg3[%add3A, %run_scoped3A_30, %dma_start3A_53, %dma_start3A_54] : memref<32x5x32x64xi32, #tpu.memory_space<hbm>> -> memref<1x1x32x64xi32, #tpu.memory_space<hbm>>
      %dma_start3A_56 = tpu.memref_squeeze %dma_start3A_55 : memref<1x1x32x64xi32, #tpu.memory_space<hbm>> -> memref<32x64xi32, #tpu.memory_space<hbm>>
      tpu.enqueue_dma source(%dma_start3A_56 : memref<32x64xi32, #tpu.memory_space<hbm>>) target(%arg6 : memref<32x64xi32, #tpu.memory_space<vmem>>) target_semaphore(%run_scoped3A_49 : memref<!tpu.dma_semaphore, #tpu.memory_space<semaphore_mem>>)
      %dma_wait3A = arith.constant 0 : i32
      %dma_wait3A_57 = arith.constant 0 : i32
      %dma_wait3A_58 = tpu.memref_slice %arg3[%add3A, %run_scoped3A_30, %dma_wait3A, %dma_wait3A_57] : memref<32x5x32x64xi32, #tpu.memory_space<hbm>> -> memref<1x1x32x64xi32, #tpu.memory_space<hbm>>
      %dma_wait3A_59 = tpu.memref_squeeze %dma_wait3A_58 : memref<1x1x32x64xi32, #tpu.memory_space<hbm>> -> memref<32x64xi32, #tpu.memory_space<hbm>>
      %dma_wait3A_60 = arith.constant 0 : i32
      %dma_wait3A_61 = arith.constant 0 : i32
      %dma_wait3A_62 = tpu.memref_slice %arg3[%add3A, %run_scoped3A_30, %dma_wait3A_60, %dma_wait3A_61] : memref<32x5x32x64xi32, #tpu.memory_space<hbm>> -> memref<1x1x32x64xi32, #tpu.memory_space<hbm>>
      %dma_wait3A_63 = tpu.memref_squeeze %dma_wait3A_62 : memref<1x1x32x64xi32, #tpu.memory_space<hbm>> -> memref<32x64xi32, #tpu.memory_space<hbm>>
      tpu.wait_dma2 semaphore(%run_scoped3A_49 : memref<!tpu.dma_semaphore, #tpu.memory_space<semaphore_mem>>) src(%dma_wait3A_63 : memref<32x64xi32, #tpu.memory_space<hbm>>) dst(%arg6 : memref<32x64xi32, #tpu.memory_space<vmem>>)
      tpu.yield
    }) : () -> ()
    %run_scoped3A_31 = arith.constant 3 : i32
    "tpu.region"() ({
      %run_scoped3A_49 = tpu.sem_alloc : memref<!tpu.dma_semaphore, #tpu.memory_space<semaphore_mem>>
      %dma_start3A = arith.constant 0 : i32
      %dma_start3A_50 = arith.constant 0 : i32
      %dma_start3A_51 = tpu.memref_slice %arg4[%add3A, %run_scoped3A_31, %dma_start3A, %dma_start3A_50] : memref<32x5x32x64xi32, #tpu.memory_space<hbm>> -> memref<1x1x32x64xi32, #tpu.memory_space<hbm>>
      %dma_start3A_52 = tpu.memref_squeeze %dma_start3A_51 : memref<1x1x32x64xi32, #tpu.memory_space<hbm>> -> memref<32x64xi32, #tpu.memory_space<hbm>>
      %dma_start3A_53 = arith.constant 0 : i32
      %dma_start3A_54 = arith.constant 0 : i32
      %dma_start3A_55 = tpu.memref_slice %arg4[%add3A, %run_scoped3A_31, %dma_start3A_53, %dma_start3A_54] : memref<32x5x32x64xi32, #tpu.memory_space<hbm>> -> memref<1x1x32x64xi32, #tpu.memory_space<hbm>>
      %dma_start3A_56 = tpu.memref_squeeze %dma_start3A_55 : memref<1x1x32x64xi32, #tpu.memory_space<hbm>> -> memref<32x64xi32, #tpu.memory_space<hbm>>
      tpu.enqueue_dma source(%dma_start3A_56 : memref<32x64xi32, #tpu.memory_space<hbm>>) target(%arg7 : memref<32x64xi32, #tpu.memory_space<vmem>>) target_semaphore(%run_scoped3A_49 : memref<!tpu.dma_semaphore, #tpu.memory_space<semaphore_mem>>)
      %dma_wait3A = arith.constant 0 : i32
      %dma_wait3A_57 = arith.constant 0 : i32
      %dma_wait3A_58 = tpu.memref_slice %arg4[%add3A, %run_scoped3A_31, %dma_wait3A, %dma_wait3A_57] : memref<32x5x32x64xi32, #tpu.memory_space<hbm>> -> memref<1x1x32x64xi32, #tpu.memory_space<hbm>>
      %dma_wait3A_59 = tpu.memref_squeeze %dma_wait3A_58 : memref<1x1x32x64xi32, #tpu.memory_space<hbm>> -> memref<32x64xi32, #tpu.memory_space<hbm>>
      %dma_wait3A_60 = arith.constant 0 : i32
      %dma_wait3A_61 = arith.constant 0 : i32
      %dma_wait3A_62 = tpu.memref_slice %arg4[%add3A, %run_scoped3A_31, %dma_wait3A_60, %dma_wait3A_61] : memref<32x5x32x64xi32, #tpu.memory_space<hbm>> -> memref<1x1x32x64xi32, #tpu.memory_space<hbm>>
      %dma_wait3A_63 = tpu.memref_squeeze %dma_wait3A_62 : memref<1x1x32x64xi32, #tpu.memory_space<hbm>> -> memref<32x64xi32, #tpu.memory_space<hbm>>
      tpu.wait_dma2 semaphore(%run_scoped3A_49 : memref<!tpu.dma_semaphore, #tpu.memory_space<semaphore_mem>>) src(%dma_wait3A_63 : memref<32x64xi32, #tpu.memory_space<hbm>>) dst(%arg7 : memref<32x64xi32, #tpu.memory_space<vmem>>)
      tpu.yield
    }) : () -> ()
    %scan3A_32 = arith.constant 0 : i32
    %scan3A_33 = arith.constant 8 : i32
    %scan3A_34 = arith.addi %scan3A_32, %scan3A_33 : i32
    %scan3A_35 = arith.constant 1 : i32
    scf.for %scan3A_49 = %scan3A_32 to %scan3A_34 step %scan3A_35  : i32 {
      %mul3A_50 = arith.constant 4 : i32
      %mul3A_51 = arith.muli %scan3A_49, %mul3A_50 : i32
      %add3A_52 = arith.constant 0 : i32
      %add3A_53 = arith.addi %add3A_52, %mul3A_51 : i32
      %add3A_54 = arith.constant 0 : i32
      %add3A_55 = arith.addi %add3A_53, %add3A_54 : i32
      %dma_start3A = arith.constant 0 : i32
      %dma_start3A_56 = arith.constant 0 : i32
      %dma_start3A_57 = arith.constant 0 : i32
      %dma_start3A_58 = tpu.memref_slice %arg8[%dma_start3A, %dma_start3A_56, %dma_start3A_57] : memref<4x64x128xf32, #tpu.memory_space<vmem>> -> memref<1x64x128xf32, #tpu.memory_space<vmem>>
      %dma_start3A_59 = tpu.memref_squeeze %dma_start3A_58 : memref<1x64x128xf32, #tpu.memory_space<vmem>> -> memref<64x128xf32, #tpu.memory_space<vmem>>
      %dma_start3A_60 = arith.constant 0 : i32
      %dma_start3A_61 = tpu.memref_slice %arg6[%add3A_55, %dma_start3A_60] : memref<32x64xi32, #tpu.memory_space<vmem>> -> memref<1x64xi32, #tpu.memory_space<vmem>>
      %dma_start3A_62 = tpu.memref_squeeze %dma_start3A_61 : memref<1x64xi32, #tpu.memory_space<vmem>> -> memref<64xi32, #tpu.memory_space<vmem>>
      %dma_start3A_63 = arith.constant 0 : i32
      %dma_start3A_64 = arith.constant 0 : i32
      %dma_start3A_65 = tpu.memref_slice %arg2[%dma_start3A_63, %dma_start3A_64] : memref<10240x128xf32, #tpu.memory_space<hbm>> -> memref<10240x128xf32, #tpu.memory_space<hbm>>
      tpu.enqueue_indirect_dma source(%dma_start3A_65 : memref<10240x128xf32, #tpu.memory_space<hbm>>) target(%dma_start3A_59 : memref<64x128xf32, #tpu.memory_space<vmem>>) offsets(%dma_start3A_62 : memref<64xi32, #tpu.memory_space<vmem>>) semaphore(%arg10 : memref<!tpu.dma_semaphore, #tpu.memory_space<semaphore_mem>>)
      %add3A_66 = arith.constant 1 : i32
      %add3A_67 = arith.addi %add3A_53, %add3A_66 : i32
      %dma_start3A_68 = arith.constant 1 : i32
      %dma_start3A_69 = arith.constant 0 : i32
      %dma_start3A_70 = arith.constant 0 : i32
      %dma_start3A_71 = tpu.memref_slice %arg8[%dma_start3A_68, %dma_start3A_69, %dma_start3A_70] : memref<4x64x128xf32, #tpu.memory_space<vmem>> -> memref<1x64x128xf32, #tpu.memory_space<vmem>>
      %dma_start3A_72 = tpu.memref_squeeze %dma_start3A_71 : memref<1x64x128xf32, #tpu.memory_space<vmem>> -> memref<64x128xf32, #tpu.memory_space<vmem>>
      %dma_start3A_73 = arith.constant 0 : i32
      %dma_start3A_74 = tpu.memref_slice %arg6[%add3A_67, %dma_start3A_73] : memref<32x64xi32, #tpu.memory_space<vmem>> -> memref<1x64xi32, #tpu.memory_space<vmem>>
      %dma_start3A_75 = tpu.memref_squeeze %dma_start3A_74 : memref<1x64xi32, #tpu.memory_space<vmem>> -> memref<64xi32, #tpu.memory_space<vmem>>
      %dma_start3A_76 = arith.constant 0 : i32
      %dma_start3A_77 = arith.constant 0 : i32
      %dma_start3A_78 = tpu.memref_slice %arg2[%dma_start3A_76, %dma_start3A_77] : memref<10240x128xf32, #tpu.memory_space<hbm>> -> memref<10240x128xf32, #tpu.memory_space<hbm>>
      tpu.enqueue_indirect_dma source(%dma_start3A_78 : memref<10240x128xf32, #tpu.memory_space<hbm>>) target(%dma_start3A_72 : memref<64x128xf32, #tpu.memory_space<vmem>>) offsets(%dma_start3A_75 : memref<64xi32, #tpu.memory_space<vmem>>) semaphore(%arg11 : memref<!tpu.dma_semaphore, #tpu.memory_space<semaphore_mem>>)
      %add3A_79 = arith.constant 2 : i32
      %add3A_80 = arith.addi %add3A_53, %add3A_79 : i32
      %dma_start3A_81 = arith.constant 2 : i32
      %dma_start3A_82 = arith.constant 0 : i32
      %dma_start3A_83 = arith.constant 0 : i32
      %dma_start3A_84 = tpu.memref_slice %arg8[%dma_start3A_81, %dma_start3A_82, %dma_start3A_83] : memref<4x64x128xf32, #tpu.memory_space<vmem>> -> memref<1x64x128xf32, #tpu.memory_space<vmem>>
      %dma_start3A_85 = tpu.memref_squeeze %dma_start3A_84 : memref<1x64x128xf32, #tpu.memory_space<vmem>> -> memref<64x128xf32, #tpu.memory_space<vmem>>
      %dma_start3A_86 = arith.constant 0 : i32
      %dma_start3A_87 = tpu.memref_slice %arg6[%add3A_80, %dma_start3A_86] : memref<32x64xi32, #tpu.memory_space<vmem>> -> memref<1x64xi32, #tpu.memory_space<vmem>>
      %dma_start3A_88 = tpu.memref_squeeze %dma_start3A_87 : memref<1x64xi32, #tpu.memory_space<vmem>> -> memref<64xi32, #tpu.memory_space<vmem>>
      %dma_start3A_89 = arith.constant 0 : i32
      %dma_start3A_90 = arith.constant 0 : i32
      %dma_start3A_91 = tpu.memref_slice %arg2[%dma_start3A_89, %dma_start3A_90] : memref<10240x128xf32, #tpu.memory_space<hbm>> -> memref<10240x128xf32, #tpu.memory_space<hbm>>
      tpu.enqueue_indirect_dma source(%dma_start3A_91 : memref<10240x128xf32, #tpu.memory_space<hbm>>) target(%dma_start3A_85 : memref<64x128xf32, #tpu.memory_space<vmem>>) offsets(%dma_start3A_88 : memref<64xi32, #tpu.memory_space<vmem>>) semaphore(%arg12 : memref<!tpu.dma_semaphore, #tpu.memory_space<semaphore_mem>>)
      %add3A_92 = arith.constant 3 : i32
      %add3A_93 = arith.addi %add3A_53, %add3A_92 : i32
      %dma_start3A_94 = arith.constant 3 : i32
      %dma_start3A_95 = arith.constant 0 : i32
      %dma_start3A_96 = arith.constant 0 : i32
      %dma_start3A_97 = tpu.memref_slice %arg8[%dma_start3A_94, %dma_start3A_95, %dma_start3A_96] : memref<4x64x128xf32, #tpu.memory_space<vmem>> -> memref<1x64x128xf32, #tpu.memory_space<vmem>>
      %dma_start3A_98 = tpu.memref_squeeze %dma_start3A_97 : memref<1x64x128xf32, #tpu.memory_space<vmem>> -> memref<64x128xf32, #tpu.memory_space<vmem>>
      %dma_start3A_99 = arith.constant 0 : i32
      %dma_start3A_100 = tpu.memref_slice %arg6[%add3A_93, %dma_start3A_99] : memref<32x64xi32, #tpu.memory_space<vmem>> -> memref<1x64xi32, #tpu.memory_space<vmem>>
      %dma_start3A_101 = tpu.memref_squeeze %dma_start3A_100 : memref<1x64xi32, #tpu.memory_space<vmem>> -> memref<64xi32, #tpu.memory_space<vmem>>
      %dma_start3A_102 = arith.constant 0 : i32
      %dma_start3A_103 = arith.constant 0 : i32
      %dma_start3A_104 = tpu.memref_slice %arg2[%dma_start3A_102, %dma_start3A_103] : memref<10240x128xf32, #tpu.memory_space<hbm>> -> memref<10240x128xf32, #tpu.memory_space<hbm>>
      tpu.enqueue_indirect_dma source(%dma_start3A_104 : memref<10240x128xf32, #tpu.memory_space<hbm>>) target(%dma_start3A_98 : memref<64x128xf32, #tpu.memory_space<vmem>>) offsets(%dma_start3A_101 : memref<64xi32, #tpu.memory_space<vmem>>) semaphore(%arg13 : memref<!tpu.dma_semaphore, #tpu.memory_space<semaphore_mem>>)
      %dma_wait3A = arith.constant 0 : i32
      %dma_wait3A_105 = arith.constant 0 : i32
      %dma_wait3A_106 = arith.constant 0 : i32
      %dma_wait3A_107 = tpu.memref_slice %arg8[%dma_wait3A, %dma_wait3A_105, %dma_wait3A_106] : memref<4x64x128xf32, #tpu.memory_space<vmem>> -> memref<1x64x128xf32, #tpu.memory_space<vmem>>
      %dma_wait3A_108 = tpu.memref_squeeze %dma_wait3A_107 : memref<1x64x128xf32, #tpu.memory_space<vmem>> -> memref<64x128xf32, #tpu.memory_space<vmem>>
      %dma_wait3A_109 = arith.constant 0 : i32
      %dma_wait3A_110 = tpu.memref_slice %arg6[%add3A_55, %dma_wait3A_109] : memref<32x64xi32, #tpu.memory_space<vmem>> -> memref<1x64xi32, #tpu.memory_space<vmem>>
      %dma_wait3A_111 = tpu.memref_squeeze %dma_wait3A_110 : memref<1x64xi32, #tpu.memory_space<vmem>> -> memref<64xi32, #tpu.memory_space<vmem>>
      %dma_wait3A_112 = arith.constant 0 : i32
      %dma_wait3A_113 = arith.constant 0 : i32
      %dma_wait3A_114 = tpu.memref_slice %arg2[%dma_wait3A_112, %dma_wait3A_113] : memref<10240x128xf32, #tpu.memory_space<hbm>> -> memref<10240x128xf32, #tpu.memory_space<hbm>>
      tpu.wait_indirect_dma semaphore(%arg10 : memref<!tpu.dma_semaphore, #tpu.memory_space<semaphore_mem>>) src(%dma_wait3A_114 : memref<10240x128xf32, #tpu.memory_space<hbm>>) dst(%dma_wait3A_108 : memref<64x128xf32, #tpu.memory_space<vmem>>)
      %add3A_115 = arith.constant 0 : i32
      %add3A_116 = arith.addi %add3A_53, %add3A_115 : i32
      %run_scoped3A_117 = arith.constant 0 : i32
      "tpu.region"() ({
        %run_scoped3A_160 = tpu.sem_alloc : memref<!tpu.dma_semaphore, #tpu.memory_space<semaphore_mem>>
        %dma_start3A_161 = arith.constant 0 : i32
        %dma_start3A_162 = arith.constant 0 : i32
        %dma_start3A_163 = tpu.memref_slice %arg8[%run_scoped3A_117, %dma_start3A_161, %dma_start3A_162] : memref<4x64x128xf32, #tpu.memory_space<vmem>> -> memref<1x64x128xf32, #tpu.memory_space<vmem>>
        %dma_start3A_164 = tpu.memref_squeeze %dma_start3A_163 : memref<1x64x128xf32, #tpu.memory_space<vmem>> -> memref<64x128xf32, #tpu.memory_space<vmem>>
        %dma_start3A_165 = arith.constant 0 : i32
        %dma_start3A_166 = tpu.memref_slice %arg7[%add3A_116, %dma_start3A_165] : memref<32x64xi32, #tpu.memory_space<vmem>> -> memref<1x64xi32, #tpu.memory_space<vmem>>
        %dma_start3A_167 = tpu.memref_squeeze %dma_start3A_166 : memref<1x64xi32, #tpu.memory_space<vmem>> -> memref<64xi32, #tpu.memory_space<vmem>>
        %dma_start3A_168 = arith.constant 0 : i32
        %dma_start3A_169 = arith.constant 0 : i32
        %dma_start3A_170 = tpu.memref_slice %arg9[%dma_start3A_168, %dma_start3A_169] : memref<10240x128xf32, #tpu.memory_space<vmem_shared>> -> memref<10240x128xf32, #tpu.memory_space<vmem_shared>>
        tpu.enqueue_indirect_dma source(%dma_start3A_164 : memref<64x128xf32, #tpu.memory_space<vmem>>) target(%dma_start3A_170 : memref<10240x128xf32, #tpu.memory_space<vmem_shared>>) offsets(%dma_start3A_167 : memref<64xi32, #tpu.memory_space<vmem>>) semaphore(%run_scoped3A_160 : memref<!tpu.dma_semaphore, #tpu.memory_space<semaphore_mem>>) {add = true}
        %dma_wait3A_171 = arith.constant 0 : i32
        %dma_wait3A_172 = arith.constant 0 : i32
        %dma_wait3A_173 = tpu.memref_slice %arg8[%run_scoped3A_117, %dma_wait3A_171, %dma_wait3A_172] : memref<4x64x128xf32, #tpu.memory_space<vmem>> -> memref<1x64x128xf32, #tpu.memory_space<vmem>>
        %dma_wait3A_174 = tpu.memref_squeeze %dma_wait3A_173 : memref<1x64x128xf32, #tpu.memory_space<vmem>> -> memref<64x128xf32, #tpu.memory_space<vmem>>
        %dma_wait3A_175 = arith.constant 0 : i32
        %dma_wait3A_176 = tpu.memref_slice %arg7[%add3A_116, %dma_wait3A_175] : memref<32x64xi32, #tpu.memory_space<vmem>> -> memref<1x64xi32, #tpu.memory_space<vmem>>
        %dma_wait3A_177 = tpu.memref_squeeze %dma_wait3A_176 : memref<1x64xi32, #tpu.memory_space<vmem>> -> memref<64xi32, #tpu.memory_space<vmem>>
        %dma_wait3A_178 = arith.constant 0 : i32
        %dma_wait3A_179 = arith.constant 0 : i32
        %dma_wait3A_180 = tpu.memref_slice %arg9[%dma_wait3A_178, %dma_wait3A_179] : memref<10240x128xf32, #tpu.memory_space<vmem_shared>> -> memref<10240x128xf32, #tpu.memory_space<vmem_shared>>
        tpu.wait_indirect_dma semaphore(%run_scoped3A_160 : memref<!tpu.dma_semaphore, #tpu.memory_space<semaphore_mem>>) src(%dma_wait3A_174 : memref<64x128xf32, #tpu.memory_space<vmem>>) dst(%dma_wait3A_180 : memref<10240x128xf32, #tpu.memory_space<vmem_shared>>)
        tpu.yield
      }) : () -> ()
      %dma_wait3A_118 = arith.constant 1 : i32
      %dma_wait3A_119 = arith.constant 0 : i32
      %dma_wait3A_120 = arith.constant 0 : i32
      %dma_wait3A_121 = tpu.memref_slice %arg8[%dma_wait3A_118, %dma_wait3A_119, %dma_wait3A_120] : memref<4x64x128xf32, #tpu.memory_space<vmem>> -> memref<1x64x128xf32, #tpu.memory_space<vmem>>
      %dma_wait3A_122 = tpu.memref_squeeze %dma_wait3A_121 : memref<1x64x128xf32, #tpu.memory_space<vmem>> -> memref<64x128xf32, #tpu.memory_space<vmem>>
      %dma_wait3A_123 = arith.constant 0 : i32
      %dma_wait3A_124 = tpu.memref_slice %arg6[%add3A_67, %dma_wait3A_123] : memref<32x64xi32, #tpu.memory_space<vmem>> -> memref<1x64xi32, #tpu.memory_space<vmem>>
      %dma_wait3A_125 = tpu.memref_squeeze %dma_wait3A_124 : memref<1x64xi32, #tpu.memory_space<vmem>> -> memref<64xi32, #tpu.memory_space<vmem>>
      %dma_wait3A_126 = arith.constant 0 : i32
      %dma_wait3A_127 = arith.constant 0 : i32
      %dma_wait3A_128 = tpu.memref_slice %arg2[%dma_wait3A_126, %dma_wait3A_127] : memref<10240x128xf32, #tpu.memory_space<hbm>> -> memref<10240x128xf32, #tpu.memory_space<hbm>>
      tpu.wait_indirect_dma semaphore(%arg11 : memref<!tpu.dma_semaphore, #tpu.memory_space<semaphore_mem>>) src(%dma_wait3A_128 : memref<10240x128xf32, #tpu.memory_space<hbm>>) dst(%dma_wait3A_122 : memref<64x128xf32, #tpu.memory_space<vmem>>)
      %add3A_129 = arith.constant 1 : i32
      %add3A_130 = arith.addi %add3A_53, %add3A_129 : i32
      %run_scoped3A_131 = arith.constant 1 : i32
      "tpu.region"() ({
        %run_scoped3A_160 = tpu.sem_alloc : memref<!tpu.dma_semaphore, #tpu.memory_space<semaphore_mem>>
        %dma_start3A_161 = arith.constant 0 : i32
        %dma_start3A_162 = arith.constant 0 : i32
        %dma_start3A_163 = tpu.memref_slice %arg8[%run_scoped3A_131, %dma_start3A_161, %dma_start3A_162] : memref<4x64x128xf32, #tpu.memory_space<vmem>> -> memref<1x64x128xf32, #tpu.memory_space<vmem>>
        %dma_start3A_164 = tpu.memref_squeeze %dma_start3A_163 : memref<1x64x128xf32, #tpu.memory_space<vmem>> -> memref<64x128xf32, #tpu.memory_space<vmem>>
        %dma_start3A_165 = arith.constant 0 : i32
        %dma_start3A_166 = tpu.memref_slice %arg7[%add3A_130, %dma_start3A_165] : memref<32x64xi32, #tpu.memory_space<vmem>> -> memref<1x64xi32, #tpu.memory_space<vmem>>
        %dma_start3A_167 = tpu.memref_squeeze %dma_start3A_166 : memref<1x64xi32, #tpu.memory_space<vmem>> -> memref<64xi32, #tpu.memory_space<vmem>>
        %dma_start3A_168 = arith.constant 0 : i32
        %dma_start3A_169 = arith.constant 0 : i32
        %dma_start3A_170 = tpu.memref_slice %arg9[%dma_start3A_168, %dma_start3A_169] : memref<10240x128xf32, #tpu.memory_space<vmem_shared>> -> memref<10240x128xf32, #tpu.memory_space<vmem_shared>>
        tpu.enqueue_indirect_dma source(%dma_start3A_164 : memref<64x128xf32, #tpu.memory_space<vmem>>) target(%dma_start3A_170 : memref<10240x128xf32, #tpu.memory_space<vmem_shared>>) offsets(%dma_start3A_167 : memref<64xi32, #tpu.memory_space<vmem>>) semaphore(%run_scoped3A_160 : memref<!tpu.dma_semaphore, #tpu.memory_space<semaphore_mem>>) {add = true}
        %dma_wait3A_171 = arith.constant 0 : i32
        %dma_wait3A_172 = arith.constant 0 : i32
        %dma_wait3A_173 = tpu.memref_slice %arg8[%run_scoped3A_131, %dma_wait3A_171, %dma_wait3A_172] : memref<4x64x128xf32, #tpu.memory_space<vmem>> -> memref<1x64x128xf32, #tpu.memory_space<vmem>>
        %dma_wait3A_174 = tpu.memref_squeeze %dma_wait3A_173 : memref<1x64x128xf32, #tpu.memory_space<vmem>> -> memref<64x128xf32, #tpu.memory_space<vmem>>
        %dma_wait3A_175 = arith.constant 0 : i32
        %dma_wait3A_176 = tpu.memref_slice %arg7[%add3A_130, %dma_wait3A_175] : memref<32x64xi32, #tpu.memory_space<vmem>> -> memref<1x64xi32, #tpu.memory_space<vmem>>
        %dma_wait3A_177 = tpu.memref_squeeze %dma_wait3A_176 : memref<1x64xi32, #tpu.memory_space<vmem>> -> memref<64xi32, #tpu.memory_space<vmem>>
        %dma_wait3A_178 = arith.constant 0 : i32
        %dma_wait3A_179 = arith.constant 0 : i32
        %dma_wait3A_180 = tpu.memref_slice %arg9[%dma_wait3A_178, %dma_wait3A_179] : memref<10240x128xf32, #tpu.memory_space<vmem_shared>> -> memref<10240x128xf32, #tpu.memory_space<vmem_shared>>
        tpu.wait_indirect_dma semaphore(%run_scoped3A_160 : memref<!tpu.dma_semaphore, #tpu.memory_space<semaphore_mem>>) src(%dma_wait3A_174 : memref<64x128xf32, #tpu.memory_space<vmem>>) dst(%dma_wait3A_180 : memref<10240x128xf32, #tpu.memory_space<vmem_shared>>)
        tpu.yield
      }) : () -> ()
      %dma_wait3A_132 = arith.constant 2 : i32
      %dma_wait3A_133 = arith.constant 0 : i32
      %dma_wait3A_134 = arith.constant 0 : i32
      %dma_wait3A_135 = tpu.memref_slice %arg8[%dma_wait3A_132, %dma_wait3A_133, %dma_wait3A_134] : memref<4x64x128xf32, #tpu.memory_space<vmem>> -> memref<1x64x128xf32, #tpu.memory_space<vmem>>
      %dma_wait3A_136 = tpu.memref_squeeze %dma_wait3A_135 : memref<1x64x128xf32, #tpu.memory_space<vmem>> -> memref<64x128xf32, #tpu.memory_space<vmem>>
      %dma_wait3A_137 = arith.constant 0 : i32
      %dma_wait3A_138 = tpu.memref_slice %arg6[%add3A_80, %dma_wait3A_137] : memref<32x64xi32, #tpu.memory_space<vmem>> -> memref<1x64xi32, #tpu.memory_space<vmem>>
      %dma_wait3A_139 = tpu.memref_squeeze %dma_wait3A_138 : memref<1x64xi32, #tpu.memory_space<vmem>> -> memref<64xi32, #tpu.memory_space<vmem>>
      %dma_wait3A_140 = arith.constant 0 : i32
      %dma_wait3A_141 = arith.constant 0 : i32
      %dma_wait3A_142 = tpu.memref_slice %arg2[%dma_wait3A_140, %dma_wait3A_141] : memref<10240x128xf32, #tpu.memory_space<hbm>> -> memref<10240x128xf32, #tpu.memory_space<hbm>>
      tpu.wait_indirect_dma semaphore(%arg12 : memref<!tpu.dma_semaphore, #tpu.memory_space<semaphore_mem>>) src(%dma_wait3A_142 : memref<10240x128xf32, #tpu.memory_space<hbm>>) dst(%dma_wait3A_136 : memref<64x128xf32, #tpu.memory_space<vmem>>)
      %add3A_143 = arith.constant 2 : i32
      %add3A_144 = arith.addi %add3A_53, %add3A_143 : i32
      %run_scoped3A_145 = arith.constant 2 : i32
      "tpu.region"() ({
        %run_scoped3A_160 = tpu.sem_alloc : memref<!tpu.dma_semaphore, #tpu.memory_space<semaphore_mem>>
        %dma_start3A_161 = arith.constant 0 : i32
        %dma_start3A_162 = arith.constant 0 : i32
        %dma_start3A_163 = tpu.memref_slice %arg8[%run_scoped3A_145, %dma_start3A_161, %dma_start3A_162] : memref<4x64x128xf32, #tpu.memory_space<vmem>> -> memref<1x64x128xf32, #tpu.memory_space<vmem>>
        %dma_start3A_164 = tpu.memref_squeeze %dma_start3A_163 : memref<1x64x128xf32, #tpu.memory_space<vmem>> -> memref<64x128xf32, #tpu.memory_space<vmem>>
        %dma_start3A_165 = arith.constant 0 : i32
        %dma_start3A_166 = tpu.memref_slice %arg7[%add3A_144, %dma_start3A_165] : memref<32x64xi32, #tpu.memory_space<vmem>> -> memref<1x64xi32, #tpu.memory_space<vmem>>
        %dma_start3A_167 = tpu.memref_squeeze %dma_start3A_166 : memref<1x64xi32, #tpu.memory_space<vmem>> -> memref<64xi32, #tpu.memory_space<vmem>>
        %dma_start3A_168 = arith.constant 0 : i32
        %dma_start3A_169 = arith.constant 0 : i32
        %dma_start3A_170 = tpu.memref_slice %arg9[%dma_start3A_168, %dma_start3A_169] : memref<10240x128xf32, #tpu.memory_space<vmem_shared>> -> memref<10240x128xf32, #tpu.memory_space<vmem_shared>>
        tpu.enqueue_indirect_dma source(%dma_start3A_164 : memref<64x128xf32, #tpu.memory_space<vmem>>) target(%dma_start3A_170 : memref<10240x128xf32, #tpu.memory_space<vmem_shared>>) offsets(%dma_start3A_167 : memref<64xi32, #tpu.memory_space<vmem>>) semaphore(%run_scoped3A_160 : memref<!tpu.dma_semaphore, #tpu.memory_space<semaphore_mem>>) {add = true}
        %dma_wait3A_171 = arith.constant 0 : i32
        %dma_wait3A_172 = arith.constant 0 : i32
        %dma_wait3A_173 = tpu.memref_slice %arg8[%run_scoped3A_145, %dma_wait3A_171, %dma_wait3A_172] : memref<4x64x128xf32, #tpu.memory_space<vmem>> -> memref<1x64x128xf32, #tpu.memory_space<vmem>>
        %dma_wait3A_174 = tpu.memref_squeeze %dma_wait3A_173 : memref<1x64x128xf32, #tpu.memory_space<vmem>> -> memref<64x128xf32, #tpu.memory_space<vmem>>
        %dma_wait3A_175 = arith.constant 0 : i32
        %dma_wait3A_176 = tpu.memref_slice %arg7[%add3A_144, %dma_wait3A_175] : memref<32x64xi32, #tpu.memory_space<vmem>> -> memref<1x64xi32, #tpu.memory_space<vmem>>
        %dma_wait3A_177 = tpu.memref_squeeze %dma_wait3A_176 : memref<1x64xi32, #tpu.memory_space<vmem>> -> memref<64xi32, #tpu.memory_space<vmem>>
        %dma_wait3A_178 = arith.constant 0 : i32
        %dma_wait3A_179 = arith.constant 0 : i32
        %dma_wait3A_180 = tpu.memref_slice %arg9[%dma_wait3A_178, %dma_wait3A_179] : memref<10240x128xf32, #tpu.memory_space<vmem_shared>> -> memref<10240x128xf32, #tpu.memory_space<vmem_shared>>
        tpu.wait_indirect_dma semaphore(%run_scoped3A_160 : memref<!tpu.dma_semaphore, #tpu.memory_space<semaphore_mem>>) src(%dma_wait3A_174 : memref<64x128xf32, #tpu.memory_space<vmem>>) dst(%dma_wait3A_180 : memref<10240x128xf32, #tpu.memory_space<vmem_shared>>)
        tpu.yield
      }) : () -> ()
      %dma_wait3A_146 = arith.constant 3 : i32
      %dma_wait3A_147 = arith.constant 0 : i32
      %dma_wait3A_148 = arith.constant 0 : i32
      %dma_wait3A_149 = tpu.memref_slice %arg8[%dma_wait3A_146, %dma_wait3A_147, %dma_wait3A_148] : memref<4x64x128xf32, #tpu.memory_space<vmem>> -> memref<1x64x128xf32, #tpu.memory_space<vmem>>
      %dma_wait3A_150 = tpu.memref_squeeze %dma_wait3A_149 : memref<1x64x128xf32, #tpu.memory_space<vmem>> -> memref<64x128xf32, #tpu.memory_space<vmem>>
      %dma_wait3A_151 = arith.constant 0 : i32
      %dma_wait3A_152 = tpu.memref_slice %arg6[%add3A_93, %dma_wait3A_151] : memref<32x64xi32, #tpu.memory_space<vmem>> -> memref<1x64xi32, #tpu.memory_space<vmem>>
      %dma_wait3A_153 = tpu.memref_squeeze %dma_wait3A_152 : memref<1x64xi32, #tpu.memory_space<vmem>> -> memref<64xi32, #tpu.memory_space<vmem>>
      %dma_wait3A_154 = arith.constant 0 : i32
      %dma_wait3A_155 = arith.constant 0 : i32
      %dma_wait3A_156 = tpu.memref_slice %arg2[%dma_wait3A_154, %dma_wait3A_155] : memref<10240x128xf32, #tpu.memory_space<hbm>> -> memref<10240x128xf32, #tpu.memory_space<hbm>>
      tpu.wait_indirect_dma semaphore(%arg13 : memref<!tpu.dma_semaphore, #tpu.memory_space<semaphore_mem>>) src(%dma_wait3A_156 : memref<10240x128xf32, #tpu.memory_space<hbm>>) dst(%dma_wait3A_150 : memref<64x128xf32, #tpu.memory_space<vmem>>)
      %add3A_157 = arith.constant 3 : i32
      %add3A_158 = arith.addi %add3A_53, %add3A_157 : i32
      %run_scoped3A_159 = arith.constant 3 : i32
      "tpu.region"() ({
        %run_scoped3A_160 = tpu.sem_alloc : memref<!tpu.dma_semaphore, #tpu.memory_space<semaphore_mem>>
        %dma_start3A_161 = arith.constant 0 : i32
        %dma_start3A_162 = arith.constant 0 : i32
        %dma_start3A_163 = tpu.memref_slice %arg8[%run_scoped3A_159, %dma_start3A_161, %dma_start3A_162] : memref<4x64x128xf32, #tpu.memory_space<vmem>> -> memref<1x64x128xf32, #tpu.memory_space<vmem>>
        %dma_start3A_164 = tpu.memref_squeeze %dma_start3A_163 : memref<1x64x128xf32, #tpu.memory_space<vmem>> -> memref<64x128xf32, #tpu.memory_space<vmem>>
        %dma_start3A_165 = arith.constant 0 : i32
        %dma_start3A_166 = tpu.memref_slice %arg7[%add3A_158, %dma_start3A_165] : memref<32x64xi32, #tpu.memory_space<vmem>> -> memref<1x64xi32, #tpu.memory_space<vmem>>
        %dma_start3A_167 = tpu.memref_squeeze %dma_start3A_166 : memref<1x64xi32, #tpu.memory_space<vmem>> -> memref<64xi32, #tpu.memory_space<vmem>>
        %dma_start3A_168 = arith.constant 0 : i32
        %dma_start3A_169 = arith.constant 0 : i32
        %dma_start3A_170 = tpu.memref_slice %arg9[%dma_start3A_168, %dma_start3A_169] : memref<10240x128xf32, #tpu.memory_space<vmem_shared>> -> memref<10240x128xf32, #tpu.memory_space<vmem_shared>>
        tpu.enqueue_indirect_dma source(%dma_start3A_164 : memref<64x128xf32, #tpu.memory_space<vmem>>) target(%dma_start3A_170 : memref<10240x128xf32, #tpu.memory_space<vmem_shared>>) offsets(%dma_start3A_167 : memref<64xi32, #tpu.memory_space<vmem>>) semaphore(%run_scoped3A_160 : memref<!tpu.dma_semaphore, #tpu.memory_space<semaphore_mem>>) {add = true}
        %dma_wait3A_171 = arith.constant 0 : i32
        %dma_wait3A_172 = arith.constant 0 : i32
        %dma_wait3A_173 = tpu.memref_slice %arg8[%run_scoped3A_159, %dma_wait3A_171, %dma_wait3A_172] : memref<4x64x128xf32, #tpu.memory_space<vmem>> -> memref<1x64x128xf32, #tpu.memory_space<vmem>>
        %dma_wait3A_174 = tpu.memref_squeeze %dma_wait3A_173 : memref<1x64x128xf32, #tpu.memory_space<vmem>> -> memref<64x128xf32, #tpu.memory_space<vmem>>
        %dma_wait3A_175 = arith.constant 0 : i32
        %dma_wait3A_176 = tpu.memref_slice %arg7[%add3A_158, %dma_wait3A_175] : memref<32x64xi32, #tpu.memory_space<vmem>> -> memref<1x64xi32, #tpu.memory_space<vmem>>
        %dma_wait3A_177 = tpu.memref_squeeze %dma_wait3A_176 : memref<1x64xi32, #tpu.memory_space<vmem>> -> memref<64xi32, #tpu.memory_space<vmem>>
        %dma_wait3A_178 = arith.constant 0 : i32
        %dma_wait3A_179 = arith.constant 0 : i32
        %dma_wait3A_180 = tpu.memref_slice %arg9[%dma_wait3A_178, %dma_wait3A_179] : memref<10240x128xf32, #tpu.memory_space<vmem_shared>> -> memref<10240x128xf32, #tpu.memory_space<vmem_shared>>
        tpu.wait_indirect_dma semaphore(%run_scoped3A_160 : memref<!tpu.dma_semaphore, #tpu.memory_space<semaphore_mem>>) src(%dma_wait3A_174 : memref<64x128xf32, #tpu.memory_space<vmem>>) dst(%dma_wait3A_180 : memref<10240x128xf32, #tpu.memory_space<vmem_shared>>)
        tpu.yield
      }) : () -> ()
    }
    %scan3A_36 = arith.constant 8 : i32
    %run_scoped3A_37 = arith.constant 4 : i32
    "tpu.region"() ({
      %run_scoped3A_49 = tpu.sem_alloc : memref<!tpu.dma_semaphore, #tpu.memory_space<semaphore_mem>>
      %dma_start3A = arith.constant 0 : i32
      %dma_start3A_50 = arith.constant 0 : i32
      %dma_start3A_51 = tpu.memref_slice %arg3[%add3A, %run_scoped3A_37, %dma_start3A, %dma_start3A_50] : memref<32x5x32x64xi32, #tpu.memory_space<hbm>> -> memref<1x1x32x64xi32, #tpu.memory_space<hbm>>
      %dma_start3A_52 = tpu.memref_squeeze %dma_start3A_51 : memref<1x1x32x64xi32, #tpu.memory_space<hbm>> -> memref<32x64xi32, #tpu.memory_space<hbm>>
      %dma_start3A_53 = arith.constant 0 : i32
      %dma_start3A_54 = arith.constant 0 : i32
      %dma_start3A_55 = tpu.memref_slice %arg3[%add3A, %run_scoped3A_37, %dma_start3A_53, %dma_start3A_54] : memref<32x5x32x64xi32, #tpu.memory_space<hbm>> -> memref<1x1x32x64xi32, #tpu.memory_space<hbm>>
      %dma_start3A_56 = tpu.memref_squeeze %dma_start3A_55 : memref<1x1x32x64xi32, #tpu.memory_space<hbm>> -> memref<32x64xi32, #tpu.memory_space<hbm>>
      tpu.enqueue_dma source(%dma_start3A_56 : memref<32x64xi32, #tpu.memory_space<hbm>>) target(%arg6 : memref<32x64xi32, #tpu.memory_space<vmem>>) target_semaphore(%run_scoped3A_49 : memref<!tpu.dma_semaphore, #tpu.memory_space<semaphore_mem>>)
      %dma_wait3A = arith.constant 0 : i32
      %dma_wait3A_57 = arith.constant 0 : i32
      %dma_wait3A_58 = tpu.memref_slice %arg3[%add3A, %run_scoped3A_37, %dma_wait3A, %dma_wait3A_57] : memref<32x5x32x64xi32, #tpu.memory_space<hbm>> -> memref<1x1x32x64xi32, #tpu.memory_space<hbm>>
      %dma_wait3A_59 = tpu.memref_squeeze %dma_wait3A_58 : memref<1x1x32x64xi32, #tpu.memory_space<hbm>> -> memref<32x64xi32, #tpu.memory_space<hbm>>
      %dma_wait3A_60 = arith.constant 0 : i32
      %dma_wait3A_61 = arith.constant 0 : i32
      %dma_wait3A_62 = tpu.memref_slice %arg3[%add3A, %run_scoped3A_37, %dma_wait3A_60, %dma_wait3A_61] : memref<32x5x32x64xi32, #tpu.memory_space<hbm>> -> memref<1x1x32x64xi32, #tpu.memory_space<hbm>>
      %dma_wait3A_63 = tpu.memref_squeeze %dma_wait3A_62 : memref<1x1x32x64xi32, #tpu.memory_space<hbm>> -> memref<32x64xi32, #tpu.memory_space<hbm>>
      tpu.wait_dma2 semaphore(%run_scoped3A_49 : memref<!tpu.dma_semaphore, #tpu.memory_space<semaphore_mem>>) src(%dma_wait3A_63 : memref<32x64xi32, #tpu.memory_space<hbm>>) dst(%arg6 : memref<32x64xi32, #tpu.memory_space<vmem>>)
      tpu.yield
    }) : () -> ()
    %run_scoped3A_38 = arith.constant 4 : i32
    "tpu.region"() ({
      %run_scoped3A_49 = tpu.sem_alloc : memref<!tpu.dma_semaphore, #tpu.memory_space<semaphore_mem>>
      %dma_start3A = arith.constant 0 : i32
      %dma_start3A_50 = arith.constant 0 : i32
      %dma_start3A_51 = tpu.memref_slice %arg4[%add3A, %run_scoped3A_38, %dma_start3A, %dma_start3A_50] : memref<32x5x32x64xi32, #tpu.memory_space<hbm>> -> memref<1x1x32x64xi32, #tpu.memory_space<hbm>>
      %dma_start3A_52 = tpu.memref_squeeze %dma_start3A_51 : memref<1x1x32x64xi32, #tpu.memory_space<hbm>> -> memref<32x64xi32, #tpu.memory_space<hbm>>
      %dma_start3A_53 = arith.constant 0 : i32
      %dma_start3A_54 = arith.constant 0 : i32
      %dma_start3A_55 = tpu.memref_slice %arg4[%add3A, %run_scoped3A_38, %dma_start3A_53, %dma_start3A_54] : memref<32x5x32x64xi32, #tpu.memory_space<hbm>> -> memref<1x1x32x64xi32, #tpu.memory_space<hbm>>
      %dma_start3A_56 = tpu.memref_squeeze %dma_start3A_55 : memref<1x1x32x64xi32, #tpu.memory_space<hbm>> -> memref<32x64xi32, #tpu.memory_space<hbm>>
      tpu.enqueue_dma source(%dma_start3A_56 : memref<32x64xi32, #tpu.memory_space<hbm>>) target(%arg7 : memref<32x64xi32, #tpu.memory_space<vmem>>) target_semaphore(%run_scoped3A_49 : memref<!tpu.dma_semaphore, #tpu.memory_space<semaphore_mem>>)
      %dma_wait3A = arith.constant 0 : i32
      %dma_wait3A_57 = arith.constant 0 : i32
      %dma_wait3A_58 = tpu.memref_slice %arg4[%add3A, %run_scoped3A_38, %dma_wait3A, %dma_wait3A_57] : memref<32x5x32x64xi32, #tpu.memory_space<hbm>> -> memref<1x1x32x64xi32, #tpu.memory_space<hbm>>
      %dma_wait3A_59 = tpu.memref_squeeze %dma_wait3A_58 : memref<1x1x32x64xi32, #tpu.memory_space<hbm>> -> memref<32x64xi32, #tpu.memory_space<hbm>>
      %dma_wait3A_60 = arith.constant 0 : i32
      %dma_wait3A_61 = arith.constant 0 : i32
      %dma_wait3A_62 = tpu.memref_slice %arg4[%add3A, %run_scoped3A_38, %dma_wait3A_60, %dma_wait3A_61] : memref<32x5x32x64xi32, #tpu.memory_space<hbm>> -> memref<1x1x32x64xi32, #tpu.memory_space<hbm>>
      %dma_wait3A_63 = tpu.memref_squeeze %dma_wait3A_62 : memref<1x1x32x64xi32, #tpu.memory_space<hbm>> -> memref<32x64xi32, #tpu.memory_space<hbm>>
      tpu.wait_dma2 semaphore(%run_scoped3A_49 : memref<!tpu.dma_semaphore, #tpu.memory_space<semaphore_mem>>) src(%dma_wait3A_63 : memref<32x64xi32, #tpu.memory_space<hbm>>) dst(%arg7 : memref<32x64xi32, #tpu.memory_space<vmem>>)
      tpu.yield
    }) : () -> ()
    %scan3A_39 = arith.constant 0 : i32
    %scan3A_40 = arith.constant 8 : i32
    %scan3A_41 = arith.addi %scan3A_39, %scan3A_40 : i32
    %scan3A_42 = arith.constant 1 : i32
    scf.for %scan3A_49 = %scan3A_39 to %scan3A_41 step %scan3A_42  : i32 {
      %mul3A_50 = arith.constant 4 : i32
      %mul3A_51 = arith.muli %scan3A_49, %mul3A_50 : i32
      %add3A_52 = arith.constant 0 : i32
      %add3A_53 = arith.addi %add3A_52, %mul3A_51 : i32
      %add3A_54 = arith.constant 0 : i32
      %add3A_55 = arith.addi %add3A_53, %add3A_54 : i32
      %dma_start3A = arith.constant 0 : i32
      %dma_start3A_56 = arith.constant 0 : i32
      %dma_start3A_57 = arith.constant 0 : i32
      %dma_start3A_58 = tpu.memref_slice %arg8[%dma_start3A, %dma_start3A_56, %dma_start3A_57] : memref<4x64x128xf32, #tpu.memory_space<vmem>> -> memref<1x64x128xf32, #tpu.memory_space<vmem>>
      %dma_start3A_59 = tpu.memref_squeeze %dma_start3A_58 : memref<1x64x128xf32, #tpu.memory_space<vmem>> -> memref<64x128xf32, #tpu.memory_space<vmem>>
      %dma_start3A_60 = arith.constant 0 : i32
      %dma_start3A_61 = tpu.memref_slice %arg6[%add3A_55, %dma_start3A_60] : memref<32x64xi32, #tpu.memory_space<vmem>> -> memref<1x64xi32, #tpu.memory_space<vmem>>
      %dma_start3A_62 = tpu.memref_squeeze %dma_start3A_61 : memref<1x64xi32, #tpu.memory_space<vmem>> -> memref<64xi32, #tpu.memory_space<vmem>>
      %dma_start3A_63 = arith.constant 0 : i32
      %dma_start3A_64 = arith.constant 0 : i32
      %dma_start3A_65 = tpu.memref_slice %arg2[%dma_start3A_63, %dma_start3A_64] : memref<10240x128xf32, #tpu.memory_space<hbm>> -> memref<10240x128xf32, #tpu.memory_space<hbm>>
      tpu.enqueue_indirect_dma source(%dma_start3A_65 : memref<10240x128xf32, #tpu.memory_space<hbm>>) target(%dma_start3A_59 : memref<64x128xf32, #tpu.memory_space<vmem>>) offsets(%dma_start3A_62 : memref<64xi32, #tpu.memory_space<vmem>>) semaphore(%arg10 : memref<!tpu.dma_semaphore, #tpu.memory_space<semaphore_mem>>)
      %add3A_66 = arith.constant 1 : i32
      %add3A_67 = arith.addi %add3A_53, %add3A_66 : i32
      %dma_start3A_68 = arith.constant 1 : i32
      %dma_start3A_69 = arith.constant 0 : i32
      %dma_start3A_70 = arith.constant 0 : i32
      %dma_start3A_71 = tpu.memref_slice %arg8[%dma_start3A_68, %dma_start3A_69, %dma_start3A_70] : memref<4x64x128xf32, #tpu.memory_space<vmem>> -> memref<1x64x128xf32, #tpu.memory_space<vmem>>
      %dma_start3A_72 = tpu.memref_squeeze %dma_start3A_71 : memref<1x64x128xf32, #tpu.memory_space<vmem>> -> memref<64x128xf32, #tpu.memory_space<vmem>>
      %dma_start3A_73 = arith.constant 0 : i32
      %dma_start3A_74 = tpu.memref_slice %arg6[%add3A_67, %dma_start3A_73] : memref<32x64xi32, #tpu.memory_space<vmem>> -> memref<1x64xi32, #tpu.memory_space<vmem>>
      %dma_start3A_75 = tpu.memref_squeeze %dma_start3A_74 : memref<1x64xi32, #tpu.memory_space<vmem>> -> memref<64xi32, #tpu.memory_space<vmem>>
      %dma_start3A_76 = arith.constant 0 : i32
      %dma_start3A_77 = arith.constant 0 : i32
      %dma_start3A_78 = tpu.memref_slice %arg2[%dma_start3A_76, %dma_start3A_77] : memref<10240x128xf32, #tpu.memory_space<hbm>> -> memref<10240x128xf32, #tpu.memory_space<hbm>>
      tpu.enqueue_indirect_dma source(%dma_start3A_78 : memref<10240x128xf32, #tpu.memory_space<hbm>>) target(%dma_start3A_72 : memref<64x128xf32, #tpu.memory_space<vmem>>) offsets(%dma_start3A_75 : memref<64xi32, #tpu.memory_space<vmem>>) semaphore(%arg11 : memref<!tpu.dma_semaphore, #tpu.memory_space<semaphore_mem>>)
      %add3A_79 = arith.constant 2 : i32
      %add3A_80 = arith.addi %add3A_53, %add3A_79 : i32
      %dma_start3A_81 = arith.constant 2 : i32
      %dma_start3A_82 = arith.constant 0 : i32
      %dma_start3A_83 = arith.constant 0 : i32
      %dma_start3A_84 = tpu.memref_slice %arg8[%dma_start3A_81, %dma_start3A_82, %dma_start3A_83] : memref<4x64x128xf32, #tpu.memory_space<vmem>> -> memref<1x64x128xf32, #tpu.memory_space<vmem>>
      %dma_start3A_85 = tpu.memref_squeeze %dma_start3A_84 : memref<1x64x128xf32, #tpu.memory_space<vmem>> -> memref<64x128xf32, #tpu.memory_space<vmem>>
      %dma_start3A_86 = arith.constant 0 : i32
      %dma_start3A_87 = tpu.memref_slice %arg6[%add3A_80, %dma_start3A_86] : memref<32x64xi32, #tpu.memory_space<vmem>> -> memref<1x64xi32, #tpu.memory_space<vmem>>
      %dma_start3A_88 = tpu.memref_squeeze %dma_start3A_87 : memref<1x64xi32, #tpu.memory_space<vmem>> -> memref<64xi32, #tpu.memory_space<vmem>>
      %dma_start3A_89 = arith.constant 0 : i32
      %dma_start3A_90 = arith.constant 0 : i32
      %dma_start3A_91 = tpu.memref_slice %arg2[%dma_start3A_89, %dma_start3A_90] : memref<10240x128xf32, #tpu.memory_space<hbm>> -> memref<10240x128xf32, #tpu.memory_space<hbm>>
      tpu.enqueue_indirect_dma source(%dma_start3A_91 : memref<10240x128xf32, #tpu.memory_space<hbm>>) target(%dma_start3A_85 : memref<64x128xf32, #tpu.memory_space<vmem>>) offsets(%dma_start3A_88 : memref<64xi32, #tpu.memory_space<vmem>>) semaphore(%arg12 : memref<!tpu.dma_semaphore, #tpu.memory_space<semaphore_mem>>)
      %add3A_92 = arith.constant 3 : i32
      %add3A_93 = arith.addi %add3A_53, %add3A_92 : i32
      %dma_start3A_94 = arith.constant 3 : i32
      %dma_start3A_95 = arith.constant 0 : i32
      %dma_start3A_96 = arith.constant 0 : i32
      %dma_start3A_97 = tpu.memref_slice %arg8[%dma_start3A_94, %dma_start3A_95, %dma_start3A_96] : memref<4x64x128xf32, #tpu.memory_space<vmem>> -> memref<1x64x128xf32, #tpu.memory_space<vmem>>
      %dma_start3A_98 = tpu.memref_squeeze %dma_start3A_97 : memref<1x64x128xf32, #tpu.memory_space<vmem>> -> memref<64x128xf32, #tpu.memory_space<vmem>>
      %dma_start3A_99 = arith.constant 0 : i32
      %dma_start3A_100 = tpu.memref_slice %arg6[%add3A_93, %dma_start3A_99] : memref<32x64xi32, #tpu.memory_space<vmem>> -> memref<1x64xi32, #tpu.memory_space<vmem>>
      %dma_start3A_101 = tpu.memref_squeeze %dma_start3A_100 : memref<1x64xi32, #tpu.memory_space<vmem>> -> memref<64xi32, #tpu.memory_space<vmem>>
      %dma_start3A_102 = arith.constant 0 : i32
      %dma_start3A_103 = arith.constant 0 : i32
      %dma_start3A_104 = tpu.memref_slice %arg2[%dma_start3A_102, %dma_start3A_103] : memref<10240x128xf32, #tpu.memory_space<hbm>> -> memref<10240x128xf32, #tpu.memory_space<hbm>>
      tpu.enqueue_indirect_dma source(%dma_start3A_104 : memref<10240x128xf32, #tpu.memory_space<hbm>>) target(%dma_start3A_98 : memref<64x128xf32, #tpu.memory_space<vmem>>) offsets(%dma_start3A_101 : memref<64xi32, #tpu.memory_space<vmem>>) semaphore(%arg13 : memref<!tpu.dma_semaphore, #tpu.memory_space<semaphore_mem>>)
      %dma_wait3A = arith.constant 0 : i32
      %dma_wait3A_105 = arith.constant 0 : i32
      %dma_wait3A_106 = arith.constant 0 : i32
      %dma_wait3A_107 = tpu.memref_slice %arg8[%dma_wait3A, %dma_wait3A_105, %dma_wait3A_106] : memref<4x64x128xf32, #tpu.memory_space<vmem>> -> memref<1x64x128xf32, #tpu.memory_space<vmem>>
      %dma_wait3A_108 = tpu.memref_squeeze %dma_wait3A_107 : memref<1x64x128xf32, #tpu.memory_space<vmem>> -> memref<64x128xf32, #tpu.memory_space<vmem>>
      %dma_wait3A_109 = arith.constant 0 : i32
      %dma_wait3A_110 = tpu.memref_slice %arg6[%add3A_55, %dma_wait3A_109] : memref<32x64xi32, #tpu.memory_space<vmem>> -> memref<1x64xi32, #tpu.memory_space<vmem>>
      %dma_wait3A_111 = tpu.memref_squeeze %dma_wait3A_110 : memref<1x64xi32, #tpu.memory_space<vmem>> -> memref<64xi32, #tpu.memory_space<vmem>>
      %dma_wait3A_112 = arith.constant 0 : i32
      %dma_wait3A_113 = arith.constant 0 : i32
      %dma_wait3A_114 = tpu.memref_slice %arg2[%dma_wait3A_112, %dma_wait3A_113] : memref<10240x128xf32, #tpu.memory_space<hbm>> -> memref<10240x128xf32, #tpu.memory_space<hbm>>
      tpu.wait_indirect_dma semaphore(%arg10 : memref<!tpu.dma_semaphore, #tpu.memory_space<semaphore_mem>>) src(%dma_wait3A_114 : memref<10240x128xf32, #tpu.memory_space<hbm>>) dst(%dma_wait3A_108 : memref<64x128xf32, #tpu.memory_space<vmem>>)
      %add3A_115 = arith.constant 0 : i32
      %add3A_116 = arith.addi %add3A_53, %add3A_115 : i32
      %run_scoped3A_117 = arith.constant 0 : i32
      "tpu.region"() ({
        %run_scoped3A_160 = tpu.sem_alloc : memref<!tpu.dma_semaphore, #tpu.memory_space<semaphore_mem>>
        %dma_start3A_161 = arith.constant 0 : i32
        %dma_start3A_162 = arith.constant 0 : i32
        %dma_start3A_163 = tpu.memref_slice %arg8[%run_scoped3A_117, %dma_start3A_161, %dma_start3A_162] : memref<4x64x128xf32, #tpu.memory_space<vmem>> -> memref<1x64x128xf32, #tpu.memory_space<vmem>>
        %dma_start3A_164 = tpu.memref_squeeze %dma_start3A_163 : memref<1x64x128xf32, #tpu.memory_space<vmem>> -> memref<64x128xf32, #tpu.memory_space<vmem>>
        %dma_start3A_165 = arith.constant 0 : i32
        %dma_start3A_166 = tpu.memref_slice %arg7[%add3A_116, %dma_start3A_165] : memref<32x64xi32, #tpu.memory_space<vmem>> -> memref<1x64xi32, #tpu.memory_space<vmem>>
        %dma_start3A_167 = tpu.memref_squeeze %dma_start3A_166 : memref<1x64xi32, #tpu.memory_space<vmem>> -> memref<64xi32, #tpu.memory_space<vmem>>
        %dma_start3A_168 = arith.constant 0 : i32
        %dma_start3A_169 = arith.constant 0 : i32
        %dma_start3A_170 = tpu.memref_slice %arg9[%dma_start3A_168, %dma_start3A_169] : memref<10240x128xf32, #tpu.memory_space<vmem_shared>> -> memref<10240x128xf32, #tpu.memory_space<vmem_shared>>
        tpu.enqueue_indirect_dma source(%dma_start3A_164 : memref<64x128xf32, #tpu.memory_space<vmem>>) target(%dma_start3A_170 : memref<10240x128xf32, #tpu.memory_space<vmem_shared>>) offsets(%dma_start3A_167 : memref<64xi32, #tpu.memory_space<vmem>>) semaphore(%run_scoped3A_160 : memref<!tpu.dma_semaphore, #tpu.memory_space<semaphore_mem>>) {add = true}
        %dma_wait3A_171 = arith.constant 0 : i32
        %dma_wait3A_172 = arith.constant 0 : i32
        %dma_wait3A_173 = tpu.memref_slice %arg8[%run_scoped3A_117, %dma_wait3A_171, %dma_wait3A_172] : memref<4x64x128xf32, #tpu.memory_space<vmem>> -> memref<1x64x128xf32, #tpu.memory_space<vmem>>
        %dma_wait3A_174 = tpu.memref_squeeze %dma_wait3A_173 : memref<1x64x128xf32, #tpu.memory_space<vmem>> -> memref<64x128xf32, #tpu.memory_space<vmem>>
        %dma_wait3A_175 = arith.constant 0 : i32
        %dma_wait3A_176 = tpu.memref_slice %arg7[%add3A_116, %dma_wait3A_175] : memref<32x64xi32, #tpu.memory_space<vmem>> -> memref<1x64xi32, #tpu.memory_space<vmem>>
        %dma_wait3A_177 = tpu.memref_squeeze %dma_wait3A_176 : memref<1x64xi32, #tpu.memory_space<vmem>> -> memref<64xi32, #tpu.memory_space<vmem>>
        %dma_wait3A_178 = arith.constant 0 : i32
        %dma_wait3A_179 = arith.constant 0 : i32
        %dma_wait3A_180 = tpu.memref_slice %arg9[%dma_wait3A_178, %dma_wait3A_179] : memref<10240x128xf32, #tpu.memory_space<vmem_shared>> -> memref<10240x128xf32, #tpu.memory_space<vmem_shared>>
        tpu.wait_indirect_dma semaphore(%run_scoped3A_160 : memref<!tpu.dma_semaphore, #tpu.memory_space<semaphore_mem>>) src(%dma_wait3A_174 : memref<64x128xf32, #tpu.memory_space<vmem>>) dst(%dma_wait3A_180 : memref<10240x128xf32, #tpu.memory_space<vmem_shared>>)
        tpu.yield
      }) : () -> ()
      %dma_wait3A_118 = arith.constant 1 : i32
      %dma_wait3A_119 = arith.constant 0 : i32
      %dma_wait3A_120 = arith.constant 0 : i32
      %dma_wait3A_121 = tpu.memref_slice %arg8[%dma_wait3A_118, %dma_wait3A_119, %dma_wait3A_120] : memref<4x64x128xf32, #tpu.memory_space<vmem>> -> memref<1x64x128xf32, #tpu.memory_space<vmem>>
      %dma_wait3A_122 = tpu.memref_squeeze %dma_wait3A_121 : memref<1x64x128xf32, #tpu.memory_space<vmem>> -> memref<64x128xf32, #tpu.memory_space<vmem>>
      %dma_wait3A_123 = arith.constant 0 : i32
      %dma_wait3A_124 = tpu.memref_slice %arg6[%add3A_67, %dma_wait3A_123] : memref<32x64xi32, #tpu.memory_space<vmem>> -> memref<1x64xi32, #tpu.memory_space<vmem>>
      %dma_wait3A_125 = tpu.memref_squeeze %dma_wait3A_124 : memref<1x64xi32, #tpu.memory_space<vmem>> -> memref<64xi32, #tpu.memory_space<vmem>>
      %dma_wait3A_126 = arith.constant 0 : i32
      %dma_wait3A_127 = arith.constant 0 : i32
      %dma_wait3A_128 = tpu.memref_slice %arg2[%dma_wait3A_126, %dma_wait3A_127] : memref<10240x128xf32, #tpu.memory_space<hbm>> -> memref<10240x128xf32, #tpu.memory_space<hbm>>
      tpu.wait_indirect_dma semaphore(%arg11 : memref<!tpu.dma_semaphore, #tpu.memory_space<semaphore_mem>>) src(%dma_wait3A_128 : memref<10240x128xf32, #tpu.memory_space<hbm>>) dst(%dma_wait3A_122 : memref<64x128xf32, #tpu.memory_space<vmem>>)
      %add3A_129 = arith.constant 1 : i32
      %add3A_130 = arith.addi %add3A_53, %add3A_129 : i32
      %run_scoped3A_131 = arith.constant 1 : i32
      "tpu.region"() ({
        %run_scoped3A_160 = tpu.sem_alloc : memref<!tpu.dma_semaphore, #tpu.memory_space<semaphore_mem>>
        %dma_start3A_161 = arith.constant 0 : i32
        %dma_start3A_162 = arith.constant 0 : i32
        %dma_start3A_163 = tpu.memref_slice %arg8[%run_scoped3A_131, %dma_start3A_161, %dma_start3A_162] : memref<4x64x128xf32, #tpu.memory_space<vmem>> -> memref<1x64x128xf32, #tpu.memory_space<vmem>>
        %dma_start3A_164 = tpu.memref_squeeze %dma_start3A_163 : memref<1x64x128xf32, #tpu.memory_space<vmem>> -> memref<64x128xf32, #tpu.memory_space<vmem>>
        %dma_start3A_165 = arith.constant 0 : i32
        %dma_start3A_166 = tpu.memref_slice %arg7[%add3A_130, %dma_start3A_165] : memref<32x64xi32, #tpu.memory_space<vmem>> -> memref<1x64xi32, #tpu.memory_space<vmem>>
        %dma_start3A_167 = tpu.memref_squeeze %dma_start3A_166 : memref<1x64xi32, #tpu.memory_space<vmem>> -> memref<64xi32, #tpu.memory_space<vmem>>
        %dma_start3A_168 = arith.constant 0 : i32
        %dma_start3A_169 = arith.constant 0 : i32
        %dma_start3A_170 = tpu.memref_slice %arg9[%dma_start3A_168, %dma_start3A_169] : memref<10240x128xf32, #tpu.memory_space<vmem_shared>> -> memref<10240x128xf32, #tpu.memory_space<vmem_shared>>
        tpu.enqueue_indirect_dma source(%dma_start3A_164 : memref<64x128xf32, #tpu.memory_space<vmem>>) target(%dma_start3A_170 : memref<10240x128xf32, #tpu.memory_space<vmem_shared>>) offsets(%dma_start3A_167 : memref<64xi32, #tpu.memory_space<vmem>>) semaphore(%run_scoped3A_160 : memref<!tpu.dma_semaphore, #tpu.memory_space<semaphore_mem>>) {add = true}
        %dma_wait3A_171 = arith.constant 0 : i32
        %dma_wait3A_172 = arith.constant 0 : i32
        %dma_wait3A_173 = tpu.memref_slice %arg8[%run_scoped3A_131, %dma_wait3A_171, %dma_wait3A_172] : memref<4x64x128xf32, #tpu.memory_space<vmem>> -> memref<1x64x128xf32, #tpu.memory_space<vmem>>
        %dma_wait3A_174 = tpu.memref_squeeze %dma_wait3A_173 : memref<1x64x128xf32, #tpu.memory_space<vmem>> -> memref<64x128xf32, #tpu.memory_space<vmem>>
        %dma_wait3A_175 = arith.constant 0 : i32
        %dma_wait3A_176 = tpu.memref_slice %arg7[%add3A_130, %dma_wait3A_175] : memref<32x64xi32, #tpu.memory_space<vmem>> -> memref<1x64xi32, #tpu.memory_space<vmem>>
        %dma_wait3A_177 = tpu.memref_squeeze %dma_wait3A_176 : memref<1x64xi32, #tpu.memory_space<vmem>> -> memref<64xi32, #tpu.memory_space<vmem>>
        %dma_wait3A_178 = arith.constant 0 : i32
        %dma_wait3A_179 = arith.constant 0 : i32
        %dma_wait3A_180 = tpu.memref_slice %arg9[%dma_wait3A_178, %dma_wait3A_179] : memref<10240x128xf32, #tpu.memory_space<vmem_shared>> -> memref<10240x128xf32, #tpu.memory_space<vmem_shared>>
        tpu.wait_indirect_dma semaphore(%run_scoped3A_160 : memref<!tpu.dma_semaphore, #tpu.memory_space<semaphore_mem>>) src(%dma_wait3A_174 : memref<64x128xf32, #tpu.memory_space<vmem>>) dst(%dma_wait3A_180 : memref<10240x128xf32, #tpu.memory_space<vmem_shared>>)
        tpu.yield
      }) : () -> ()
      %dma_wait3A_132 = arith.constant 2 : i32
      %dma_wait3A_133 = arith.constant 0 : i32
      %dma_wait3A_134 = arith.constant 0 : i32
      %dma_wait3A_135 = tpu.memref_slice %arg8[%dma_wait3A_132, %dma_wait3A_133, %dma_wait3A_134] : memref<4x64x128xf32, #tpu.memory_space<vmem>> -> memref<1x64x128xf32, #tpu.memory_space<vmem>>
      %dma_wait3A_136 = tpu.memref_squeeze %dma_wait3A_135 : memref<1x64x128xf32, #tpu.memory_space<vmem>> -> memref<64x128xf32, #tpu.memory_space<vmem>>
      %dma_wait3A_137 = arith.constant 0 : i32
      %dma_wait3A_138 = tpu.memref_slice %arg6[%add3A_80, %dma_wait3A_137] : memref<32x64xi32, #tpu.memory_space<vmem>> -> memref<1x64xi32, #tpu.memory_space<vmem>>
      %dma_wait3A_139 = tpu.memref_squeeze %dma_wait3A_138 : memref<1x64xi32, #tpu.memory_space<vmem>> -> memref<64xi32, #tpu.memory_space<vmem>>
      %dma_wait3A_140 = arith.constant 0 : i32
      %dma_wait3A_141 = arith.constant 0 : i32
      %dma_wait3A_142 = tpu.memref_slice %arg2[%dma_wait3A_140, %dma_wait3A_141] : memref<10240x128xf32, #tpu.memory_space<hbm>> -> memref<10240x128xf32, #tpu.memory_space<hbm>>
      tpu.wait_indirect_dma semaphore(%arg12 : memref<!tpu.dma_semaphore, #tpu.memory_space<semaphore_mem>>) src(%dma_wait3A_142 : memref<10240x128xf32, #tpu.memory_space<hbm>>) dst(%dma_wait3A_136 : memref<64x128xf32, #tpu.memory_space<vmem>>)
      %add3A_143 = arith.constant 2 : i32
      %add3A_144 = arith.addi %add3A_53, %add3A_143 : i32
      %run_scoped3A_145 = arith.constant 2 : i32
      "tpu.region"() ({
        %run_scoped3A_160 = tpu.sem_alloc : memref<!tpu.dma_semaphore, #tpu.memory_space<semaphore_mem>>
        %dma_start3A_161 = arith.constant 0 : i32
        %dma_start3A_162 = arith.constant 0 : i32
        %dma_start3A_163 = tpu.memref_slice %arg8[%run_scoped3A_145, %dma_start3A_161, %dma_start3A_162] : memref<4x64x128xf32, #tpu.memory_space<vmem>> -> memref<1x64x128xf32, #tpu.memory_space<vmem>>
        %dma_start3A_164 = tpu.memref_squeeze %dma_start3A_163 : memref<1x64x128xf32, #tpu.memory_space<vmem>> -> memref<64x128xf32, #tpu.memory_space<vmem>>
        %dma_start3A_165 = arith.constant 0 : i32
        %dma_start3A_166 = tpu.memref_slice %arg7[%add3A_144, %dma_start3A_165] : memref<32x64xi32, #tpu.memory_space<vmem>> -> memref<1x64xi32, #tpu.memory_space<vmem>>
        %dma_start3A_167 = tpu.memref_squeeze %dma_start3A_166 : memref<1x64xi32, #tpu.memory_space<vmem>> -> memref<64xi32, #tpu.memory_space<vmem>>
        %dma_start3A_168 = arith.constant 0 : i32
        %dma_start3A_169 = arith.constant 0 : i32
        %dma_start3A_170 = tpu.memref_slice %arg9[%dma_start3A_168, %dma_start3A_169] : memref<10240x128xf32, #tpu.memory_space<vmem_shared>> -> memref<10240x128xf32, #tpu.memory_space<vmem_shared>>
        tpu.enqueue_indirect_dma source(%dma_start3A_164 : memref<64x128xf32, #tpu.memory_space<vmem>>) target(%dma_start3A_170 : memref<10240x128xf32, #tpu.memory_space<vmem_shared>>) offsets(%dma_start3A_167 : memref<64xi32, #tpu.memory_space<vmem>>) semaphore(%run_scoped3A_160 : memref<!tpu.dma_semaphore, #tpu.memory_space<semaphore_mem>>) {add = true}
        %dma_wait3A_171 = arith.constant 0 : i32
        %dma_wait3A_172 = arith.constant 0 : i32
        %dma_wait3A_173 = tpu.memref_slice %arg8[%run_scoped3A_145, %dma_wait3A_171, %dma_wait3A_172] : memref<4x64x128xf32, #tpu.memory_space<vmem>> -> memref<1x64x128xf32, #tpu.memory_space<vmem>>
        %dma_wait3A_174 = tpu.memref_squeeze %dma_wait3A_173 : memref<1x64x128xf32, #tpu.memory_space<vmem>> -> memref<64x128xf32, #tpu.memory_space<vmem>>
        %dma_wait3A_175 = arith.constant 0 : i32
        %dma_wait3A_176 = tpu.memref_slice %arg7[%add3A_144, %dma_wait3A_175] : memref<32x64xi32, #tpu.memory_space<vmem>> -> memref<1x64xi32, #tpu.memory_space<vmem>>
        %dma_wait3A_177 = tpu.memref_squeeze %dma_wait3A_176 : memref<1x64xi32, #tpu.memory_space<vmem>> -> memref<64xi32, #tpu.memory_space<vmem>>
        %dma_wait3A_178 = arith.constant 0 : i32
        %dma_wait3A_179 = arith.constant 0 : i32
        %dma_wait3A_180 = tpu.memref_slice %arg9[%dma_wait3A_178, %dma_wait3A_179] : memref<10240x128xf32, #tpu.memory_space<vmem_shared>> -> memref<10240x128xf32, #tpu.memory_space<vmem_shared>>
        tpu.wait_indirect_dma semaphore(%run_scoped3A_160 : memref<!tpu.dma_semaphore, #tpu.memory_space<semaphore_mem>>) src(%dma_wait3A_174 : memref<64x128xf32, #tpu.memory_space<vmem>>) dst(%dma_wait3A_180 : memref<10240x128xf32, #tpu.memory_space<vmem_shared>>)
        tpu.yield
      }) : () -> ()
      %dma_wait3A_146 = arith.constant 3 : i32
      %dma_wait3A_147 = arith.constant 0 : i32
      %dma_wait3A_148 = arith.constant 0 : i32
      %dma_wait3A_149 = tpu.memref_slice %arg8[%dma_wait3A_146, %dma_wait3A_147, %dma_wait3A_148] : memref<4x64x128xf32, #tpu.memory_space<vmem>> -> memref<1x64x128xf32, #tpu.memory_space<vmem>>
      %dma_wait3A_150 = tpu.memref_squeeze %dma_wait3A_149 : memref<1x64x128xf32, #tpu.memory_space<vmem>> -> memref<64x128xf32, #tpu.memory_space<vmem>>
      %dma_wait3A_151 = arith.constant 0 : i32
      %dma_wait3A_152 = tpu.memref_slice %arg6[%add3A_93, %dma_wait3A_151] : memref<32x64xi32, #tpu.memory_space<vmem>> -> memref<1x64xi32, #tpu.memory_space<vmem>>
      %dma_wait3A_153 = tpu.memref_squeeze %dma_wait3A_152 : memref<1x64xi32, #tpu.memory_space<vmem>> -> memref<64xi32, #tpu.memory_space<vmem>>
      %dma_wait3A_154 = arith.constant 0 : i32
      %dma_wait3A_155 = arith.constant 0 : i32
      %dma_wait3A_156 = tpu.memref_slice %arg2[%dma_wait3A_154, %dma_wait3A_155] : memref<10240x128xf32, #tpu.memory_space<hbm>> -> memref<10240x128xf32, #tpu.memory_space<hbm>>
      tpu.wait_indirect_dma semaphore(%arg13 : memref<!tpu.dma_semaphore, #tpu.memory_space<semaphore_mem>>) src(%dma_wait3A_156 : memref<10240x128xf32, #tpu.memory_space<hbm>>) dst(%dma_wait3A_150 : memref<64x128xf32, #tpu.memory_space<vmem>>)
      %add3A_157 = arith.constant 3 : i32
      %add3A_158 = arith.addi %add3A_53, %add3A_157 : i32
      %run_scoped3A_159 = arith.constant 3 : i32
      "tpu.region"() ({
        %run_scoped3A_160 = tpu.sem_alloc : memref<!tpu.dma_semaphore, #tpu.memory_space<semaphore_mem>>
        %dma_start3A_161 = arith.constant 0 : i32
        %dma_start3A_162 = arith.constant 0 : i32
        %dma_start3A_163 = tpu.memref_slice %arg8[%run_scoped3A_159, %dma_start3A_161, %dma_start3A_162] : memref<4x64x128xf32, #tpu.memory_space<vmem>> -> memref<1x64x128xf32, #tpu.memory_space<vmem>>
        %dma_start3A_164 = tpu.memref_squeeze %dma_start3A_163 : memref<1x64x128xf32, #tpu.memory_space<vmem>> -> memref<64x128xf32, #tpu.memory_space<vmem>>
        %dma_start3A_165 = arith.constant 0 : i32
        %dma_start3A_166 = tpu.memref_slice %arg7[%add3A_158, %dma_start3A_165] : memref<32x64xi32, #tpu.memory_space<vmem>> -> memref<1x64xi32, #tpu.memory_space<vmem>>
        %dma_start3A_167 = tpu.memref_squeeze %dma_start3A_166 : memref<1x64xi32, #tpu.memory_space<vmem>> -> memref<64xi32, #tpu.memory_space<vmem>>
        %dma_start3A_168 = arith.constant 0 : i32
        %dma_start3A_169 = arith.constant 0 : i32
        %dma_start3A_170 = tpu.memref_slice %arg9[%dma_start3A_168, %dma_start3A_169] : memref<10240x128xf32, #tpu.memory_space<vmem_shared>> -> memref<10240x128xf32, #tpu.memory_space<vmem_shared>>
        tpu.enqueue_indirect_dma source(%dma_start3A_164 : memref<64x128xf32, #tpu.memory_space<vmem>>) target(%dma_start3A_170 : memref<10240x128xf32, #tpu.memory_space<vmem_shared>>) offsets(%dma_start3A_167 : memref<64xi32, #tpu.memory_space<vmem>>) semaphore(%run_scoped3A_160 : memref<!tpu.dma_semaphore, #tpu.memory_space<semaphore_mem>>) {add = true}
        %dma_wait3A_171 = arith.constant 0 : i32
        %dma_wait3A_172 = arith.constant 0 : i32
        %dma_wait3A_173 = tpu.memref_slice %arg8[%run_scoped3A_159, %dma_wait3A_171, %dma_wait3A_172] : memref<4x64x128xf32, #tpu.memory_space<vmem>> -> memref<1x64x128xf32, #tpu.memory_space<vmem>>
        %dma_wait3A_174 = tpu.memref_squeeze %dma_wait3A_173 : memref<1x64x128xf32, #tpu.memory_space<vmem>> -> memref<64x128xf32, #tpu.memory_space<vmem>>
        %dma_wait3A_175 = arith.constant 0 : i32
        %dma_wait3A_176 = tpu.memref_slice %arg7[%add3A_158, %dma_wait3A_175] : memref<32x64xi32, #tpu.memory_space<vmem>> -> memref<1x64xi32, #tpu.memory_space<vmem>>
        %dma_wait3A_177 = tpu.memref_squeeze %dma_wait3A_176 : memref<1x64xi32, #tpu.memory_space<vmem>> -> memref<64xi32, #tpu.memory_space<vmem>>
        %dma_wait3A_178 = arith.constant 0 : i32
        %dma_wait3A_179 = arith.constant 0 : i32
        %dma_wait3A_180 = tpu.memref_slice %arg9[%dma_wait3A_178, %dma_wait3A_179] : memref<10240x128xf32, #tpu.memory_space<vmem_shared>> -> memref<10240x128xf32, #tpu.memory_space<vmem_shared>>
        tpu.wait_indirect_dma semaphore(%run_scoped3A_160 : memref<!tpu.dma_semaphore, #tpu.memory_space<semaphore_mem>>) src(%dma_wait3A_174 : memref<64x128xf32, #tpu.memory_space<vmem>>) dst(%dma_wait3A_180 : memref<10240x128xf32, #tpu.memory_space<vmem_shared>>)
        tpu.yield
      }) : () -> ()
    }
    %scan3A_43 = arith.constant 8 : i32
    %barrier3A_44 = arith.constant 0 : index
    tpu.barrier barrier_id(%barrier3A_44)
    %mul3A_45 = arith.constant 640 : i32
    %mul3A_46 = arith.muli %arg1, %mul3A_45 : i32
    %mul3A_47 = arith.constant 640 : i32
    %mul3A_48 = arith.muli %arg1, %mul3A_47 : i32
    "tpu.region"() ({
      %run_scoped3A_49 = tpu.sem_alloc : memref<!tpu.dma_semaphore, #tpu.memory_space<semaphore_mem>>
      %dma_start3A = arith.constant 0 : i32
      %dma_start3A_50 = tpu.memref_slice %arg5[%arg0, %mul3A_48, %dma_start3A] : memref<2x10240x128xf32, #tpu.memory_space<hbm>> -> memref<1x640x128xf32, #tpu.memory_space<hbm>>
      %dma_start3A_51 = tpu.memref_squeeze %dma_start3A_50 : memref<1x640x128xf32, #tpu.memory_space<hbm>> -> memref<640x128xf32, #tpu.memory_space<hbm>>
      %dma_start3A_52 = arith.constant 0 : i32
      %dma_start3A_53 = tpu.memref_slice %arg9[%mul3A_46, %dma_start3A_52] : memref<10240x128xf32, #tpu.memory_space<vmem_shared>> -> memref<640x128xf32, #tpu.memory_space<vmem_shared>>
      tpu.enqueue_dma source(%dma_start3A_53 : memref<640x128xf32, #tpu.memory_space<vmem_shared>>) target(%dma_start3A_51 : memref<640x128xf32, #tpu.memory_space<hbm>>) target_semaphore(%run_scoped3A_49 : memref<!tpu.dma_semaphore, #tpu.memory_space<semaphore_mem>>)
      %dma_wait3A = arith.constant 0 : i32
      %dma_wait3A_54 = tpu.memref_slice %arg5[%arg0, %mul3A_48, %dma_wait3A] : memref<2x10240x128xf32, #tpu.memory_space<hbm>> -> memref<1x640x128xf32, #tpu.memory_space<hbm>>
      %dma_wait3A_55 = tpu.memref_squeeze %dma_wait3A_54 : memref<1x640x128xf32, #tpu.memory_space<hbm>> -> memref<640x128xf32, #tpu.memory_space<hbm>>
      %dma_wait3A_56 = arith.constant 0 : i32
      %dma_wait3A_57 = tpu.memref_slice %arg9[%mul3A_46, %dma_wait3A_56] : memref<10240x128xf32, #tpu.memory_space<vmem_shared>> -> memref<640x128xf32, #tpu.memory_space<vmem_shared>>
      tpu.wait_dma2 semaphore(%run_scoped3A_49 : memref<!tpu.dma_semaphore, #tpu.memory_space<semaphore_mem>>) src(%dma_wait3A_57 : memref<640x128xf32, #tpu.memory_space<vmem_shared>>) dst(%dma_wait3A_55 : memref<640x128xf32, #tpu.memory_space<hbm>>)
      tpu.yield
    }) : () -> ()
    return
  }
}

module attributes {stable_mosaic.version = 14 : i64} {
  func.func @_tc_first(%arg0: i32, %arg1: memref<1024x128xf32, #tpu.memory_space<vmem>>, %arg2: memref<128x128xf32, #tpu.memory_space<vmem>>, %arg3: memref<2x1024x16xf32, #tpu.memory_space<vmem>>, %arg4: memref<1024x128xf32, #tpu.memory_space<vmem>>) attributes {dimension_semantics = [#tpu.dimension_semantics<arbitrary>], iteration_bounds = array<i64: 10>, scalar_prefetch = 0 : i64, scratch_operands = 0 : i64, tpu.core_type = #tpu.core_type<tc>, window_params = [{transform_indices = @transform_0, window_bounds = array<i64: 1024, 128>}, {pipeline_mode = #tpu.pipeline_mode<synchronous>, transform_indices = @transform_1, window_bounds = array<i64: 128, 128>}, {transform_indices = @transform_2, window_bounds = array<i64: 2, 1024, 16>}, {transform_indices = @transform_3, window_bounds = array<i64: 1024, 128>}]} {
    %get3A = arith.constant 0 : index
    %get3A_0 = arith.constant 0 : index
    %get3A_1 = arith.constant 0 : index
    %get3A_2 = vector.load %arg3[%get3A, %get3A_0, %get3A_1] : memref<2x1024x16xf32, #tpu.memory_space<vmem>>, vector<2x1024x16xf32>
    %slice3A = vector.extract_strided_slice %get3A_2 {offsets = [0, 0, 0], sizes = [1, 1024, 1], strides = [1, 1, 1]} : vector<2x1024x16xf32> to vector<1x1024x1xf32>
    %squeeze3A = vector.shape_cast %slice3A : vector<1x1024x1xf32> to vector<1024xf32>
    %slice3A_3 = vector.extract_strided_slice %get3A_2 {offsets = [1, 0, 0], sizes = [1, 1024, 1], strides = [1, 1, 1]} : vector<2x1024x16xf32> to vector<1x1024x1xf32>
    %squeeze3A_4 = vector.shape_cast %slice3A_3 : vector<1x1024x1xf32> to vector<1024xf32>
    %add3A = arith.addf %squeeze3A, %squeeze3A_4 : vector<1024xf32>
    %add3A_5 = arith.constant 1.000000e+00 : f32
    %add3A_6 = vector.broadcast %add3A_5 : f32 to vector<1024xf32>
    %add3A_7 = arith.addf %add3A, %add3A_6 : vector<1024xf32>
    %rsqrt3A = math.rsqrt %add3A_7 : vector<1024xf32>
    %broadcast_in_dim3A = vector.shape_cast %rsqrt3A : vector<1024xf32> to vector<1024x1xf32>
    %get3A_8 = arith.constant 0 : index
    %get3A_9 = arith.constant 0 : index
    %get3A_10 = vector.load %arg1[%get3A_8, %get3A_9] : memref<1024x128xf32, #tpu.memory_space<vmem>>, vector<1024x128xf32>
    %get3A_11 = arith.constant 0 : index
    %get3A_12 = arith.constant 0 : index
    %get3A_13 = vector.load %arg2[%get3A_11, %get3A_12] : memref<128x128xf32, #tpu.memory_space<vmem>>, vector<128x128xf32>
    %dot_general3A = arith.constant dense<0.000000e+00> : vector<1024x128xf32>
    %dot_general3A_14 = tpu.matmul %get3A_10, %get3A_13, %dot_general3A {dimension_numbers = #tpu.dot_dimension_numbers<[1], [0], [0], [1], [0, 0, 1, 1], [], []>, transpose_lhs_hint = false} : vector<1024x128xf32>, vector<128x128xf32>, vector<1024x128xf32> -> vector<1024x128xf32>
    %mul3A = vector.broadcast %broadcast_in_dim3A : vector<1024x1xf32> to vector<1024x128xf32>
    %mul3A_15 = arith.mulf %dot_general3A_14, %mul3A : vector<1024x128xf32>
    %swap3A = arith.constant 0 : index
    %swap3A_16 = arith.constant 0 : index
    %swap3A_17 = vector.load %arg4[%swap3A, %swap3A_16] : memref<1024x128xf32, #tpu.memory_space<vmem>>, vector<1024x128xf32>
    tpu.vector_store %arg4[%swap3A, %swap3A_16], %mul3A_15 {strides = array<i32>} : memref<1024x128xf32, #tpu.memory_space<vmem>>, vector<1024x128xf32>,
    return
  }
  func.func @transform_0(%arg0: i32) -> (i32, i32) {
    %c0_i32 = arith.constant 0 : i32
    %c0_i32_0 = arith.constant 0 : i32
    return %arg0, %c0_i32 : i32, i32
  }
  func.func @transform_1(%arg0: i32) -> (i32, i32) {
    %c0_i32 = arith.constant 0 : i32
    %c0_i32_0 = arith.constant 0 : i32
    %c0_i32_1 = arith.constant 0 : i32
    return %c0_i32, %c0_i32_0 : i32, i32
  }
  func.func @transform_2(%arg0: i32) -> (i32, i32, i32) {
    %c0_i32 = arith.constant 0 : i32
    %c0_i32_0 = arith.constant 0 : i32
    %c0_i32_1 = arith.constant 0 : i32
    return %c0_i32, %arg0, %c0_i32_0 : i32, i32, i32
  }
  func.func @transform_3(%arg0: i32) -> (i32, i32) {
    %c0_i32 = arith.constant 0 : i32
    %c0_i32_0 = arith.constant 0 : i32
    return %arg0, %c0_i32 : i32, i32
  }
}

module attributes {stable_mosaic.version = 14 : i64} {
  func.func @_tc_mid(%arg0: i32, %arg1: memref<2x1024x128xf32, #tpu.memory_space<vmem>>, %arg2: memref<1024x128xf32, #tpu.memory_space<vmem>>, %arg3: memref<2x1024x16xf32, #tpu.memory_space<vmem>>, %arg4: memref<1x128xf32, #tpu.memory_space<vmem>>, %arg5: memref<128x128xf32, #tpu.memory_space<vmem>>, %arg6: memref<1024x128xf32, #tpu.memory_space<vmem>>) attributes {dimension_semantics = [#tpu.dimension_semantics<arbitrary>], iteration_bounds = array<i64: 10>, scalar_prefetch = 0 : i64, scratch_operands = 0 : i64, tpu.core_type = #tpu.core_type<tc>, window_params = [{transform_indices = @transform_0, window_bounds = array<i64: 2, 1024, 128>}, {transform_indices = @transform_1, window_bounds = array<i64: 1024, 128>}, {transform_indices = @transform_2, window_bounds = array<i64: 2, 1024, 16>}, {pipeline_mode = #tpu.pipeline_mode<synchronous>, transform_indices = @transform_3, window_bounds = array<i64: 1, 128>}, {pipeline_mode = #tpu.pipeline_mode<synchronous>, transform_indices = @transform_4, window_bounds = array<i64: 128, 128>}, {transform_indices = @transform_5, window_bounds = array<i64: 1024, 128>}]} {
    %get3A = arith.constant 0 : index
    %get3A_0 = arith.constant 0 : index
    %get3A_1 = arith.constant 0 : index
    %get3A_2 = vector.load %arg3[%get3A, %get3A_0, %get3A_1] : memref<2x1024x16xf32, #tpu.memory_space<vmem>>, vector<2x1024x16xf32>
    %slice3A = vector.extract_strided_slice %get3A_2 {offsets = [0, 0, 0], sizes = [1, 1024, 1], strides = [1, 1, 1]} : vector<2x1024x16xf32> to vector<1x1024x1xf32>
    %squeeze3A = vector.shape_cast %slice3A : vector<1x1024x1xf32> to vector<1024xf32>
    %slice3A_3 = vector.extract_strided_slice %get3A_2 {offsets = [1, 0, 0], sizes = [1, 1024, 1], strides = [1, 1, 1]} : vector<2x1024x16xf32> to vector<1x1024x1xf32>
    %squeeze3A_4 = vector.shape_cast %slice3A_3 : vector<1x1024x1xf32> to vector<1024xf32>
    %add3A = arith.addf %squeeze3A, %squeeze3A_4 : vector<1024xf32>
    %add3A_5 = arith.constant 1.000000e+00 : f32
    %add3A_6 = vector.broadcast %add3A_5 : f32 to vector<1024xf32>
    %add3A_7 = arith.addf %add3A, %add3A_6 : vector<1024xf32>
    %rsqrt3A = math.rsqrt %add3A_7 : vector<1024xf32>
    %broadcast_in_dim3A = vector.shape_cast %rsqrt3A : vector<1024xf32> to vector<1024x1xf32>
    %get3A_8 = arith.constant 0 : index
    %get3A_9 = arith.constant 0 : index
    %get3A_10 = arith.constant 0 : index
    %get3A_11 = vector.load %arg1[%get3A_8, %get3A_9, %get3A_10] : memref<2x1024x128xf32, #tpu.memory_space<vmem>>, vector<1x1024x128xf32>
    %get3A_12 = vector.shape_cast %get3A_11 : vector<1x1024x128xf32> to vector<1024x128xf32>
    %get3A_13 = arith.constant 1 : index
    %get3A_14 = arith.constant 0 : index
    %get3A_15 = arith.constant 0 : index
    %get3A_16 = vector.load %arg1[%get3A_13, %get3A_14, %get3A_15] : memref<2x1024x128xf32, #tpu.memory_space<vmem>>, vector<1x1024x128xf32>
    %get3A_17 = vector.shape_cast %get3A_16 : vector<1x1024x128xf32> to vector<1024x128xf32>
    %add3A_18 = arith.addf %get3A_12, %get3A_17 : vector<1024x128xf32>
    %get3A_19 = arith.constant 0 : index
    %get3A_20 = arith.constant 0 : index
    %get3A_21 = vector.load %arg2[%get3A_19, %get3A_20] : memref<1024x128xf32, #tpu.memory_space<vmem>>, vector<1024x128xf32>
    %add3A_22 = arith.addf %add3A_18, %get3A_21 : vector<1024x128xf32>
    %mul3A = vector.broadcast %broadcast_in_dim3A : vector<1024x1xf32> to vector<1024x128xf32>
    %mul3A_23 = arith.mulf %mul3A, %add3A_22 : vector<1024x128xf32>
    %get3A_24 = arith.constant 0 : index
    %get3A_25 = arith.constant 0 : index
    %get3A_26 = vector.load %arg4[%get3A_24, %get3A_25] : memref<1x128xf32, #tpu.memory_space<vmem>>, vector<1x128xf32>
    %add3A_27 = vector.broadcast %get3A_26 : vector<1x128xf32> to vector<1024x128xf32>
    %add3A_28 = arith.addf %mul3A_23, %add3A_27 : vector<1024x128xf32>
    %ge3A = arith.constant 0.000000e+00 : f32
    %ge3A_29 = vector.broadcast %ge3A : f32 to vector<1024x128xf32>
    %ge3A_30 = arith.cmpf oge, %add3A_28, %ge3A_29 : vector<1024x128xf32>
    %mul3A_31 = arith.constant 2.000000e-01 : f32
    %mul3A_32 = vector.broadcast %mul3A_31 : f32 to vector<1024x128xf32>
    %mul3A_33 = arith.mulf %mul3A_32, %add3A_28 : vector<1024x128xf32>
    %select_n3A = arith.select %ge3A_30, %add3A_28, %mul3A_33 : vector<1024x128xi1>, vector<1024x128xf32>
    %get3A_34 = arith.constant 0 : index
    %get3A_35 = arith.constant 0 : index
    %get3A_36 = vector.load %arg5[%get3A_34, %get3A_35] : memref<128x128xf32, #tpu.memory_space<vmem>>, vector<128x128xf32>
    %dot_general3A = arith.constant dense<0.000000e+00> : vector<1024x128xf32>
    %dot_general3A_37 = tpu.matmul %select_n3A, %get3A_36, %dot_general3A {dimension_numbers = #tpu.dot_dimension_numbers<[1], [0], [0], [1], [0, 0, 1, 1], [], []>, transpose_lhs_hint = false} : vector<1024x128xf32>, vector<128x128xf32>, vector<1024x128xf32> -> vector<1024x128xf32>
    %mul3A_38 = vector.broadcast %broadcast_in_dim3A : vector<1024x1xf32> to vector<1024x128xf32>
    %mul3A_39 = arith.mulf %dot_general3A_37, %mul3A_38 : vector<1024x128xf32>
    %swap3A = arith.constant 0 : index
    %swap3A_40 = arith.constant 0 : index
    %swap3A_41 = vector.load %arg6[%swap3A, %swap3A_40] : memref<1024x128xf32, #tpu.memory_space<vmem>>, vector<1024x128xf32>
    tpu.vector_store %arg6[%swap3A, %swap3A_40], %mul3A_39 {strides = array<i32>} : memref<1024x128xf32, #tpu.memory_space<vmem>>, vector<1024x128xf32>,
    return
  }
  func.func @transform_0(%arg0: i32) -> (i32, i32, i32) {
    %c0_i32 = arith.constant 0 : i32
    %c0_i32_0 = arith.constant 0 : i32
    %c0_i32_1 = arith.constant 0 : i32
    return %c0_i32, %arg0, %c0_i32_0 : i32, i32, i32
  }
  func.func @transform_1(%arg0: i32) -> (i32, i32) {
    %c0_i32 = arith.constant 0 : i32
    %c0_i32_0 = arith.constant 0 : i32
    return %arg0, %c0_i32 : i32, i32
  }
  func.func @transform_2(%arg0: i32) -> (i32, i32, i32) {
    %c0_i32 = arith.constant 0 : i32
    %c0_i32_0 = arith.constant 0 : i32
    %c0_i32_1 = arith.constant 0 : i32
    return %c0_i32, %arg0, %c0_i32_0 : i32, i32, i32
  }
  func.func @transform_3(%arg0: i32) -> (i32, i32) {
    %c0_i32 = arith.constant 0 : i32
    %c0_i32_0 = arith.constant 0 : i32
    %c0_i32_1 = arith.constant 0 : i32
    return %c0_i32, %c0_i32_0 : i32, i32
  }
  func.func @transform_4(%arg0: i32) -> (i32, i32) {
    %c0_i32 = arith.constant 0 : i32
    %c0_i32_0 = arith.constant 0 : i32
    %c0_i32_1 = arith.constant 0 : i32
    return %c0_i32, %c0_i32_0 : i32, i32
  }
  func.func @transform_5(%arg0: i32) -> (i32, i32) {
    %c0_i32 = arith.constant 0 : i32
    %c0_i32_0 = arith.constant 0 : i32
    return %arg0, %c0_i32 : i32, i32
  }
}

module attributes {stable_mosaic.version = 14 : i64} {
  func.func @_tc_last(%arg0: i32, %arg1: memref<2x1024x128xf32, #tpu.memory_space<vmem>>, %arg2: memref<1024x128xf32, #tpu.memory_space<vmem>>, %arg3: memref<2x1024x16xf32, #tpu.memory_space<vmem>>, %arg4: memref<1x128xf32, #tpu.memory_space<vmem>>, %arg5: memref<1024x128xf32, #tpu.memory_space<vmem>>) attributes {dimension_semantics = [#tpu.dimension_semantics<arbitrary>], iteration_bounds = array<i64: 10>, scalar_prefetch = 0 : i64, scratch_operands = 0 : i64, tpu.core_type = #tpu.core_type<tc>, window_params = [{transform_indices = @transform_0, window_bounds = array<i64: 2, 1024, 128>}, {transform_indices = @transform_1, window_bounds = array<i64: 1024, 128>}, {transform_indices = @transform_2, window_bounds = array<i64: 2, 1024, 16>}, {pipeline_mode = #tpu.pipeline_mode<synchronous>, transform_indices = @transform_3, window_bounds = array<i64: 1, 128>}, {transform_indices = @transform_4, window_bounds = array<i64: 1024, 128>}]} {
    %get3A = arith.constant 0 : index
    %get3A_0 = arith.constant 0 : index
    %get3A_1 = arith.constant 0 : index
    %get3A_2 = vector.load %arg3[%get3A, %get3A_0, %get3A_1] : memref<2x1024x16xf32, #tpu.memory_space<vmem>>, vector<2x1024x16xf32>
    %slice3A = vector.extract_strided_slice %get3A_2 {offsets = [0, 0, 0], sizes = [1, 1024, 1], strides = [1, 1, 1]} : vector<2x1024x16xf32> to vector<1x1024x1xf32>
    %squeeze3A = vector.shape_cast %slice3A : vector<1x1024x1xf32> to vector<1024xf32>
    %slice3A_3 = vector.extract_strided_slice %get3A_2 {offsets = [1, 0, 0], sizes = [1, 1024, 1], strides = [1, 1, 1]} : vector<2x1024x16xf32> to vector<1x1024x1xf32>
    %squeeze3A_4 = vector.shape_cast %slice3A_3 : vector<1x1024x1xf32> to vector<1024xf32>
    %add3A = arith.addf %squeeze3A, %squeeze3A_4 : vector<1024xf32>
    %add3A_5 = arith.constant 1.000000e+00 : f32
    %add3A_6 = vector.broadcast %add3A_5 : f32 to vector<1024xf32>
    %add3A_7 = arith.addf %add3A, %add3A_6 : vector<1024xf32>
    %rsqrt3A = math.rsqrt %add3A_7 : vector<1024xf32>
    %broadcast_in_dim3A = vector.shape_cast %rsqrt3A : vector<1024xf32> to vector<1024x1xf32>
    %get3A_8 = arith.constant 0 : index
    %get3A_9 = arith.constant 0 : index
    %get3A_10 = arith.constant 0 : index
    %get3A_11 = vector.load %arg1[%get3A_8, %get3A_9, %get3A_10] : memref<2x1024x128xf32, #tpu.memory_space<vmem>>, vector<1x1024x128xf32>
    %get3A_12 = vector.shape_cast %get3A_11 : vector<1x1024x128xf32> to vector<1024x128xf32>
    %get3A_13 = arith.constant 1 : index
    %get3A_14 = arith.constant 0 : index
    %get3A_15 = arith.constant 0 : index
    %get3A_16 = vector.load %arg1[%get3A_13, %get3A_14, %get3A_15] : memref<2x1024x128xf32, #tpu.memory_space<vmem>>, vector<1x1024x128xf32>
    %get3A_17 = vector.shape_cast %get3A_16 : vector<1x1024x128xf32> to vector<1024x128xf32>
    %add3A_18 = arith.addf %get3A_12, %get3A_17 : vector<1024x128xf32>
    %get3A_19 = arith.constant 0 : index
    %get3A_20 = arith.constant 0 : index
    %get3A_21 = vector.load %arg2[%get3A_19, %get3A_20] : memref<1024x128xf32, #tpu.memory_space<vmem>>, vector<1024x128xf32>
    %add3A_22 = arith.addf %add3A_18, %get3A_21 : vector<1024x128xf32>
    %mul3A = vector.broadcast %broadcast_in_dim3A : vector<1024x1xf32> to vector<1024x128xf32>
    %mul3A_23 = arith.mulf %mul3A, %add3A_22 : vector<1024x128xf32>
    %get3A_24 = arith.constant 0 : index
    %get3A_25 = arith.constant 0 : index
    %get3A_26 = vector.load %arg4[%get3A_24, %get3A_25] : memref<1x128xf32, #tpu.memory_space<vmem>>, vector<1x128xf32>
    %add3A_27 = vector.broadcast %get3A_26 : vector<1x128xf32> to vector<1024x128xf32>
    %add3A_28 = arith.addf %mul3A_23, %add3A_27 : vector<1024x128xf32>
    %reduce_max3A = arith.constant dense<0xFF800000> : vector<1024xf32>
    %reduce_max3A_29 = vector.multi_reduction <maximumf>, %add3A_28, %reduce_max3A [1] : vector<1024x128xf32> to vector<1024xf32>
    %broadcast_in_dim3A_30 = vector.shape_cast %reduce_max3A_29 : vector<1024xf32> to vector<1024x1xf32>
    %sub3A = vector.broadcast %broadcast_in_dim3A_30 : vector<1024x1xf32> to vector<1024x128xf32>
    %sub3A_31 = arith.subf %add3A_28, %sub3A : vector<1024x128xf32>
    %exp3A = math.exp %sub3A_31 : vector<1024x128xf32>
    %reduce_sum3A = arith.constant dense<0.000000e+00> : vector<1024xf32>
    %reduce_sum3A_32 = vector.multi_reduction <add>, %exp3A, %reduce_sum3A [1] : vector<1024x128xf32> to vector<1024xf32>
    %broadcast_in_dim3A_33 = vector.shape_cast %reduce_sum3A_32 : vector<1024xf32> to vector<1024x1xf32>
    %log3A = math.log %broadcast_in_dim3A_33 : vector<1024x1xf32>
    %sub3A_34 = vector.broadcast %broadcast_in_dim3A_30 : vector<1024x1xf32> to vector<1024x128xf32>
    %sub3A_35 = arith.subf %add3A_28, %sub3A_34 : vector<1024x128xf32>
    %sub3A_36 = vector.broadcast %log3A : vector<1024x1xf32> to vector<1024x128xf32>
    %sub3A_37 = arith.subf %sub3A_35, %sub3A_36 : vector<1024x128xf32>
    %swap3A = arith.constant 0 : index
    %swap3A_38 = arith.constant 0 : index
    %swap3A_39 = vector.load %arg5[%swap3A, %swap3A_38] : memref<1024x128xf32, #tpu.memory_space<vmem>>, vector<1024x128xf32>
    tpu.vector_store %arg5[%swap3A, %swap3A_38], %sub3A_37 {strides = array<i32>} : memref<1024x128xf32, #tpu.memory_space<vmem>>, vector<1024x128xf32>,
    return
  }
  func.func @transform_0(%arg0: i32) -> (i32, i32, i32) {
    %c0_i32 = arith.constant 0 : i32
    %c0_i32_0 = arith.constant 0 : i32
    %c0_i32_1 = arith.constant 0 : i32
    return %c0_i32, %arg0, %c0_i32_0 : i32, i32, i32
  }
  func.func @transform_1(%arg0: i32) -> (i32, i32) {
    %c0_i32 = arith.constant 0 : i32
    %c0_i32_0 = arith.constant 0 : i32
    return %arg0, %c0_i32 : i32, i32
  }
  func.func @transform_2(%arg0: i32) -> (i32, i32, i32) {
    %c0_i32 = arith.constant 0 : i32
    %c0_i32_0 = arith.constant 0 : i32
    %c0_i32_1 = arith.constant 0 : i32
    return %c0_i32, %arg0, %c0_i32_0 : i32, i32, i32
  }
  func.func @transform_3(%arg0: i32) -> (i32, i32) {
    %c0_i32 = arith.constant 0 : i32
    %c0_i32_0 = arith.constant 0 : i32
    %c0_i32_1 = arith.constant 0 : i32
    return %c0_i32, %c0_i32_0 : i32, i32
  }
  func.func @transform_4(%arg0: i32) -> (i32, i32) {
    %c0_i32 = arith.constant 0 : i32
    %c0_i32_0 = arith.constant 0 : i32
    return %arg0, %c0_i32 : i32, i32
  }
}

</mosaic_0001>

<sc_bundles>
// kernel: kernel.11.cloned.1.call-start
scs
__scs_entry_jumppad:
0x0: {  	(pc) =	sbr.rel $0x88, $3  }
0x1: {  	(tag) =	ssettag $0x0;
	lr =	simm.s32 $0x1  }
0x2: {  	[smem:$0x3F9B] =	sst lr;
	_ =	strace $0xD0000000  }
0x3: {  	_ = 	snop  }
0x4: {  	_ = 	snop  }
0x5: {  	_ = 	snop  }
0x6: {  	_ = 	snop  }
0x7: {  	_ = 	snop  }
__scs_overlays_trampoline_lowered:
0x8: {  	[smem:$0x3FAA] =	sst s0  }
0x9: {  	[smem:$0x3FAB] =	sst s1  }
0xa: {  	[smem:$0x3FAC] =	sst s2  }
0xb: {  	[smem:$0x3FAD] =	sst s3  }
0xc: {  	[smem:$0x3FAE] =	sst s4  }
0xd: {  	[smem:$0x3FAF] =	sst s5  }
0xe: {  	[smem:$0x3FB0] =	sst s6  }
0xf: {  	[smem:$0x3FB1] =	sst s7  }
0x10: {  	[smem:$0x3FB2] =	sst s8  }
0x11: {  	[smem:$0x3FB3] =	sst s9;
	s0 =	simm.s32 @!p0 $0x0  }
0x12: {  	s1 =	sld [smem:$0x3F99];
	s0 =	simm.s32 @p0 $0x1  }
0x13: {  	[smem:$0x3FB4] =	sst s0;
	s0 =	simm.s32 @!p1 $0x0  }
0x14: {  	s2 =	sld [smem:$0x3F98];
	s0 =	simm.s32 @p1 $0x1  }
0x15: {  	[smem:$0x3FB5] =	sst s0;
	s0 =	simm.s32 @!p2 $0x0  }
0x16: {  	s3 =	sld [smem:$0x3FDB];
	s0 =	simm.s32 @p2 $0x1  }
0x17: {  	s4 =	simm.s32 $0x1BF5;
	[smem:$0x3FB7] =	sst s0  }
0x18: {  	s0 =	sld [smem:$0x3F9A];
	_ =	swait.ge [sflag:s4], $0x0  }
0x19: {  	s7 =	sld [smem:$0x3F9B]  }
0x1a: {  	s8 =	sadd.s32 $0xFFFFE003, lr  }
0x1b: {  	s9 =	sadd.s32 $0xFFFFFEF7, lr;
	s5 =	simm.s32 $0xFFFFFFFF;
	p2 =	slt.u32 s8, $0xFFFFF086  }
0x1c: {  	p1 =	slt.u32 s9, $0xF7A;
	s5 =	simm.s32 @!p2 $0x0  }
0x1d: {  	s5 =	simm.s32 @p1 $0x1;
	p0 =	seq.s32 s7, s2  }
0x1e: {  	s7 =	smul.u32 @!p0 $0xF7A, s2;
	p2 =	seq.s32 @!p0 s5, $0x0  }
0x1f: {  	s9 =	smul.u32 $0xF7A, s1;
	s8 =	simm.s32 @!p0 $0x1BF5;
	p2 =	por !p2, p0  }
0x20: {  	[sflag:s8] =	ssyncset.s32 @!p0 $0xFFFFF086;
	s6 =	sadd.s32 @!p0 s3, s7;
	s7 =	simm.s32 @!p0 $0x108  }
0x21: {  	s3 =	sadd.s32 s3, s9;
	s6 =	sadd.s32 @!p0 $0x88, s6;
	s7 =	simm.s32 @p2 $0x1082  }
0x22: {  	[simem:s7], [sflag:s8] =	dma.local @!p0 [hbm:s6], $0xF7A  }
0x23: {  	s9 =	sor.u32 $0xD0000000, s2;
	s6 =	simm.s32 $0x108;
	_ =	swait.ge @!p0 [sflag:s8], $0x0  }
0x24: {  	s3 =	sadd.s32 $0x88, s3;
	s6 =	simm.s32 @!p1 $0x1082;
	[sflag:s4] =	ssyncset.s32 $0xFFFFF086  }
0x25: {  	[simem:s6], [sflag:s4] =	dma.local [hbm:s3], $0xF7A  }
0x26: {  	[smem:$0x3F9B] =	sst s1;
	(tag) =	ssettag s2;
	_ =	strace s9  }
0x27: {  	s1 =	sld [smem:$0x3FAB]  }
0x28: {  	s2 =	sld [smem:$0x3FAC]  }
0x29: {  	s4 =	sld [smem:$0x3FAE]  }
0x2a: {  	p0 =	seq.s32 s5, $0x0;
	s5 =	sld [smem:$0x3FAF]  }
0x2b: {  	s6 =	sld [smem:$0x3FB0]  }
0x2c: {  	s7 =	sld [smem:$0x3FB1]  }
0x2d: {  	s3 =	simm.s32 $0x108;
	s8 =	sld [smem:$0x3FB2]  }
0x2e: {  	s3 =	simm.s32 @!p0 $0x1082;
	s9 =	sld [smem:$0x3FB3]  }
0x2f: {  	lr =	sadd.s32 s0, s3;
	s0 =	sld [smem:$0x3FAA]  }
0x30: {  	s3 =	sld [smem:$0x3FAD]  }
0x31: {  	[smem:$0x3FB6] =	sst s10  }
0x32: {  	s10 =	sld [smem:$0x3FB4];
	_ =	sdelay $0x3  }
0x33: {  	p0 =	seq.s32 s10, $0x1;
	s10 =	sld [smem:$0x3FB6];
	_ =	sdelay $0x3  }
0x34: {  	[smem:$0x3FB6] =	sst s10  }
0x35: {  	s10 =	sld [smem:$0x3FB5];
	_ =	sdelay $0x3  }
0x36: {  	p1 =	seq.s32 s10, $0x1;
	s10 =	sld [smem:$0x3FB6];
	_ =	sdelay $0x3  }
0x37: {  	[smem:$0x3FB6] =	sst s10  }
0x38: {  	s10 =	sld [smem:$0x3FB7]  }
0x39: {  	_ = 	snop;
	(pc) =	sbr.ind lr, $3  }
0x3a: {  	_ = 	snop  }
0x3b: {  	_ = 	snop  }
0x3c: {  	p2 =	seq.s32 s10, $0x1;
	s10 =	sld [smem:$0x3FB6]  }
0x3d: {  	_ =	shalt  }
0x3e: {  	_ =	shalt  }
0x3f: {  	_ =	shalt  }
0x40: {  	_ =	shalt  }
0x41: {  	_ =	shalt  }
0x42: {  	_ =	shalt  }
0x43: {  	_ =	shalt  }
0x44: {  	_ =	shalt  }
0x45: {  	_ =	shalt  }
0x46: {  	_ =	shalt  }
0x47: {  	_ =	shalt  }
0x48: {  	_ =	shalt  }
0x49: {  	_ =	shalt  }
0x4a: {  	_ =	shalt  }
0x4b: {  	_ =	shalt  }
0x4c: {  	_ =	shalt  }
0x4d: {  	_ =	shalt  }
0x4e: {  	_ =	shalt  }
0x4f: {  	_ =	shalt  }
0x50: {  	_ =	shalt  }
0x51: {  	_ =	shalt  }
0x52: {  	_ =	shalt  }
0x53: {  	_ =	shalt  }
0x54: {  	_ =	shalt  }
0x55: {  	_ =	shalt  }
0x56: {  	_ =	shalt  }
0x57: {  	_ =	shalt  }
0x58: {  	_ =	shalt  }
0x59: {  	_ =	shalt  }
0x5a: {  	_ =	shalt  }
0x5b: {  	_ =	shalt  }
0x5c: {  	_ =	shalt  }
0x5d: {  	_ =	shalt  }
0x5e: {  	_ =	shalt  }
0x5f: {  	_ =	shalt  }
0x60: {  	_ =	shalt  }
0x61: {  	_ =	shalt  }
0x62: {  	_ =	shalt  }
0x63: {  	_ =	shalt  }
0x64: {  	_ =	shalt  }
0x65: {  	_ =	shalt  }
0x66: {  	_ =	shalt  }
0x67: {  	_ =	shalt  }
0x68: {  	_ =	shalt  }
0x69: {  	_ =	shalt  }
0x6a: {  	_ =	shalt  }
0x6b: {  	_ =	shalt  }
0x6c: {  	_ =	shalt  }
0x6d: {  	_ =	shalt  }
0x6e: {  	_ =	shalt  }
0x6f: {  	_ =	shalt  }
0x70: {  	_ =	shalt  }
0x71: {  	_ =	shalt  }
0x72: {  	_ =	shalt  }
0x73: {  	_ =	shalt  }
0x74: {  	_ =	shalt  }
0x75: {  	_ =	shalt  }
0x76: {  	_ =	shalt  }
0x77: {  	_ =	shalt  }
0x78: {  	_ =	shalt  }
0x79: {  	_ =	shalt  }
0x7a: {  	_ =	shalt  }
0x7b: {  	_ =	shalt  }
0x7c: {  	_ =	shalt  }
0x7d: {  	_ =	shalt  }
0x7e: {  	_ =	shalt  }
0x7f: {  	_ =	shalt  }
0x80: {  	_ =	shalt  }
0x81: {  	_ =	shalt  }
0x82: {  	_ =	shalt  }
0x83: {  	_ =	shalt  }
0x84: {  	_ =	shalt  }
0x85: {  	_ =	shalt  }
0x86: {  	_ =	shalt  }
0x87: {  	_ =	shalt  }
.Lfunc_end0:
.L_simem_size_0:
called_computation.1_lowered:
.L_overlay_start_0:
0x88: {  	s2 =	sld [smem:$0x3FD9]  }
0x89: {  	s3 =	sld [smem:$0x3FFE];
	_ =	sdelay $0x1  }
0x8a: {  	s1 =	srdreg.scid  }
0x8b: {  	s0 =	sand.u32 $0x1, s1  }
0x8c: {  	s17 =	sshll.u32 s0, $0xA;
	s2 =	sadd.s32 s3, s2  }
0x8d: {  	s2 =	sadd.s32 s2, s17  }
0x8e: {  	[smem:$0x3FC2] =	sst s2  }
0x8f: {  	_ = 	snop  }
0x90: {  	s2 =	sld [smem:$0x3FD0];
	(tm) =	ssettm $0x1  }
0x91: {  	s18 =	sld [smem:$0x3FFB];
	_ =	sdelay $0x3  }
0x92: {  	_ =	strace s18  }
0x93: {  	s3 =	sld [smem:$0x3FFC];
	_ =	sdelay $0x3  }
0x94: {  	_ =	strace s3  }
0x95: {  	s3 =	sld [smem:$0x3FFD];
	_ =	sdelay $0x3  }
0x96: {  	_ =	strace s3  }
0x97: {  	_ =	strace $0x8FFFFFFF  }
0x98: {  	s19 =	sld [smem:$0x3FDB];
	_ =	sdelay $0x1  }
0x99: {  	s4 =	simm.s32 $_scs_section_size  }
0x9a: {  	s5 =	simm.s32 $_size__tile_overlayer_lowered;
	s6 =	simm.s32 $_tile_overlayer_lowered  }
0x9b: {  	s22 =	simm.s32 $0x1BFF;
	s21 =	sshll.u32 s6, $0x1;
	s3 =	sadd.s32 s4, s19  }
0x9c: {  	s7 =	simm.s32 $0x0;
	s20 =	sshll.u32 s5, $0x1;
	s5 =	sadd.s32 s21, s3  }
0x9d: {  	[timem:s7], [sflag:s22] =	dma.local [hbm:s5], s20  }
0x9e: {  	_ =	swait.ge [sflag:s22], s20  }
0x9f: {  	s4 =	ssub.s32 $0x0, s20;
	[sflag:s22] =	ssyncset.done $0x0  }
0xa0: {  	[sflag:s22] =	ssyncadd.s32 s4;
	_ =	sdelay $0x1  }
0xa1: {  	s23 =	simm.s32 $0x1B8B  }
0xa2: {  	_ =	swait.ge [sflag:s23], $0x1  }
0xa3: {  	[sflag:s23] =	ssyncset.done $0x0  }
0xa4: {  	s25 =	simm.s32 $0x1B8E;
	s24 =	sld [smem:$0x3FFE];
	[sflag:s23] =	ssyncadd.s32 $0xFFFFFFFF  }
0xa5: {  	s26 =	simm.s32 $execute0_lowered;
	[smem:$0x3FD2] =	sst s25  }
0xa6: {  	s5 =	sshll.u32 s26, $0x1;
	_ =	strace $0x80000049;
	[dreg:$0x1] =	wrdreg $0xFFFFFFFF  }
0xa7: {  	s28 =	simm.s32 $_size_execute0_lowered;
	s3 =	sadd.s32 s3, s5;
	[dreg:$0x0] =	wrdreg $0x0  }
0xa8: {  	s5 =	sshll.u32 s28, $0x1;
	[dreg:$0x2] =	wrdreg s3  }
0xa9: {  	[dreg:$0x3] =	wrdreg s5  }
0xaa: {  	[dreg:$0x4] =	wrdreg $0xC0  }
0xab: {  	_ =	task [dreg:s7], $0x5FFFF  }
0xac: {  	[dreg:$0x1] =	wrdreg $0xFFFFFFFF  }
0xad: {  	[dreg:$0x0] =	wrdreg $0x60  }
0xae: {  	[dreg:$0x2] =	wrdreg s24  }
0xaf: {  	[dreg:$0x3] =	wrdreg s2  }
0xb0: {  	[dreg:$0x4] =	wrdreg $0xA0000  }
0xb1: {  	[dreg:$0x5] =	wrdreg $0x9  }
0xb2: {  	_ =	task.clear_ibuf [dreg:s7], $0x6FFFF;
	_ =	strace $0x90000049  }
0xb3: {  	s29 =	simm.s32 $0x9;
	_ =	strace $0x8000004B  }
0xb4: {  	_ =	swait.ge [sflag:s29], $0x1  }
0xb5: {  	[sflag:s29] =	ssyncadd.s32 $0xFFFFFFFF  }
0xb6: {  	_ =	strace $0x9000004B  }
0xb7: {  	_ =	sfence  }
0xb8: {  	s30 =	sld [smem:$0x0];
	_ =	sdelay $0x2  }
0xb9: {  	s31 =	sshll.u32 s1, $0xD;
	s1 =	sshrl.u32 s1, $0x2  }
0xba: {  	s3 =	sand.u32 $0x4000, s31;
	s1 =	sadd.s32 s1, s30  }
0xbb: {  	s0 =	sor.u32 s3, s0;
	s1 =	sshll.u32 s1, $0x11  }
0xbc: {  	s0 =	sor.u32 s1, s0  }
0xbd: {  	s0 =	sadd.s32 $0x8F2B, s0  }
0xbe: {  	[sflag:s0] =	ssyncadd.remote.s32 $0x1  }
0xbf: {  	_ =	sfence.sel $0xFFFF  }
0xc0: {  	[dreg:$0x0] =	wrdreg $0xFFFFFFFF;
	(pc) =	sbr.abs _section_cstart, $3  }
0xc1: {  	[dreg:$0x1] =	wrdreg $0xFFFFFFFF  }
0xc2: {  	_ =	task.clear_ibuf [dreg:s7], $0x2FFFF;
	_ =	strace $0x9FFFFFFF  }
0xc3: {  	(tm) =	ssettm $0x7FFFFFFF  }
tec
execute0_lowered:
.L_overlay_start_1:
0x0: {  	(tag) =	ssettag $0x1  }
0x1: {  	s0 =	rddreg [dreg:$0x0]  }
0x2: {  	s2 =	rddreg [dreg:$0x1]  }
0x3: {  	s1 =	rddreg [dreg:$0x2];
	s3 =	simm.s32 $0x0;
	s4 =	srdreg.scid  }
0x4: {  	s10 =	stileid.u32;
	s28 =	simm.s32 $0x2000;
	s29 =	simm.s32 $0x5  }
0x5: {  	s30 =	simm.s32 $0x1000;
	s31 =	simm.s32 $0x40;
	[smem:$0x7FF] =	sst s3  }
0x6: {  	s5 =	sand.u32 $0x1, s4;
	s7 =	smul.u32 $0x14000, s10;
	s4 =	sadd.s32 $0x70400, s0  }
0x7: {  	s8 =	sadd.s32 $0x5C400, s0;
	s6 =	smul.u32 $0x140000, s5;
	s9 =	sshll.u32 s5, $0x4  }
0x8: {  	s17 =	smul.u32 $0x50000, s10;
	_ =	strace $0x8000004A;
	s16 =	sor.u32 s10, s9  }
0x9: {  	s5 =	ssub.s32 $0x2, s5;
	s6 =	sadd.s32 s7, s6;
	s7 =	smul.u32 $0x5000, s16  }
0xa: {  	s18 =	sshrl.u32 s5, $0x1;
	s9 =	sshrl.u32 s17, $0x2;
	s6 =	sshrl.u32 s6, $0x3  }
0xb: {  	s10 =	simm.s32 $0x4;
	s0 =	sadd.s32 s6, s0;
	s7 =	sshrl.u32 s7, $0x3  }
0xc: {  	s6 =	ssub.s32 s5, s18;
	s5 =	sadd.s32 s9, s1;
	s19 =	sadd.s32 s2, s7  }
0xd: {  	s20 =	sadd.s32 s8, s7;
	s21 =	sadd.s32 $0x200, s7;
	s23 =	sadd.s32 $0x400, s7  }
0xe: {  	s25 =	sadd.s32 $0x600, s7;
	s7 =	sadd.s32 $0x800, s7;
	s16 =	sadd.s32 $0x98400, s0  }
0xf: {  	s17 =	smax.u32 s6, $0x1;
	s18 =	sadd.s32 $0x2000, s5;
	[dreg:$0x4] =	wrdreg s19  }
0x10: {  	s0 =	simm.s32 $0x4000;
	s6 =	simm.s32 $0x8000;
	[dreg:$0x5] =	wrdreg s20  }
0x11: {  	s22 =	sadd.s32 s2, s21;
	s9 =	sadd.s32 s8, s21;
	s24 =	sadd.s32 s2, s23  }
0x12: {  	s26 =	sadd.s32 s2, s25;
	s2 =	sadd.s32 s2, s7;
	[dreg:$0x6] =	wrdreg s22  }
0x13: {  	s15 =	sadd.s32 s8, s7;
	s19 =	sadd.s32 $0x4000, s5;
	[dreg:$0x7] =	wrdreg s9  }
0x14: {  	s20 =	sadd.s32 $0x6000, s5;
	s21 =	sadd.s32 $0x8000, s5;
	[dreg:$0x8] =	wrdreg s24  }
0x15: {  	s7 =	simm.s32 $0x1;
	s9 =	sadd.s32 s8, s23;
	[dreg:$0xa] =	wrdreg s26  }
0x16: {  	[dreg:$0xc] =	wrdreg s2;
	s22 =	sadd.s32 $0xA000, s5;
	s23 =	sadd.s32 $0xC000, s5  }
0x17: {  	s24 =	sadd.s32 $0xE000, s5;
	s26 =	sadd.s32 $0x12000, s5;
	s2 =	simm.s32 $0x6000  }
0x18: {  	[dreg:$0x9] =	wrdreg s9;
	s9 =	sadd.s32 s8, s25;
	s25 =	sadd.s32 $0x10000, s5  }
0x19: {  	v0 =	vimm.f32 $0.0e+00;
	s8 =	simm.s32 $0x2;
	[dreg:$0xb] =	wrdreg s9;
	s9 =	simm.s32 $0x3  }
.LBB2_1:
0x1a: {  	s11 =	simm.s32 $0x0;
	s12 =	simm.s32 $0x200  }
.LBB2_2:
0x1b: {  	p0 =	sne.s32 s12, $0x7E00;
	[tilespmem:s11+$0x2070] =	vst v0  }
0x1c: {  	[tilespmem:s11+$0x2000] =	vst v0  }
0x1d: {  	[tilespmem:s11+$0x2010] =	vst v0  }
.Ltmp0:
0x1e: {  	[tilespmem:s11+$0x2020] =	vst v0;
	(pc) =	sbr.rel @p0 .LBB2_2-.Ltmp0, $4  }
0x1f: {  	[tilespmem:s11+$0x2030] =	vst v0  }
0x20: {  	[tilespmem:s11+$0x2040] =	vst v0  }
0x21: {  	[tilespmem:s11+$0x2050] =	vst v0  }
0x22: {  	[tilespmem:s11+$0x2060] =	vst v0;
	s11 =	sshra.s32 s12, $0x2;
	s12 =	sadd.s32 $0x200, s12  }
0x23: {  	[tilespmem:s11+$0x2070] =	vst v0  }
0x24: {  	[tilespmem:s11+$0x2000] =	vst v0  }
0x25: {  	[tilespmem:s11+$0x2010] =	vst v0  }
0x26: {  	[tilespmem:s11+$0x2020] =	vst v0  }
0x27: {  	[tilespmem:s11+$0x2030] =	vst v0  }
0x28: {  	[tilespmem:s11+$0x2040] =	vst v0  }
0x29: {  	[tilespmem:s11+$0x2050] =	vst v0  }
0x2a: {  	[tilespmem:s11+$0x2060] =	vst v0  }
0x2b: {  	[spmem:s5] =	stream.linear.scatter [tilespmem:s28], [sflag:$0x5], $0x2000, $0x38;
	[tilespmem:$0x1E000] =	vst v63  }
0x2c: {  	_ =	swait.ge [sflag:s29], $0x2000  }
0x2d: {  	[sflag:s29] =	ssyncset.done $0x0  }
0x2e: {  	[sflag:s29] =	ssyncadd.s32 $0xFFFFE000  }
0x2f: {  	[spmem:s18] =	stream.linear.scatter [tilespmem:s28], [sflag:$0x5], $0x2000, $0x38;
	[tilespmem:$0x1E000] =	vst v63  }
0x30: {  	_ =	swait.ge [sflag:s29], $0x2000  }
0x31: {  	[sflag:s29] =	ssyncset.done $0x0  }
0x32: {  	[sflag:s29] =	ssyncadd.s32 $0xFFFFE000  }
0x33: {  	[spmem:s19] =	stream.linear.scatter [tilespmem:s28], [sflag:$0x5], $0x2000, $0x38;
	[tilespmem:$0x1E000] =	vst v63  }
0x34: {  	_ =	swait.ge [sflag:s29], $0x2000  }
0x35: {  	[sflag:s29] =	ssyncset.done $0x0  }
0x36: {  	[sflag:s29] =	ssyncadd.s32 $0xFFFFE000  }
0x37: {  	[spmem:s20] =	stream.linear.scatter [tilespmem:s28], [sflag:$0x5], $0x2000, $0x38;
	[tilespmem:$0x1E000] =	vst v63  }
0x38: {  	_ =	swait.ge [sflag:s29], $0x2000  }
0x39: {  	[sflag:s29] =	ssyncset.done $0x0  }
0x3a: {  	[sflag:s29] =	ssyncadd.s32 $0xFFFFE000  }
0x3b: {  	[spmem:s21] =	stream.linear.scatter [tilespmem:s28], [sflag:$0x5], $0x2000, $0x38;
	[tilespmem:$0x1E000] =	vst v63  }
0x3c: {  	_ =	swait.ge [sflag:s29], $0x2000  }
0x3d: {  	[sflag:s29] =	ssyncset.done $0x0  }
0x3e: {  	[sflag:s29] =	ssyncadd.s32 $0xFFFFE000  }
0x3f: {  	[spmem:s22] =	stream.linear.scatter [tilespmem:s28], [sflag:$0x5], $0x2000, $0x38;
	[tilespmem:$0x1E000] =	vst v63  }
0x40: {  	_ =	swait.ge [sflag:s29], $0x2000  }
0x41: {  	[sflag:s29] =	ssyncset.done $0x0  }
0x42: {  	[sflag:s29] =	ssyncadd.s32 $0xFFFFE000  }
0x43: {  	[spmem:s23] =	stream.linear.scatter [tilespmem:s28], [sflag:$0x5], $0x2000, $0x38;
	[tilespmem:$0x1E000] =	vst v63  }
0x44: {  	_ =	swait.ge [sflag:s29], $0x2000  }
0x45: {  	[sflag:s29] =	ssyncset.done $0x0  }
0x46: {  	[sflag:s29] =	ssyncadd.s32 $0xFFFFE000  }
0x47: {  	[spmem:s24] =	stream.linear.scatter [tilespmem:s28], [sflag:$0x5], $0x2000, $0x38;
	[tilespmem:$0x1E000] =	vst v63  }
0x48: {  	_ =	swait.ge [sflag:s29], $0x2000  }
0x49: {  	[sflag:s29] =	ssyncset.done $0x0  }
0x4a: {  	[sflag:s29] =	ssyncadd.s32 $0xFFFFE000  }
0x4b: {  	[spmem:s25] =	stream.linear.scatter [tilespmem:s28], [sflag:$0x5], $0x2000, $0x38;
	[tilespmem:$0x1E000] =	vst v63  }
0x4c: {  	_ =	swait.ge [sflag:s29], $0x2000  }
0x4d: {  	[sflag:s29] =	ssyncset.done $0x0  }
0x4e: {  	[sflag:s29] =	ssyncadd.s32 $0xFFFFE000  }
0x4f: {  	[spmem:s26] =	stream.linear.scatter [tilespmem:s28], [sflag:$0x5], $0x2000, $0x38;
	[tilespmem:$0x1E000] =	vst v63  }
0x50: {  	_ =	swait.ge [sflag:s29], $0x2000  }
0x51: {  	[sflag:s29] =	ssyncset.done $0x0  }
0x52: {  	[sflag:s29] =	ssyncadd.s32 $0xFFFFE000  }
0x53: {  	[bflag:$0x0] =	sbarrier.arrive $0xFFFF  }
0x54: {  	s13 =	simm.s32 $0x0;
	s12 =	rddreg [dreg:$0x4]  }
0x55: {  	[tilespmem:s13], [sflag:$0x5] =	stream.linear.gather [hbm4b:s12+s13], $0x1000, $0x38;
	[tilespmem:$0x1E000] =	vst v63  }
0x56: {  	_ =	swait.ge [sflag:s29], $0x1000  }
0x57: {  	[sflag:s29] =	ssyncset.done $0x0  }
0x58: {  	s14 =	rddreg [dreg:$0x5];
	[sflag:s29] =	ssyncadd.s32 $0xFFFFF000  }
0x59: {  	[tilespmem:s30], [sflag:$0x5] =	stream.linear.gather [hbm4b:s14+s13], $0x1000, $0x38;
	[tilespmem:$0x1E000] =	vst v63  }
0x5a: {  	_ =	swait.ge [sflag:s29], $0x1000  }
0x5b: {  	[sflag:s29] =	ssyncset.done $0x0  }
0x5c: {  	s13 =	simm.s32 $0x0;
	[sflag:s29] =	ssyncadd.s32 $0xFFFFF000  }
0x5d: {  	[tilespmem:s28], [sflag:$0x1] =	stream.indirect.gather [hbm4b:s4+s31], $0x80, s13, s31, $0xb8;
	[tilespmem:$0x1E000] =	vst v63  }
0x5e: {  	s14 =	simm.s32 $0x80  }
0x5f: {  	[tilespmem:s0], [sflag:$0x2] =	stream.indirect.gather [hbm4b:s4+s31], $0x80, s14, s31, $0xb8;
	[tilespmem:$0x1E000] =	vst v63  }
0x60: {  	s12 =	simm.s32 $0x100  }
0x61: {  	[tilespmem:s2], [sflag:$0x3] =	stream.indirect.gather [hbm4b:s4+s31], $0x80, s12, s31, $0xb8;
	[tilespmem:$0x1E000] =	vst v63  }
0x62: {  	s13 =	simm.s32 $0x180  }
0x63: {  	[tilespmem:s6], [sflag:$0x4] =	stream.indirect.gather [hbm4b:s4+s31], $0x80, s13, s31, $0xb8;
	[tilespmem:$0x1E000] =	vst v63  }
0x64: {  	_ =	swait.ge [sflag:s7], $0x2000  }
0x65: {  	[sflag:s7] =	ssyncset.done $0x0  }
0x66: {  	s14 =	simm.s32 $0x1000;
	[sflag:s7] =	ssyncadd.s32 $0xFFFFE000  }
0x67: {  	[spmem:s1] =	stream.indirect.scatter.add.f32 [tilespmem:s28], [sflag:$0x5], $0x80, s14, s31, $0xb8;
	[tilespmem:$0x1E000] =	vst v63  }
0x68: {  	_ =	swait.ge [sflag:s29], $0x2000  }
0x69: {  	[sflag:s29] =	ssyncset.done $0x0  }
0x6a: {  	[sflag:s29] =	ssyncadd.s32 $0xFFFFE000  }
0x6b: {  	_ =	swait.ge [sflag:s8], $0x2000  }
0x6c: {  	[sflag:s8] =	ssyncset.done $0x0  }
0x6d: {  	s12 =	simm.s32 $0x1080;
	[sflag:s8] =	ssyncadd.s32 $0xFFFFE000  }
0x6e: {  	[spmem:s1] =	stream.indirect.scatter.add.f32 [tilespmem:s0], [sflag:$0x5], $0x80, s12, s31, $0xb8;
	[tilespmem:$0x1E000] =	vst v63  }
0x6f: {  	_ =	swait.ge [sflag:s29], $0x2000  }
0x70: {  	[sflag:s29] =	ssyncset.done $0x0  }
0x71: {  	[sflag:s29] =	ssyncadd.s32 $0xFFFFE000  }
0x72: {  	_ =	swait.ge [sflag:s9], $0x2000  }
0x73: {  	[sflag:s9] =	ssyncset.done $0x0  }
0x74: {  	s13 =	simm.s32 $0x1100;
	[sflag:s9] =	ssyncadd.s32 $0xFFFFE000  }
0x75: {  	[spmem:s1] =	stream.indirect.scatter.add.f32 [tilespmem:s2], [sflag:$0x5], $0x80, s13, s31, $0xb8;
	[tilespmem:$0x1E000] =	vst v63  }
0x76: {  	_ =	swait.ge [sflag:s29], $0x2000  }
0x77: {  	[sflag:s29] =	ssyncset.done $0x0  }
0x78: {  	[sflag:s29] =	ssyncadd.s32 $0xFFFFE000  }
0x79: {  	_ =	swait.ge [sflag:s10], $0x2000  }
0x7a: {  	[sflag:s10] =	ssyncset.done $0x0  }
0x7b: {  	s14 =	simm.s32 $0x1180;
	[sflag:s10] =	ssyncadd.s32 $0xFFFFE000  }
0x7c: {  	[spmem:s1] =	stream.indirect.scatter.add.f32 [tilespmem:s6], [sflag:$0x5], $0x80, s14, s31, $0xb8;
	[tilespmem:$0x1E000] =	vst v63  }
0x7d: {  	_ =	swait.ge [sflag:s29], $0x2000  }
0x7e: {  	s11 =	simm.s32 $0x800;
	s12 =	simm.s32 $0x1000;
	[sflag:s29] =	ssyncset.done $0x0  }
.LBB2_4:
0x7f: {  	s13 =	sshra.s32 s11, $0x2  }
0x80: {  	[sflag:s29] =	ssyncadd.s32 $0xFFFFE000;
	s11 =	smov.u32 s12;
	s14 =	sadd.s32 $0x800, s12  }
0x81: {  	[tilespmem:s28], [sflag:$0x1] =	stream.indirect.gather [hbm4b:s4+s31], $0x80, s13, s31, $0xb8;
	[tilespmem:$0x1E000] =	vst v63  }
0x82: {  	p0 =	sne.s32 s12, $0x3800;
	s12 =	sadd.s32 $0x80, s13  }
0x83: {  	[tilespmem:s0], [sflag:$0x2] =	stream.indirect.gather [hbm4b:s4+s31], $0x80, s12, s31, $0xb8;
	[tilespmem:$0x1E000] =	vst v63  }
0x84: {  	s12 =	sadd.s32 $0x100, s13  }
0x85: {  	[tilespmem:s2], [sflag:$0x3] =	stream.indirect.gather [hbm4b:s4+s31], $0x80, s12, s31, $0xb8;
	[tilespmem:$0x1E000] =	vst v63  }
0x86: {  	s12 =	sadd.s32 $0x180, s13  }
0x87: {  	[tilespmem:s6], [sflag:$0x4] =	stream.indirect.gather [hbm4b:s4+s31], $0x80, s12, s31, $0xb8;
	[tilespmem:$0x1E000] =	vst v63  }
0x88: {  	_ =	swait.ge [sflag:s7], $0x2000  }
0x89: {  	[sflag:s7] =	ssyncset.done $0x0  }
0x8a: {  	s12 =	sadd.s32 $0x1000, s13;
	[sflag:s7] =	ssyncadd.s32 $0xFFFFE000  }
0x8b: {  	[spmem:s1] =	stream.indirect.scatter.add.f32 [tilespmem:s28], [sflag:$0x5], $0x80, s12, s31, $0xb8;
	[tilespmem:$0x1E000] =	vst v63  }
0x8c: {  	_ =	swait.ge [sflag:s29], $0x2000  }
0x8d: {  	[sflag:s29] =	ssyncset.done $0x0  }
0x8e: {  	[sflag:s29] =	ssyncadd.s32 $0xFFFFE000  }
0x8f: {  	_ =	swait.ge [sflag:s8], $0x2000  }
0x90: {  	[sflag:s8] =	ssyncset.done $0x0  }
0x91: {  	s12 =	sadd.s32 $0x1080, s13;
	[sflag:s8] =	ssyncadd.s32 $0xFFFFE000  }
0x92: {  	[spmem:s1] =	stream.indirect.scatter.add.f32 [tilespmem:s0], [sflag:$0x5], $0x80, s12, s31, $0xb8;
	[tilespmem:$0x1E000] =	vst v63  }
0x93: {  	_ =	swait.ge [sflag:s29], $0x2000  }
0x94: {  	[sflag:s29] =	ssyncset.done $0x0  }
0x95: {  	[sflag:s29] =	ssyncadd.s32 $0xFFFFE000  }
0x96: {  	_ =	swait.ge [sflag:s9], $0x2000  }
0x97: {  	[sflag:s9] =	ssyncset.done $0x0  }
0x98: {  	s12 =	sadd.s32 $0x1100, s13;
	[sflag:s9] =	ssyncadd.s32 $0xFFFFE000  }
0x99: {  	[spmem:s1] =	stream.indirect.scatter.add.f32 [tilespmem:s2], [sflag:$0x5], $0x80, s12, s31, $0xb8;
	[tilespmem:$0x1E000] =	vst v63  }
0x9a: {  	_ =	swait.ge [sflag:s29], $0x2000  }
0x9b: {  	[sflag:s29] =	ssyncset.done $0x0  }
0x9c: {  	[sflag:s29] =	ssyncadd.s32 $0xFFFFE000  }
0x9d: {  	_ =	swait.ge [sflag:s10], $0x2000  }
.Ltmp1:
0x9e: {  	[sflag:s10] =	ssyncset.done $0x0;
	(pc) =	sbr.rel @p0 .LBB2_4-.Ltmp1, $4  }
0x9f: {  	s12 =	sadd.s32 $0x1180, s13;
	[sflag:s10] =	ssyncadd.s32 $0xFFFFE000  }
0xa0: {  	[spmem:s1] =	stream.indirect.scatter.add.f32 [tilespmem:s6], [sflag:$0x5], $0x80, s12, s31, $0xb8;
	[tilespmem:$0x1E000] =	vst v63  }
0xa1: {  	_ =	swait.ge [sflag:s29], $0x2000  }
0xa2: {  	s12 =	smov.u32 s14;
	[sflag:s29] =	ssyncset.done $0x0  }
0xa3: {  	s11 =	sshra.s32 s11, $0x2;
	[sflag:s29] =	ssyncadd.s32 $0xFFFFE000  }
0xa4: {  	[tilespmem:s28], [sflag:$0x1] =	stream.indirect.gather [hbm4b:s4+s31], $0x80, s11, s31, $0xb8;
	[tilespmem:$0x1E000] =	vst v63  }
0xa5: {  	s12 =	sadd.s32 $0x80, s11  }
0xa6: {  	[tilespmem:s0], [sflag:$0x2] =	stream.indirect.gather [hbm4b:s4+s31], $0x80, s12, s31, $0xb8;
	[tilespmem:$0x1E000] =	vst v63  }
0xa7: {  	s14 =	sadd.s32 $0x100, s11  }
0xa8: {  	[tilespmem:s2], [sflag:$0x3] =	stream.indirect.gather [hbm4b:s4+s31], $0x80, s14, s31, $0xb8;
	[tilespmem:$0x1E000] =	vst v63  }
0xa9: {  	s13 =	sadd.s32 $0x180, s11  }
0xaa: {  	[tilespmem:s6], [sflag:$0x4] =	stream.indirect.gather [hbm4b:s4+s31], $0x80, s13, s31, $0xb8;
	[tilespmem:$0x1E000] =	vst v63  }
0xab: {  	_ =	swait.ge [sflag:s7], $0x2000  }
0xac: {  	[sflag:s7] =	ssyncset.done $0x0  }
0xad: {  	s14 =	sadd.s32 $0x1000, s11;
	[sflag:s7] =	ssyncadd.s32 $0xFFFFE000  }
0xae: {  	[spmem:s1] =	stream.indirect.scatter.add.f32 [tilespmem:s28], [sflag:$0x5], $0x80, s14, s31, $0xb8;
	[tilespmem:$0x1E000] =	vst v63  }
0xaf: {  	_ =	swait.ge [sflag:s29], $0x2000  }
0xb0: {  	[sflag:s29] =	ssyncset.done $0x0  }
0xb1: {  	[sflag:s29] =	ssyncadd.s32 $0xFFFFE000  }
0xb2: {  	_ =	swait.ge [sflag:s8], $0x2000  }
0xb3: {  	[sflag:s8] =	ssyncset.done $0x0  }
0xb4: {  	s13 =	sadd.s32 $0x1080, s11;
	[sflag:s8] =	ssyncadd.s32 $0xFFFFE000  }
0xb5: {  	[spmem:s1] =	stream.indirect.scatter.add.f32 [tilespmem:s0], [sflag:$0x5], $0x80, s13, s31, $0xb8;
	[tilespmem:$0x1E000] =	vst v63  }
0xb6: {  	_ =	swait.ge [sflag:s29], $0x2000  }
0xb7: {  	[sflag:s29] =	ssyncset.done $0x0  }
0xb8: {  	[sflag:s29] =	ssyncadd.s32 $0xFFFFE000  }
0xb9: {  	_ =	swait.ge [sflag:s9], $0x2000  }
0xba: {  	[sflag:s9] =	ssyncset.done $0x0  }
0xbb: {  	s14 =	sadd.s32 $0x1100, s11;
	[sflag:s9] =	ssyncadd.s32 $0xFFFFE000  }
0xbc: {  	[spmem:s1] =	stream.indirect.scatter.add.f32 [tilespmem:s2], [sflag:$0x5], $0x80, s14, s31, $0xb8;
	[tilespmem:$0x1E000] =	vst v63  }
0xbd: {  	_ =	swait.ge [sflag:s29], $0x2000  }
0xbe: {  	[sflag:s29] =	ssyncset.done $0x0  }
0xbf: {  	[sflag:s29] =	ssyncadd.s32 $0xFFFFE000  }
0xc0: {  	_ =	swait.ge [sflag:s10], $0x2000  }
0xc1: {  	[sflag:s10] =	ssyncset.done $0x0  }
0xc2: {  	s11 =	sadd.s32 $0x1180, s11;
	[sflag:s10] =	ssyncadd.s32 $0xFFFFE000  }
0xc3: {  	[spmem:s1] =	stream.indirect.scatter.add.f32 [tilespmem:s6], [sflag:$0x5], $0x80, s11, s31, $0xb8;
	[tilespmem:$0x1E000] =	vst v63  }
0xc4: {  	_ =	swait.ge [sflag:s29], $0x2000  }
0xc5: {  	[sflag:s29] =	ssyncset.done $0x0  }
0xc6: {  	s11 =	simm.s32 $0x0;
	s13 =	rddreg [dreg:$0x6];
	[sflag:s29] =	ssyncadd.s32 $0xFFFFE000  }
0xc7: {  	[tilespmem:s11], [sflag:$0x5] =	stream.linear.gather [hbm4b:s13+s11], $0x1000, $0x38;
	[tilespmem:$0x1E000] =	vst v63  }
0xc8: {  	_ =	swait.ge [sflag:s29], $0x1000  }
0xc9: {  	[sflag:s29] =	ssyncset.done $0x0  }
0xca: {  	s14 =	rddreg [dreg:$0x7];
	[sflag:s29] =	ssyncadd.s32 $0xFFFFF000  }
0xcb: {  	[tilespmem:s30], [sflag:$0x5] =	stream.linear.gather [hbm4b:s14+s11], $0x1000, $0x38;
	[tilespmem:$0x1E000] =	vst v63  }
0xcc: {  	_ =	swait.ge [sflag:s29], $0x1000  }
0xcd: {  	[sflag:s29] =	ssyncset.done $0x0  }
0xce: {  	s13 =	simm.s32 $0x0;
	[sflag:s29] =	ssyncadd.s32 $0xFFFFF000  }
0xcf: {  	[tilespmem:s28], [sflag:$0x1] =	stream.indirect.gather [hbm4b:s4+s31], $0x80, s13, s31, $0xb8;
	[tilespmem:$0x1E000] =	vst v63  }
0xd0: {  	s14 =	simm.s32 $0x80  }
0xd1: {  	[tilespmem:s0], [sflag:$0x2] =	stream.indirect.gather [hbm4b:s4+s31], $0x80, s14, s31, $0xb8;
	[tilespmem:$0x1E000] =	vst v63  }
0xd2: {  	s12 =	simm.s32 $0x100  }
0xd3: {  	[tilespmem:s2], [sflag:$0x3] =	stream.indirect.gather [hbm4b:s4+s31], $0x80, s12, s31, $0xb8;
	[tilespmem:$0x1E000] =	vst v63  }
0xd4: {  	s13 =	simm.s32 $0x180  }
0xd5: {  	[tilespmem:s6], [sflag:$0x4] =	stream.indirect.gather [hbm4b:s4+s31], $0x80, s13, s31, $0xb8;
	[tilespmem:$0x1E000] =	vst v63  }
0xd6: {  	_ =	swait.ge [sflag:s7], $0x2000  }
0xd7: {  	[sflag:s7] =	ssyncset.done $0x0  }
0xd8: {  	s14 =	simm.s32 $0x1000;
	[sflag:s7] =	ssyncadd.s32 $0xFFFFE000  }
0xd9: {  	[spmem:s1] =	stream.indirect.scatter.add.f32 [tilespmem:s28], [sflag:$0x5], $0x80, s14, s31, $0xb8;
	[tilespmem:$0x1E000] =	vst v63  }
0xda: {  	_ =	swait.ge [sflag:s29], $0x2000  }
0xdb: {  	[sflag:s29] =	ssyncset.done $0x0  }
0xdc: {  	[sflag:s29] =	ssyncadd.s32 $0xFFFFE000  }
0xdd: {  	_ =	swait.ge [sflag:s8], $0x2000  }
0xde: {  	[sflag:s8] =	ssyncset.done $0x0  }
0xdf: {  	s12 =	simm.s32 $0x1080;
	[sflag:s8] =	ssyncadd.s32 $0xFFFFE000  }
0xe0: {  	[spmem:s1] =	stream.indirect.scatter.add.f32 [tilespmem:s0], [sflag:$0x5], $0x80, s12, s31, $0xb8;
	[tilespmem:$0x1E000] =	vst v63  }
0xe1: {  	_ =	swait.ge [sflag:s29], $0x2000  }
0xe2: {  	[sflag:s29] =	ssyncset.done $0x0  }
0xe3: {  	[sflag:s29] =	ssyncadd.s32 $0xFFFFE000  }
0xe4: {  	_ =	swait.ge [sflag:s9], $0x2000  }
0xe5: {  	[sflag:s9] =	ssyncset.done $0x0  }
0xe6: {  	s13 =	simm.s32 $0x1100;
	[sflag:s9] =	ssyncadd.s32 $0xFFFFE000  }
0xe7: {  	[spmem:s1] =	stream.indirect.scatter.add.f32 [tilespmem:s2], [sflag:$0x5], $0x80, s13, s31, $0xb8;
	[tilespmem:$0x1E000] =	vst v63  }
0xe8: {  	_ =	swait.ge [sflag:s29], $0x2000  }
0xe9: {  	[sflag:s29] =	ssyncset.done $0x0  }
0xea: {  	[sflag:s29] =	ssyncadd.s32 $0xFFFFE000  }
0xeb: {  	_ =	swait.ge [sflag:s10], $0x2000  }
0xec: {  	[sflag:s10] =	ssyncset.done $0x0  }
0xed: {  	s14 =	simm.s32 $0x1180;
	[sflag:s10] =	ssyncadd.s32 $0xFFFFE000  }
0xee: {  	[spmem:s1] =	stream.indirect.scatter.add.f32 [tilespmem:s6], [sflag:$0x5], $0x80, s14, s31, $0xb8;
	[tilespmem:$0x1E000] =	vst v63  }
0xef: {  	_ =	swait.ge [sflag:s29], $0x2000  }
0xf0: {  	s11 =	simm.s32 $0x800;
	s14 =	simm.s32 $0x1000;
	[sflag:s29] =	ssyncset.done $0x0  }
.LBB2_6:
0xf1: {  	s13 =	sshra.s32 s11, $0x2  }
0xf2: {  	[sflag:s29] =	ssyncadd.s32 $0xFFFFE000;
	s11 =	smov.u32 s14;
	s12 =	sadd.s32 $0x800, s14  }
0xf3: {  	[tilespmem:s28], [sflag:$0x1] =	stream.indirect.gather [hbm4b:s4+s31], $0x80, s13, s31, $0xb8;
	[tilespmem:$0x1E000] =	vst v63  }
0xf4: {  	p0 =	sne.s32 s14, $0x3800;
	s14 =	sadd.s32 $0x80, s13  }
0xf5: {  	[tilespmem:s0], [sflag:$0x2] =	stream.indirect.gather [hbm4b:s4+s31], $0x80, s14, s31, $0xb8;
	[tilespmem:$0x1E000] =	vst v63  }
0xf6: {  	s14 =	sadd.s32 $0x100, s13  }
0xf7: {  	[tilespmem:s2], [sflag:$0x3] =	stream.indirect.gather [hbm4b:s4+s31], $0x80, s14, s31, $0xb8;
	[tilespmem:$0x1E000] =	vst v63  }
0xf8: {  	s14 =	sadd.s32 $0x180, s13  }
0xf9: {  	[tilespmem:s6], [sflag:$0x4] =	stream.indirect.gather [hbm4b:s4+s31], $0x80, s14, s31, $0xb8;
	[tilespmem:$0x1E000] =	vst v63  }
0xfa: {  	_ =	swait.ge [sflag:s7], $0x2000  }
0xfb: {  	[sflag:s7] =	ssyncset.done $0x0  }
0xfc: {  	s14 =	sadd.s32 $0x1000, s13;
	[sflag:s7] =	ssyncadd.s32 $0xFFFFE000  }
0xfd: {  	[spmem:s1] =	stream.indirect.scatter.add.f32 [tilespmem:s28], [sflag:$0x5], $0x80, s14, s31, $0xb8;
	[tilespmem:$0x1E000] =	vst v63  }
0xfe: {  	_ =	swait.ge [sflag:s29], $0x2000  }
0xff: {  	[sflag:s29] =	ssyncset.done $0x0  }
0x100: {  	[sflag:s29] =	ssyncadd.s32 $0xFFFFE000  }
0x101: {  	_ =	swait.ge [sflag:s8], $0x2000  }
0x102: {  	[sflag:s8] =	ssyncset.done $0x0  }
0x103: {  	s14 =	sadd.s32 $0x1080, s13;
	[sflag:s8] =	ssyncadd.s32 $0xFFFFE000  }
0x104: {  	[spmem:s1] =	stream.indirect.scatter.add.f32 [tilespmem:s0], [sflag:$0x5], $0x80, s14, s31, $0xb8;
	[tilespmem:$0x1E000] =	vst v63  }
0x105: {  	_ =	swait.ge [sflag:s29], $0x2000  }
0x106: {  	[sflag:s29] =	ssyncset.done $0x0  }
0x107: {  	[sflag:s29] =	ssyncadd.s32 $0xFFFFE000  }
0x108: {  	_ =	swait.ge [sflag:s9], $0x2000  }
0x109: {  	[sflag:s9] =	ssyncset.done $0x0  }
0x10a: {  	s14 =	sadd.s32 $0x1100, s13;
	[sflag:s9] =	ssyncadd.s32 $0xFFFFE000  }
0x10b: {  	[spmem:s1] =	stream.indirect.scatter.add.f32 [tilespmem:s2], [sflag:$0x5], $0x80, s14, s31, $0xb8;
	[tilespmem:$0x1E000] =	vst v63  }
0x10c: {  	_ =	swait.ge [sflag:s29], $0x2000  }
0x10d: {  	[sflag:s29] =	ssyncset.done $0x0  }
0x10e: {  	[sflag:s29] =	ssyncadd.s32 $0xFFFFE000  }
0x10f: {  	_ =	swait.ge [sflag:s10], $0x2000  }
.Ltmp2:
0x110: {  	[sflag:s10] =	ssyncset.done $0x0;
	(pc) =	sbr.rel @p0 .LBB2_6-.Ltmp2, $4  }
0x111: {  	s13 =	sadd.s32 $0x1180, s13;
	[sflag:s10] =	ssyncadd.s32 $0xFFFFE000  }
0x112: {  	[spmem:s1] =	stream.indirect.scatter.add.f32 [tilespmem:s6], [sflag:$0x5], $0x80, s13, s31, $0xb8;
	[tilespmem:$0x1E000] =	vst v63  }
0x113: {  	_ =	swait.ge [sflag:s29], $0x2000  }
0x114: {  	s14 =	smov.u32 s12;
	[sflag:s29] =	ssyncset.done $0x0  }
0x115: {  	s11 =	sshra.s32 s11, $0x2;
	[sflag:s29] =	ssyncadd.s32 $0xFFFFE000  }
0x116: {  	[tilespmem:s28], [sflag:$0x1] =	stream.indirect.gather [hbm4b:s4+s31], $0x80, s11, s31, $0xb8;
	[tilespmem:$0x1E000] =	vst v63  }
0x117: {  	s12 =	sadd.s32 $0x80, s11  }
0x118: {  	[tilespmem:s0], [sflag:$0x2] =	stream.indirect.gather [hbm4b:s4+s31], $0x80, s12, s31, $0xb8;
	[tilespmem:$0x1E000] =	vst v63  }
0x119: {  	s14 =	sadd.s32 $0x100, s11  }
0x11a: {  	[tilespmem:s2], [sflag:$0x3] =	stream.indirect.gather [hbm4b:s4+s31], $0x80, s14, s31, $0xb8;
	[tilespmem:$0x1E000] =	vst v63  }
0x11b: {  	s13 =	sadd.s32 $0x180, s11  }
0x11c: {  	[tilespmem:s6], [sflag:$0x4] =	stream.indirect.gather [hbm4b:s4+s31], $0x80, s13, s31, $0xb8;
	[tilespmem:$0x1E000] =	vst v63  }
0x11d: {  	_ =	swait.ge [sflag:s7], $0x2000  }
0x11e: {  	[sflag:s7] =	ssyncset.done $0x0  }
0x11f: {  	s14 =	sadd.s32 $0x1000, s11;
	[sflag:s7] =	ssyncadd.s32 $0xFFFFE000  }
0x120: {  	[spmem:s1] =	stream.indirect.scatter.add.f32 [tilespmem:s28], [sflag:$0x5], $0x80, s14, s31, $0xb8;
	[tilespmem:$0x1E000] =	vst v63  }
0x121: {  	_ =	swait.ge [sflag:s29], $0x2000  }
0x122: {  	[sflag:s29] =	ssyncset.done $0x0  }
0x123: {  	[sflag:s29] =	ssyncadd.s32 $0xFFFFE000  }
0x124: {  	_ =	swait.ge [sflag:s8], $0x2000  }
0x125: {  	[sflag:s8] =	ssyncset.done $0x0  }
0x126: {  	s13 =	sadd.s32 $0x1080, s11;
	[sflag:s8] =	ssyncadd.s32 $0xFFFFE000  }
0x127: {  	[spmem:s1] =	stream.indirect.scatter.add.f32 [tilespmem:s0], [sflag:$0x5], $0x80, s13, s31, $0xb8;
	[tilespmem:$0x1E000] =	vst v63  }
0x128: {  	_ =	swait.ge [sflag:s29], $0x2000  }
0x129: {  	[sflag:s29] =	ssyncset.done $0x0  }
0x12a: {  	[sflag:s29] =	ssyncadd.s32 $0xFFFFE000  }
0x12b: {  	_ =	swait.ge [sflag:s9], $0x2000  }
0x12c: {  	[sflag:s9] =	ssyncset.done $0x0  }
0x12d: {  	s14 =	sadd.s32 $0x1100, s11;
	[sflag:s9] =	ssyncadd.s32 $0xFFFFE000  }
0x12e: {  	[spmem:s1] =	stream.indirect.scatter.add.f32 [tilespmem:s2], [sflag:$0x5], $0x80, s14, s31, $0xb8;
	[tilespmem:$0x1E000] =	vst v63  }
0x12f: {  	_ =	swait.ge [sflag:s29], $0x2000  }
0x130: {  	[sflag:s29] =	ssyncset.done $0x0  }
0x131: {  	[sflag:s29] =	ssyncadd.s32 $0xFFFFE000  }
0x132: {  	_ =	swait.ge [sflag:s10], $0x2000  }
0x133: {  	[sflag:s10] =	ssyncset.done $0x0  }
0x134: {  	s11 =	sadd.s32 $0x1180, s11;
	[sflag:s10] =	ssyncadd.s32 $0xFFFFE000  }
0x135: {  	[spmem:s1] =	stream.indirect.scatter.add.f32 [tilespmem:s6], [sflag:$0x5], $0x80, s11, s31, $0xb8;
	[tilespmem:$0x1E000] =	vst v63  }
0x136: {  	_ =	swait.ge [sflag:s29], $0x2000  }
0x137: {  	[sflag:s29] =	ssyncset.done $0x0  }
0x138: {  	s11 =	simm.s32 $0x0;
	s13 =	rddreg [dreg:$0x8];
	[sflag:s29] =	ssyncadd.s32 $0xFFFFE000  }
0x139: {  	[tilespmem:s11], [sflag:$0x5] =	stream.linear.gather [hbm4b:s13+s11], $0x1000, $0x38;
	[tilespmem:$0x1E000] =	vst v63  }
0x13a: {  	_ =	swait.ge [sflag:s29], $0x1000  }
0x13b: {  	[sflag:s29] =	ssyncset.done $0x0  }
0x13c: {  	s14 =	rddreg [dreg:$0x9];
	[sflag:s29] =	ssyncadd.s32 $0xFFFFF000  }
0x13d: {  	[tilespmem:s30], [sflag:$0x5] =	stream.linear.gather [hbm4b:s14+s11], $0x1000, $0x38;
	[tilespmem:$0x1E000] =	vst v63  }
0x13e: {  	_ =	swait.ge [sflag:s29], $0x1000  }
0x13f: {  	[sflag:s29] =	ssyncset.done $0x0  }
0x140: {  	s13 =	simm.s32 $0x0;
	[sflag:s29] =	ssyncadd.s32 $0xFFFFF000  }
0x141: {  	[tilespmem:s28], [sflag:$0x1] =	stream.indirect.gather [hbm4b:s4+s31], $0x80, s13, s31, $0xb8;
	[tilespmem:$0x1E000] =	vst v63  }
0x142: {  	s14 =	simm.s32 $0x80  }
0x143: {  	[tilespmem:s0], [sflag:$0x2] =	stream.indirect.gather [hbm4b:s4+s31], $0x80, s14, s31, $0xb8;
	[tilespmem:$0x1E000] =	vst v63  }
0x144: {  	s12 =	simm.s32 $0x100  }
0x145: {  	[tilespmem:s2], [sflag:$0x3] =	stream.indirect.gather [hbm4b:s4+s31], $0x80, s12, s31, $0xb8;
	[tilespmem:$0x1E000] =	vst v63  }
0x146: {  	s13 =	simm.s32 $0x180  }
0x147: {  	[tilespmem:s6], [sflag:$0x4] =	stream.indirect.gather [hbm4b:s4+s31], $0x80, s13, s31, $0xb8;
	[tilespmem:$0x1E000] =	vst v63  }
0x148: {  	_ =	swait.ge [sflag:s7], $0x2000  }
0x149: {  	[sflag:s7] =	ssyncset.done $0x0  }
0x14a: {  	s14 =	simm.s32 $0x1000;
	[sflag:s7] =	ssyncadd.s32 $0xFFFFE000  }
0x14b: {  	[spmem:s1] =	stream.indirect.scatter.add.f32 [tilespmem:s28], [sflag:$0x5], $0x80, s14, s31, $0xb8;
	[tilespmem:$0x1E000] =	vst v63  }
0x14c: {  	_ =	swait.ge [sflag:s29], $0x2000  }
0x14d: {  	[sflag:s29] =	ssyncset.done $0x0  }
0x14e: {  	[sflag:s29] =	ssyncadd.s32 $0xFFFFE000  }
0x14f: {  	_ =	swait.ge [sflag:s8], $0x2000  }
0x150: {  	[sflag:s8] =	ssyncset.done $0x0  }
0x151: {  	s12 =	simm.s32 $0x1080;
	[sflag:s8] =	ssyncadd.s32 $0xFFFFE000  }
0x152: {  	[spmem:s1] =	stream.indirect.scatter.add.f32 [tilespmem:s0], [sflag:$0x5], $0x80, s12, s31, $0xb8;
	[tilespmem:$0x1E000] =	vst v63  }
0x153: {  	_ =	swait.ge [sflag:s29], $0x2000  }
0x154: {  	[sflag:s29] =	ssyncset.done $0x0  }
0x155: {  	[sflag:s29] =	ssyncadd.s32 $0xFFFFE000  }
0x156: {  	_ =	swait.ge [sflag:s9], $0x2000  }
0x157: {  	[sflag:s9] =	ssyncset.done $0x0  }
0x158: {  	s13 =	simm.s32 $0x1100;
	[sflag:s9] =	ssyncadd.s32 $0xFFFFE000  }
0x159: {  	[spmem:s1] =	stream.indirect.scatter.add.f32 [tilespmem:s2], [sflag:$0x5], $0x80, s13, s31, $0xb8;
	[tilespmem:$0x1E000] =	vst v63  }
0x15a: {  	_ =	swait.ge [sflag:s29], $0x2000  }
0x15b: {  	[sflag:s29] =	ssyncset.done $0x0  }
0x15c: {  	[sflag:s29] =	ssyncadd.s32 $0xFFFFE000  }
0x15d: {  	_ =	swait.ge [sflag:s10], $0x2000  }
0x15e: {  	[sflag:s10] =	ssyncset.done $0x0  }
0x15f: {  	s14 =	simm.s32 $0x1180;
	[sflag:s10] =	ssyncadd.s32 $0xFFFFE000  }
0x160: {  	[spmem:s1] =	stream.indirect.scatter.add.f32 [tilespmem:s6], [sflag:$0x5], $0x80, s14, s31, $0xb8;
	[tilespmem:$0x1E000] =	vst v63  }
0x161: {  	_ =	swait.ge [sflag:s29], $0x2000  }
0x162: {  	s11 =	simm.s32 $0x800;
	s14 =	simm.s32 $0x1000;
	[sflag:s29] =	ssyncset.done $0x0  }
.LBB2_8:
0x163: {  	s13 =	sshra.s32 s11, $0x2  }
0x164: {  	[sflag:s29] =	ssyncadd.s32 $0xFFFFE000;
	s11 =	smov.u32 s14;
	s12 =	sadd.s32 $0x800, s14  }
0x165: {  	[tilespmem:s28], [sflag:$0x1] =	stream.indirect.gather [hbm4b:s4+s31], $0x80, s13, s31, $0xb8;
	[tilespmem:$0x1E000] =	vst v63  }
0x166: {  	p0 =	sne.s32 s14, $0x3800;
	s14 =	sadd.s32 $0x80, s13  }
0x167: {  	[tilespmem:s0], [sflag:$0x2] =	stream.indirect.gather [hbm4b:s4+s31], $0x80, s14, s31, $0xb8;
	[tilespmem:$0x1E000] =	vst v63  }
0x168: {  	s14 =	sadd.s32 $0x100, s13  }
0x169: {  	[tilespmem:s2], [sflag:$0x3] =	stream.indirect.gather [hbm4b:s4+s31], $0x80, s14, s31, $0xb8;
	[tilespmem:$0x1E000] =	vst v63  }
0x16a: {  	s14 =	sadd.s32 $0x180, s13  }
0x16b: {  	[tilespmem:s6], [sflag:$0x4] =	stream.indirect.gather [hbm4b:s4+s31], $0x80, s14, s31, $0xb8;
	[tilespmem:$0x1E000] =	vst v63  }
0x16c: {  	_ =	swait.ge [sflag:s7], $0x2000  }
0x16d: {  	[sflag:s7] =	ssyncset.done $0x0  }
0x16e: {  	s14 =	sadd.s32 $0x1000, s13;
	[sflag:s7] =	ssyncadd.s32 $0xFFFFE000  }
0x16f: {  	[spmem:s1] =	stream.indirect.scatter.add.f32 [tilespmem:s28], [sflag:$0x5], $0x80, s14, s31, $0xb8;
	[tilespmem:$0x1E000] =	vst v63  }
0x170: {  	_ =	swait.ge [sflag:s29], $0x2000  }
0x171: {  	[sflag:s29] =	ssyncset.done $0x0  }
0x172: {  	[sflag:s29] =	ssyncadd.s32 $0xFFFFE000  }
0x173: {  	_ =	swait.ge [sflag:s8], $0x2000  }
0x174: {  	[sflag:s8] =	ssyncset.done $0x0  }
0x175: {  	s14 =	sadd.s32 $0x1080, s13;
	[sflag:s8] =	ssyncadd.s32 $0xFFFFE000  }
0x176: {  	[spmem:s1] =	stream.indirect.scatter.add.f32 [tilespmem:s0], [sflag:$0x5], $0x80, s14, s31, $0xb8;
	[tilespmem:$0x1E000] =	vst v63  }
0x177: {  	_ =	swait.ge [sflag:s29], $0x2000  }
0x178: {  	[sflag:s29] =	ssyncset.done $0x0  }
0x179: {  	[sflag:s29] =	ssyncadd.s32 $0xFFFFE000  }
0x17a: {  	_ =	swait.ge [sflag:s9], $0x2000  }
0x17b: {  	[sflag:s9] =	ssyncset.done $0x0  }
0x17c: {  	s14 =	sadd.s32 $0x1100, s13;
	[sflag:s9] =	ssyncadd.s32 $0xFFFFE000  }
0x17d: {  	[spmem:s1] =	stream.indirect.scatter.add.f32 [tilespmem:s2], [sflag:$0x5], $0x80, s14, s31, $0xb8;
	[tilespmem:$0x1E000] =	vst v63  }
0x17e: {  	_ =	swait.ge [sflag:s29], $0x2000  }
0x17f: {  	[sflag:s29] =	ssyncset.done $0x0  }
0x180: {  	[sflag:s29] =	ssyncadd.s32 $0xFFFFE000  }
0x181: {  	_ =	swait.ge [sflag:s10], $0x2000  }
.Ltmp3:
0x182: {  	[sflag:s10] =	ssyncset.done $0x0;
	(pc) =	sbr.rel @p0 .LBB2_8-.Ltmp3, $4  }
0x183: {  	s13 =	sadd.s32 $0x1180, s13;
	[sflag:s10] =	ssyncadd.s32 $0xFFFFE000  }
0x184: {  	[spmem:s1] =	stream.indirect.scatter.add.f32 [tilespmem:s6], [sflag:$0x5], $0x80, s13, s31, $0xb8;
	[tilespmem:$0x1E000] =	vst v63  }
0x185: {  	_ =	swait.ge [sflag:s29], $0x2000  }
0x186: {  	s14 =	smov.u32 s12;
	[sflag:s29] =	ssyncset.done $0x0  }
0x187: {  	s11 =	sshra.s32 s11, $0x2;
	[sflag:s29] =	ssyncadd.s32 $0xFFFFE000  }
0x188: {  	[tilespmem:s28], [sflag:$0x1] =	stream.indirect.gather [hbm4b:s4+s31], $0x80, s11, s31, $0xb8;
	[tilespmem:$0x1E000] =	vst v63  }
0x189: {  	s12 =	sadd.s32 $0x80, s11  }
0x18a: {  	[tilespmem:s0], [sflag:$0x2] =	stream.indirect.gather [hbm4b:s4+s31], $0x80, s12, s31, $0xb8;
	[tilespmem:$0x1E000] =	vst v63  }
0x18b: {  	s14 =	sadd.s32 $0x100, s11  }
0x18c: {  	[tilespmem:s2], [sflag:$0x3] =	stream.indirect.gather [hbm4b:s4+s31], $0x80, s14, s31, $0xb8;
	[tilespmem:$0x1E000] =	vst v63  }
0x18d: {  	s13 =	sadd.s32 $0x180, s11  }
0x18e: {  	[tilespmem:s6], [sflag:$0x4] =	stream.indirect.gather [hbm4b:s4+s31], $0x80, s13, s31, $0xb8;
	[tilespmem:$0x1E000] =	vst v63  }
0x18f: {  	_ =	swait.ge [sflag:s7], $0x2000  }
0x190: {  	[sflag:s7] =	ssyncset.done $0x0  }
0x191: {  	s14 =	sadd.s32 $0x1000, s11;
	[sflag:s7] =	ssyncadd.s32 $0xFFFFE000  }
0x192: {  	[spmem:s1] =	stream.indirect.scatter.add.f32 [tilespmem:s28], [sflag:$0x5], $0x80, s14, s31, $0xb8;
	[tilespmem:$0x1E000] =	vst v63  }
0x193: {  	_ =	swait.ge [sflag:s29], $0x2000  }
0x194: {  	[sflag:s29] =	ssyncset.done $0x0  }
0x195: {  	[sflag:s29] =	ssyncadd.s32 $0xFFFFE000  }
0x196: {  	_ =	swait.ge [sflag:s8], $0x2000  }
0x197: {  	[sflag:s8] =	ssyncset.done $0x0  }
0x198: {  	s13 =	sadd.s32 $0x1080, s11;
	[sflag:s8] =	ssyncadd.s32 $0xFFFFE000  }
0x199: {  	[spmem:s1] =	stream.indirect.scatter.add.f32 [tilespmem:s0], [sflag:$0x5], $0x80, s13, s31, $0xb8;
	[tilespmem:$0x1E000] =	vst v63  }
0x19a: {  	_ =	swait.ge [sflag:s29], $0x2000  }
0x19b: {  	[sflag:s29] =	ssyncset.done $0x0  }
0x19c: {  	[sflag:s29] =	ssyncadd.s32 $0xFFFFE000  }
0x19d: {  	_ =	swait.ge [sflag:s9], $0x2000  }
0x19e: {  	[sflag:s9] =	ssyncset.done $0x0  }
0x19f: {  	s14 =	sadd.s32 $0x1100, s11;
	[sflag:s9] =	ssyncadd.s32 $0xFFFFE000  }
0x1a0: {  	[spmem:s1] =	stream.indirect.scatter.add.f32 [tilespmem:s2], [sflag:$0x5], $0x80, s14, s31, $0xb8;
	[tilespmem:$0x1E000] =	vst v63  }
0x1a1: {  	_ =	swait.ge [sflag:s29], $0x2000  }
0x1a2: {  	[sflag:s29] =	ssyncset.done $0x0  }
0x1a3: {  	[sflag:s29] =	ssyncadd.s32 $0xFFFFE000  }
0x1a4: {  	_ =	swait.ge [sflag:s10], $0x2000  }
0x1a5: {  	[sflag:s10] =	ssyncset.done $0x0  }
0x1a6: {  	s11 =	sadd.s32 $0x1180, s11;
	[sflag:s10] =	ssyncadd.s32 $0xFFFFE000  }
0x1a7: {  	[spmem:s1] =	stream.indirect.scatter.add.f32 [tilespmem:s6], [sflag:$0x5], $0x80, s11, s31, $0xb8;
	[tilespmem:$0x1E000] =	vst v63  }
0x1a8: {  	_ =	swait.ge [sflag:s29], $0x2000  }
0x1a9: {  	[sflag:s29] =	ssyncset.done $0x0  }
0x1aa: {  	s11 =	simm.s32 $0x0;
	s13 =	rddreg [dreg:$0xa];
	[sflag:s29] =	ssyncadd.s32 $0xFFFFE000  }
0x1ab: {  	[tilespmem:s11], [sflag:$0x5] =	stream.linear.gather [hbm4b:s13+s11], $0x1000, $0x38;
	[tilespmem:$0x1E000] =	vst v63  }
0x1ac: {  	_ =	swait.ge [sflag:s29], $0x1000  }
0x1ad: {  	[sflag:s29] =	ssyncset.done $0x0  }
0x1ae: {  	s14 =	rddreg [dreg:$0xb];
	[sflag:s29] =	ssyncadd.s32 $0xFFFFF000  }
0x1af: {  	[tilespmem:s30], [sflag:$0x5] =	stream.linear.gather [hbm4b:s14+s11], $0x1000, $0x38;
	[tilespmem:$0x1E000] =	vst v63  }
0x1b0: {  	_ =	swait.ge [sflag:s29], $0x1000  }
0x1b1: {  	[sflag:s29] =	ssyncset.done $0x0  }
0x1b2: {  	s13 =	simm.s32 $0x0;
	[sflag:s29] =	ssyncadd.s32 $0xFFFFF000  }
0x1b3: {  	[tilespmem:s28], [sflag:$0x1] =	stream.indirect.gather [hbm4b:s4+s31], $0x80, s13, s31, $0xb8;
	[tilespmem:$0x1E000] =	vst v63  }
0x1b4: {  	s14 =	simm.s32 $0x80  }
0x1b5: {  	[tilespmem:s0], [sflag:$0x2] =	stream.indirect.gather [hbm4b:s4+s31], $0x80, s14, s31, $0xb8;
	[tilespmem:$0x1E000] =	vst v63  }
0x1b6: {  	s12 =	simm.s32 $0x100  }
0x1b7: {  	[tilespmem:s2], [sflag:$0x3] =	stream.indirect.gather [hbm4b:s4+s31], $0x80, s12, s31, $0xb8;
	[tilespmem:$0x1E000] =	vst v63  }
0x1b8: {  	s13 =	simm.s32 $0x180  }
0x1b9: {  	[tilespmem:s6], [sflag:$0x4] =	stream.indirect.gather [hbm4b:s4+s31], $0x80, s13, s31, $0xb8;
	[tilespmem:$0x1E000] =	vst v63  }
0x1ba: {  	_ =	swait.ge [sflag:s7], $0x2000  }
0x1bb: {  	[sflag:s7] =	ssyncset.done $0x0  }
0x1bc: {  	s14 =	simm.s32 $0x1000;
	[sflag:s7] =	ssyncadd.s32 $0xFFFFE000  }
0x1bd: {  	[spmem:s1] =	stream.indirect.scatter.add.f32 [tilespmem:s28], [sflag:$0x5], $0x80, s14, s31, $0xb8;
	[tilespmem:$0x1E000] =	vst v63  }
0x1be: {  	_ =	swait.ge [sflag:s29], $0x2000  }
0x1bf: {  	[sflag:s29] =	ssyncset.done $0x0  }
0x1c0: {  	[sflag:s29] =	ssyncadd.s32 $0xFFFFE000  }
0x1c1: {  	_ =	swait.ge [sflag:s8], $0x2000  }
0x1c2: {  	[sflag:s8] =	ssyncset.done $0x0  }
0x1c3: {  	s12 =	simm.s32 $0x1080;
	[sflag:s8] =	ssyncadd.s32 $0xFFFFE000  }
0x1c4: {  	[spmem:s1] =	stream.indirect.scatter.add.f32 [tilespmem:s0], [sflag:$0x5], $0x80, s12, s31, $0xb8;
	[tilespmem:$0x1E000] =	vst v63  }
0x1c5: {  	_ =	swait.ge [sflag:s29], $0x2000  }
0x1c6: {  	[sflag:s29] =	ssyncset.done $0x0  }
0x1c7: {  	[sflag:s29] =	ssyncadd.s32 $0xFFFFE000  }
0x1c8: {  	_ =	swait.ge [sflag:s9], $0x2000  }
0x1c9: {  	[sflag:s9] =	ssyncset.done $0x0  }
0x1ca: {  	s13 =	simm.s32 $0x1100;
	[sflag:s9] =	ssyncadd.s32 $0xFFFFE000  }
0x1cb: {  	[spmem:s1] =	stream.indirect.scatter.add.f32 [tilespmem:s2], [sflag:$0x5], $0x80, s13, s31, $0xb8;
	[tilespmem:$0x1E000] =	vst v63  }
0x1cc: {  	_ =	swait.ge [sflag:s29], $0x2000  }
0x1cd: {  	[sflag:s29] =	ssyncset.done $0x0  }
0x1ce: {  	[sflag:s29] =	ssyncadd.s32 $0xFFFFE000  }
0x1cf: {  	_ =	swait.ge [sflag:s10], $0x2000  }
0x1d0: {  	[sflag:s10] =	ssyncset.done $0x0  }
0x1d1: {  	s14 =	simm.s32 $0x1180;
	[sflag:s10] =	ssyncadd.s32 $0xFFFFE000  }
0x1d2: {  	[spmem:s1] =	stream.indirect.scatter.add.f32 [tilespmem:s6], [sflag:$0x5], $0x80, s14, s31, $0xb8;
	[tilespmem:$0x1E000] =	vst v63  }
0x1d3: {  	_ =	swait.ge [sflag:s29], $0x2000  }
0x1d4: {  	s11 =	simm.s32 $0x800;
	s14 =	simm.s32 $0x1000;
	[sflag:s29] =	ssyncset.done $0x0  }
.LBB2_10:
0x1d5: {  	s13 =	sshra.s32 s11, $0x2  }
0x1d6: {  	[sflag:s29] =	ssyncadd.s32 $0xFFFFE000;
	s11 =	smov.u32 s14;
	s12 =	sadd.s32 $0x800, s14  }
0x1d7: {  	[tilespmem:s28], [sflag:$0x1] =	stream.indirect.gather [hbm4b:s4+s31], $0x80, s13, s31, $0xb8;
	[tilespmem:$0x1E000] =	vst v63  }
0x1d8: {  	p0 =	sne.s32 s14, $0x3800;
	s14 =	sadd.s32 $0x80, s13  }
0x1d9: {  	[tilespmem:s0], [sflag:$0x2] =	stream.indirect.gather [hbm4b:s4+s31], $0x80, s14, s31, $0xb8;
	[tilespmem:$0x1E000] =	vst v63  }
0x1da: {  	s14 =	sadd.s32 $0x100, s13  }
0x1db: {  	[tilespmem:s2], [sflag:$0x3] =	stream.indirect.gather [hbm4b:s4+s31], $0x80, s14, s31, $0xb8;
	[tilespmem:$0x1E000] =	vst v63  }
0x1dc: {  	s14 =	sadd.s32 $0x180, s13  }
0x1dd: {  	[tilespmem:s6], [sflag:$0x4] =	stream.indirect.gather [hbm4b:s4+s31], $0x80, s14, s31, $0xb8;
	[tilespmem:$0x1E000] =	vst v63  }
0x1de: {  	_ =	swait.ge [sflag:s7], $0x2000  }
0x1df: {  	[sflag:s7] =	ssyncset.done $0x0  }
0x1e0: {  	s14 =	sadd.s32 $0x1000, s13;
	[sflag:s7] =	ssyncadd.s32 $0xFFFFE000  }
0x1e1: {  	[spmem:s1] =	stream.indirect.scatter.add.f32 [tilespmem:s28], [sflag:$0x5], $0x80, s14, s31, $0xb8;
	[tilespmem:$0x1E000] =	vst v63  }
0x1e2: {  	_ =	swait.ge [sflag:s29], $0x2000  }
0x1e3: {  	[sflag:s29] =	ssyncset.done $0x0  }
0x1e4: {  	[sflag:s29] =	ssyncadd.s32 $0xFFFFE000  }
0x1e5: {  	_ =	swait.ge [sflag:s8], $0x2000  }
0x1e6: {  	[sflag:s8] =	ssyncset.done $0x0  }
0x1e7: {  	s14 =	sadd.s32 $0x1080, s13;
	[sflag:s8] =	ssyncadd.s32 $0xFFFFE000  }
0x1e8: {  	[spmem:s1] =	stream.indirect.scatter.add.f32 [tilespmem:s0], [sflag:$0x5], $0x80, s14, s31, $0xb8;
	[tilespmem:$0x1E000] =	vst v63  }
0x1e9: {  	_ =	swait.ge [sflag:s29], $0x2000  }
0x1ea: {  	[sflag:s29] =	ssyncset.done $0x0  }
0x1eb: {  	[sflag:s29] =	ssyncadd.s32 $0xFFFFE000  }
0x1ec: {  	_ =	swait.ge [sflag:s9], $0x2000  }
0x1ed: {  	[sflag:s9] =	ssyncset.done $0x0  }
0x1ee: {  	s14 =	sadd.s32 $0x1100, s13;
	[sflag:s9] =	ssyncadd.s32 $0xFFFFE000  }
0x1ef: {  	[spmem:s1] =	stream.indirect.scatter.add.f32 [tilespmem:s2], [sflag:$0x5], $0x80, s14, s31, $0xb8;
	[tilespmem:$0x1E000] =	vst v63  }
0x1f0: {  	_ =	swait.ge [sflag:s29], $0x2000  }
0x1f1: {  	[sflag:s29] =	ssyncset.done $0x0  }
0x1f2: {  	[sflag:s29] =	ssyncadd.s32 $0xFFFFE000  }
0x1f3: {  	_ =	swait.ge [sflag:s10], $0x2000  }
.Ltmp4:
0x1f4: {  	[sflag:s10] =	ssyncset.done $0x0;
	(pc) =	sbr.rel @p0 .LBB2_10-.Ltmp4, $4  }
0x1f5: {  	s13 =	sadd.s32 $0x1180, s13;
	[sflag:s10] =	ssyncadd.s32 $0xFFFFE000  }
0x1f6: {  	[spmem:s1] =	stream.indirect.scatter.add.f32 [tilespmem:s6], [sflag:$0x5], $0x80, s13, s31, $0xb8;
	[tilespmem:$0x1E000] =	vst v63  }
0x1f7: {  	_ =	swait.ge [sflag:s29], $0x2000  }
0x1f8: {  	s14 =	smov.u32 s12;
	[sflag:s29] =	ssyncset.done $0x0  }
0x1f9: {  	s11 =	sshra.s32 s11, $0x2;
	[sflag:s29] =	ssyncadd.s32 $0xFFFFE000  }
0x1fa: {  	[tilespmem:s28], [sflag:$0x1] =	stream.indirect.gather [hbm4b:s4+s31], $0x80, s11, s31, $0xb8;
	[tilespmem:$0x1E000] =	vst v63  }
0x1fb: {  	s12 =	sadd.s32 $0x80, s11  }
0x1fc: {  	[tilespmem:s0], [sflag:$0x2] =	stream.indirect.gather [hbm4b:s4+s31], $0x80, s12, s31, $0xb8;
	[tilespmem:$0x1E000] =	vst v63  }
0x1fd: {  	s14 =	sadd.s32 $0x100, s11  }
0x1fe: {  	[tilespmem:s2], [sflag:$0x3] =	stream.indirect.gather [hbm4b:s4+s31], $0x80, s14, s31, $0xb8;
	[tilespmem:$0x1E000] =	vst v63  }
0x1ff: {  	s13 =	sadd.s32 $0x180, s11  }
0x200: {  	[tilespmem:s6], [sflag:$0x4] =	stream.indirect.gather [hbm4b:s4+s31], $0x80, s13, s31, $0xb8;
	[tilespmem:$0x1E000] =	vst v63  }
0x201: {  	_ =	swait.ge [sflag:s7], $0x2000  }
0x202: {  	[sflag:s7] =	ssyncset.done $0x0  }
0x203: {  	s14 =	sadd.s32 $0x1000, s11;
	[sflag:s7] =	ssyncadd.s32 $0xFFFFE000  }
0x204: {  	[spmem:s1] =	stream.indirect.scatter.add.f32 [tilespmem:s28], [sflag:$0x5], $0x80, s14, s31, $0xb8;
	[tilespmem:$0x1E000] =	vst v63  }
0x205: {  	_ =	swait.ge [sflag:s29], $0x2000  }
0x206: {  	[sflag:s29] =	ssyncset.done $0x0  }
0x207: {  	[sflag:s29] =	ssyncadd.s32 $0xFFFFE000  }
0x208: {  	_ =	swait.ge [sflag:s8], $0x2000  }
0x209: {  	[sflag:s8] =	ssyncset.done $0x0  }
0x20a: {  	s13 =	sadd.s32 $0x1080, s11;
	[sflag:s8] =	ssyncadd.s32 $0xFFFFE000  }
0x20b: {  	[spmem:s1] =	stream.indirect.scatter.add.f32 [tilespmem:s0], [sflag:$0x5], $0x80, s13, s31, $0xb8;
	[tilespmem:$0x1E000] =	vst v63  }
0x20c: {  	_ =	swait.ge [sflag:s29], $0x2000  }
0x20d: {  	[sflag:s29] =	ssyncset.done $0x0  }
0x20e: {  	[sflag:s29] =	ssyncadd.s32 $0xFFFFE000  }
0x20f: {  	_ =	swait.ge [sflag:s9], $0x2000  }
0x210: {  	[sflag:s9] =	ssyncset.done $0x0  }
0x211: {  	s14 =	sadd.s32 $0x1100, s11;
	[sflag:s9] =	ssyncadd.s32 $0xFFFFE000  }
0x212: {  	[spmem:s1] =	stream.indirect.scatter.add.f32 [tilespmem:s2], [sflag:$0x5], $0x80, s14, s31, $0xb8;
	[tilespmem:$0x1E000] =	vst v63  }
0x213: {  	_ =	swait.ge [sflag:s29], $0x2000  }
0x214: {  	[sflag:s29] =	ssyncset.done $0x0  }
0x215: {  	[sflag:s29] =	ssyncadd.s32 $0xFFFFE000  }
0x216: {  	_ =	swait.ge [sflag:s10], $0x2000  }
0x217: {  	[sflag:s10] =	ssyncset.done $0x0  }
0x218: {  	s11 =	sadd.s32 $0x1180, s11;
	[sflag:s10] =	ssyncadd.s32 $0xFFFFE000  }
0x219: {  	[spmem:s1] =	stream.indirect.scatter.add.f32 [tilespmem:s6], [sflag:$0x5], $0x80, s11, s31, $0xb8;
	[tilespmem:$0x1E000] =	vst v63  }
0x21a: {  	_ =	swait.ge [sflag:s29], $0x2000  }
0x21b: {  	[sflag:s29] =	ssyncset.done $0x0  }
0x21c: {  	s13 =	simm.s32 $0x0;
	s14 =	rddreg [dreg:$0xc];
	[sflag:s29] =	ssyncadd.s32 $0xFFFFE000  }
0x21d: {  	[tilespmem:s13], [sflag:$0x5] =	stream.linear.gather [hbm4b:s14+s13], $0x1000, $0x38;
	[tilespmem:$0x1E000] =	vst v63  }
0x21e: {  	_ =	swait.ge [sflag:s29], $0x1000  }
0x21f: {  	[sflag:s29] =	ssyncset.done $0x0  }
0x220: {  	[sflag:s29] =	ssyncadd.s32 $0xFFFFF000  }
0x221: {  	[tilespmem:s30], [sflag:$0x5] =	stream.linear.gather [hbm4b:s15+s13], $0x1000, $0x38;
	[tilespmem:$0x1E000] =	vst v63  }
0x222: {  	_ =	swait.ge [sflag:s29], $0x1000  }
0x223: {  	[sflag:s29] =	ssyncset.done $0x0  }
0x224: {  	s13 =	simm.s32 $0x0;
	[sflag:s29] =	ssyncadd.s32 $0xFFFFF000  }
0x225: {  	[tilespmem:s28], [sflag:$0x1] =	stream.indirect.gather [hbm4b:s4+s31], $0x80, s13, s31, $0xb8;
	[tilespmem:$0x1E000] =	vst v63  }
0x226: {  	s14 =	simm.s32 $0x80  }
0x227: {  	[tilespmem:s0], [sflag:$0x2] =	stream.indirect.gather [hbm4b:s4+s31], $0x80, s14, s31, $0xb8;
	[tilespmem:$0x1E000] =	vst v63  }
0x228: {  	s12 =	simm.s32 $0x100  }
0x229: {  	[tilespmem:s2], [sflag:$0x3] =	stream.indirect.gather [hbm4b:s4+s31], $0x80, s12, s31, $0xb8;
	[tilespmem:$0x1E000] =	vst v63  }
0x22a: {  	s13 =	simm.s32 $0x180  }
0x22b: {  	[tilespmem:s6], [sflag:$0x4] =	stream.indirect.gather [hbm4b:s4+s31], $0x80, s13, s31, $0xb8;
	[tilespmem:$0x1E000] =	vst v63  }
0x22c: {  	_ =	swait.ge [sflag:s7], $0x2000  }
0x22d: {  	[sflag:s7] =	ssyncset.done $0x0  }
0x22e: {  	s14 =	simm.s32 $0x1000;
	[sflag:s7] =	ssyncadd.s32 $0xFFFFE000  }
0x22f: {  	[spmem:s1] =	stream.indirect.scatter.add.f32 [tilespmem:s28], [sflag:$0x5], $0x80, s14, s31, $0xb8;
	[tilespmem:$0x1E000] =	vst v63  }
0x230: {  	_ =	swait.ge [sflag:s29], $0x2000  }
0x231: {  	[sflag:s29] =	ssyncset.done $0x0  }
0x232: {  	[sflag:s29] =	ssyncadd.s32 $0xFFFFE000  }
0x233: {  	_ =	swait.ge [sflag:s8], $0x2000  }
0x234: {  	[sflag:s8] =	ssyncset.done $0x0  }
0x235: {  	s12 =	simm.s32 $0x1080;
	[sflag:s8] =	ssyncadd.s32 $0xFFFFE000  }
0x236: {  	[spmem:s1] =	stream.indirect.scatter.add.f32 [tilespmem:s0], [sflag:$0x5], $0x80, s12, s31, $0xb8;
	[tilespmem:$0x1E000] =	vst v63  }
0x237: {  	_ =	swait.ge [sflag:s29], $0x2000  }
0x238: {  	[sflag:s29] =	ssyncset.done $0x0  }
0x239: {  	[sflag:s29] =	ssyncadd.s32 $0xFFFFE000  }
0x23a: {  	_ =	swait.ge [sflag:s9], $0x2000  }
0x23b: {  	[sflag:s9] =	ssyncset.done $0x0  }
0x23c: {  	s13 =	simm.s32 $0x1100;
	[sflag:s9] =	ssyncadd.s32 $0xFFFFE000  }
0x23d: {  	[spmem:s1] =	stream.indirect.scatter.add.f32 [tilespmem:s2], [sflag:$0x5], $0x80, s13, s31, $0xb8;
	[tilespmem:$0x1E000] =	vst v63  }
0x23e: {  	_ =	swait.ge [sflag:s29], $0x2000  }
0x23f: {  	[sflag:s29] =	ssyncset.done $0x0  }
0x240: {  	[sflag:s29] =	ssyncadd.s32 $0xFFFFE000  }
0x241: {  	_ =	swait.ge [sflag:s10], $0x2000  }
0x242: {  	[sflag:s10] =	ssyncset.done $0x0  }
0x243: {  	s14 =	simm.s32 $0x1180;
	[sflag:s10] =	ssyncadd.s32 $0xFFFFE000  }
0x244: {  	[spmem:s1] =	stream.indirect.scatter.add.f32 [tilespmem:s6], [sflag:$0x5], $0x80, s14, s31, $0xb8;
	[tilespmem:$0x1E000] =	vst v63  }
0x245: {  	_ =	swait.ge [sflag:s29], $0x2000  }
0x246: {  	s11 =	simm.s32 $0x800;
	s14 =	simm.s32 $0x1000;
	[sflag:s29] =	ssyncset.done $0x0  }
.LBB2_12:
0x247: {  	s13 =	sshra.s32 s11, $0x2  }
0x248: {  	[sflag:s29] =	ssyncadd.s32 $0xFFFFE000;
	s11 =	smov.u32 s14;
	s12 =	sadd.s32 $0x800, s14  }
0x249: {  	[tilespmem:s28], [sflag:$0x1] =	stream.indirect.gather [hbm4b:s4+s31], $0x80, s13, s31, $0xb8;
	[tilespmem:$0x1E000] =	vst v63  }
0x24a: {  	p0 =	sne.s32 s14, $0x3800;
	s14 =	sadd.s32 $0x80, s13  }
0x24b: {  	[tilespmem:s0], [sflag:$0x2] =	stream.indirect.gather [hbm4b:s4+s31], $0x80, s14, s31, $0xb8;
	[tilespmem:$0x1E000] =	vst v63  }
0x24c: {  	s14 =	sadd.s32 $0x100, s13  }
0x24d: {  	[tilespmem:s2], [sflag:$0x3] =	stream.indirect.gather [hbm4b:s4+s31], $0x80, s14, s31, $0xb8;
	[tilespmem:$0x1E000] =	vst v63  }
0x24e: {  	s14 =	sadd.s32 $0x180, s13  }
0x24f: {  	[tilespmem:s6], [sflag:$0x4] =	stream.indirect.gather [hbm4b:s4+s31], $0x80, s14, s31, $0xb8;
	[tilespmem:$0x1E000] =	vst v63  }
0x250: {  	_ =	swait.ge [sflag:s7], $0x2000  }
0x251: {  	[sflag:s7] =	ssyncset.done $0x0  }
0x252: {  	s14 =	sadd.s32 $0x1000, s13;
	[sflag:s7] =	ssyncadd.s32 $0xFFFFE000  }
0x253: {  	[spmem:s1] =	stream.indirect.scatter.add.f32 [tilespmem:s28], [sflag:$0x5], $0x80, s14, s31, $0xb8;
	[tilespmem:$0x1E000] =	vst v63  }
0x254: {  	_ =	swait.ge [sflag:s29], $0x2000  }
0x255: {  	[sflag:s29] =	ssyncset.done $0x0  }
0x256: {  	[sflag:s29] =	ssyncadd.s32 $0xFFFFE000  }
0x257: {  	_ =	swait.ge [sflag:s8], $0x2000  }
0x258: {  	[sflag:s8] =	ssyncset.done $0x0  }
0x259: {  	s14 =	sadd.s32 $0x1080, s13;
	[sflag:s8] =	ssyncadd.s32 $0xFFFFE000  }
0x25a: {  	[spmem:s1] =	stream.indirect.scatter.add.f32 [tilespmem:s0], [sflag:$0x5], $0x80, s14, s31, $0xb8;
	[tilespmem:$0x1E000] =	vst v63  }
0x25b: {  	_ =	swait.ge [sflag:s29], $0x2000  }
0x25c: {  	[sflag:s29] =	ssyncset.done $0x0  }
0x25d: {  	[sflag:s29] =	ssyncadd.s32 $0xFFFFE000  }
0x25e: {  	_ =	swait.ge [sflag:s9], $0x2000  }
0x25f: {  	[sflag:s9] =	ssyncset.done $0x0  }
0x260: {  	s14 =	sadd.s32 $0x1100, s13;
	[sflag:s9] =	ssyncadd.s32 $0xFFFFE000  }
0x261: {  	[spmem:s1] =	stream.indirect.scatter.add.f32 [tilespmem:s2], [sflag:$0x5], $0x80, s14, s31, $0xb8;
	[tilespmem:$0x1E000] =	vst v63  }
0x262: {  	_ =	swait.ge [sflag:s29], $0x2000  }
0x263: {  	[sflag:s29] =	ssyncset.done $0x0  }
0x264: {  	[sflag:s29] =	ssyncadd.s32 $0xFFFFE000  }
0x265: {  	_ =	swait.ge [sflag:s10], $0x2000  }
.Ltmp5:
0x266: {  	[sflag:s10] =	ssyncset.done $0x0;
	(pc) =	sbr.rel @p0 .LBB2_12-.Ltmp5, $4  }
0x267: {  	s13 =	sadd.s32 $0x1180, s13;
	[sflag:s10] =	ssyncadd.s32 $0xFFFFE000  }
0x268: {  	[spmem:s1] =	stream.indirect.scatter.add.f32 [tilespmem:s6], [sflag:$0x5], $0x80, s13, s31, $0xb8;
	[tilespmem:$0x1E000] =	vst v63  }
0x269: {  	_ =	swait.ge [sflag:s29], $0x2000  }
0x26a: {  	s14 =	smov.u32 s12;
	[sflag:s29] =	ssyncset.done $0x0  }
0x26b: {  	s11 =	sshra.s32 s11, $0x2;
	[sflag:s29] =	ssyncadd.s32 $0xFFFFE000  }
0x26c: {  	[tilespmem:s28], [sflag:$0x1] =	stream.indirect.gather [hbm4b:s4+s31], $0x80, s11, s31, $0xb8;
	[tilespmem:$0x1E000] =	vst v63  }
0x26d: {  	s12 =	sadd.s32 $0x80, s11  }
0x26e: {  	[tilespmem:s0], [sflag:$0x2] =	stream.indirect.gather [hbm4b:s4+s31], $0x80, s12, s31, $0xb8;
	[tilespmem:$0x1E000] =	vst v63  }
0x26f: {  	s14 =	sadd.s32 $0x100, s11  }
0x270: {  	[tilespmem:s2], [sflag:$0x3] =	stream.indirect.gather [hbm4b:s4+s31], $0x80, s14, s31, $0xb8;
	[tilespmem:$0x1E000] =	vst v63  }
0x271: {  	s13 =	sadd.s32 $0x180, s11  }
0x272: {  	[tilespmem:s6], [sflag:$0x4] =	stream.indirect.gather [hbm4b:s4+s31], $0x80, s13, s31, $0xb8;
	[tilespmem:$0x1E000] =	vst v63  }
0x273: {  	_ =	swait.ge [sflag:s7], $0x2000  }
0x274: {  	[sflag:s7] =	ssyncset.done $0x0  }
0x275: {  	s14 =	sadd.s32 $0x1000, s11;
	[sflag:s7] =	ssyncadd.s32 $0xFFFFE000  }
0x276: {  	[spmem:s1] =	stream.indirect.scatter.add.f32 [tilespmem:s28], [sflag:$0x5], $0x80, s14, s31, $0xb8;
	[tilespmem:$0x1E000] =	vst v63  }
0x277: {  	_ =	swait.ge [sflag:s29], $0x2000  }
0x278: {  	[sflag:s29] =	ssyncset.done $0x0  }
0x279: {  	[sflag:s29] =	ssyncadd.s32 $0xFFFFE000  }
0x27a: {  	_ =	swait.ge [sflag:s8], $0x2000  }
0x27b: {  	[sflag:s8] =	ssyncset.done $0x0  }
0x27c: {  	s13 =	sadd.s32 $0x1080, s11;
	[sflag:s8] =	ssyncadd.s32 $0xFFFFE000  }
0x27d: {  	[spmem:s1] =	stream.indirect.scatter.add.f32 [tilespmem:s0], [sflag:$0x5], $0x80, s13, s31, $0xb8;
	[tilespmem:$0x1E000] =	vst v63  }
0x27e: {  	_ =	swait.ge [sflag:s29], $0x2000  }
0x27f: {  	[sflag:s29] =	ssyncset.done $0x0  }
0x280: {  	[sflag:s29] =	ssyncadd.s32 $0xFFFFE000  }
0x281: {  	_ =	swait.ge [sflag:s9], $0x2000  }
0x282: {  	[sflag:s9] =	ssyncset.done $0x0  }
0x283: {  	s14 =	sadd.s32 $0x1100, s11;
	[sflag:s9] =	ssyncadd.s32 $0xFFFFE000  }
0x284: {  	[spmem:s1] =	stream.indirect.scatter.add.f32 [tilespmem:s2], [sflag:$0x5], $0x80, s14, s31, $0xb8;
	[tilespmem:$0x1E000] =	vst v63  }
0x285: {  	_ =	swait.ge [sflag:s29], $0x2000  }
0x286: {  	[sflag:s29] =	ssyncset.done $0x0  }
0x287: {  	[sflag:s29] =	ssyncadd.s32 $0xFFFFE000  }
0x288: {  	_ =	swait.ge [sflag:s10], $0x2000  }
0x289: {  	[sflag:s10] =	ssyncset.done $0x0  }
0x28a: {  	s11 =	sadd.s32 $0x1180, s11;
	[sflag:s10] =	ssyncadd.s32 $0xFFFFE000  }
0x28b: {  	[spmem:s1] =	stream.indirect.scatter.add.f32 [tilespmem:s6], [sflag:$0x5], $0x80, s11, s31, $0xb8;
	[tilespmem:$0x1E000] =	vst v63  }
0x28c: {  	s3 =	sadd.s32 $0x1, s3;
	_ =	swait.ge [sflag:s29], $0x2000  }
0x28d: {  	p0 =	sne.s32 s3, s17;
	s13 =	stileid.u32;
	[sflag:s29] =	ssyncset.done $0x0  }
0x28e: {  	s14 =	sshrl.u32 s5, $0x3;
	s11 =	sshll.u32 s13, $0x6;
	[sflag:s29] =	ssyncadd.s32 $0xFFFFE000  }
.Ltmp6:
0x28f: {  	s11 =	sor.u32 $0x1C05, s11;
	[bflag:$0x0] =	sbarrier.arrive $0xFFFF;
	(pc) =	sbr.rel @p0 .LBB2_1-.Ltmp6, $4  }
0x290: {  	[hbm:s16], [sflag:s11] =	dma.local [spmem:s14], $0x2800  }
0x291: {  	_ =	swait.ge [sflag:s29], $0x2800  }
0x292: {  	[sflag:s29] =	ssyncset.done $0x0  }
0x293: {  	[sflag:s29] =	ssyncadd.s32 $0xFFFFD800  }
0x294: {  	_ =	sfence.sel $0x180000  }
0x295: {  	[bflag:$0x0] =	sbarrier.arrive $0xFFFF  }
0x296: {  	_ =	strace $0x9000004A  }
0x297: {  	s0 =	stileid.u32;
	[bflag:$0x2] =	sbarrier.arrive $0xFFFF  }
0x298: {  	p0 =	sne.s32 s0, $0x0;
	s0 =	rddreg [dreg:$0x3]  }
0x299: {  	s0 =	sadd.s32 @!p0 $0x100000, s0  }
0x29a: {  	[sflag:s0] =	ssyncadd.tile.s32 @!p0 $0x1;
	_ =	shalt  }
.Lfunc_end2:
_tile_overlayer_lowered:
.L_overlay_start_2:
0x29b: {  	(tag) =	ssettag $0x2  }
0x29c: {  	s0 =	rddreg [dreg:$0x0];
	s2 =	stileid.u32  }
0x29d: {  	s1 =	rddreg [dreg:$0x1];
	p0 =	sne.s32 s2, $0x0  }
0x29e: {  	s3 =	rddreg [dreg:$0x2];
	[bflag:$0x3] =	sbarrier.arrive $0xFFFF;
	s2 =	simm.s32 @!p0 $0x1C05  }
0x29f: {  	[timem:s3], [sflag:s2] =	dma.local @!p0 [hbm:s0], s1  }
0x2a0: {  	s0 =	simm.s32 @!p0 $0x5  }
0x2a1: {  	_ =	swait.ge @!p0 [sflag:s0], s1  }
0x2a2: {  	s1 =	ssub.s32 @!p0 $0x0, s1;
	[sflag:s0] =	ssyncset.done @!p0 $0x0  }
0x2a3: {  	[sflag:s0] =	ssyncadd.s32 @!p0 s1  }
0x2a4: {  	[bflag:$0x3] =	sbarrier.arrive $0xFFFF  }
0x2a5: {  	_ =	shalt  }

// kernel: kernel.14.cloned.1.call-start
scs
__scs_entry_jumppad:
0x0: {  	(pc) =	sbr.rel $0x88, $3  }
0x1: {  	(tag) =	ssettag $0x0;
	lr =	simm.s32 $0x1  }
0x2: {  	[smem:$0x3F9B] =	sst lr;
	_ =	strace $0xD0000000  }
0x3: {  	_ = 	snop  }
0x4: {  	_ = 	snop  }
0x5: {  	_ = 	snop  }
0x6: {  	_ = 	snop  }
0x7: {  	_ = 	snop  }
__scs_overlays_trampoline_lowered:
0x8: {  	[smem:$0x3FAA] =	sst s0  }
0x9: {  	[smem:$0x3FAB] =	sst s1  }
0xa: {  	[smem:$0x3FAC] =	sst s2  }
0xb: {  	[smem:$0x3FAD] =	sst s3  }
0xc: {  	[smem:$0x3FAE] =	sst s4  }
0xd: {  	[smem:$0x3FAF] =	sst s5  }
0xe: {  	[smem:$0x3FB0] =	sst s6  }
0xf: {  	[smem:$0x3FB1] =	sst s7  }
0x10: {  	[smem:$0x3FB2] =	sst s8  }
0x11: {  	[smem:$0x3FB3] =	sst s9;
	s0 =	simm.s32 @!p0 $0x0  }
0x12: {  	s1 =	sld [smem:$0x3F99];
	s0 =	simm.s32 @p0 $0x1  }
0x13: {  	[smem:$0x3FB4] =	sst s0;
	s0 =	simm.s32 @!p1 $0x0  }
0x14: {  	s2 =	sld [smem:$0x3F98];
	s0 =	simm.s32 @p1 $0x1  }
0x15: {  	[smem:$0x3FB5] =	sst s0;
	s0 =	simm.s32 @!p2 $0x0  }
0x16: {  	s3 =	sld [smem:$0x3FDB];
	s0 =	simm.s32 @p2 $0x1  }
0x17: {  	s4 =	simm.s32 $0x1BF5;
	[smem:$0x3FB7] =	sst s0  }
0x18: {  	s0 =	sld [smem:$0x3F9A];
	_ =	swait.ge [sflag:s4], $0x0  }
0x19: {  	s7 =	sld [smem:$0x3F9B]  }
0x1a: {  	s8 =	sadd.s32 $0xFFFFE003, lr  }
0x1b: {  	s9 =	sadd.s32 $0xFFFFFEF7, lr;
	s5 =	simm.s32 $0xFFFFFFFF;
	p2 =	slt.u32 s8, $0xFFFFF086  }
0x1c: {  	p1 =	slt.u32 s9, $0xF7A;
	s5 =	simm.s32 @!p2 $0x0  }
0x1d: {  	s5 =	simm.s32 @p1 $0x1;
	p0 =	seq.s32 s7, s2  }
0x1e: {  	s7 =	smul.u32 @!p0 $0xF7A, s2;
	p2 =	seq.s32 @!p0 s5, $0x0  }
0x1f: {  	s9 =	smul.u32 $0xF7A, s1;
	s8 =	simm.s32 @!p0 $0x1BF5;
	p2 =	por !p2, p0  }
0x20: {  	[sflag:s8] =	ssyncset.s32 @!p0 $0xFFFFF086;
	s6 =	sadd.s32 @!p0 s3, s7;
	s7 =	simm.s32 @!p0 $0x108  }
0x21: {  	s3 =	sadd.s32 s3, s9;
	s6 =	sadd.s32 @!p0 $0x88, s6;
	s7 =	simm.s32 @p2 $0x1082  }
0x22: {  	[simem:s7], [sflag:s8] =	dma.local @!p0 [hbm:s6], $0xF7A  }
0x23: {  	s9 =	sor.u32 $0xD0000000, s2;
	s6 =	simm.s32 $0x108;
	_ =	swait.ge @!p0 [sflag:s8], $0x0  }
0x24: {  	s3 =	sadd.s32 $0x88, s3;
	s6 =	simm.s32 @!p1 $0x1082;
	[sflag:s4] =	ssyncset.s32 $0xFFFFF086  }
0x25: {  	[simem:s6], [sflag:s4] =	dma.local [hbm:s3], $0xF7A  }
0x26: {  	[smem:$0x3F9B] =	sst s1;
	(tag) =	ssettag s2;
	_ =	strace s9  }
0x27: {  	s1 =	sld [smem:$0x3FAB]  }
0x28: {  	s2 =	sld [smem:$0x3FAC]  }
0x29: {  	s4 =	sld [smem:$0x3FAE]  }
0x2a: {  	p0 =	seq.s32 s5, $0x0;
	s5 =	sld [smem:$0x3FAF]  }
0x2b: {  	s6 =	sld [smem:$0x3FB0]  }
0x2c: {  	s7 =	sld [smem:$0x3FB1]  }
0x2d: {  	s3 =	simm.s32 $0x108;
	s8 =	sld [smem:$0x3FB2]  }
0x2e: {  	s3 =	simm.s32 @!p0 $0x1082;
	s9 =	sld [smem:$0x3FB3]  }
0x2f: {  	lr =	sadd.s32 s0, s3;
	s0 =	sld [smem:$0x3FAA]  }
0x30: {  	s3 =	sld [smem:$0x3FAD]  }
0x31: {  	[smem:$0x3FB6] =	sst s10  }
0x32: {  	s10 =	sld [smem:$0x3FB4];
	_ =	sdelay $0x3  }
0x33: {  	p0 =	seq.s32 s10, $0x1;
	s10 =	sld [smem:$0x3FB6];
	_ =	sdelay $0x3  }
0x34: {  	[smem:$0x3FB6] =	sst s10  }
0x35: {  	s10 =	sld [smem:$0x3FB5];
	_ =	sdelay $0x3  }
0x36: {  	p1 =	seq.s32 s10, $0x1;
	s10 =	sld [smem:$0x3FB6];
	_ =	sdelay $0x3  }
0x37: {  	[smem:$0x3FB6] =	sst s10  }
0x38: {  	s10 =	sld [smem:$0x3FB7]  }
0x39: {  	_ = 	snop;
	(pc) =	sbr.ind lr, $3  }
0x3a: {  	_ = 	snop  }
0x3b: {  	_ = 	snop  }
0x3c: {  	p2 =	seq.s32 s10, $0x1;
	s10 =	sld [smem:$0x3FB6]  }
0x3d: {  	_ =	shalt  }
0x3e: {  	_ =	shalt  }
0x3f: {  	_ =	shalt  }
0x40: {  	_ =	shalt  }
0x41: {  	_ =	shalt  }
0x42: {  	_ =	shalt  }
0x43: {  	_ =	shalt  }
0x44: {  	_ =	shalt  }
0x45: {  	_ =	shalt  }
0x46: {  	_ =	shalt  }
0x47: {  	_ =	shalt  }
0x48: {  	_ =	shalt  }
0x49: {  	_ =	shalt  }
0x4a: {  	_ =	shalt  }
0x4b: {  	_ =	shalt  }
0x4c: {  	_ =	shalt  }
0x4d: {  	_ =	shalt  }
0x4e: {  	_ =	shalt  }
0x4f: {  	_ =	shalt  }
0x50: {  	_ =	shalt  }
0x51: {  	_ =	shalt  }
0x52: {  	_ =	shalt  }
0x53: {  	_ =	shalt  }
0x54: {  	_ =	shalt  }
0x55: {  	_ =	shalt  }
0x56: {  	_ =	shalt  }
0x57: {  	_ =	shalt  }
0x58: {  	_ =	shalt  }
0x59: {  	_ =	shalt  }
0x5a: {  	_ =	shalt  }
0x5b: {  	_ =	shalt  }
0x5c: {  	_ =	shalt  }
0x5d: {  	_ =	shalt  }
0x5e: {  	_ =	shalt  }
0x5f: {  	_ =	shalt  }
0x60: {  	_ =	shalt  }
0x61: {  	_ =	shalt  }
0x62: {  	_ =	shalt  }
0x63: {  	_ =	shalt  }
0x64: {  	_ =	shalt  }
0x65: {  	_ =	shalt  }
0x66: {  	_ =	shalt  }
0x67: {  	_ =	shalt  }
0x68: {  	_ =	shalt  }
0x69: {  	_ =	shalt  }
0x6a: {  	_ =	shalt  }
0x6b: {  	_ =	shalt  }
0x6c: {  	_ =	shalt  }
0x6d: {  	_ =	shalt  }
0x6e: {  	_ =	shalt  }
0x6f: {  	_ =	shalt  }
0x70: {  	_ =	shalt  }
0x71: {  	_ =	shalt  }
0x72: {  	_ =	shalt  }
0x73: {  	_ =	shalt  }
0x74: {  	_ =	shalt  }
0x75: {  	_ =	shalt  }
0x76: {  	_ =	shalt  }
0x77: {  	_ =	shalt  }
0x78: {  	_ =	shalt  }
0x79: {  	_ =	shalt  }
0x7a: {  	_ =	shalt  }
0x7b: {  	_ =	shalt  }
0x7c: {  	_ =	shalt  }
0x7d: {  	_ =	shalt  }
0x7e: {  	_ =	shalt  }
0x7f: {  	_ =	shalt  }
0x80: {  	_ =	shalt  }
0x81: {  	_ =	shalt  }
0x82: {  	_ =	shalt  }
0x83: {  	_ =	shalt  }
0x84: {  	_ =	shalt  }
0x85: {  	_ =	shalt  }
0x86: {  	_ =	shalt  }
0x87: {  	_ =	shalt  }
.Lfunc_end0:
.L_simem_size_0:
called_computation.2_lowered:
.L_overlay_start_0:
0x88: {  	s2 =	sld [smem:$0x3FD9]  }
0x89: {  	s3 =	sld [smem:$0x3FFE];
	_ =	sdelay $0x1  }
0x8a: {  	s1 =	srdreg.scid  }
0x8b: {  	s0 =	sand.u32 $0x1, s1  }
0x8c: {  	s17 =	sshll.u32 s0, $0xA;
	s2 =	sadd.s32 s3, s2  }
0x8d: {  	s2 =	sadd.s32 s2, s17  }
0x8e: {  	[smem:$0x3FC2] =	sst s2  }
0x8f: {  	_ = 	snop  }
0x90: {  	s2 =	sld [smem:$0x3FD0];
	(tm) =	ssettm $0x1  }
0x91: {  	s18 =	sld [smem:$0x3FFB];
	_ =	sdelay $0x3  }
0x92: {  	_ =	strace s18  }
0x93: {  	s3 =	sld [smem:$0x3FFC];
	_ =	sdelay $0x3  }
0x94: {  	_ =	strace s3  }
0x95: {  	s3 =	sld [smem:$0x3FFD];
	_ =	sdelay $0x3  }
0x96: {  	_ =	strace s3  }
0x97: {  	_ =	strace $0x8FFFFFFF  }
0x98: {  	s19 =	sld [smem:$0x3FDB];
	_ =	sdelay $0x1  }
0x99: {  	s4 =	simm.s32 $_scs_section_size  }
0x9a: {  	s5 =	simm.s32 $_size__tile_overlayer_lowered;
	s6 =	simm.s32 $_tile_overlayer_lowered  }
0x9b: {  	s22 =	simm.s32 $0x1BFF;
	s21 =	sshll.u32 s6, $0x1;
	s3 =	sadd.s32 s4, s19  }
0x9c: {  	s7 =	simm.s32 $0x0;
	s20 =	sshll.u32 s5, $0x1;
	s5 =	sadd.s32 s21, s3  }
0x9d: {  	[timem:s7], [sflag:s22] =	dma.local [hbm:s5], s20  }
0x9e: {  	_ =	swait.ge [sflag:s22], s20  }
0x9f: {  	s4 =	ssub.s32 $0x0, s20;
	[sflag:s22] =	ssyncset.done $0x0  }
0xa0: {  	[sflag:s22] =	ssyncadd.s32 s4;
	_ =	sdelay $0x1  }
0xa1: {  	s23 =	simm.s32 $0x1B8B  }
0xa2: {  	_ =	swait.ge [sflag:s23], $0x1  }
0xa3: {  	[sflag:s23] =	ssyncset.done $0x0  }
0xa4: {  	s25 =	simm.s32 $0x1B8E;
	s24 =	sld [smem:$0x3FFE];
	[sflag:s23] =	ssyncadd.s32 $0xFFFFFFFF  }
0xa5: {  	s26 =	simm.s32 $execute0_lowered;
	[smem:$0x3FD2] =	sst s25  }
0xa6: {  	s5 =	sshll.u32 s26, $0x1;
	_ =	strace $0x8000004C;
	[dreg:$0x1] =	wrdreg $0xFFFFFFFF  }
0xa7: {  	s28 =	simm.s32 $_size_execute0_lowered;
	s3 =	sadd.s32 s3, s5;
	[dreg:$0x0] =	wrdreg $0x0  }
0xa8: {  	s5 =	sshll.u32 s28, $0x1;
	[dreg:$0x2] =	wrdreg s3  }
0xa9: {  	[dreg:$0x3] =	wrdreg s5  }
0xaa: {  	[dreg:$0x4] =	wrdreg $0xC0  }
0xab: {  	_ =	task [dreg:s7], $0x5FFFF  }
0xac: {  	[dreg:$0x1] =	wrdreg $0xFFFFFFFF  }
0xad: {  	[dreg:$0x0] =	wrdreg $0x60  }
0xae: {  	[dreg:$0x2] =	wrdreg s24  }
0xaf: {  	[dreg:$0x3] =	wrdreg s2  }
0xb0: {  	[dreg:$0x4] =	wrdreg $0xA0000  }
0xb1: {  	[dreg:$0x5] =	wrdreg $0x9  }
0xb2: {  	_ =	task.clear_ibuf [dreg:s7], $0x6FFFF;
	_ =	strace $0x9000004C  }
0xb3: {  	s29 =	simm.s32 $0x9;
	_ =	strace $0x8000004E  }
0xb4: {  	_ =	swait.ge [sflag:s29], $0x1  }
0xb5: {  	[sflag:s29] =	ssyncadd.s32 $0xFFFFFFFF  }
0xb6: {  	_ =	strace $0x9000004E  }
0xb7: {  	_ =	sfence  }
0xb8: {  	s30 =	sld [smem:$0x0];
	_ =	sdelay $0x2  }
0xb9: {  	s31 =	sshll.u32 s1, $0xD;
	s1 =	sshrl.u32 s1, $0x2  }
0xba: {  	s3 =	sand.u32 $0x4000, s31;
	s1 =	sadd.s32 s1, s30  }
0xbb: {  	s0 =	sor.u32 s3, s0;
	s1 =	sshll.u32 s1, $0x11  }
0xbc: {  	s0 =	sor.u32 s1, s0  }
0xbd: {  	s0 =	sadd.s32 $0x8F2B, s0  }
0xbe: {  	[sflag:s0] =	ssyncadd.remote.s32 $0x1  }
0xbf: {  	_ =	sfence.sel $0xFFFF  }
0xc0: {  	[dreg:$0x0] =	wrdreg $0xFFFFFFFF;
	(pc) =	sbr.abs _section_cstart, $3  }
0xc1: {  	[dreg:$0x1] =	wrdreg $0xFFFFFFFF  }
0xc2: {  	_ =	task.clear_ibuf [dreg:s7], $0x2FFFF;
	_ =	strace $0x9FFFFFFF  }
0xc3: {  	(tm) =	ssettm $0x7FFFFFFF  }
tec
execute0_lowered:
.L_overlay_start_1:
0x0: {  	(tag) =	ssettag $0x1  }
0x1: {  	s0 =	rddreg [dreg:$0x0]  }
0x2: {  	s2 =	rddreg [dreg:$0x1]  }
0x3: {  	s1 =	rddreg [dreg:$0x2];
	s3 =	simm.s32 $0x0;
	s4 =	srdreg.scid  }
0x4: {  	s10 =	stileid.u32;
	s28 =	simm.s32 $0x2000;
	s29 =	simm.s32 $0x5  }
0x5: {  	s30 =	simm.s32 $0x1000;
	s31 =	simm.s32 $0x40;
	[smem:$0x7FF] =	sst s3  }
0x6: {  	s5 =	sand.u32 $0x1, s4;
	s7 =	smul.u32 $0x14000, s10;
	s4 =	sadd.s32 $0x70400, s0  }
0x7: {  	s8 =	sadd.s32 $0x5C400, s0;
	s6 =	smul.u32 $0x140000, s5;
	s9 =	sshll.u32 s5, $0x4  }
0x8: {  	s17 =	smul.u32 $0x50000, s10;
	_ =	strace $0x8000004D;
	s16 =	sor.u32 s10, s9  }
0x9: {  	s5 =	ssub.s32 $0x2, s5;
	s6 =	sadd.s32 s7, s6;
	s7 =	smul.u32 $0x5000, s16  }
0xa: {  	s18 =	sshrl.u32 s5, $0x1;
	s9 =	sshrl.u32 s17, $0x2;
	s6 =	sshrl.u32 s6, $0x3  }
0xb: {  	s10 =	simm.s32 $0x4;
	s0 =	sadd.s32 s6, s0;
	s7 =	sshrl.u32 s7, $0x3  }
0xc: {  	s6 =	ssub.s32 s5, s18;
	s5 =	sadd.s32 s9, s1;
	s19 =	sadd.s32 s2, s7  }
0xd: {  	s20 =	sadd.s32 s8, s7;
	s21 =	sadd.s32 $0x200, s7;
	s23 =	sadd.s32 $0x400, s7  }
0xe: {  	s25 =	sadd.s32 $0x600, s7;
	s7 =	sadd.s32 $0x800, s7;
	s16 =	sadd.s32 $0x98400, s0  }
0xf: {  	s17 =	smax.u32 s6, $0x1;
	s18 =	sadd.s32 $0x2000, s5;
	[dreg:$0x4] =	wrdreg s19  }
0x10: {  	s0 =	simm.s32 $0x4000;
	s6 =	simm.s32 $0x8000;
	[dreg:$0x5] =	wrdreg s20  }
0x11: {  	s22 =	sadd.s32 s2, s21;
	s9 =	sadd.s32 s8, s21;
	s24 =	sadd.s32 s2, s23  }
0x12: {  	s26 =	sadd.s32 s2, s25;
	s2 =	sadd.s32 s2, s7;
	[dreg:$0x6] =	wrdreg s22  }
0x13: {  	s15 =	sadd.s32 s8, s7;
	s19 =	sadd.s32 $0x4000, s5;
	[dreg:$0x7] =	wrdreg s9  }
0x14: {  	s20 =	sadd.s32 $0x6000, s5;
	s21 =	sadd.s32 $0x8000, s5;
	[dreg:$0x8] =	wrdreg s24  }
0x15: {  	s7 =	simm.s32 $0x1;
	s9 =	sadd.s32 s8, s23;
	[dreg:$0xa] =	wrdreg s26  }
0x16: {  	[dreg:$0xc] =	wrdreg s2;
	s22 =	sadd.s32 $0xA000, s5;
	s23 =	sadd.s32 $0xC000, s5  }
0x17: {  	s24 =	sadd.s32 $0xE000, s5;
	s26 =	sadd.s32 $0x12000, s5;
	s2 =	simm.s32 $0x6000  }
0x18: {  	[dreg:$0x9] =	wrdreg s9;
	s9 =	sadd.s32 s8, s25;
	s25 =	sadd.s32 $0x10000, s5  }
0x19: {  	v0 =	vimm.f32 $0.0e+00;
	s8 =	simm.s32 $0x2;
	[dreg:$0xb] =	wrdreg s9;
	s9 =	simm.s32 $0x3  }
.LBB2_1:
0x1a: {  	s11 =	simm.s32 $0x0;
	s12 =	simm.s32 $0x200  }
.LBB2_2:
0x1b: {  	p0 =	sne.s32 s12, $0x7E00;
	[tilespmem:s11+$0x2070] =	vst v0  }
0x1c: {  	[tilespmem:s11+$0x2000] =	vst v0  }
0x1d: {  	[tilespmem:s11+$0x2010] =	vst v0  }
.Ltmp0:
0x1e: {  	[tilespmem:s11+$0x2020] =	vst v0;
	(pc) =	sbr.rel @p0 .LBB2_2-.Ltmp0, $4  }
0x1f: {  	[tilespmem:s11+$0x2030] =	vst v0  }
0x20: {  	[tilespmem:s11+$0x2040] =	vst v0  }
0x21: {  	[tilespmem:s11+$0x2050] =	vst v0  }
0x22: {  	[tilespmem:s11+$0x2060] =	vst v0;
	s11 =	sshra.s32 s12, $0x2;
	s12 =	sadd.s32 $0x200, s12  }
0x23: {  	[tilespmem:s11+$0x2070] =	vst v0  }
0x24: {  	[tilespmem:s11+$0x2000] =	vst v0  }
0x25: {  	[tilespmem:s11+$0x2010] =	vst v0  }
0x26: {  	[tilespmem:s11+$0x2020] =	vst v0  }
0x27: {  	[tilespmem:s11+$0x2030] =	vst v0  }
0x28: {  	[tilespmem:s11+$0x2040] =	vst v0  }
0x29: {  	[tilespmem:s11+$0x2050] =	vst v0  }
0x2a: {  	[tilespmem:s11+$0x2060] =	vst v0  }
0x2b: {  	[spmem:s5] =	stream.linear.scatter [tilespmem:s28], [sflag:$0x5], $0x2000, $0x38;
	[tilespmem:$0x1E000] =	vst v63  }
0x2c: {  	_ =	swait.ge [sflag:s29], $0x2000  }
0x2d: {  	[sflag:s29] =	ssyncset.done $0x0  }
0x2e: {  	[sflag:s29] =	ssyncadd.s32 $0xFFFFE000  }
0x2f: {  	[spmem:s18] =	stream.linear.scatter [tilespmem:s28], [sflag:$0x5], $0x2000, $0x38;
	[tilespmem:$0x1E000] =	vst v63  }
0x30: {  	_ =	swait.ge [sflag:s29], $0x2000  }
0x31: {  	[sflag:s29] =	ssyncset.done $0x0  }
0x32: {  	[sflag:s29] =	ssyncadd.s32 $0xFFFFE000  }
0x33: {  	[spmem:s19] =	stream.linear.scatter [tilespmem:s28], [sflag:$0x5], $0x2000, $0x38;
	[tilespmem:$0x1E000] =	vst v63  }
0x34: {  	_ =	swait.ge [sflag:s29], $0x2000  }
0x35: {  	[sflag:s29] =	ssyncset.done $0x0  }
0x36: {  	[sflag:s29] =	ssyncadd.s32 $0xFFFFE000  }
0x37: {  	[spmem:s20] =	stream.linear.scatter [tilespmem:s28], [sflag:$0x5], $0x2000, $0x38;
	[tilespmem:$0x1E000] =	vst v63  }
0x38: {  	_ =	swait.ge [sflag:s29], $0x2000  }
0x39: {  	[sflag:s29] =	ssyncset.done $0x0  }
0x3a: {  	[sflag:s29] =	ssyncadd.s32 $0xFFFFE000  }
0x3b: {  	[spmem:s21] =	stream.linear.scatter [tilespmem:s28], [sflag:$0x5], $0x2000, $0x38;
	[tilespmem:$0x1E000] =	vst v63  }
0x3c: {  	_ =	swait.ge [sflag:s29], $0x2000  }
0x3d: {  	[sflag:s29] =	ssyncset.done $0x0  }
0x3e: {  	[sflag:s29] =	ssyncadd.s32 $0xFFFFE000  }
0x3f: {  	[spmem:s22] =	stream.linear.scatter [tilespmem:s28], [sflag:$0x5], $0x2000, $0x38;
	[tilespmem:$0x1E000] =	vst v63  }
0x40: {  	_ =	swait.ge [sflag:s29], $0x2000  }
0x41: {  	[sflag:s29] =	ssyncset.done $0x0  }
0x42: {  	[sflag:s29] =	ssyncadd.s32 $0xFFFFE000  }
0x43: {  	[spmem:s23] =	stream.linear.scatter [tilespmem:s28], [sflag:$0x5], $0x2000, $0x38;
	[tilespmem:$0x1E000] =	vst v63  }
0x44: {  	_ =	swait.ge [sflag:s29], $0x2000  }
0x45: {  	[sflag:s29] =	ssyncset.done $0x0  }
0x46: {  	[sflag:s29] =	ssyncadd.s32 $0xFFFFE000  }
0x47: {  	[spmem:s24] =	stream.linear.scatter [tilespmem:s28], [sflag:$0x5], $0x2000, $0x38;
	[tilespmem:$0x1E000] =	vst v63  }
0x48: {  	_ =	swait.ge [sflag:s29], $0x2000  }
0x49: {  	[sflag:s29] =	ssyncset.done $0x0  }
0x4a: {  	[sflag:s29] =	ssyncadd.s32 $0xFFFFE000  }
0x4b: {  	[spmem:s25] =	stream.linear.scatter [tilespmem:s28], [sflag:$0x5], $0x2000, $0x38;
	[tilespmem:$0x1E000] =	vst v63  }
0x4c: {  	_ =	swait.ge [sflag:s29], $0x2000  }
0x4d: {  	[sflag:s29] =	ssyncset.done $0x0  }
0x4e: {  	[sflag:s29] =	ssyncadd.s32 $0xFFFFE000  }
0x4f: {  	[spmem:s26] =	stream.linear.scatter [tilespmem:s28], [sflag:$0x5], $0x2000, $0x38;
	[tilespmem:$0x1E000] =	vst v63  }
0x50: {  	_ =	swait.ge [sflag:s29], $0x2000  }
0x51: {  	[sflag:s29] =	ssyncset.done $0x0  }
0x52: {  	[sflag:s29] =	ssyncadd.s32 $0xFFFFE000  }
0x53: {  	[bflag:$0x0] =	sbarrier.arrive $0xFFFF  }
0x54: {  	s13 =	simm.s32 $0x0;
	s12 =	rddreg [dreg:$0x4]  }
0x55: {  	[tilespmem:s13], [sflag:$0x5] =	stream.linear.gather [hbm4b:s12+s13], $0x1000, $0x38;
	[tilespmem:$0x1E000] =	vst v63  }
0x56: {  	_ =	swait.ge [sflag:s29], $0x1000  }
0x57: {  	[sflag:s29] =	ssyncset.done $0x0  }
0x58: {  	s14 =	rddreg [dreg:$0x5];
	[sflag:s29] =	ssyncadd.s32 $0xFFFFF000  }
0x59: {  	[tilespmem:s30], [sflag:$0x5] =	stream.linear.gather [hbm4b:s14+s13], $0x1000, $0x38;
	[tilespmem:$0x1E000] =	vst v63  }
0x5a: {  	_ =	swait.ge [sflag:s29], $0x1000  }
0x5b: {  	[sflag:s29] =	ssyncset.done $0x0  }
0x5c: {  	s13 =	simm.s32 $0x0;
	[sflag:s29] =	ssyncadd.s32 $0xFFFFF000  }
0x5d: {  	[tilespmem:s28], [sflag:$0x1] =	stream.indirect.gather [hbm4b:s4+s31], $0x80, s13, s31, $0xb8;
	[tilespmem:$0x1E000] =	vst v63  }
0x5e: {  	s14 =	simm.s32 $0x80  }
0x5f: {  	[tilespmem:s0], [sflag:$0x2] =	stream.indirect.gather [hbm4b:s4+s31], $0x80, s14, s31, $0xb8;
	[tilespmem:$0x1E000] =	vst v63  }
0x60: {  	s12 =	simm.s32 $0x100  }
0x61: {  	[tilespmem:s2], [sflag:$0x3] =	stream.indirect.gather [hbm4b:s4+s31], $0x80, s12, s31, $0xb8;
	[tilespmem:$0x1E000] =	vst v63  }
0x62: {  	s13 =	simm.s32 $0x180  }
0x63: {  	[tilespmem:s6], [sflag:$0x4] =	stream.indirect.gather [hbm4b:s4+s31], $0x80, s13, s31, $0xb8;
	[tilespmem:$0x1E000] =	vst v63  }
0x64: {  	_ =	swait.ge [sflag:s7], $0x2000  }
0x65: {  	[sflag:s7] =	ssyncset.done $0x0  }
0x66: {  	s14 =	simm.s32 $0x1000;
	[sflag:s7] =	ssyncadd.s32 $0xFFFFE000  }
0x67: {  	[spmem:s1] =	stream.indirect.scatter.add.f32 [tilespmem:s28], [sflag:$0x5], $0x80, s14, s31, $0xb8;
	[tilespmem:$0x1E000] =	vst v63  }
0x68: {  	_ =	swait.ge [sflag:s29], $0x2000  }
0x69: {  	[sflag:s29] =	ssyncset.done $0x0  }
0x6a: {  	[sflag:s29] =	ssyncadd.s32 $0xFFFFE000  }
0x6b: {  	_ =	swait.ge [sflag:s8], $0x2000  }
0x6c: {  	[sflag:s8] =	ssyncset.done $0x0  }
0x6d: {  	s12 =	simm.s32 $0x1080;
	[sflag:s8] =	ssyncadd.s32 $0xFFFFE000  }
0x6e: {  	[spmem:s1] =	stream.indirect.scatter.add.f32 [tilespmem:s0], [sflag:$0x5], $0x80, s12, s31, $0xb8;
	[tilespmem:$0x1E000] =	vst v63  }
0x6f: {  	_ =	swait.ge [sflag:s29], $0x2000  }
0x70: {  	[sflag:s29] =	ssyncset.done $0x0  }
0x71: {  	[sflag:s29] =	ssyncadd.s32 $0xFFFFE000  }
0x72: {  	_ =	swait.ge [sflag:s9], $0x2000  }
0x73: {  	[sflag:s9] =	ssyncset.done $0x0  }
0x74: {  	s13 =	simm.s32 $0x1100;
	[sflag:s9] =	ssyncadd.s32 $0xFFFFE000  }
0x75: {  	[spmem:s1] =	stream.indirect.scatter.add.f32 [tilespmem:s2], [sflag:$0x5], $0x80, s13, s31, $0xb8;
	[tilespmem:$0x1E000] =	vst v63  }
0x76: {  	_ =	swait.ge [sflag:s29], $0x2000  }
0x77: {  	[sflag:s29] =	ssyncset.done $0x0  }
0x78: {  	[sflag:s29] =	ssyncadd.s32 $0xFFFFE000  }
0x79: {  	_ =	swait.ge [sflag:s10], $0x2000  }
0x7a: {  	[sflag:s10] =	ssyncset.done $0x0  }
0x7b: {  	s14 =	simm.s32 $0x1180;
	[sflag:s10] =	ssyncadd.s32 $0xFFFFE000  }
0x7c: {  	[spmem:s1] =	stream.indirect.scatter.add.f32 [tilespmem:s6], [sflag:$0x5], $0x80, s14, s31, $0xb8;
	[tilespmem:$0x1E000] =	vst v63  }
0x7d: {  	_ =	swait.ge [sflag:s29], $0x2000  }
0x7e: {  	s11 =	simm.s32 $0x800;
	s12 =	simm.s32 $0x1000;
	[sflag:s29] =	ssyncset.done $0x0  }
.LBB2_4:
0x7f: {  	s13 =	sshra.s32 s11, $0x2  }
0x80: {  	[sflag:s29] =	ssyncadd.s32 $0xFFFFE000;
	s11 =	smov.u32 s12;
	s14 =	sadd.s32 $0x800, s12  }
0x81: {  	[tilespmem:s28], [sflag:$0x1] =	stream.indirect.gather [hbm4b:s4+s31], $0x80, s13, s31, $0xb8;
	[tilespmem:$0x1E000] =	vst v63  }
0x82: {  	p0 =	sne.s32 s12, $0x3800;
	s12 =	sadd.s32 $0x80, s13  }
0x83: {  	[tilespmem:s0], [sflag:$0x2] =	stream.indirect.gather [hbm4b:s4+s31], $0x80, s12, s31, $0xb8;
	[tilespmem:$0x1E000] =	vst v63  }
0x84: {  	s12 =	sadd.s32 $0x100, s13  }
0x85: {  	[tilespmem:s2], [sflag:$0x3] =	stream.indirect.gather [hbm4b:s4+s31], $0x80, s12, s31, $0xb8;
	[tilespmem:$0x1E000] =	vst v63  }
0x86: {  	s12 =	sadd.s32 $0x180, s13  }
0x87: {  	[tilespmem:s6], [sflag:$0x4] =	stream.indirect.gather [hbm4b:s4+s31], $0x80, s12, s31, $0xb8;
	[tilespmem:$0x1E000] =	vst v63  }
0x88: {  	_ =	swait.ge [sflag:s7], $0x2000  }
0x89: {  	[sflag:s7] =	ssyncset.done $0x0  }
0x8a: {  	s12 =	sadd.s32 $0x1000, s13;
	[sflag:s7] =	ssyncadd.s32 $0xFFFFE000  }
0x8b: {  	[spmem:s1] =	stream.indirect.scatter.add.f32 [tilespmem:s28], [sflag:$0x5], $0x80, s12, s31, $0xb8;
	[tilespmem:$0x1E000] =	vst v63  }
0x8c: {  	_ =	swait.ge [sflag:s29], $0x2000  }
0x8d: {  	[sflag:s29] =	ssyncset.done $0x0  }
0x8e: {  	[sflag:s29] =	ssyncadd.s32 $0xFFFFE000  }
0x8f: {  	_ =	swait.ge [sflag:s8], $0x2000  }
0x90: {  	[sflag:s8] =	ssyncset.done $0x0  }
0x91: {  	s12 =	sadd.s32 $0x1080, s13;
	[sflag:s8] =	ssyncadd.s32 $0xFFFFE000  }
0x92: {  	[spmem:s1] =	stream.indirect.scatter.add.f32 [tilespmem:s0], [sflag:$0x5], $0x80, s12, s31, $0xb8;
	[tilespmem:$0x1E000] =	vst v63  }
0x93: {  	_ =	swait.ge [sflag:s29], $0x2000  }
0x94: {  	[sflag:s29] =	ssyncset.done $0x0  }
0x95: {  	[sflag:s29] =	ssyncadd.s32 $0xFFFFE000  }
0x96: {  	_ =	swait.ge [sflag:s9], $0x2000  }
0x97: {  	[sflag:s9] =	ssyncset.done $0x0  }
0x98: {  	s12 =	sadd.s32 $0x1100, s13;
	[sflag:s9] =	ssyncadd.s32 $0xFFFFE000  }
0x99: {  	[spmem:s1] =	stream.indirect.scatter.add.f32 [tilespmem:s2], [sflag:$0x5], $0x80, s12, s31, $0xb8;
	[tilespmem:$0x1E000] =	vst v63  }
0x9a: {  	_ =	swait.ge [sflag:s29], $0x2000  }
0x9b: {  	[sflag:s29] =	ssyncset.done $0x0  }
0x9c: {  	[sflag:s29] =	ssyncadd.s32 $0xFFFFE000  }
0x9d: {  	_ =	swait.ge [sflag:s10], $0x2000  }
.Ltmp1:
0x9e: {  	[sflag:s10] =	ssyncset.done $0x0;
	(pc) =	sbr.rel @p0 .LBB2_4-.Ltmp1, $4  }
0x9f: {  	s12 =	sadd.s32 $0x1180, s13;
	[sflag:s10] =	ssyncadd.s32 $0xFFFFE000  }
0xa0: {  	[spmem:s1] =	stream.indirect.scatter.add.f32 [tilespmem:s6], [sflag:$0x5], $0x80, s12, s31, $0xb8;
	[tilespmem:$0x1E000] =	vst v63  }
0xa1: {  	_ =	swait.ge [sflag:s29], $0x2000  }
0xa2: {  	s12 =	smov.u32 s14;
	[sflag:s29] =	ssyncset.done $0x0  }
0xa3: {  	s11 =	sshra.s32 s11, $0x2;
	[sflag:s29] =	ssyncadd.s32 $0xFFFFE000  }
0xa4: {  	[tilespmem:s28], [sflag:$0x1] =	stream.indirect.gather [hbm4b:s4+s31], $0x80, s11, s31, $0xb8;
	[tilespmem:$0x1E000] =	vst v63  }
0xa5: {  	s12 =	sadd.s32 $0x80, s11  }
0xa6: {  	[tilespmem:s0], [sflag:$0x2] =	stream.indirect.gather [hbm4b:s4+s31], $0x80, s12, s31, $0xb8;
	[tilespmem:$0x1E000] =	vst v63  }
0xa7: {  	s14 =	sadd.s32 $0x100, s11  }
0xa8: {  	[tilespmem:s2], [sflag:$0x3] =	stream.indirect.gather [hbm4b:s4+s31], $0x80, s14, s31, $0xb8;
	[tilespmem:$0x1E000] =	vst v63  }
0xa9: {  	s13 =	sadd.s32 $0x180, s11  }
0xaa: {  	[tilespmem:s6], [sflag:$0x4] =	stream.indirect.gather [hbm4b:s4+s31], $0x80, s13, s31, $0xb8;
	[tilespmem:$0x1E000] =	vst v63  }
0xab: {  	_ =	swait.ge [sflag:s7], $0x2000  }
0xac: {  	[sflag:s7] =	ssyncset.done $0x0  }
0xad: {  	s14 =	sadd.s32 $0x1000, s11;
	[sflag:s7] =	ssyncadd.s32 $0xFFFFE000  }
0xae: {  	[spmem:s1] =	stream.indirect.scatter.add.f32 [tilespmem:s28], [sflag:$0x5], $0x80, s14, s31, $0xb8;
	[tilespmem:$0x1E000] =	vst v63  }
0xaf: {  	_ =	swait.ge [sflag:s29], $0x2000  }
0xb0: {  	[sflag:s29] =	ssyncset.done $0x0  }
0xb1: {  	[sflag:s29] =	ssyncadd.s32 $0xFFFFE000  }
0xb2: {  	_ =	swait.ge [sflag:s8], $0x2000  }
0xb3: {  	[sflag:s8] =	ssyncset.done $0x0  }
0xb4: {  	s13 =	sadd.s32 $0x1080, s11;
	[sflag:s8] =	ssyncadd.s32 $0xFFFFE000  }
0xb5: {  	[spmem:s1] =	stream.indirect.scatter.add.f32 [tilespmem:s0], [sflag:$0x5], $0x80, s13, s31, $0xb8;
	[tilespmem:$0x1E000] =	vst v63  }
0xb6: {  	_ =	swait.ge [sflag:s29], $0x2000  }
0xb7: {  	[sflag:s29] =	ssyncset.done $0x0  }
0xb8: {  	[sflag:s29] =	ssyncadd.s32 $0xFFFFE000  }
0xb9: {  	_ =	swait.ge [sflag:s9], $0x2000  }
0xba: {  	[sflag:s9] =	ssyncset.done $0x0  }
0xbb: {  	s14 =	sadd.s32 $0x1100, s11;
	[sflag:s9] =	ssyncadd.s32 $0xFFFFE000  }
0xbc: {  	[spmem:s1] =	stream.indirect.scatter.add.f32 [tilespmem:s2], [sflag:$0x5], $0x80, s14, s31, $0xb8;
	[tilespmem:$0x1E000] =	vst v63  }
0xbd: {  	_ =	swait.ge [sflag:s29], $0x2000  }
0xbe: {  	[sflag:s29] =	ssyncset.done $0x0  }
0xbf: {  	[sflag:s29] =	ssyncadd.s32 $0xFFFFE000  }
0xc0: {  	_ =	swait.ge [sflag:s10], $0x2000  }
0xc1: {  	[sflag:s10] =	ssyncset.done $0x0  }
0xc2: {  	s11 =	sadd.s32 $0x1180, s11;
	[sflag:s10] =	ssyncadd.s32 $0xFFFFE000  }
0xc3: {  	[spmem:s1] =	stream.indirect.scatter.add.f32 [tilespmem:s6], [sflag:$0x5], $0x80, s11, s31, $0xb8;
	[tilespmem:$0x1E000] =	vst v63  }
0xc4: {  	_ =	swait.ge [sflag:s29], $0x2000  }
0xc5: {  	[sflag:s29] =	ssyncset.done $0x0  }
0xc6: {  	s11 =	simm.s32 $0x0;
	s13 =	rddreg [dreg:$0x6];
	[sflag:s29] =	ssyncadd.s32 $0xFFFFE000  }
0xc7: {  	[tilespmem:s11], [sflag:$0x5] =	stream.linear.gather [hbm4b:s13+s11], $0x1000, $0x38;
	[tilespmem:$0x1E000] =	vst v63  }
0xc8: {  	_ =	swait.ge [sflag:s29], $0x1000  }
0xc9: {  	[sflag:s29] =	ssyncset.done $0x0  }
0xca: {  	s14 =	rddreg [dreg:$0x7];
	[sflag:s29] =	ssyncadd.s32 $0xFFFFF000  }
0xcb: {  	[tilespmem:s30], [sflag:$0x5] =	stream.linear.gather [hbm4b:s14+s11], $0x1000, $0x38;
	[tilespmem:$0x1E000] =	vst v63  }
0xcc: {  	_ =	swait.ge [sflag:s29], $0x1000  }
0xcd: {  	[sflag:s29] =	ssyncset.done $0x0  }
0xce: {  	s13 =	simm.s32 $0x0;
	[sflag:s29] =	ssyncadd.s32 $0xFFFFF000  }
0xcf: {  	[tilespmem:s28], [sflag:$0x1] =	stream.indirect.gather [hbm4b:s4+s31], $0x80, s13, s31, $0xb8;
	[tilespmem:$0x1E000] =	vst v63  }
0xd0: {  	s14 =	simm.s32 $0x80  }
0xd1: {  	[tilespmem:s0], [sflag:$0x2] =	stream.indirect.gather [hbm4b:s4+s31], $0x80, s14, s31, $0xb8;
	[tilespmem:$0x1E000] =	vst v63  }
0xd2: {  	s12 =	simm.s32 $0x100  }
0xd3: {  	[tilespmem:s2], [sflag:$0x3] =	stream.indirect.gather [hbm4b:s4+s31], $0x80, s12, s31, $0xb8;
	[tilespmem:$0x1E000] =	vst v63  }
0xd4: {  	s13 =	simm.s32 $0x180  }
0xd5: {  	[tilespmem:s6], [sflag:$0x4] =	stream.indirect.gather [hbm4b:s4+s31], $0x80, s13, s31, $0xb8;
	[tilespmem:$0x1E000] =	vst v63  }
0xd6: {  	_ =	swait.ge [sflag:s7], $0x2000  }
0xd7: {  	[sflag:s7] =	ssyncset.done $0x0  }
0xd8: {  	s14 =	simm.s32 $0x1000;
	[sflag:s7] =	ssyncadd.s32 $0xFFFFE000  }
0xd9: {  	[spmem:s1] =	stream.indirect.scatter.add.f32 [tilespmem:s28], [sflag:$0x5], $0x80, s14, s31, $0xb8;
	[tilespmem:$0x1E000] =	vst v63  }
0xda: {  	_ =	swait.ge [sflag:s29], $0x2000  }
0xdb: {  	[sflag:s29] =	ssyncset.done $0x0  }
0xdc: {  	[sflag:s29] =	ssyncadd.s32 $0xFFFFE000  }
0xdd: {  	_ =	swait.ge [sflag:s8], $0x2000  }
0xde: {  	[sflag:s8] =	ssyncset.done $0x0  }
0xdf: {  	s12 =	simm.s32 $0x1080;
	[sflag:s8] =	ssyncadd.s32 $0xFFFFE000  }
0xe0: {  	[spmem:s1] =	stream.indirect.scatter.add.f32 [tilespmem:s0], [sflag:$0x5], $0x80, s12, s31, $0xb8;
	[tilespmem:$0x1E000] =	vst v63  }
0xe1: {  	_ =	swait.ge [sflag:s29], $0x2000  }
0xe2: {  	[sflag:s29] =	ssyncset.done $0x0  }
0xe3: {  	[sflag:s29] =	ssyncadd.s32 $0xFFFFE000  }
0xe4: {  	_ =	swait.ge [sflag:s9], $0x2000  }
0xe5: {  	[sflag:s9] =	ssyncset.done $0x0  }
0xe6: {  	s13 =	simm.s32 $0x1100;
	[sflag:s9] =	ssyncadd.s32 $0xFFFFE000  }
0xe7: {  	[spmem:s1] =	stream.indirect.scatter.add.f32 [tilespmem:s2], [sflag:$0x5], $0x80, s13, s31, $0xb8;
	[tilespmem:$0x1E000] =	vst v63  }
0xe8: {  	_ =	swait.ge [sflag:s29], $0x2000  }
0xe9: {  	[sflag:s29] =	ssyncset.done $0x0  }
0xea: {  	[sflag:s29] =	ssyncadd.s32 $0xFFFFE000  }
0xeb: {  	_ =	swait.ge [sflag:s10], $0x2000  }
0xec: {  	[sflag:s10] =	ssyncset.done $0x0  }
0xed: {  	s14 =	simm.s32 $0x1180;
	[sflag:s10] =	ssyncadd.s32 $0xFFFFE000  }
0xee: {  	[spmem:s1] =	stream.indirect.scatter.add.f32 [tilespmem:s6], [sflag:$0x5], $0x80, s14, s31, $0xb8;
	[tilespmem:$0x1E000] =	vst v63  }
0xef: {  	_ =	swait.ge [sflag:s29], $0x2000  }
0xf0: {  	s11 =	simm.s32 $0x800;
	s14 =	simm.s32 $0x1000;
	[sflag:s29] =	ssyncset.done $0x0  }
.LBB2_6:
0xf1: {  	s13 =	sshra.s32 s11, $0x2  }
0xf2: {  	[sflag:s29] =	ssyncadd.s32 $0xFFFFE000;
	s11 =	smov.u32 s14;
	s12 =	sadd.s32 $0x800, s14  }
0xf3: {  	[tilespmem:s28], [sflag:$0x1] =	stream.indirect.gather [hbm4b:s4+s31], $0x80, s13, s31, $0xb8;
	[tilespmem:$0x1E000] =	vst v63  }
0xf4: {  	p0 =	sne.s32 s14, $0x3800;
	s14 =	sadd.s32 $0x80, s13  }
0xf5: {  	[tilespmem:s0], [sflag:$0x2] =	stream.indirect.gather [hbm4b:s4+s31], $0x80, s14, s31, $0xb8;
	[tilespmem:$0x1E000] =	vst v63  }
0xf6: {  	s14 =	sadd.s32 $0x100, s13  }
0xf7: {  	[tilespmem:s2], [sflag:$0x3] =	stream.indirect.gather [hbm4b:s4+s31], $0x80, s14, s31, $0xb8;
	[tilespmem:$0x1E000] =	vst v63  }
0xf8: {  	s14 =	sadd.s32 $0x180, s13  }
0xf9: {  	[tilespmem:s6], [sflag:$0x4] =	stream.indirect.gather [hbm4b:s4+s31], $0x80, s14, s31, $0xb8;
	[tilespmem:$0x1E000] =	vst v63  }
0xfa: {  	_ =	swait.ge [sflag:s7], $0x2000  }
0xfb: {  	[sflag:s7] =	ssyncset.done $0x0  }
0xfc: {  	s14 =	sadd.s32 $0x1000, s13;
	[sflag:s7] =	ssyncadd.s32 $0xFFFFE000  }
0xfd: {  	[spmem:s1] =	stream.indirect.scatter.add.f32 [tilespmem:s28], [sflag:$0x5], $0x80, s14, s31, $0xb8;
	[tilespmem:$0x1E000] =	vst v63  }
0xfe: {  	_ =	swait.ge [sflag:s29], $0x2000  }
0xff: {  	[sflag:s29] =	ssyncset.done $0x0  }
0x100: {  	[sflag:s29] =	ssyncadd.s32 $0xFFFFE000  }
0x101: {  	_ =	swait.ge [sflag:s8], $0x2000  }
0x102: {  	[sflag:s8] =	ssyncset.done $0x0  }
0x103: {  	s14 =	sadd.s32 $0x1080, s13;
	[sflag:s8] =	ssyncadd.s32 $0xFFFFE000  }
0x104: {  	[spmem:s1] =	stream.indirect.scatter.add.f32 [tilespmem:s0], [sflag:$0x5], $0x80, s14, s31, $0xb8;
	[tilespmem:$0x1E000] =	vst v63  }
0x105: {  	_ =	swait.ge [sflag:s29], $0x2000  }
0x106: {  	[sflag:s29] =	ssyncset.done $0x0  }
0x107: {  	[sflag:s29] =	ssyncadd.s32 $0xFFFFE000  }
0x108: {  	_ =	swait.ge [sflag:s9], $0x2000  }
0x109: {  	[sflag:s9] =	ssyncset.done $0x0  }
0x10a: {  	s14 =	sadd.s32 $0x1100, s13;
	[sflag:s9] =	ssyncadd.s32 $0xFFFFE000  }
0x10b: {  	[spmem:s1] =	stream.indirect.scatter.add.f32 [tilespmem:s2], [sflag:$0x5], $0x80, s14, s31, $0xb8;
	[tilespmem:$0x1E000] =	vst v63  }
0x10c: {  	_ =	swait.ge [sflag:s29], $0x2000  }
0x10d: {  	[sflag:s29] =	ssyncset.done $0x0  }
0x10e: {  	[sflag:s29] =	ssyncadd.s32 $0xFFFFE000  }
0x10f: {  	_ =	swait.ge [sflag:s10], $0x2000  }
.Ltmp2:
0x110: {  	[sflag:s10] =	ssyncset.done $0x0;
	(pc) =	sbr.rel @p0 .LBB2_6-.Ltmp2, $4  }
0x111: {  	s13 =	sadd.s32 $0x1180, s13;
	[sflag:s10] =	ssyncadd.s32 $0xFFFFE000  }
0x112: {  	[spmem:s1] =	stream.indirect.scatter.add.f32 [tilespmem:s6], [sflag:$0x5], $0x80, s13, s31, $0xb8;
	[tilespmem:$0x1E000] =	vst v63  }
0x113: {  	_ =	swait.ge [sflag:s29], $0x2000  }
0x114: {  	s14 =	smov.u32 s12;
	[sflag:s29] =	ssyncset.done $0x0  }
0x115: {  	s11 =	sshra.s32 s11, $0x2;
	[sflag:s29] =	ssyncadd.s32 $0xFFFFE000  }
0x116: {  	[tilespmem:s28], [sflag:$0x1] =	stream.indirect.gather [hbm4b:s4+s31], $0x80, s11, s31, $0xb8;
	[tilespmem:$0x1E000] =	vst v63  }
0x117: {  	s12 =	sadd.s32 $0x80, s11  }
0x118: {  	[tilespmem:s0], [sflag:$0x2] =	stream.indirect.gather [hbm4b:s4+s31], $0x80, s12, s31, $0xb8;
	[tilespmem:$0x1E000] =	vst v63  }
0x119: {  	s14 =	sadd.s32 $0x100, s11  }
0x11a: {  	[tilespmem:s2], [sflag:$0x3] =	stream.indirect.gather [hbm4b:s4+s31], $0x80, s14, s31, $0xb8;
	[tilespmem:$0x1E000] =	vst v63  }
0x11b: {  	s13 =	sadd.s32 $0x180, s11  }
0x11c: {  	[tilespmem:s6], [sflag:$0x4] =	stream.indirect.gather [hbm4b:s4+s31], $0x80, s13, s31, $0xb8;
	[tilespmem:$0x1E000] =	vst v63  }
0x11d: {  	_ =	swait.ge [sflag:s7], $0x2000  }
0x11e: {  	[sflag:s7] =	ssyncset.done $0x0  }
0x11f: {  	s14 =	sadd.s32 $0x1000, s11;
	[sflag:s7] =	ssyncadd.s32 $0xFFFFE000  }
0x120: {  	[spmem:s1] =	stream.indirect.scatter.add.f32 [tilespmem:s28], [sflag:$0x5], $0x80, s14, s31, $0xb8;
	[tilespmem:$0x1E000] =	vst v63  }
0x121: {  	_ =	swait.ge [sflag:s29], $0x2000  }
0x122: {  	[sflag:s29] =	ssyncset.done $0x0  }
0x123: {  	[sflag:s29] =	ssyncadd.s32 $0xFFFFE000  }
0x124: {  	_ =	swait.ge [sflag:s8], $0x2000  }
0x125: {  	[sflag:s8] =	ssyncset.done $0x0  }
0x126: {  	s13 =	sadd.s32 $0x1080, s11;
	[sflag:s8] =	ssyncadd.s32 $0xFFFFE000  }
0x127: {  	[spmem:s1] =	stream.indirect.scatter.add.f32 [tilespmem:s0], [sflag:$0x5], $0x80, s13, s31, $0xb8;
	[tilespmem:$0x1E000] =	vst v63  }
0x128: {  	_ =	swait.ge [sflag:s29], $0x2000  }
0x129: {  	[sflag:s29] =	ssyncset.done $0x0  }
0x12a: {  	[sflag:s29] =	ssyncadd.s32 $0xFFFFE000  }
0x12b: {  	_ =	swait.ge [sflag:s9], $0x2000  }
0x12c: {  	[sflag:s9] =	ssyncset.done $0x0  }
0x12d: {  	s14 =	sadd.s32 $0x1100, s11;
	[sflag:s9] =	ssyncadd.s32 $0xFFFFE000  }
0x12e: {  	[spmem:s1] =	stream.indirect.scatter.add.f32 [tilespmem:s2], [sflag:$0x5], $0x80, s14, s31, $0xb8;
	[tilespmem:$0x1E000] =	vst v63  }
0x12f: {  	_ =	swait.ge [sflag:s29], $0x2000  }
0x130: {  	[sflag:s29] =	ssyncset.done $0x0  }
0x131: {  	[sflag:s29] =	ssyncadd.s32 $0xFFFFE000  }
0x132: {  	_ =	swait.ge [sflag:s10], $0x2000  }
0x133: {  	[sflag:s10] =	ssyncset.done $0x0  }
0x134: {  	s11 =	sadd.s32 $0x1180, s11;
	[sflag:s10] =	ssyncadd.s32 $0xFFFFE000  }
0x135: {  	[spmem:s1] =	stream.indirect.scatter.add.f32 [tilespmem:s6], [sflag:$0x5], $0x80, s11, s31, $0xb8;
	[tilespmem:$0x1E000] =	vst v63  }
0x136: {  	_ =	swait.ge [sflag:s29], $0x2000  }
0x137: {  	[sflag:s29] =	ssyncset.done $0x0  }
0x138: {  	s11 =	simm.s32 $0x0;
	s13 =	rddreg [dreg:$0x8];
	[sflag:s29] =	ssyncadd.s32 $0xFFFFE000  }
0x139: {  	[tilespmem:s11], [sflag:$0x5] =	stream.linear.gather [hbm4b:s13+s11], $0x1000, $0x38;
	[tilespmem:$0x1E000] =	vst v63  }
0x13a: {  	_ =	swait.ge [sflag:s29], $0x1000  }
0x13b: {  	[sflag:s29] =	ssyncset.done $0x0  }
0x13c: {  	s14 =	rddreg [dreg:$0x9];
	[sflag:s29] =	ssyncadd.s32 $0xFFFFF000  }
0x13d: {  	[tilespmem:s30], [sflag:$0x5] =	stream.linear.gather [hbm4b:s14+s11], $0x1000, $0x38;
	[tilespmem:$0x1E000] =	vst v63  }
0x13e: {  	_ =	swait.ge [sflag:s29], $0x1000  }
0x13f: {  	[sflag:s29] =	ssyncset.done $0x0  }
0x140: {  	s13 =	simm.s32 $0x0;
	[sflag:s29] =	ssyncadd.s32 $0xFFFFF000  }
0x141: {  	[tilespmem:s28], [sflag:$0x1] =	stream.indirect.gather [hbm4b:s4+s31], $0x80, s13, s31, $0xb8;
	[tilespmem:$0x1E000] =	vst v63  }
0x142: {  	s14 =	simm.s32 $0x80  }
0x143: {  	[tilespmem:s0], [sflag:$0x2] =	stream.indirect.gather [hbm4b:s4+s31], $0x80, s14, s31, $0xb8;
	[tilespmem:$0x1E000] =	vst v63  }
0x144: {  	s12 =	simm.s32 $0x100  }
0x145: {  	[tilespmem:s2], [sflag:$0x3] =	stream.indirect.gather [hbm4b:s4+s31], $0x80, s12, s31, $0xb8;
	[tilespmem:$0x1E000] =	vst v63  }
0x146: {  	s13 =	simm.s32 $0x180  }
0x147: {  	[tilespmem:s6], [sflag:$0x4] =	stream.indirect.gather [hbm4b:s4+s31], $0x80, s13, s31, $0xb8;
	[tilespmem:$0x1E000] =	vst v63  }
0x148: {  	_ =	swait.ge [sflag:s7], $0x2000  }
0x149: {  	[sflag:s7] =	ssyncset.done $0x0  }
0x14a: {  	s14 =	simm.s32 $0x1000;
	[sflag:s7] =	ssyncadd.s32 $0xFFFFE000  }
0x14b: {  	[spmem:s1] =	stream.indirect.scatter.add.f32 [tilespmem:s28], [sflag:$0x5], $0x80, s14, s31, $0xb8;
	[tilespmem:$0x1E000] =	vst v63  }
0x14c: {  	_ =	swait.ge [sflag:s29], $0x2000  }
0x14d: {  	[sflag:s29] =	ssyncset.done $0x0  }
0x14e: {  	[sflag:s29] =	ssyncadd.s32 $0xFFFFE000  }
0x14f: {  	_ =	swait.ge [sflag:s8], $0x2000  }
0x150: {  	[sflag:s8] =	ssyncset.done $0x0  }
0x151: {  	s12 =	simm.s32 $0x1080;
	[sflag:s8] =	ssyncadd.s32 $0xFFFFE000  }
0x152: {  	[spmem:s1] =	stream.indirect.scatter.add.f32 [tilespmem:s0], [sflag:$0x5], $0x80, s12, s31, $0xb8;
	[tilespmem:$0x1E000] =	vst v63  }
0x153: {  	_ =	swait.ge [sflag:s29], $0x2000  }
0x154: {  	[sflag:s29] =	ssyncset.done $0x0  }
0x155: {  	[sflag:s29] =	ssyncadd.s32 $0xFFFFE000  }
0x156: {  	_ =	swait.ge [sflag:s9], $0x2000  }
0x157: {  	[sflag:s9] =	ssyncset.done $0x0  }
0x158: {  	s13 =	simm.s32 $0x1100;
	[sflag:s9] =	ssyncadd.s32 $0xFFFFE000  }
0x159: {  	[spmem:s1] =	stream.indirect.scatter.add.f32 [tilespmem:s2], [sflag:$0x5], $0x80, s13, s31, $0xb8;
	[tilespmem:$0x1E000] =	vst v63  }
0x15a: {  	_ =	swait.ge [sflag:s29], $0x2000  }
0x15b: {  	[sflag:s29] =	ssyncset.done $0x0  }
0x15c: {  	[sflag:s29] =	ssyncadd.s32 $0xFFFFE000  }
0x15d: {  	_ =	swait.ge [sflag:s10], $0x2000  }
0x15e: {  	[sflag:s10] =	ssyncset.done $0x0  }
0x15f: {  	s14 =	simm.s32 $0x1180;
	[sflag:s10] =	ssyncadd.s32 $0xFFFFE000  }
0x160: {  	[spmem:s1] =	stream.indirect.scatter.add.f32 [tilespmem:s6], [sflag:$0x5], $0x80, s14, s31, $0xb8;
	[tilespmem:$0x1E000] =	vst v63  }
0x161: {  	_ =	swait.ge [sflag:s29], $0x2000  }
0x162: {  	s11 =	simm.s32 $0x800;
	s14 =	simm.s32 $0x1000;
	[sflag:s29] =	ssyncset.done $0x0  }
.LBB2_8:
0x163: {  	s13 =	sshra.s32 s11, $0x2  }
0x164: {  	[sflag:s29] =	ssyncadd.s32 $0xFFFFE000;
	s11 =	smov.u32 s14;
	s12 =	sadd.s32 $0x800, s14  }
0x165: {  	[tilespmem:s28], [sflag:$0x1] =	stream.indirect.gather [hbm4b:s4+s31], $0x80, s13, s31, $0xb8;
	[tilespmem:$0x1E000] =	vst v63  }
0x166: {  	p0 =	sne.s32 s14, $0x3800;
	s14 =	sadd.s32 $0x80, s13  }
0x167: {  	[tilespmem:s0], [sflag:$0x2] =	stream.indirect.gather [hbm4b:s4+s31], $0x80, s14, s31, $0xb8;
	[tilespmem:$0x1E000] =	vst v63  }
0x168: {  	s14 =	sadd.s32 $0x100, s13  }
0x169: {  	[tilespmem:s2], [sflag:$0x3] =	stream.indirect.gather [hbm4b:s4+s31], $0x80, s14, s31, $0xb8;
	[tilespmem:$0x1E000] =	vst v63  }
0x16a: {  	s14 =	sadd.s32 $0x180, s13  }
0x16b: {  	[tilespmem:s6], [sflag:$0x4] =	stream.indirect.gather [hbm4b:s4+s31], $0x80, s14, s31, $0xb8;
	[tilespmem:$0x1E000] =	vst v63  }
0x16c: {  	_ =	swait.ge [sflag:s7], $0x2000  }
0x16d: {  	[sflag:s7] =	ssyncset.done $0x0  }
0x16e: {  	s14 =	sadd.s32 $0x1000, s13;
	[sflag:s7] =	ssyncadd.s32 $0xFFFFE000  }
0x16f: {  	[spmem:s1] =	stream.indirect.scatter.add.f32 [tilespmem:s28], [sflag:$0x5], $0x80, s14, s31, $0xb8;
	[tilespmem:$0x1E000] =	vst v63  }
0x170: {  	_ =	swait.ge [sflag:s29], $0x2000  }
0x171: {  	[sflag:s29] =	ssyncset.done $0x0  }
0x172: {  	[sflag:s29] =	ssyncadd.s32 $0xFFFFE000  }
0x173: {  	_ =	swait.ge [sflag:s8], $0x2000  }
0x174: {  	[sflag:s8] =	ssyncset.done $0x0  }
0x175: {  	s14 =	sadd.s32 $0x1080, s13;
	[sflag:s8] =	ssyncadd.s32 $0xFFFFE000  }
0x176: {  	[spmem:s1] =	stream.indirect.scatter.add.f32 [tilespmem:s0], [sflag:$0x5], $0x80, s14, s31, $0xb8;
	[tilespmem:$0x1E000] =	vst v63  }
0x177: {  	_ =	swait.ge [sflag:s29], $0x2000  }
0x178: {  	[sflag:s29] =	ssyncset.done $0x0  }
0x179: {  	[sflag:s29] =	ssyncadd.s32 $0xFFFFE000  }
0x17a: {  	_ =	swait.ge [sflag:s9], $0x2000  }
0x17b: {  	[sflag:s9] =	ssyncset.done $0x0  }
0x17c: {  	s14 =	sadd.s32 $0x1100, s13;
	[sflag:s9] =	ssyncadd.s32 $0xFFFFE000  }
0x17d: {  	[spmem:s1] =	stream.indirect.scatter.add.f32 [tilespmem:s2], [sflag:$0x5], $0x80, s14, s31, $0xb8;
	[tilespmem:$0x1E000] =	vst v63  }
0x17e: {  	_ =	swait.ge [sflag:s29], $0x2000  }
0x17f: {  	[sflag:s29] =	ssyncset.done $0x0  }
0x180: {  	[sflag:s29] =	ssyncadd.s32 $0xFFFFE000  }
0x181: {  	_ =	swait.ge [sflag:s10], $0x2000  }
.Ltmp3:
0x182: {  	[sflag:s10] =	ssyncset.done $0x0;
	(pc) =	sbr.rel @p0 .LBB2_8-.Ltmp3, $4  }
0x183: {  	s13 =	sadd.s32 $0x1180, s13;
	[sflag:s10] =	ssyncadd.s32 $0xFFFFE000  }
0x184: {  	[spmem:s1] =	stream.indirect.scatter.add.f32 [tilespmem:s6], [sflag:$0x5], $0x80, s13, s31, $0xb8;
	[tilespmem:$0x1E000] =	vst v63  }
0x185: {  	_ =	swait.ge [sflag:s29], $0x2000  }
0x186: {  	s14 =	smov.u32 s12;
	[sflag:s29] =	ssyncset.done $0x0  }
0x187: {  	s11 =	sshra.s32 s11, $0x2;
	[sflag:s29] =	ssyncadd.s32 $0xFFFFE000  }
0x188: {  	[tilespmem:s28], [sflag:$0x1] =	stream.indirect.gather [hbm4b:s4+s31], $0x80, s11, s31, $0xb8;
	[tilespmem:$0x1E000] =	vst v63  }
0x189: {  	s12 =	sadd.s32 $0x80, s11  }
0x18a: {  	[tilespmem:s0], [sflag:$0x2] =	stream.indirect.gather [hbm4b:s4+s31], $0x80, s12, s31, $0xb8;
	[tilespmem:$0x1E000] =	vst v63  }
0x18b: {  	s14 =	sadd.s32 $0x100, s11  }
0x18c: {  	[tilespmem:s2], [sflag:$0x3] =	stream.indirect.gather [hbm4b:s4+s31], $0x80, s14, s31, $0xb8;
	[tilespmem:$0x1E000] =	vst v63  }
0x18d: {  	s13 =	sadd.s32 $0x180, s11  }
0x18e: {  	[tilespmem:s6], [sflag:$0x4] =	stream.indirect.gather [hbm4b:s4+s31], $0x80, s13, s31, $0xb8;
	[tilespmem:$0x1E000] =	vst v63  }
0x18f: {  	_ =	swait.ge [sflag:s7], $0x2000  }
0x190: {  	[sflag:s7] =	ssyncset.done $0x0  }
0x191: {  	s14 =	sadd.s32 $0x1000, s11;
	[sflag:s7] =	ssyncadd.s32 $0xFFFFE000  }
0x192: {  	[spmem:s1] =	stream.indirect.scatter.add.f32 [tilespmem:s28], [sflag:$0x5], $0x80, s14, s31, $0xb8;
	[tilespmem:$0x1E000] =	vst v63  }
0x193: {  	_ =	swait.ge [sflag:s29], $0x2000  }
0x194: {  	[sflag:s29] =	ssyncset.done $0x0  }
0x195: {  	[sflag:s29] =	ssyncadd.s32 $0xFFFFE000  }
0x196: {  	_ =	swait.ge [sflag:s8], $0x2000  }
0x197: {  	[sflag:s8] =	ssyncset.done $0x0  }
0x198: {  	s13 =	sadd.s32 $0x1080, s11;
	[sflag:s8] =	ssyncadd.s32 $0xFFFFE000  }
0x199: {  	[spmem:s1] =	stream.indirect.scatter.add.f32 [tilespmem:s0], [sflag:$0x5], $0x80, s13, s31, $0xb8;
	[tilespmem:$0x1E000] =	vst v63  }
0x19a: {  	_ =	swait.ge [sflag:s29], $0x2000  }
0x19b: {  	[sflag:s29] =	ssyncset.done $0x0  }
0x19c: {  	[sflag:s29] =	ssyncadd.s32 $0xFFFFE000  }
0x19d: {  	_ =	swait.ge [sflag:s9], $0x2000  }
0x19e: {  	[sflag:s9] =	ssyncset.done $0x0  }
0x19f: {  	s14 =	sadd.s32 $0x1100, s11;
	[sflag:s9] =	ssyncadd.s32 $0xFFFFE000  }
0x1a0: {  	[spmem:s1] =	stream.indirect.scatter.add.f32 [tilespmem:s2], [sflag:$0x5], $0x80, s14, s31, $0xb8;
	[tilespmem:$0x1E000] =	vst v63  }
0x1a1: {  	_ =	swait.ge [sflag:s29], $0x2000  }
0x1a2: {  	[sflag:s29] =	ssyncset.done $0x0  }
0x1a3: {  	[sflag:s29] =	ssyncadd.s32 $0xFFFFE000  }
0x1a4: {  	_ =	swait.ge [sflag:s10], $0x2000  }
0x1a5: {  	[sflag:s10] =	ssyncset.done $0x0  }
0x1a6: {  	s11 =	sadd.s32 $0x1180, s11;
	[sflag:s10] =	ssyncadd.s32 $0xFFFFE000  }
0x1a7: {  	[spmem:s1] =	stream.indirect.scatter.add.f32 [tilespmem:s6], [sflag:$0x5], $0x80, s11, s31, $0xb8;
	[tilespmem:$0x1E000] =	vst v63  }
0x1a8: {  	_ =	swait.ge [sflag:s29], $0x2000  }
0x1a9: {  	[sflag:s29] =	ssyncset.done $0x0  }
0x1aa: {  	s11 =	simm.s32 $0x0;
	s13 =	rddreg [dreg:$0xa];
	[sflag:s29] =	ssyncadd.s32 $0xFFFFE000  }
0x1ab: {  	[tilespmem:s11], [sflag:$0x5] =	stream.linear.gather [hbm4b:s13+s11], $0x1000, $0x38;
	[tilespmem:$0x1E000] =	vst v63  }
0x1ac: {  	_ =	swait.ge [sflag:s29], $0x1000  }
0x1ad: {  	[sflag:s29] =	ssyncset.done $0x0  }
0x1ae: {  	s14 =	rddreg [dreg:$0xb];
	[sflag:s29] =	ssyncadd.s32 $0xFFFFF000  }
0x1af: {  	[tilespmem:s30], [sflag:$0x5] =	stream.linear.gather [hbm4b:s14+s11], $0x1000, $0x38;
	[tilespmem:$0x1E000] =	vst v63  }
0x1b0: {  	_ =	swait.ge [sflag:s29], $0x1000  }
0x1b1: {  	[sflag:s29] =	ssyncset.done $0x0  }
0x1b2: {  	s13 =	simm.s32 $0x0;
	[sflag:s29] =	ssyncadd.s32 $0xFFFFF000  }
0x1b3: {  	[tilespmem:s28], [sflag:$0x1] =	stream.indirect.gather [hbm4b:s4+s31], $0x80, s13, s31, $0xb8;
	[tilespmem:$0x1E000] =	vst v63  }
0x1b4: {  	s14 =	simm.s32 $0x80  }
0x1b5: {  	[tilespmem:s0], [sflag:$0x2] =	stream.indirect.gather [hbm4b:s4+s31], $0x80, s14, s31, $0xb8;
	[tilespmem:$0x1E000] =	vst v63  }
0x1b6: {  	s12 =	simm.s32 $0x100  }
0x1b7: {  	[tilespmem:s2], [sflag:$0x3] =	stream.indirect.gather [hbm4b:s4+s31], $0x80, s12, s31, $0xb8;
	[tilespmem:$0x1E000] =	vst v63  }
0x1b8: {  	s13 =	simm.s32 $0x180  }
0x1b9: {  	[tilespmem:s6], [sflag:$0x4] =	stream.indirect.gather [hbm4b:s4+s31], $0x80, s13, s31, $0xb8;
	[tilespmem:$0x1E000] =	vst v63  }
0x1ba: {  	_ =	swait.ge [sflag:s7], $0x2000  }
0x1bb: {  	[sflag:s7] =	ssyncset.done $0x0  }
0x1bc: {  	s14 =	simm.s32 $0x1000;
	[sflag:s7] =	ssyncadd.s32 $0xFFFFE000  }
0x1bd: {  	[spmem:s1] =	stream.indirect.scatter.add.f32 [tilespmem:s28], [sflag:$0x5], $0x80, s14, s31, $0xb8;
	[tilespmem:$0x1E000] =	vst v63  }
0x1be: {  	_ =	swait.ge [sflag:s29], $0x2000  }
0x1bf: {  	[sflag:s29] =	ssyncset.done $0x0  }
0x1c0: {  	[sflag:s29] =	ssyncadd.s32 $0xFFFFE000  }
0x1c1: {  	_ =	swait.ge [sflag:s8], $0x2000  }
0x1c2: {  	[sflag:s8] =	ssyncset.done $0x0  }
0x1c3: {  	s12 =	simm.s32 $0x1080;
	[sflag:s8] =	ssyncadd.s32 $0xFFFFE000  }
0x1c4: {  	[spmem:s1] =	stream.indirect.scatter.add.f32 [tilespmem:s0], [sflag:$0x5], $0x80, s12, s31, $0xb8;
	[tilespmem:$0x1E000] =	vst v63  }
0x1c5: {  	_ =	swait.ge [sflag:s29], $0x2000  }
0x1c6: {  	[sflag:s29] =	ssyncset.done $0x0  }
0x1c7: {  	[sflag:s29] =	ssyncadd.s32 $0xFFFFE000  }
0x1c8: {  	_ =	swait.ge [sflag:s9], $0x2000  }
0x1c9: {  	[sflag:s9] =	ssyncset.done $0x0  }
0x1ca: {  	s13 =	simm.s32 $0x1100;
	[sflag:s9] =	ssyncadd.s32 $0xFFFFE000  }
0x1cb: {  	[spmem:s1] =	stream.indirect.scatter.add.f32 [tilespmem:s2], [sflag:$0x5], $0x80, s13, s31, $0xb8;
	[tilespmem:$0x1E000] =	vst v63  }
0x1cc: {  	_ =	swait.ge [sflag:s29], $0x2000  }
0x1cd: {  	[sflag:s29] =	ssyncset.done $0x0  }
0x1ce: {  	[sflag:s29] =	ssyncadd.s32 $0xFFFFE000  }
0x1cf: {  	_ =	swait.ge [sflag:s10], $0x2000  }
0x1d0: {  	[sflag:s10] =	ssyncset.done $0x0  }
0x1d1: {  	s14 =	simm.s32 $0x1180;
	[sflag:s10] =	ssyncadd.s32 $0xFFFFE000  }
0x1d2: {  	[spmem:s1] =	stream.indirect.scatter.add.f32 [tilespmem:s6], [sflag:$0x5], $0x80, s14, s31, $0xb8;
	[tilespmem:$0x1E000] =	vst v63  }
0x1d3: {  	_ =	swait.ge [sflag:s29], $0x2000  }
0x1d4: {  	s11 =	simm.s32 $0x800;
	s14 =	simm.s32 $0x1000;
	[sflag:s29] =	ssyncset.done $0x0  }
.LBB2_10:
0x1d5: {  	s13 =	sshra.s32 s11, $0x2  }
0x1d6: {  	[sflag:s29] =	ssyncadd.s32 $0xFFFFE000;
	s11 =	smov.u32 s14;
	s12 =	sadd.s32 $0x800, s14  }
0x1d7: {  	[tilespmem:s28], [sflag:$0x1] =	stream.indirect.gather [hbm4b:s4+s31], $0x80, s13, s31, $0xb8;
	[tilespmem:$0x1E000] =	vst v63  }
0x1d8: {  	p0 =	sne.s32 s14, $0x3800;
	s14 =	sadd.s32 $0x80, s13  }
0x1d9: {  	[tilespmem:s0], [sflag:$0x2] =	stream.indirect.gather [hbm4b:s4+s31], $0x80, s14, s31, $0xb8;
	[tilespmem:$0x1E000] =	vst v63  }
0x1da: {  	s14 =	sadd.s32 $0x100, s13  }
0x1db: {  	[tilespmem:s2], [sflag:$0x3] =	stream.indirect.gather [hbm4b:s4+s31], $0x80, s14, s31, $0xb8;
	[tilespmem:$0x1E000] =	vst v63  }
0x1dc: {  	s14 =	sadd.s32 $0x180, s13  }
0x1dd: {  	[tilespmem:s6], [sflag:$0x4] =	stream.indirect.gather [hbm4b:s4+s31], $0x80, s14, s31, $0xb8;
	[tilespmem:$0x1E000] =	vst v63  }
0x1de: {  	_ =	swait.ge [sflag:s7], $0x2000  }
0x1df: {  	[sflag:s7] =	ssyncset.done $0x0  }
0x1e0: {  	s14 =	sadd.s32 $0x1000, s13;
	[sflag:s7] =	ssyncadd.s32 $0xFFFFE000  }
0x1e1: {  	[spmem:s1] =	stream.indirect.scatter.add.f32 [tilespmem:s28], [sflag:$0x5], $0x80, s14, s31, $0xb8;
	[tilespmem:$0x1E000] =	vst v63  }
0x1e2: {  	_ =	swait.ge [sflag:s29], $0x2000  }
0x1e3: {  	[sflag:s29] =	ssyncset.done $0x0  }
0x1e4: {  	[sflag:s29] =	ssyncadd.s32 $0xFFFFE000  }
0x1e5: {  	_ =	swait.ge [sflag:s8], $0x2000  }
0x1e6: {  	[sflag:s8] =	ssyncset.done $0x0  }
0x1e7: {  	s14 =	sadd.s32 $0x1080, s13;
	[sflag:s8] =	ssyncadd.s32 $0xFFFFE000  }
0x1e8: {  	[spmem:s1] =	stream.indirect.scatter.add.f32 [tilespmem:s0], [sflag:$0x5], $0x80, s14, s31, $0xb8;
	[tilespmem:$0x1E000] =	vst v63  }
0x1e9: {  	_ =	swait.ge [sflag:s29], $0x2000  }
0x1ea: {  	[sflag:s29] =	ssyncset.done $0x0  }
0x1eb: {  	[sflag:s29] =	ssyncadd.s32 $0xFFFFE000  }
0x1ec: {  	_ =	swait.ge [sflag:s9], $0x2000  }
0x1ed: {  	[sflag:s9] =	ssyncset.done $0x0  }
0x1ee: {  	s14 =	sadd.s32 $0x1100, s13;
	[sflag:s9] =	ssyncadd.s32 $0xFFFFE000  }
0x1ef: {  	[spmem:s1] =	stream.indirect.scatter.add.f32 [tilespmem:s2], [sflag:$0x5], $0x80, s14, s31, $0xb8;
	[tilespmem:$0x1E000] =	vst v63  }
0x1f0: {  	_ =	swait.ge [sflag:s29], $0x2000  }
0x1f1: {  	[sflag:s29] =	ssyncset.done $0x0  }
0x1f2: {  	[sflag:s29] =	ssyncadd.s32 $0xFFFFE000  }
0x1f3: {  	_ =	swait.ge [sflag:s10], $0x2000  }
.Ltmp4:
0x1f4: {  	[sflag:s10] =	ssyncset.done $0x0;
	(pc) =	sbr.rel @p0 .LBB2_10-.Ltmp4, $4  }
0x1f5: {  	s13 =	sadd.s32 $0x1180, s13;
	[sflag:s10] =	ssyncadd.s32 $0xFFFFE000  }
0x1f6: {  	[spmem:s1] =	stream.indirect.scatter.add.f32 [tilespmem:s6], [sflag:$0x5], $0x80, s13, s31, $0xb8;
	[tilespmem:$0x1E000] =	vst v63  }
0x1f7: {  	_ =	swait.ge [sflag:s29], $0x2000  }
0x1f8: {  	s14 =	smov.u32 s12;
	[sflag:s29] =	ssyncset.done $0x0  }
0x1f9: {  	s11 =	sshra.s32 s11, $0x2;
	[sflag:s29] =	ssyncadd.s32 $0xFFFFE000  }
0x1fa: {  	[tilespmem:s28], [sflag:$0x1] =	stream.indirect.gather [hbm4b:s4+s31], $0x80, s11, s31, $0xb8;
	[tilespmem:$0x1E000] =	vst v63  }
0x1fb: {  	s12 =	sadd.s32 $0x80, s11  }
0x1fc: {  	[tilespmem:s0], [sflag:$0x2] =	stream.indirect.gather [hbm4b:s4+s31], $0x80, s12, s31, $0xb8;
	[tilespmem:$0x1E000] =	vst v63  }
0x1fd: {  	s14 =	sadd.s32 $0x100, s11  }
0x1fe: {  	[tilespmem:s2], [sflag:$0x3] =	stream.indirect.gather [hbm4b:s4+s31], $0x80, s14, s31, $0xb8;
	[tilespmem:$0x1E000] =	vst v63  }
0x1ff: {  	s13 =	sadd.s32 $0x180, s11  }
0x200: {  	[tilespmem:s6], [sflag:$0x4] =	stream.indirect.gather [hbm4b:s4+s31], $0x80, s13, s31, $0xb8;
	[tilespmem:$0x1E000] =	vst v63  }
0x201: {  	_ =	swait.ge [sflag:s7], $0x2000  }
0x202: {  	[sflag:s7] =	ssyncset.done $0x0  }
0x203: {  	s14 =	sadd.s32 $0x1000, s11;
	[sflag:s7] =	ssyncadd.s32 $0xFFFFE000  }
0x204: {  	[spmem:s1] =	stream.indirect.scatter.add.f32 [tilespmem:s28], [sflag:$0x5], $0x80, s14, s31, $0xb8;
	[tilespmem:$0x1E000] =	vst v63  }
0x205: {  	_ =	swait.ge [sflag:s29], $0x2000  }
0x206: {  	[sflag:s29] =	ssyncset.done $0x0  }
0x207: {  	[sflag:s29] =	ssyncadd.s32 $0xFFFFE000  }
0x208: {  	_ =	swait.ge [sflag:s8], $0x2000  }
0x209: {  	[sflag:s8] =	ssyncset.done $0x0  }
0x20a: {  	s13 =	sadd.s32 $0x1080, s11;
	[sflag:s8] =	ssyncadd.s32 $0xFFFFE000  }
0x20b: {  	[spmem:s1] =	stream.indirect.scatter.add.f32 [tilespmem:s0], [sflag:$0x5], $0x80, s13, s31, $0xb8;
	[tilespmem:$0x1E000] =	vst v63  }
0x20c: {  	_ =	swait.ge [sflag:s29], $0x2000  }
0x20d: {  	[sflag:s29] =	ssyncset.done $0x0  }
0x20e: {  	[sflag:s29] =	ssyncadd.s32 $0xFFFFE000  }
0x20f: {  	_ =	swait.ge [sflag:s9], $0x2000  }
0x210: {  	[sflag:s9] =	ssyncset.done $0x0  }
0x211: {  	s14 =	sadd.s32 $0x1100, s11;
	[sflag:s9] =	ssyncadd.s32 $0xFFFFE000  }
0x212: {  	[spmem:s1] =	stream.indirect.scatter.add.f32 [tilespmem:s2], [sflag:$0x5], $0x80, s14, s31, $0xb8;
	[tilespmem:$0x1E000] =	vst v63  }
0x213: {  	_ =	swait.ge [sflag:s29], $0x2000  }
0x214: {  	[sflag:s29] =	ssyncset.done $0x0  }
0x215: {  	[sflag:s29] =	ssyncadd.s32 $0xFFFFE000  }
0x216: {  	_ =	swait.ge [sflag:s10], $0x2000  }
0x217: {  	[sflag:s10] =	ssyncset.done $0x0  }
0x218: {  	s11 =	sadd.s32 $0x1180, s11;
	[sflag:s10] =	ssyncadd.s32 $0xFFFFE000  }
0x219: {  	[spmem:s1] =	stream.indirect.scatter.add.f32 [tilespmem:s6], [sflag:$0x5], $0x80, s11, s31, $0xb8;
	[tilespmem:$0x1E000] =	vst v63  }
0x21a: {  	_ =	swait.ge [sflag:s29], $0x2000  }
0x21b: {  	[sflag:s29] =	ssyncset.done $0x0  }
0x21c: {  	s13 =	simm.s32 $0x0;
	s14 =	rddreg [dreg:$0xc];
	[sflag:s29] =	ssyncadd.s32 $0xFFFFE000  }
0x21d: {  	[tilespmem:s13], [sflag:$0x5] =	stream.linear.gather [hbm4b:s14+s13], $0x1000, $0x38;
	[tilespmem:$0x1E000] =	vst v63  }
0x21e: {  	_ =	swait.ge [sflag:s29], $0x1000  }
0x21f: {  	[sflag:s29] =	ssyncset.done $0x0  }
0x220: {  	[sflag:s29] =	ssyncadd.s32 $0xFFFFF000  }
0x221: {  	[tilespmem:s30], [sflag:$0x5] =	stream.linear.gather [hbm4b:s15+s13], $0x1000, $0x38;
	[tilespmem:$0x1E000] =	vst v63  }
0x222: {  	_ =	swait.ge [sflag:s29], $0x1000  }
0x223: {  	[sflag:s29] =	ssyncset.done $0x0  }
0x224: {  	s13 =	simm.s32 $0x0;
	[sflag:s29] =	ssyncadd.s32 $0xFFFFF000  }
0x225: {  	[tilespmem:s28], [sflag:$0x1] =	stream.indirect.gather [hbm4b:s4+s31], $0x80, s13, s31, $0xb8;
	[tilespmem:$0x1E000] =	vst v63  }
0x226: {  	s14 =	simm.s32 $0x80  }
0x227: {  	[tilespmem:s0], [sflag:$0x2] =	stream.indirect.gather [hbm4b:s4+s31], $0x80, s14, s31, $0xb8;
	[tilespmem:$0x1E000] =	vst v63  }
0x228: {  	s12 =	simm.s32 $0x100  }
0x229: {  	[tilespmem:s2], [sflag:$0x3] =	stream.indirect.gather [hbm4b:s4+s31], $0x80, s12, s31, $0xb8;
	[tilespmem:$0x1E000] =	vst v63  }
0x22a: {  	s13 =	simm.s32 $0x180  }
0x22b: {  	[tilespmem:s6], [sflag:$0x4] =	stream.indirect.gather [hbm4b:s4+s31], $0x80, s13, s31, $0xb8;
	[tilespmem:$0x1E000] =	vst v63  }
0x22c: {  	_ =	swait.ge [sflag:s7], $0x2000  }
0x22d: {  	[sflag:s7] =	ssyncset.done $0x0  }
0x22e: {  	s14 =	simm.s32 $0x1000;
	[sflag:s7] =	ssyncadd.s32 $0xFFFFE000  }
0x22f: {  	[spmem:s1] =	stream.indirect.scatter.add.f32 [tilespmem:s28], [sflag:$0x5], $0x80, s14, s31, $0xb8;
	[tilespmem:$0x1E000] =	vst v63  }
0x230: {  	_ =	swait.ge [sflag:s29], $0x2000  }
0x231: {  	[sflag:s29] =	ssyncset.done $0x0  }
0x232: {  	[sflag:s29] =	ssyncadd.s32 $0xFFFFE000  }
0x233: {  	_ =	swait.ge [sflag:s8], $0x2000  }
0x234: {  	[sflag:s8] =	ssyncset.done $0x0  }
0x235: {  	s12 =	simm.s32 $0x1080;
	[sflag:s8] =	ssyncadd.s32 $0xFFFFE000  }
0x236: {  	[spmem:s1] =	stream.indirect.scatter.add.f32 [tilespmem:s0], [sflag:$0x5], $0x80, s12, s31, $0xb8;
	[tilespmem:$0x1E000] =	vst v63  }
0x237: {  	_ =	swait.ge [sflag:s29], $0x2000  }
0x238: {  	[sflag:s29] =	ssyncset.done $0x0  }
0x239: {  	[sflag:s29] =	ssyncadd.s32 $0xFFFFE000  }
0x23a: {  	_ =	swait.ge [sflag:s9], $0x2000  }
0x23b: {  	[sflag:s9] =	ssyncset.done $0x0  }
0x23c: {  	s13 =	simm.s32 $0x1100;
	[sflag:s9] =	ssyncadd.s32 $0xFFFFE000  }
0x23d: {  	[spmem:s1] =	stream.indirect.scatter.add.f32 [tilespmem:s2], [sflag:$0x5], $0x80, s13, s31, $0xb8;
	[tilespmem:$0x1E000] =	vst v63  }
0x23e: {  	_ =	swait.ge [sflag:s29], $0x2000  }
0x23f: {  	[sflag:s29] =	ssyncset.done $0x0  }
0x240: {  	[sflag:s29] =	ssyncadd.s32 $0xFFFFE000  }
0x241: {  	_ =	swait.ge [sflag:s10], $0x2000  }
0x242: {  	[sflag:s10] =	ssyncset.done $0x0  }
0x243: {  	s14 =	simm.s32 $0x1180;
	[sflag:s10] =	ssyncadd.s32 $0xFFFFE000  }
0x244: {  	[spmem:s1] =	stream.indirect.scatter.add.f32 [tilespmem:s6], [sflag:$0x5], $0x80, s14, s31, $0xb8;
	[tilespmem:$0x1E000] =	vst v63  }
0x245: {  	_ =	swait.ge [sflag:s29], $0x2000  }
0x246: {  	s11 =	simm.s32 $0x800;
	s14 =	simm.s32 $0x1000;
	[sflag:s29] =	ssyncset.done $0x0  }
.LBB2_12:
0x247: {  	s13 =	sshra.s32 s11, $0x2  }
0x248: {  	[sflag:s29] =	ssyncadd.s32 $0xFFFFE000;
	s11 =	smov.u32 s14;
	s12 =	sadd.s32 $0x800, s14  }
0x249: {  	[tilespmem:s28], [sflag:$0x1] =	stream.indirect.gather [hbm4b:s4+s31], $0x80, s13, s31, $0xb8;
	[tilespmem:$0x1E000] =	vst v63  }
0x24a: {  	p0 =	sne.s32 s14, $0x3800;
	s14 =	sadd.s32 $0x80, s13  }
0x24b: {  	[tilespmem:s0], [sflag:$0x2] =	stream.indirect.gather [hbm4b:s4+s31], $0x80, s14, s31, $0xb8;
	[tilespmem:$0x1E000] =	vst v63  }
0x24c: {  	s14 =	sadd.s32 $0x100, s13  }
0x24d: {  	[tilespmem:s2], [sflag:$0x3] =	stream.indirect.gather [hbm4b:s4+s31], $0x80, s14, s31, $0xb8;
	[tilespmem:$0x1E000] =	vst v63  }
0x24e: {  	s14 =	sadd.s32 $0x180, s13  }
0x24f: {  	[tilespmem:s6], [sflag:$0x4] =	stream.indirect.gather [hbm4b:s4+s31], $0x80, s14, s31, $0xb8;
	[tilespmem:$0x1E000] =	vst v63  }
0x250: {  	_ =	swait.ge [sflag:s7], $0x2000  }
0x251: {  	[sflag:s7] =	ssyncset.done $0x0  }
0x252: {  	s14 =	sadd.s32 $0x1000, s13;
	[sflag:s7] =	ssyncadd.s32 $0xFFFFE000  }
0x253: {  	[spmem:s1] =	stream.indirect.scatter.add.f32 [tilespmem:s28], [sflag:$0x5], $0x80, s14, s31, $0xb8;
	[tilespmem:$0x1E000] =	vst v63  }
0x254: {  	_ =	swait.ge [sflag:s29], $0x2000  }
0x255: {  	[sflag:s29] =	ssyncset.done $0x0  }
0x256: {  	[sflag:s29] =	ssyncadd.s32 $0xFFFFE000  }
0x257: {  	_ =	swait.ge [sflag:s8], $0x2000  }
0x258: {  	[sflag:s8] =	ssyncset.done $0x0  }
0x259: {  	s14 =	sadd.s32 $0x1080, s13;
	[sflag:s8] =	ssyncadd.s32 $0xFFFFE000  }
0x25a: {  	[spmem:s1] =	stream.indirect.scatter.add.f32 [tilespmem:s0], [sflag:$0x5], $0x80, s14, s31, $0xb8;
	[tilespmem:$0x1E000] =	vst v63  }
0x25b: {  	_ =	swait.ge [sflag:s29], $0x2000  }
0x25c: {  	[sflag:s29] =	ssyncset.done $0x0  }
0x25d: {  	[sflag:s29] =	ssyncadd.s32 $0xFFFFE000  }
0x25e: {  	_ =	swait.ge [sflag:s9], $0x2000  }
0x25f: {  	[sflag:s9] =	ssyncset.done $0x0  }
0x260: {  	s14 =	sadd.s32 $0x1100, s13;
	[sflag:s9] =	ssyncadd.s32 $0xFFFFE000  }
0x261: {  	[spmem:s1] =	stream.indirect.scatter.add.f32 [tilespmem:s2], [sflag:$0x5], $0x80, s14, s31, $0xb8;
	[tilespmem:$0x1E000] =	vst v63  }
0x262: {  	_ =	swait.ge [sflag:s29], $0x2000  }
0x263: {  	[sflag:s29] =	ssyncset.done $0x0  }
0x264: {  	[sflag:s29] =	ssyncadd.s32 $0xFFFFE000  }
0x265: {  	_ =	swait.ge [sflag:s10], $0x2000  }
.Ltmp5:
0x266: {  	[sflag:s10] =	ssyncset.done $0x0;
	(pc) =	sbr.rel @p0 .LBB2_12-.Ltmp5, $4  }
0x267: {  	s13 =	sadd.s32 $0x1180, s13;
	[sflag:s10] =	ssyncadd.s32 $0xFFFFE000  }
0x268: {  	[spmem:s1] =	stream.indirect.scatter.add.f32 [tilespmem:s6], [sflag:$0x5], $0x80, s13, s31, $0xb8;
	[tilespmem:$0x1E000] =	vst v63  }
0x269: {  	_ =	swait.ge [sflag:s29], $0x2000  }
0x26a: {  	s14 =	smov.u32 s12;
	[sflag:s29] =	ssyncset.done $0x0  }
0x26b: {  	s11 =	sshra.s32 s11, $0x2;
	[sflag:s29] =	ssyncadd.s32 $0xFFFFE000  }
0x26c: {  	[tilespmem:s28], [sflag:$0x1] =	stream.indirect.gather [hbm4b:s4+s31], $0x80, s11, s31, $0xb8;
	[tilespmem:$0x1E000] =	vst v63  }
0x26d: {  	s12 =	sadd.s32 $0x80, s11  }
0x26e: {  	[tilespmem:s0], [sflag:$0x2] =	stream.indirect.gather [hbm4b:s4+s31], $0x80, s12, s31, $0xb8;
	[tilespmem:$0x1E000] =	vst v63  }
0x26f: {  	s14 =	sadd.s32 $0x100, s11  }
0x270: {  	[tilespmem:s2], [sflag:$0x3] =	stream.indirect.gather [hbm4b:s4+s31], $0x80, s14, s31, $0xb8;
	[tilespmem:$0x1E000] =	vst v63  }
0x271: {  	s13 =	sadd.s32 $0x180, s11  }
0x272: {  	[tilespmem:s6], [sflag:$0x4] =	stream.indirect.gather [hbm4b:s4+s31], $0x80, s13, s31, $0xb8;
	[tilespmem:$0x1E000] =	vst v63  }
0x273: {  	_ =	swait.ge [sflag:s7], $0x2000  }
0x274: {  	[sflag:s7] =	ssyncset.done $0x0  }
0x275: {  	s14 =	sadd.s32 $0x1000, s11;
	[sflag:s7] =	ssyncadd.s32 $0xFFFFE000  }
0x276: {  	[spmem:s1] =	stream.indirect.scatter.add.f32 [tilespmem:s28], [sflag:$0x5], $0x80, s14, s31, $0xb8;
	[tilespmem:$0x1E000] =	vst v63  }
0x277: {  	_ =	swait.ge [sflag:s29], $0x2000  }
0x278: {  	[sflag:s29] =	ssyncset.done $0x0  }
0x279: {  	[sflag:s29] =	ssyncadd.s32 $0xFFFFE000  }
0x27a: {  	_ =	swait.ge [sflag:s8], $0x2000  }
0x27b: {  	[sflag:s8] =	ssyncset.done $0x0  }
0x27c: {  	s13 =	sadd.s32 $0x1080, s11;
	[sflag:s8] =	ssyncadd.s32 $0xFFFFE000  }
0x27d: {  	[spmem:s1] =	stream.indirect.scatter.add.f32 [tilespmem:s0], [sflag:$0x5], $0x80, s13, s31, $0xb8;
	[tilespmem:$0x1E000] =	vst v63  }
0x27e: {  	_ =	swait.ge [sflag:s29], $0x2000  }
0x27f: {  	[sflag:s29] =	ssyncset.done $0x0  }
0x280: {  	[sflag:s29] =	ssyncadd.s32 $0xFFFFE000  }
0x281: {  	_ =	swait.ge [sflag:s9], $0x2000  }
0x282: {  	[sflag:s9] =	ssyncset.done $0x0  }
0x283: {  	s14 =	sadd.s32 $0x1100, s11;
	[sflag:s9] =	ssyncadd.s32 $0xFFFFE000  }
0x284: {  	[spmem:s1] =	stream.indirect.scatter.add.f32 [tilespmem:s2], [sflag:$0x5], $0x80, s14, s31, $0xb8;
	[tilespmem:$0x1E000] =	vst v63  }
0x285: {  	_ =	swait.ge [sflag:s29], $0x2000  }
0x286: {  	[sflag:s29] =	ssyncset.done $0x0  }
0x287: {  	[sflag:s29] =	ssyncadd.s32 $0xFFFFE000  }
0x288: {  	_ =	swait.ge [sflag:s10], $0x2000  }
0x289: {  	[sflag:s10] =	ssyncset.done $0x0  }
0x28a: {  	s11 =	sadd.s32 $0x1180, s11;
	[sflag:s10] =	ssyncadd.s32 $0xFFFFE000  }
0x28b: {  	[spmem:s1] =	stream.indirect.scatter.add.f32 [tilespmem:s6], [sflag:$0x5], $0x80, s11, s31, $0xb8;
	[tilespmem:$0x1E000] =	vst v63  }
0x28c: {  	s3 =	sadd.s32 $0x1, s3;
	_ =	swait.ge [sflag:s29], $0x2000  }
0x28d: {  	p0 =	sne.s32 s3, s17;
	s13 =	stileid.u32;
	[sflag:s29] =	ssyncset.done $0x0  }
0x28e: {  	s14 =	sshrl.u32 s5, $0x3;
	s11 =	sshll.u32 s13, $0x6;
	[sflag:s29] =	ssyncadd.s32 $0xFFFFE000  }
.Ltmp6:
0x28f: {  	s11 =	sor.u32 $0x1C05, s11;
	[bflag:$0x0] =	sbarrier.arrive $0xFFFF;
	(pc) =	sbr.rel @p0 .LBB2_1-.Ltmp6, $4  }
0x290: {  	[hbm:s16], [sflag:s11] =	dma.local [spmem:s14], $0x2800  }
0x291: {  	_ =	swait.ge [sflag:s29], $0x2800  }
0x292: {  	[sflag:s29] =	ssyncset.done $0x0  }
0x293: {  	[sflag:s29] =	ssyncadd.s32 $0xFFFFD800  }
0x294: {  	_ =	sfence.sel $0x180000  }
0x295: {  	[bflag:$0x0] =	sbarrier.arrive $0xFFFF  }
0x296: {  	_ =	strace $0x9000004D  }
0x297: {  	s0 =	stileid.u32;
	[bflag:$0x2] =	sbarrier.arrive $0xFFFF  }
0x298: {  	p0 =	sne.s32 s0, $0x0;
	s0 =	rddreg [dreg:$0x3]  }
0x299: {  	s0 =	sadd.s32 @!p0 $0x100000, s0  }
0x29a: {  	[sflag:s0] =	ssyncadd.tile.s32 @!p0 $0x1;
	_ =	shalt  }
.Lfunc_end2:
_tile_overlayer_lowered:
.L_overlay_start_2:
0x29b: {  	(tag) =	ssettag $0x2  }
0x29c: {  	s0 =	rddreg [dreg:$0x0];
	s2 =	stileid.u32  }
0x29d: {  	s1 =	rddreg [dreg:$0x1];
	p0 =	sne.s32 s2, $0x0  }
0x29e: {  	s3 =	rddreg [dreg:$0x2];
	[bflag:$0x3] =	sbarrier.arrive $0xFFFF;
	s2 =	simm.s32 @!p0 $0x1C05  }
0x29f: {  	[timem:s3], [sflag:s2] =	dma.local @!p0 [hbm:s0], s1  }
0x2a0: {  	s0 =	simm.s32 @!p0 $0x5  }
0x2a1: {  	_ =	swait.ge @!p0 [sflag:s0], s1  }
0x2a2: {  	s1 =	ssub.s32 @!p0 $0x0, s1;
	[sflag:s0] =	ssyncset.done @!p0 $0x0  }
0x2a3: {  	[sflag:s0] =	ssyncadd.s32 @!p0 s1  }
0x2a4: {  	[bflag:$0x3] =	sbarrier.arrive $0xFFFF  }
0x2a5: {  	_ =	shalt  }

// kernel: kernel.8.cloned.1.call-start
scs
__scs_entry_jumppad:
0x0: {  	(pc) =	sbr.rel $0x88, $3  }
0x1: {  	(tag) =	ssettag $0x0;
	lr =	simm.s32 $0x1  }
0x2: {  	[smem:$0x3F9B] =	sst lr;
	_ =	strace $0xD0000000  }
0x3: {  	_ = 	snop  }
0x4: {  	_ = 	snop  }
0x5: {  	_ = 	snop  }
0x6: {  	_ = 	snop  }
0x7: {  	_ = 	snop  }
__scs_overlays_trampoline_lowered:
0x8: {  	[smem:$0x3FAA] =	sst s0  }
0x9: {  	[smem:$0x3FAB] =	sst s1  }
0xa: {  	[smem:$0x3FAC] =	sst s2  }
0xb: {  	[smem:$0x3FAD] =	sst s3  }
0xc: {  	[smem:$0x3FAE] =	sst s4  }
0xd: {  	[smem:$0x3FAF] =	sst s5  }
0xe: {  	[smem:$0x3FB0] =	sst s6  }
0xf: {  	[smem:$0x3FB1] =	sst s7  }
0x10: {  	[smem:$0x3FB2] =	sst s8  }
0x11: {  	[smem:$0x3FB3] =	sst s9;
	s0 =	simm.s32 @!p0 $0x0  }
0x12: {  	s1 =	sld [smem:$0x3F99];
	s0 =	simm.s32 @p0 $0x1  }
0x13: {  	[smem:$0x3FB4] =	sst s0;
	s0 =	simm.s32 @!p1 $0x0  }
0x14: {  	s2 =	sld [smem:$0x3F98];
	s0 =	simm.s32 @p1 $0x1  }
0x15: {  	[smem:$0x3FB5] =	sst s0;
	s0 =	simm.s32 @!p2 $0x0  }
0x16: {  	s3 =	sld [smem:$0x3FDB];
	s0 =	simm.s32 @p2 $0x1  }
0x17: {  	s4 =	simm.s32 $0x1BF5;
	[smem:$0x3FB7] =	sst s0  }
0x18: {  	s0 =	sld [smem:$0x3F9A];
	_ =	swait.ge [sflag:s4], $0x0  }
0x19: {  	s7 =	sld [smem:$0x3F9B]  }
0x1a: {  	s8 =	sadd.s32 $0xFFFFE003, lr  }
0x1b: {  	s9 =	sadd.s32 $0xFFFFFEF7, lr;
	s5 =	simm.s32 $0xFFFFFFFF;
	p2 =	slt.u32 s8, $0xFFFFF086  }
0x1c: {  	p1 =	slt.u32 s9, $0xF7A;
	s5 =	simm.s32 @!p2 $0x0  }
0x1d: {  	s5 =	simm.s32 @p1 $0x1;
	p0 =	seq.s32 s7, s2  }
0x1e: {  	s7 =	smul.u32 @!p0 $0xF7A, s2;
	p2 =	seq.s32 @!p0 s5, $0x0  }
0x1f: {  	s9 =	smul.u32 $0xF7A, s1;
	s8 =	simm.s32 @!p0 $0x1BF5;
	p2 =	por !p2, p0  }
0x20: {  	[sflag:s8] =	ssyncset.s32 @!p0 $0xFFFFF086;
	s6 =	sadd.s32 @!p0 s3, s7;
	s7 =	simm.s32 @!p0 $0x108  }
0x21: {  	s3 =	sadd.s32 s3, s9;
	s6 =	sadd.s32 @!p0 $0x88, s6;
	s7 =	simm.s32 @p2 $0x1082  }
0x22: {  	[simem:s7], [sflag:s8] =	dma.local @!p0 [hbm:s6], $0xF7A  }
0x23: {  	s9 =	sor.u32 $0xD0000000, s2;
	s6 =	simm.s32 $0x108;
	_ =	swait.ge @!p0 [sflag:s8], $0x0  }
0x24: {  	s3 =	sadd.s32 $0x88, s3;
	s6 =	simm.s32 @!p1 $0x1082;
	[sflag:s4] =	ssyncset.s32 $0xFFFFF086  }
0x25: {  	[simem:s6], [sflag:s4] =	dma.local [hbm:s3], $0xF7A  }
0x26: {  	[smem:$0x3F9B] =	sst s1;
	(tag) =	ssettag s2;
	_ =	strace s9  }
0x27: {  	s1 =	sld [smem:$0x3FAB]  }
0x28: {  	s2 =	sld [smem:$0x3FAC]  }
0x29: {  	s4 =	sld [smem:$0x3FAE]  }
0x2a: {  	p0 =	seq.s32 s5, $0x0;
	s5 =	sld [smem:$0x3FAF]  }
0x2b: {  	s6 =	sld [smem:$0x3FB0]  }
0x2c: {  	s7 =	sld [smem:$0x3FB1]  }
0x2d: {  	s3 =	simm.s32 $0x108;
	s8 =	sld [smem:$0x3FB2]  }
0x2e: {  	s3 =	simm.s32 @!p0 $0x1082;
	s9 =	sld [smem:$0x3FB3]  }
0x2f: {  	lr =	sadd.s32 s0, s3;
	s0 =	sld [smem:$0x3FAA]  }
0x30: {  	s3 =	sld [smem:$0x3FAD]  }
0x31: {  	[smem:$0x3FB6] =	sst s10  }
0x32: {  	s10 =	sld [smem:$0x3FB4];
	_ =	sdelay $0x3  }
0x33: {  	p0 =	seq.s32 s10, $0x1;
	s10 =	sld [smem:$0x3FB6];
	_ =	sdelay $0x3  }
0x34: {  	[smem:$0x3FB6] =	sst s10  }
0x35: {  	s10 =	sld [smem:$0x3FB5];
	_ =	sdelay $0x3  }
0x36: {  	p1 =	seq.s32 s10, $0x1;
	s10 =	sld [smem:$0x3FB6];
	_ =	sdelay $0x3  }
0x37: {  	[smem:$0x3FB6] =	sst s10  }
0x38: {  	s10 =	sld [smem:$0x3FB7]  }
0x39: {  	_ = 	snop;
	(pc) =	sbr.ind lr, $3  }
0x3a: {  	_ = 	snop  }
0x3b: {  	_ = 	snop  }
0x3c: {  	p2 =	seq.s32 s10, $0x1;
	s10 =	sld [smem:$0x3FB6]  }
0x3d: {  	_ =	shalt  }
0x3e: {  	_ =	shalt  }
0x3f: {  	_ =	shalt  }
0x40: {  	_ =	shalt  }
0x41: {  	_ =	shalt  }
0x42: {  	_ =	shalt  }
0x43: {  	_ =	shalt  }
0x44: {  	_ =	shalt  }
0x45: {  	_ =	shalt  }
0x46: {  	_ =	shalt  }
0x47: {  	_ =	shalt  }
0x48: {  	_ =	shalt  }
0x49: {  	_ =	shalt  }
0x4a: {  	_ =	shalt  }
0x4b: {  	_ =	shalt  }
0x4c: {  	_ =	shalt  }
0x4d: {  	_ =	shalt  }
0x4e: {  	_ =	shalt  }
0x4f: {  	_ =	shalt  }
0x50: {  	_ =	shalt  }
0x51: {  	_ =	shalt  }
0x52: {  	_ =	shalt  }
0x53: {  	_ =	shalt  }
0x54: {  	_ =	shalt  }
0x55: {  	_ =	shalt  }
0x56: {  	_ =	shalt  }
0x57: {  	_ =	shalt  }
0x58: {  	_ =	shalt  }
0x59: {  	_ =	shalt  }
0x5a: {  	_ =	shalt  }
0x5b: {  	_ =	shalt  }
0x5c: {  	_ =	shalt  }
0x5d: {  	_ =	shalt  }
0x5e: {  	_ =	shalt  }
0x5f: {  	_ =	shalt  }
0x60: {  	_ =	shalt  }
0x61: {  	_ =	shalt  }
0x62: {  	_ =	shalt  }
0x63: {  	_ =	shalt  }
0x64: {  	_ =	shalt  }
0x65: {  	_ =	shalt  }
0x66: {  	_ =	shalt  }
0x67: {  	_ =	shalt  }
0x68: {  	_ =	shalt  }
0x69: {  	_ =	shalt  }
0x6a: {  	_ =	shalt  }
0x6b: {  	_ =	shalt  }
0x6c: {  	_ =	shalt  }
0x6d: {  	_ =	shalt  }
0x6e: {  	_ =	shalt  }
0x6f: {  	_ =	shalt  }
0x70: {  	_ =	shalt  }
0x71: {  	_ =	shalt  }
0x72: {  	_ =	shalt  }
0x73: {  	_ =	shalt  }
0x74: {  	_ =	shalt  }
0x75: {  	_ =	shalt  }
0x76: {  	_ =	shalt  }
0x77: {  	_ =	shalt  }
0x78: {  	_ =	shalt  }
0x79: {  	_ =	shalt  }
0x7a: {  	_ =	shalt  }
0x7b: {  	_ =	shalt  }
0x7c: {  	_ =	shalt  }
0x7d: {  	_ =	shalt  }
0x7e: {  	_ =	shalt  }
0x7f: {  	_ =	shalt  }
0x80: {  	_ =	shalt  }
0x81: {  	_ =	shalt  }
0x82: {  	_ =	shalt  }
0x83: {  	_ =	shalt  }
0x84: {  	_ =	shalt  }
0x85: {  	_ =	shalt  }
0x86: {  	_ =	shalt  }
0x87: {  	_ =	shalt  }
.Lfunc_end0:
.L_simem_size_0:
called_computation_lowered:
.L_overlay_start_0:
0x88: {  	s2 =	sld [smem:$0x3FD9]  }
0x89: {  	s3 =	sld [smem:$0x3FFE];
	_ =	sdelay $0x1  }
0x8a: {  	s1 =	srdreg.scid  }
0x8b: {  	s0 =	sand.u32 $0x1, s1  }
0x8c: {  	s16 =	sshll.u32 s0, $0xA;
	s2 =	sadd.s32 s3, s2  }
0x8d: {  	s2 =	sadd.s32 s2, s16  }
0x8e: {  	[smem:$0x3FC2] =	sst s2  }
0x8f: {  	_ = 	snop  }
0x90: {  	(tm) =	ssettm $0x1  }
0x91: {  	s17 =	sld [smem:$0x3FFB];
	_ =	sdelay $0x3  }
0x92: {  	_ =	strace s17  }
0x93: {  	s2 =	sld [smem:$0x3FFC];
	_ =	sdelay $0x3  }
0x94: {  	_ =	strace s2  }
0x95: {  	s2 =	sld [smem:$0x3FFD];
	_ =	sdelay $0x3  }
0x96: {  	_ =	strace s2  }
0x97: {  	_ =	strace $0x8FFFFFFF  }
0x98: {  	s18 =	sld [smem:$0x3FDB];
	_ =	sdelay $0x1  }
0x99: {  	s19 =	simm.s32 $_scs_section_size  }
0x9a: {  	s4 =	simm.s32 $_size__tile_overlayer_lowered;
	s5 =	simm.s32 $_tile_overlayer_lowered  }
0x9b: {  	s22 =	simm.s32 $0x1BFF;
	s21 =	sshll.u32 s5, $0x1;
	s2 =	sadd.s32 s19, s18  }
0x9c: {  	s6 =	simm.s32 $0x0;
	s20 =	sshll.u32 s4, $0x1;
	s4 =	sadd.s32 s21, s2  }
0x9d: {  	[timem:s6], [sflag:s22] =	dma.local [hbm:s4], s20  }
0x9e: {  	_ =	swait.ge [sflag:s22], s20  }
0x9f: {  	s3 =	ssub.s32 $0x0, s20;
	[sflag:s22] =	ssyncset.done $0x0  }
0xa0: {  	[sflag:s22] =	ssyncadd.s32 s3;
	_ =	sdelay $0x1  }
0xa1: {  	s23 =	simm.s32 $0x1B8B  }
0xa2: {  	_ =	swait.ge [sflag:s23], $0x1  }
0xa3: {  	[sflag:s23] =	ssyncset.done $0x0  }
0xa4: {  	s25 =	simm.s32 $0x1B8E;
	s24 =	sld [smem:$0x3FFE];
	[sflag:s23] =	ssyncadd.s32 $0xFFFFFFFF  }
0xa5: {  	s26 =	simm.s32 $execute0_lowered;
	[smem:$0x3FD2] =	sst s25  }
0xa6: {  	s4 =	sshll.u32 s26, $0x1;
	_ =	strace $0x80000046;
	[dreg:$0x1] =	wrdreg $0xFFFFFFFF  }
0xa7: {  	s28 =	simm.s32 $_size_execute0_lowered;
	s2 =	sadd.s32 s2, s4;
	[dreg:$0x0] =	wrdreg $0x0  }
0xa8: {  	s4 =	sshll.u32 s28, $0x1;
	[dreg:$0x2] =	wrdreg s2  }
0xa9: {  	[dreg:$0x3] =	wrdreg s4  }
0xaa: {  	[dreg:$0x4] =	wrdreg $0xC0  }
0xab: {  	_ =	task [dreg:s6], $0x5FFFF  }
0xac: {  	[dreg:$0x1] =	wrdreg $0xFFFFFFFF  }
0xad: {  	[dreg:$0x0] =	wrdreg $0x60  }
0xae: {  	[dreg:$0x2] =	wrdreg s24  }
0xaf: {  	[dreg:$0x3] =	wrdreg $0x70000  }
0xb0: {  	[dreg:$0x4] =	wrdreg $0x9  }
0xb1: {  	_ =	task.clear_ibuf [dreg:s6], $0x5FFFF;
	_ =	strace $0x90000046  }
0xb2: {  	s29 =	simm.s32 $0x9;
	_ =	strace $0x80000048  }
0xb3: {  	_ =	swait.ge [sflag:s29], $0x1  }
0xb4: {  	[sflag:s29] =	ssyncadd.s32 $0xFFFFFFFF  }
0xb5: {  	_ =	strace $0x90000048  }
0xb6: {  	_ =	sfence  }
0xb7: {  	s30 =	sld [smem:$0x0];
	_ =	sdelay $0x2  }
0xb8: {  	s31 =	sshll.u32 s1, $0xD;
	s1 =	sshrl.u32 s1, $0x2  }
0xb9: {  	s3 =	sand.u32 $0x4000, s31;
	s1 =	sadd.s32 s1, s30  }
0xba: {  	s0 =	sor.u32 s3, s0;
	s1 =	sshll.u32 s1, $0x11  }
0xbb: {  	s0 =	sor.u32 s1, s0  }
0xbc: {  	s0 =	sadd.s32 $0x8F2B, s0  }
0xbd: {  	[sflag:s0] =	ssyncadd.remote.s32 $0x1  }
0xbe: {  	_ =	sfence.sel $0xFFFF  }
0xbf: {  	[dreg:$0x0] =	wrdreg $0xFFFFFFFF;
	(pc) =	sbr.abs _section_cstart, $3  }
0xc0: {  	[dreg:$0x1] =	wrdreg $0xFFFFFFFF  }
0xc1: {  	_ =	task.clear_ibuf [dreg:s6], $0x2FFFF;
	_ =	strace $0x9FFFFFFF  }
0xc2: {  	(tm) =	ssettm $0x7FFFFFFF  }
0xc3: {  	_ =	shalt  }
tec
execute0_lowered:
.L_overlay_start_1:
0x0: {  	(tag) =	ssettag $0x1  }
0x1: {  	s4 =	rddreg [dreg:$0x0]  }
0x2: {  	s2 =	rddreg [dreg:$0x1]  }
0x3: {  	s1 =	srdreg.scid;
	s0 =	rddreg [dreg:$0x2]  }
0x4: {  	s3 =	simm.s32 $0x0;
	s10 =	simm.s32 $0x80;
	s5 =	sand.u32 $0x1, s1  }
0x5: {  	s11 =	simm.s32 $0x2800;
	s1 =	stileid.u32;
	s7 =	smul.u32 $0x140000, s5  }
0x6: {  	[smem:$0x7FF] =	sst s3;
	s6 =	sshll.u32 s5, $0x4;
	s8 =	smul.u32 $0x14000, s1  }
0x7: {  	_ =	strace $0x80000047;
	s30 =	smul.u32 $0x50000, s1;
	s5 =	ssub.s32 $0x2, s5  }
0x8: {  	s12 =	sshll.u32 s1, $0x6;
	s6 =	sor.u32 s1, s6;
	s31 =	sshrl.u32 s5, $0x1  }
0x9: {  	s12 =	sor.u32 $0x1C01, s12;
	s6 =	smul.u32 $0x500, s6;
	s7 =	sadd.s32 s8, s7  }
0xa: {  	s8 =	sshrl.u32 s30, $0x2;
	s9 =	ssub.s32 s5, s31;
	s7 =	sshrl.u32 s7, $0x3  }
0xb: {  	s6 =	sadd.s32 s6, s4;
	s7 =	sadd.s32 s7, s4;
	s4 =	sadd.s32 s8, s2  }
0xc: {  	s8 =	simm.s32 $0x6800;
	s5 =	sadd.s32 $0x2400, s6;
	s6 =	sadd.s32 $0xC400, s7  }
0xd: {  	v0 =	vimm.f32 $1.000000000e+00;
	v1 =	vimm.f32 $0.0e+00;
	s7 =	smax.u32 s9, $0x1;
	s9 =	simm.s32 $0x1;
	s13 =	sshrl.u32 s4, $0x3  }
.LBB2_1:
0xe: {  	s14 =	simm.s32 $0x200;
	s15 =	simm.s32 $0x0  }
.LBB2_2:
0xf: {  	p0 =	sne.s32 s14, $0xFE00;
	[tilespmem:s15+$0x2800] =	vst v0;
	s15 =	smov.u32 s14;
	s14 =	sadd.s32 $0x200, s14  }
.Ltmp0:
0x10: {  	(pc) =	sbr.rel @p0 .LBB2_2-.Ltmp0, $2  }
0x11: {  	_ =	sdelay $0x2  }
0x12: {  	s15 =	sshra.s32 s15, $0x2  }
0x13: {  	[tilespmem:s15+$0x2800] =	vst v0  }
0x14: {  	[tilespmem:$0x6800] =	vst v1  }
0x15: {  	[tilespmem:$0x6880] =	vst v1  }
0x16: {  	[tilespmem:$0x6900] =	vst v1  }
0x17: {  	[tilespmem:$0x6980] =	vst v1  }
0x18: {  	[tilespmem:$0x6A00] =	vst v1  }
0x19: {  	[tilespmem:$0x6A80] =	vst v1  }
0x1a: {  	[tilespmem:$0x6B00] =	vst v1  }
0x1b: {  	[tilespmem:$0x6B80] =	vst v1  }
0x1c: {  	[tilespmem:$0x6C00] =	vst v1  }
0x1d: {  	[tilespmem:$0x6C80] =	vst v1  }
0x1e: {  	[tilespmem:$0x6D00] =	vst v1  }
0x1f: {  	[tilespmem:$0x6D80] =	vst v1  }
0x20: {  	[tilespmem:$0x6E00] =	vst v1  }
0x21: {  	[tilespmem:$0x6E80] =	vst v1  }
0x22: {  	[tilespmem:$0x6F00] =	vst v1  }
0x23: {  	s14 =	sadd.s32 $0x0, s4;
	[tilespmem:$0x6F80] =	vst v1  }
0x24: {  	[spmem:s14] =	stream.linear.scatter [tilespmem:s8], [sflag:$0x1], $0x800, $0x38;
	[tilespmem:$0x9800] =	vst v63  }
0x25: {  	s14 =	simm.s32 $0x2000;
	_ =	swait.ge [sflag:s9], $0x800  }
.LBB2_4:
0x26: {  	s15 =	sshra.s32 s14, $0x2;
	[sflag:s9] =	ssyncset.done $0x0;
	p0 =	sne.s32 s14, $0x4E000  }
.Ltmp1:
0x27: {  	s15 =	sadd.s32 s15, s4;
	[sflag:s9] =	ssyncadd.s32 $0xFFFFF800;
	(pc) =	sbr.rel @p0 .LBB2_4-.Ltmp1, $3  }
0x28: {  	[spmem:s15] =	stream.linear.scatter [tilespmem:s8], [sflag:$0x1], $0x800, $0x38;
	[tilespmem:$0x9800] =	vst v63  }
0x29: {  	s14 =	sadd.s32 $0x2000, s14;
	_ =	sdelay $0x1  }
0x2a: {  	_ =	swait.ge [sflag:s9], $0x800  }
0x2b: {  	[sflag:s9] =	ssyncset.done $0x0  }
0x2c: {  	s14 =	simm.s32 $0x0;
	[sflag:s9] =	ssyncadd.s32 $0xFFFFF800  }
0x2d: {  	[tilespmem:s14], [sflag:$0x1] =	stream.linear.gather [hbm4b:s5+s14], $0x2800, $0x38;
	[tilespmem:$0x9800] =	vst v63  }
0x2e: {  	_ =	swait.ge [sflag:s9], $0x2800  }
0x2f: {  	[sflag:s9] =	ssyncset.done $0x0  }
0x30: {  	[sflag:s9] =	ssyncadd.s32 $0xFFFFD800  }
0x31: {  	s31 =	simm.s32 $0x0;
	[bflag:$0x0] =	sbarrier.arrive $0xFFFF  }
0x32: {  	[spmem:s2] =	stream.indirect.scatter.add.f32 [tilespmem:s11], [sflag:$0x1], $0x10, s31, s10, $0xb8;
	[tilespmem:$0x9800] =	vst v63  }
0x33: {  	_ =	swait.ge [sflag:s9], $0x800  }
0x34: {  	s14 =	simm.s32 $0x200;
	[sflag:s9] =	ssyncset.done $0x0  }
.LBB2_6:
0x35: {  	s15 =	sshra.s32 s14, $0x2;
	[sflag:s9] =	ssyncadd.s32 $0xFFFFF800;
	p0 =	sne.s32 s14, $0x9E00  }
0x36: {  	[spmem:s2] =	stream.indirect.scatter.add.f32 [tilespmem:s11], [sflag:$0x1], $0x10, s15, s10, $0xb8;
	[tilespmem:$0x9800] =	vst v63  }
.Ltmp2:
0x37: {  	_ = 	snop;
	(pc) =	sbr.rel @p0 .LBB2_6-.Ltmp2, $4  }
0x38: {  	_ = 	snop  }
0x39: {  	s14 =	sadd.s32 $0x200, s14  }
0x3a: {  	_ =	swait.ge [sflag:s9], $0x800  }
0x3b: {  	[sflag:s9] =	ssyncset.done $0x0  }
0x3c: {  	s3 =	sadd.s32 $0x1, s3  }
0x3d: {  	[sflag:s9] =	ssyncadd.s32 $0xFFFFF800;
	p0 =	sne.s32 s3, s7  }
.Ltmp3:
0x3e: {  	[bflag:$0x0] =	sbarrier.arrive $0xFFFF;
	(pc) =	sbr.rel @p0 .LBB2_1-.Ltmp3, $4  }
0x3f: {  	[hbm:s6], [sflag:s12] =	dma.local [spmem:s13], $0x2800  }
0x40: {  	_ =	swait.ge [sflag:s9], $0x2800  }
0x41: {  	[sflag:s9] =	ssyncset.done $0x0  }
0x42: {  	[sflag:s9] =	ssyncadd.s32 $0xFFFFD800  }
0x43: {  	_ =	sfence.sel $0x180000  }
0x44: {  	[bflag:$0x0] =	sbarrier.arrive $0xFFFF  }
0x45: {  	p0 =	sne.s32 s1, $0x0;
	_ =	strace $0x90000047  }
0x46: {  	s0 =	sadd.s32 @!p0 $0x100000, s0;
	[bflag:$0x2] =	sbarrier.arrive $0xFFFF  }
0x47: {  	[sflag:s0] =	ssyncadd.tile.s32 @!p0 $0x1;
	_ =	shalt  }
.Lfunc_end2:
_tile_overlayer_lowered:
.L_overlay_start_2:
0x48: {  	(tag) =	ssettag $0x2  }
0x49: {  	s0 =	rddreg [dreg:$0x0];
	s2 =	stileid.u32  }
0x4a: {  	s1 =	rddreg [dreg:$0x1];
	p0 =	sne.s32 s2, $0x0  }
0x4b: {  	s3 =	rddreg [dreg:$0x2];
	[bflag:$0x3] =	sbarrier.arrive $0xFFFF;
	s2 =	simm.s32 @!p0 $0x1C01  }
0x4c: {  	[timem:s3], [sflag:s2] =	dma.local @!p0 [hbm:s0], s1  }
0x4d: {  	s0 =	simm.s32 @!p0 $0x1  }
0x4e: {  	_ =	swait.ge @!p0 [sflag:s0], s1  }
0x4f: {  	s1 =	ssub.s32 @!p0 $0x0, s1;
	[sflag:s0] =	ssyncset.done @!p0 $0x0  }
0x50: {  	[sflag:s0] =	ssyncadd.s32 @!p0 s1  }
0x51: {  	[bflag:$0x3] =	sbarrier.arrive $0xFFFF  }
0x52: {  	_ =	shalt  }

</sc_bundles>
